<compile_context>
chip_gen: v7x
topology: tpu7x:2x2x1
jax: 0.10.2.dev20260603
libtpu: 0.0.44.dev20260713+nightly
codegen_flags: <defaults>
</compile_context>

<pallas_src>
import functools

import jax
import jax.numpy as jnp
from jax import lax
from jax.experimental import pallas as pl
from jax.experimental.pallas import tpu as pltpu
from jax.experimental.pallas import tpu_sc as plsc

N_NODES = 10000
N_EDGES = 160000
NC = 2
NS = 16


_DEG_K = 40
_DEG_EPT = N_EDGES // (NC * NS)
_DEG_NCH = _DEG_EPT // _DEG_K


def _deg_call(col, ones_k, zeros_n):
    mesh = plsc.VectorSubcoreMesh(core_axis_name="c", subcore_axis_name="s")

    @functools.partial(
        pl.kernel,
        out_type=[jax.ShapeDtypeStruct((N_NODES,), jnp.float32)] * 2,
        mesh=mesh,
        scratch_types=[
            pltpu.VMEM((_DEG_EPT,), jnp.int32),
            pltpu.VMEM((_DEG_K,), jnp.float32),
            pltpu.VMEM_SHARED((N_NODES,), jnp.float32),
            pltpu.SemaphoreType.DMA,
        ],
    )
    def deg_kernel(col_hbm, ones_hbm, zeros_hbm, dega, degb,
                   idxb, ones_buf, acc, ssem):
        c = lax.axis_index("c")
        s = lax.axis_index("s")
        w = c * NS + s

        pltpu.sync_copy(col_hbm.at[pl.ds(w * _DEG_EPT, _DEG_EPT)], idxb)
        pltpu.sync_copy(ones_hbm, ones_buf)

        @pl.when(s == 0)
        def _():
            pltpu.sync_copy(zeros_hbm, acc)

        plsc.subcore_barrier()

        def fire(i, carry):
            pltpu.async_copy(ones_buf, acc.at[idxb.at[pl.ds(i * _DEG_K,
                                                            _DEG_K)]],
                             ssem, add=True)
            return carry

        lax.fori_loop(0, _DEG_NCH, fire, 0)

        def drain(i, carry):
            pltpu.make_async_copy(
                ones_buf, acc.at[idxb.at[pl.ds(0, _DEG_K)]], ssem).wait()
            return carry

        lax.fori_loop(0, _DEG_NCH, drain, 0)
        plsc.subcore_barrier()

        @pl.when(s == 0)
        def _():
            @pl.when(c == 0)
            def _():
                pltpu.sync_copy(acc, dega)

            @pl.when(c == 1)
            def _():
                pltpu.sync_copy(acc, degb)

    return deg_kernel(col, ones_k, zeros_n)


_NB = 3


def _make_agg(width, feature_split, k=128, tiled=True, nb=_NB, pd=2):
    epc = N_EDGES if feature_split else N_EDGES // NC
    ept = epc // NS
    nchm = (ept // k // nb) * nb
    if nchm * k == ept:
        nchm -= nb
    tail = ept - nchm * k
    assert 0 < tail <= nb * k and tail % 8 == 0 and nchm >= 2 * nb
    ntail_full, tail_rem = divmod(tail, k)
    rpt = 624
    rtail0 = NS * rpt
    rtailn = N_NODES - rtail0
    mesh = plsc.VectorSubcoreMesh(core_axis_name="c", subcore_axis_name="s")

    rem = tail_rem if tail_rem else k

    @functools.partial(
        pl.kernel,
        out_type=[jax.ShapeDtypeStruct((N_NODES, width), jnp.float32)] * 2,
        mesh=mesh,
        scratch_types=(
            [pltpu.VMEM((k,), jnp.int32)] * (2 * nb)
            + [pltpu.VMEM((rem,), jnp.int32)] * 2
            + [pltpu.VMEM((k, width), jnp.float32)] * nb
            + [pltpu.SemaphoreType.DMA] * (4 * nb + 3)
            + [pltpu.VMEM_SHARED((N_NODES, width), jnp.float32)]
        ),
        compiler_params=(None if tiled
                         else pltpu.CompilerParams(use_tc_tiling_on_sc=False)),
    )
    def agg(*refs):
        (y0, y1, row_hbm, col_hbm, z0, z1), refs = refs[:6], refs[6:]
        ribufs, refs = list(refs[:nb]), refs[nb:]
        cibufs, refs = list(refs[:nb]), refs[nb:]
        (tri, tci), refs = refs[:2], refs[2:]
        rbufs, refs = list(refs[:nb]), refs[nb:]
        rsems, refs = list(refs[:nb]), refs[nb:]
        csems, refs = list(refs[:nb]), refs[nb:]
        gsems, refs = list(refs[:nb]), refs[nb:]
        ssems, refs = list(refs[:nb]), refs[nb:]
        (mt, mi, mo, acc) = refs
        c = lax.axis_index("c")
        s = lax.axis_index("s")

        def run(ytab, zout, ebase):
            r0 = s * rpt
            pltpu.async_copy(ytab.at[pl.ds(r0, rpt)],
                             acc.at[pl.ds(r0, rpt)], mi)

            @pl.when(s == 0)
            def _():
                pltpu.async_copy(ytab.at[pl.ds(rtail0, rtailn)],
                                 acc.at[pl.ds(rtail0, rtailn)], mo)

            def idx_start(i, b):
                base = ebase + i * k
                pltpu.async_copy(row_hbm.at[pl.ds(base, k)], ribufs[b],
                                 rsems[b])
                pltpu.async_copy(col_hbm.at[pl.ds(base, k)], cibufs[b],
                                 csems[b])

            def idxrow_wait(b):
                pltpu.make_async_copy(row_hbm.at[pl.ds(0, k)], ribufs[b],
                                      rsems[b]).wait()

            def idxcol_wait(b):
                pltpu.make_async_copy(col_hbm.at[pl.ds(0, k)], cibufs[b],
                                      csems[b]).wait()

            def gather_start(b):
                pltpu.async_copy(ytab.at[ribufs[b]], rbufs[b], gsems[b])

            def gather_wait(b):
                pltpu.make_async_copy(ytab.at[ribufs[b]], rbufs[b],
                                      gsems[b]).wait()

            def scatter_start(b):
                pltpu.async_copy(rbufs[b], acc.at[cibufs[b]], ssems[b],
                                 add=True)

            def scatter_wait(b):
                pltpu.make_async_copy(rbufs[b], acc.at[cibufs[b]],
                                      ssems[b]).wait()

            for b in range(pd):
                idx_start(b, b)
            for b in range(pd - 1):
                idxrow_wait(b)
                gather_start(b)
            pltpu.make_async_copy(ytab.at[pl.ds(r0, rpt)],
                                  acc.at[pl.ds(r0, rpt)], mi).wait()

            @pl.when(s == 0)
            def _():
                pltpu.make_async_copy(ytab.at[pl.ds(rtail0, rtailn)],
                                      acc.at[pl.ds(rtail0, rtailn)],
                                      mo).wait()

            plsc.subcore_barrier()

            def group(g, carry):
                for b in range(nb):
                    i = g * nb + b
                    bg = (b + pd - 1) % nb
                    bp = (b + pd) % nb

                    @pl.when(i + pd < nchm)
                    def _(i=i, bp=bp):
                        @pl.when(i >= nb - pd)
                        def _():
                            scatter_wait(bp)

                        idx_start(i + pd, bp)

                    @pl.when(i + pd - 1 < nchm)
                    def _(bg=bg):
                        idxrow_wait(bg)
                        gather_start(bg)

                    gather_wait(b)
                    idxcol_wait(b)
                    scatter_start(b)
                return carry

            lax.fori_loop(0, nchm // nb, group, 0)

            for t in range(ntail_full):
                i = nchm + t
                b = i % nb
                scatter_wait(b)
                idx_start(i, b)
                idxrow_wait(b)
                gather_start(b)
                gather_wait(b)
                idxcol_wait(b)
                scatter_start(b)
            if tail_rem:
                rbase = ebase + (nchm + ntail_full) * k
                br = (nchm + ntail_full) % nb
                scatter_wait(br)
                pltpu.async_copy(row_hbm.at[pl.ds(rbase, tail_rem)], tri,
                                 rsems[br])
                pltpu.async_copy(col_hbm.at[pl.ds(rbase, tail_rem)], tci,
                                 csems[br])
                pltpu.make_async_copy(row_hbm.at[pl.ds(0, tail_rem)], tri,
                                      rsems[br]).wait()
                rslice = rbufs[br].at[pl.ds(0, tail_rem)]
                pltpu.async_copy(ytab.at[tri], rslice, mt)
                pltpu.make_async_copy(ytab.at[tri], rslice, mt).wait()
                pltpu.make_async_copy(col_hbm.at[pl.ds(0, tail_rem)], tci,
                                      csems[br]).wait()
                pltpu.async_copy(rslice, acc.at[tci], mt, add=True)
            for b in range(nb):
                if tail_rem and b == (nchm + ntail_full) % nb:
                    continue
                scatter_wait(b)
            if tail_rem:
                pltpu.make_async_copy(
                    rbufs[(nchm + ntail_full) % nb].at[pl.ds(0, tail_rem)],
                    acc.at[tci], mt).wait()
            plsc.subcore_barrier()

            pltpu.sync_copy(acc.at[pl.ds(r0, rpt)], zout.at[pl.ds(r0, rpt)])

            @pl.when(s == 0)
            def _():
                pltpu.sync_copy(acc.at[pl.ds(rtail0, rtailn)],
                                zout.at[pl.ds(rtail0, rtailn)])

        core_e0 = 0 if feature_split else epc

        @pl.when(c == 0)
        def _():
            run(y0, z0, s * ept)

        @pl.when(c == 1)
        def _():
            run(y1, z1, core_e0 + s * ept)

    return agg


_BN = 1000


def _mm1_call(x, w1):
    n, d = x.shape
    h = w1.shape[1]

    def body(x_ref, w_ref, xw_ref):
        xw_ref[...] = jnp.dot(x_ref[...].astype(jnp.bfloat16),
                              w_ref[...].astype(jnp.bfloat16),
                              preferred_element_type=jnp.float32)

    return pl.pallas_call(
        body,
        grid=(n // _BN,),
        in_specs=[
            pl.BlockSpec((_BN, d), lambda i: (i, 0)),
            pl.BlockSpec((d, h), lambda i: (0, 0)),
        ],
        out_specs=pl.BlockSpec((_BN, h), lambda i: (i, 0)),
        out_shape=jax.ShapeDtypeStruct((n, h), jnp.float32),
    )(x, w1)


def _scale1_call(xw, dega, degb):
    n, h = xw.shape
    hh = h // 2

    def body(xw_ref, da_ref, db_ref, ylo_ref, yhi_ref, dinv_ref):
        deg = da_ref[...] + db_ref[...] + 1.0
        dinv = lax.rsqrt(deg)
        y = xw_ref[...] * dinv
        ylo_ref[...] = y[:, :hh]
        yhi_ref[...] = y[:, hh:]
        dinv_ref[...] = dinv

    return pl.pallas_call(
        body,
        grid=(n // _BN,),
        in_specs=[
            pl.BlockSpec((_BN, h), lambda i: (i, 0)),
            pl.BlockSpec((_BN, 1), lambda i: (i, 0)),
            pl.BlockSpec((_BN, 1), lambda i: (i, 0)),
        ],
        out_specs=[
            pl.BlockSpec((_BN, hh), lambda i: (i, 0)),
            pl.BlockSpec((_BN, hh), lambda i: (i, 0)),
            pl.BlockSpec((_BN, 1), lambda i: (i, 0)),
        ],
        out_shape=[
            jax.ShapeDtypeStruct((n, hh), jnp.float32),
            jax.ShapeDtypeStruct((n, hh), jnp.float32),
            jax.ShapeDtypeStruct((n, 1), jnp.float32),
        ],
    )(xw, dega, degb)


def _dense2_call(zlo, zhi, dinv, b1, w2):
    n, hh = zlo.shape
    h = 2 * hh
    cdim = w2.shape[1]

    def body(zlo_ref, zhi_ref, dinv_ref, b1_ref, w_ref, y2_ref):
        z = jnp.concatenate([zlo_ref[...], zhi_ref[...]], axis=1)
        dinv = dinv_ref[...]
        hmat = jnp.maximum(z * dinv + b1_ref[...], 0.0)
        y2_ref[...] = jnp.dot(
            hmat, w_ref[...], preferred_element_type=jnp.float32) * dinv

    return pl.pallas_call(
        body,
        grid=(n // _BN,),
        in_specs=[
            pl.BlockSpec((_BN, hh), lambda i: (i, 0)),
            pl.BlockSpec((_BN, hh), lambda i: (i, 0)),
            pl.BlockSpec((_BN, 1), lambda i: (i, 0)),
            pl.BlockSpec((1, h), lambda i: (0, 0)),
            pl.BlockSpec((h, cdim), lambda i: (0, 0)),
        ],
        out_specs=pl.BlockSpec((_BN, cdim), lambda i: (i, 0)),
        out_shape=jax.ShapeDtypeStruct((n, cdim), jnp.float32),
    )(zlo, zhi, dinv, b1, w2)


def _out_call(z2a, z2b, y2p, dinv, b2):
    n = y2p.shape[0]
    cdim = b2.shape[1]

    def body(za_ref, zb_ref, y2_ref, dinv_ref, b2_ref, o_ref):
        acc = za_ref[...] + zb_ref[...] - y2_ref[...]
        o_ref[...] = acc * dinv_ref[...] + b2_ref[...]

    return pl.pallas_call(
        body,
        grid=(n // _BN,),
        in_specs=[
            pl.BlockSpec((_BN, cdim), lambda i: (i, 0)),
            pl.BlockSpec((_BN, cdim), lambda i: (i, 0)),
            pl.BlockSpec((_BN, cdim), lambda i: (i, 0)),
            pl.BlockSpec((_BN, 1), lambda i: (i, 0)),
            pl.BlockSpec((1, cdim), lambda i: (0, 0)),
        ],
        out_specs=pl.BlockSpec((_BN, cdim), lambda i: (i, 0)),
        out_shape=jax.ShapeDtypeStruct((n, cdim), jnp.float32),
    )(z2a, z2b, y2p, dinv, b2)


def kernel(x, edge_index, W1, b1, W2, b2):
    ei = edge_index.astype(jnp.int32)
    row, col = ei[0], ei[1]

    ones_k = jnp.ones((_DEG_K,), jnp.float32)
    zeros_n = jnp.zeros((N_NODES,), jnp.float32)
    dega, degb = _deg_call(col, ones_k, zeros_n)

    xw = _mm1_call(x, W1)
    ylo, yhi, dinv = _scale1_call(
        xw, dega.reshape(N_NODES, 1), degb.reshape(N_NODES, 1))

    agg1 = _make_agg(W1.shape[1] // 2, feature_split=True, k=96, nb=4)
    zlo, zhi = agg1(ylo, yhi, row, col)

    y2p = _dense2_call(zlo, zhi, dinv, b1.reshape(1, -1), W2)

    agg2 = _make_agg(W2.shape[1], feature_split=False, tiled=False)
    z2a, z2b = agg2(y2p, y2p, row, col)

    return _out_call(z2a, z2b, y2p, dinv, b2.reshape(1, -1))

# --- scband reference (transcript-rebuilt; emitter-appended) ---
"""Pipeline reference for scband-gcn-47966194762283 (READ-ONLY COPY).

The authoritative reference and input builder live on the scoring server;
editing this copy changes nothing except your own understanding.
"""

import jax, jax.numpy as jnp
import numpy as np

N_NODES = 10000
N_EDGES = 160000
D_FEAT = 256
HIDDEN = 256
N_CLASSES = 64


def setup_inputs(seed: int = 0) -> dict:
    key = jax.random.key(seed)
    k1, k2, k3, k4, k5, k6 = jax.random.split(key, 6)
    x = jax.random.normal(k1, (N_NODES, D_FEAT), dtype=jnp.float32)
    edge_index = jax.random.randint(k2, (2, N_EDGES), 0, N_NODES, dtype=jnp.int64)
    # GCNConv layer 1: in=D_FEAT, out=HIDDEN (glorot weight, zero bias like PyG)
    W1 = jax.random.normal(k3, (D_FEAT, HIDDEN), dtype=jnp.float32) * (1.0 / np.sqrt(D_FEAT))
    b1 = jnp.zeros((HIDDEN,), dtype=jnp.float32)
    # GCNConv layer 2: in=HIDDEN, out=N_CLASSES
    W2 = jax.random.normal(k4, (HIDDEN, N_CLASSES), dtype=jnp.float32) * (1.0 / np.sqrt(HIDDEN))
    b2 = jnp.zeros((N_CLASSES,), dtype=jnp.float32)
    return {"x": x, "edge_index": edge_index, "W1": W1, "b1": b1, "W2": W2, "b2": b2}


def gcn_conv(x, row, col, W, b, num_nodes):
    # PyG GCNConv with add_self_loops=True, normalize=True (symmetric norm)
    loop = jnp.arange(num_nodes, dtype=row.dtype)
    row2 = jnp.concatenate([row, loop])
    col2 = jnp.concatenate([col, loop])
    deg = jnp.zeros((num_nodes,), dtype=x.dtype).at[col2].add(1.0)
    deg_inv_sqrt = jnp.where(deg > 0, 1.0 / jnp.sqrt(deg), 0.0)
    norm = deg_inv_sqrt[row2] * deg_inv_sqrt[col2]
    xw = x @ W
    msg = xw[row2] * norm[:, None]
    out = jnp.zeros((num_nodes, W.shape[1]), dtype=x.dtype).at[col2].add(msg)
    return out + b


def reference(x, edge_index, W1, b1, W2, b2):
    num_nodes = x.shape[0]
    row, col = edge_index[0], edge_index[1]
    h = gcn_conv(x, row, col, W1, b1, num_nodes)
    h = jax.nn.relu(h)
    # dropout is identity in eval mode (training=False)
    out = gcn_conv(h, row, col, W2, b2, num_nodes)
    return out

if __name__ == "__main__":
    import jax
    _d = setup_inputs()
    print(jax.jit(kernel)(*tuple(_d.values())))

</pallas_src>

<mosaic_0001>
#map = affine_map<(d0, d1) -> (0, 0)>
#map1 = affine_map<(d0, d1) -> (0)>
module attributes {stable_mosaic.version = 14 : i64} {
  func.func @agg(%arg0: i32, %arg1: i32, %arg2: memref<10000x64xf32, #tpu.memory_space<hbm>>, %arg3: memref<10000x64xf32, #tpu.memory_space<hbm>>, %arg4: memref<160000xi32, #tpu.memory_space<hbm>>, %arg5: memref<160000xi32, #tpu.memory_space<hbm>>, %arg6: memref<10000x64xf32, #tpu.memory_space<hbm>>, %arg7: memref<10000x64xf32, #tpu.memory_space<hbm>>, %arg8: memref<128xi32, #tpu.memory_space<vmem>>, %arg9: memref<128xi32, #tpu.memory_space<vmem>>, %arg10: memref<128xi32, #tpu.memory_space<vmem>>, %arg11: memref<128xi32, #tpu.memory_space<vmem>>, %arg12: memref<128xi32, #tpu.memory_space<vmem>>, %arg13: memref<128xi32, #tpu.memory_space<vmem>>, %arg14: memref<8xi32, #tpu.memory_space<vmem>>, %arg15: memref<8xi32, #tpu.memory_space<vmem>>, %arg16: memref<128x64xf32, #tpu.memory_space<vmem>>, %arg17: memref<128x64xf32, #tpu.memory_space<vmem>>, %arg18: memref<128x64xf32, #tpu.memory_space<vmem>>, %arg19: memref<!tpu.dma_semaphore, #tpu.memory_space<semaphore_mem>>, %arg20: memref<!tpu.dma_semaphore, #tpu.memory_space<semaphore_mem>>, %arg21: memref<!tpu.dma_semaphore, #tpu.memory_space<semaphore_mem>>, %arg22: memref<!tpu.dma_semaphore, #tpu.memory_space<semaphore_mem>>, %arg23: memref<!tpu.dma_semaphore, #tpu.memory_space<semaphore_mem>>, %arg24: memref<!tpu.dma_semaphore, #tpu.memory_space<semaphore_mem>>, %arg25: memref<!tpu.dma_semaphore, #tpu.memory_space<semaphore_mem>>, %arg26: memref<!tpu.dma_semaphore, #tpu.memory_space<semaphore_mem>>, %arg27: memref<!tpu.dma_semaphore, #tpu.memory_space<semaphore_mem>>, %arg28: memref<!tpu.dma_semaphore, #tpu.memory_space<semaphore_mem>>, %arg29: memref<!tpu.dma_semaphore, #tpu.memory_space<semaphore_mem>>, %arg30: memref<!tpu.dma_semaphore, #tpu.memory_space<semaphore_mem>>, %arg31: memref<!tpu.dma_semaphore, #tpu.memory_space<semaphore_mem>>, %arg32: memref<!tpu.dma_semaphore, #tpu.memory_space<semaphore_mem>>, %arg33: memref<!tpu.dma_semaphore, #tpu.memory_space<semaphore_mem>>, %arg34: memref<10000x64xf32, #tpu.memory_space<vmem_shared>>) attributes {dimension_semantics = [#tpu.dimension_semantics<core_parallel>, #tpu.dimension_semantics<subcore_parallel>], iteration_bounds = array<i64: 2, 16>, scalar_prefetch = 0 : i64, scratch_operands = 27 : i64, tpu.core_type = #tpu.core_type<sc_vector_subcore>, window_params = [{transform_indices = #map}, {transform_indices = #map}, {transform_indices = #map1}, {transform_indices = #map1}, {transform_indices = #map}, {transform_indices = #map}]} {
    %eq3A = arith.constant 0 : i32
    %eq3A_0 = arith.cmpi eq, %arg0, %eq3A : i32
    %convert_element_type3A = arith.extui %eq3A_0 : i1 to i32
    %cond3A = arith.constant 0 : i32
    %cond3A_1 = arith.cmpi ne, %convert_element_type3A, %cond3A : i32
    scf.if %cond3A_1 {
      %mul3A = arith.constant 5000 : i32
      %mul3A_7 = arith.muli %arg1, %mul3A : i32
      %mul3A_8 = arith.constant 624 : i32
      %mul3A_9 = arith.muli %arg1, %mul3A_8 : i32
      %dma_start3A = arith.constant 0 : i32
      %dma_start3A_10 = tpu.memref_slice %arg34[%mul3A_9, %dma_start3A] : memref<10000x64xf32, #tpu.memory_space<vmem_shared>> -> memref<624x64xf32, #tpu.memory_space<vmem_shared>>
      %dma_start3A_11 = arith.constant 0 : i32
      %dma_start3A_12 = tpu.memref_slice %arg2[%mul3A_9, %dma_start3A_11] : memref<10000x64xf32, #tpu.memory_space<hbm>> -> memref<624x64xf32, #tpu.memory_space<hbm>>
      tpu.enqueue_dma source(%dma_start3A_12 : memref<624x64xf32, #tpu.memory_space<hbm>>) target(%dma_start3A_10 : memref<624x64xf32, #tpu.memory_space<vmem_shared>>) target_semaphore(%arg32 : memref<!tpu.dma_semaphore, #tpu.memory_space<semaphore_mem>>)
      %eq3A_13 = arith.constant 0 : i32
      %eq3A_14 = arith.cmpi eq, %arg1, %eq3A_13 : i32
      %convert_element_type3A_15 = arith.extui %eq3A_14 : i1 to i32
      %cond3A_16 = arith.constant 0 : i32
      %cond3A_17 = arith.cmpi ne, %convert_element_type3A_15, %cond3A_16 : i32
      scf.if %cond3A_17 {
        %dma_start3A_102 = arith.constant 9984 : i32
        %dma_start3A_103 = arith.constant 0 : i32
        %dma_start3A_104 = tpu.memref_slice %arg34[%dma_start3A_102, %dma_start3A_103] : memref<10000x64xf32, #tpu.memory_space<vmem_shared>> -> memref<16x64xf32, #tpu.memory_space<vmem_shared>>
        %dma_start3A_105 = arith.constant 9984 : i32
        %dma_start3A_106 = arith.constant 0 : i32
        %dma_start3A_107 = tpu.memref_slice %arg2[%dma_start3A_105, %dma_start3A_106] : memref<10000x64xf32, #tpu.memory_space<hbm>> -> memref<16x64xf32, #tpu.memory_space<hbm>>
        tpu.enqueue_dma source(%dma_start3A_107 : memref<16x64xf32, #tpu.memory_space<hbm>>) target(%dma_start3A_104 : memref<16x64xf32, #tpu.memory_space<vmem_shared>>) target_semaphore(%arg33 : memref<!tpu.dma_semaphore, #tpu.memory_space<semaphore_mem>>)
      } else {
      }
      %add3A = arith.constant 0 : i32
      %add3A_18 = arith.addi %mul3A_7, %add3A : i32
      %dma_start3A_19 = tpu.memref_slice %arg4[%add3A_18] : memref<160000xi32, #tpu.memory_space<hbm>> -> memref<128xi32, #tpu.memory_space<hbm>>
      %dma_start3A_20 = tpu.memref_slice %arg4[%add3A_18] : memref<160000xi32, #tpu.memory_space<hbm>> -> memref<128xi32, #tpu.memory_space<hbm>>
      tpu.enqueue_dma source(%dma_start3A_20 : memref<128xi32, #tpu.memory_space<hbm>>) target(%arg8 : memref<128xi32, #tpu.memory_space<vmem>>) target_semaphore(%arg19 : memref<!tpu.dma_semaphore, #tpu.memory_space<semaphore_mem>>)
      %dma_start3A_21 = tpu.memref_slice %arg5[%add3A_18] : memref<160000xi32, #tpu.memory_space<hbm>> -> memref<128xi32, #tpu.memory_space<hbm>>
      %dma_start3A_22 = tpu.memref_slice %arg5[%add3A_18] : memref<160000xi32, #tpu.memory_space<hbm>> -> memref<128xi32, #tpu.memory_space<hbm>>
      tpu.enqueue_dma source(%dma_start3A_22 : memref<128xi32, #tpu.memory_space<hbm>>) target(%arg11 : memref<128xi32, #tpu.memory_space<vmem>>) target_semaphore(%arg22 : memref<!tpu.dma_semaphore, #tpu.memory_space<semaphore_mem>>)
      %add3A_23 = arith.constant 128 : i32
      %add3A_24 = arith.addi %mul3A_7, %add3A_23 : i32
      %dma_start3A_25 = tpu.memref_slice %arg4[%add3A_24] : memref<160000xi32, #tpu.memory_space<hbm>> -> memref<128xi32, #tpu.memory_space<hbm>>
      %dma_start3A_26 = tpu.memref_slice %arg4[%add3A_24] : memref<160000xi32, #tpu.memory_space<hbm>> -> memref<128xi32, #tpu.memory_space<hbm>>
      tpu.enqueue_dma source(%dma_start3A_26 : memref<128xi32, #tpu.memory_space<hbm>>) target(%arg9 : memref<128xi32, #tpu.memory_space<vmem>>) target_semaphore(%arg20 : memref<!tpu.dma_semaphore, #tpu.memory_space<semaphore_mem>>)
      %dma_start3A_27 = tpu.memref_slice %arg5[%add3A_24] : memref<160000xi32, #tpu.memory_space<hbm>> -> memref<128xi32, #tpu.memory_space<hbm>>
      %dma_start3A_28 = tpu.memref_slice %arg5[%add3A_24] : memref<160000xi32, #tpu.memory_space<hbm>> -> memref<128xi32, #tpu.memory_space<hbm>>
      tpu.enqueue_dma source(%dma_start3A_28 : memref<128xi32, #tpu.memory_space<hbm>>) target(%arg12 : memref<128xi32, #tpu.memory_space<vmem>>) target_semaphore(%arg23 : memref<!tpu.dma_semaphore, #tpu.memory_space<semaphore_mem>>)
      %dma_wait3A = arith.constant 0 : i32
      %dma_wait3A_29 = tpu.memref_slice %arg4[%dma_wait3A] : memref<160000xi32, #tpu.memory_space<hbm>> -> memref<128xi32, #tpu.memory_space<hbm>>
      %dma_wait3A_30 = arith.constant 0 : i32
      %dma_wait3A_31 = tpu.memref_slice %arg4[%dma_wait3A_30] : memref<160000xi32, #tpu.memory_space<hbm>> -> memref<128xi32, #tpu.memory_space<hbm>>
      tpu.wait_dma2 semaphore(%arg19 : memref<!tpu.dma_semaphore, #tpu.memory_space<semaphore_mem>>) src(%dma_wait3A_31 : memref<128xi32, #tpu.memory_space<hbm>>) dst(%arg8 : memref<128xi32, #tpu.memory_space<vmem>>)
      %dma_start3A_32 = arith.constant 0 : i32
      %dma_start3A_33 = arith.constant 0 : i32
      %dma_start3A_34 = tpu.memref_slice %arg2[%dma_start3A_32, %dma_start3A_33] : memref<10000x64xf32, #tpu.memory_space<hbm>> -> memref<10000x64xf32, #tpu.memory_space<hbm>>
      tpu.enqueue_indirect_dma source(%dma_start3A_34 : memref<10000x64xf32, #tpu.memory_space<hbm>>) target(%arg16 : memref<128x64xf32, #tpu.memory_space<vmem>>) offsets(%arg8 : memref<128xi32, #tpu.memory_space<vmem>>) semaphore(%arg25 : memref<!tpu.dma_semaphore, #tpu.memory_space<semaphore_mem>>)
      %dma_wait3A_35 = arith.constant 0 : i32
      %dma_wait3A_36 = tpu.memref_slice %arg34[%mul3A_9, %dma_wait3A_35] : memref<10000x64xf32, #tpu.memory_space<vmem_shared>> -> memref<624x64xf32, #tpu.memory_space<vmem_shared>>
      %dma_wait3A_37 = arith.constant 0 : i32
      %dma_wait3A_38 = tpu.memref_slice %arg2[%mul3A_9, %dma_wait3A_37] : memref<10000x64xf32, #tpu.memory_space<hbm>> -> memref<624x64xf32, #tpu.memory_space<hbm>>
      tpu.wait_dma2 semaphore(%arg32 : memref<!tpu.dma_semaphore, #tpu.memory_space<semaphore_mem>>) src(%dma_wait3A_38 : memref<624x64xf32, #tpu.memory_space<hbm>>) dst(%dma_wait3A_36 : memref<624x64xf32, #tpu.memory_space<vmem_shared>>)
      %eq3A_39 = arith.constant 0 : i32
      %eq3A_40 = arith.cmpi eq, %arg1, %eq3A_39 : i32
      %convert_element_type3A_41 = arith.extui %eq3A_40 : i1 to i32
      %cond3A_42 = arith.constant 0 : i32
      %cond3A_43 = arith.cmpi ne, %convert_element_type3A_41, %cond3A_42 : i32
      scf.if %cond3A_43 {
        %dma_wait3A_102 = arith.constant 9984 : i32
        %dma_wait3A_103 = arith.constant 0 : i32
        %dma_wait3A_104 = tpu.memref_slice %arg34[%dma_wait3A_102, %dma_wait3A_103] : memref<10000x64xf32, #tpu.memory_space<vmem_shared>> -> memref<16x64xf32, #tpu.memory_space<vmem_shared>>
        %dma_wait3A_105 = arith.constant 9984 : i32
        %dma_wait3A_106 = arith.constant 0 : i32
        %dma_wait3A_107 = tpu.memref_slice %arg2[%dma_wait3A_105, %dma_wait3A_106] : memref<10000x64xf32, #tpu.memory_space<hbm>> -> memref<16x64xf32, #tpu.memory_space<hbm>>
        tpu.wait_dma2 semaphore(%arg33 : memref<!tpu.dma_semaphore, #tpu.memory_space<semaphore_mem>>) src(%dma_wait3A_107 : memref<16x64xf32, #tpu.memory_space<hbm>>) dst(%dma_wait3A_104 : memref<16x64xf32, #tpu.memory_space<vmem_shared>>)
      } else {
      }
      %barrier3A = arith.constant 0 : index
      tpu.barrier barrier_id(%barrier3A)
      %scan3A = arith.constant 0 : i32
      %scan3A_44 = arith.constant 0 : i32
      %scan3A_45 = arith.constant 13 : i32
      %scan3A_46 = arith.addi %scan3A_44, %scan3A_45 : i32
      %scan3A_47 = arith.constant 1 : i32
      scf.for %scan3A_102 = %scan3A_44 to %scan3A_46 step %scan3A_47  : i32 {
        %mul3A_103 = arith.constant 3 : i32
        %mul3A_104 = arith.muli %scan3A_102, %mul3A_103 : i32
        %add3A_105 = arith.constant 0 : i32
        %add3A_106 = arith.addi %mul3A_104, %add3A_105 : i32
        %add3A_107 = arith.constant 2 : i32
        %add3A_108 = arith.addi %add3A_106, %add3A_107 : i32
        %lt3A = arith.constant 39 : i32
        %lt3A_109 = arith.cmpi slt, %add3A_108, %lt3A : i32
        %convert_element_type3A_110 = arith.extui %lt3A_109 : i1 to i32
        %cond3A_111 = arith.constant 0 : i32
        %cond3A_112 = arith.cmpi ne, %convert_element_type3A_110, %cond3A_111 : i32
        scf.if %cond3A_112 {
          %ge3A = arith.constant 1 : i32
          %ge3A_191 = arith.cmpi sge, %add3A_106, %ge3A : i32
          %convert_element_type3A_192 = arith.extui %ge3A_191 : i1 to i32
          %cond3A_193 = arith.constant 0 : i32
          %cond3A_194 = arith.cmpi ne, %convert_element_type3A_192, %cond3A_193 : i32
          scf.if %cond3A_194 {
            %dma_wait3A_204 = arith.constant 0 : i32
            %dma_wait3A_205 = arith.constant 0 : i32
            %dma_wait3A_206 = tpu.memref_slice %arg34[%dma_wait3A_204, %dma_wait3A_205] : memref<10000x64xf32, #tpu.memory_space<vmem_shared>> -> memref<10000x64xf32, #tpu.memory_space<vmem_shared>>
            tpu.wait_indirect_dma semaphore(%arg30 : memref<!tpu.dma_semaphore, #tpu.memory_space<semaphore_mem>>) src(%arg18 : memref<128x64xf32, #tpu.memory_space<vmem>>) dst(%dma_wait3A_206 : memref<10000x64xf32, #tpu.memory_space<vmem_shared>>)
          } else {
          }
          %add3A_195 = arith.constant 2 : i32
          %add3A_196 = arith.addi %add3A_106, %add3A_195 : i32
          %mul3A_197 = arith.constant 128 : i32
          %mul3A_198 = arith.muli %add3A_196, %mul3A_197 : i32
          %add3A_199 = arith.addi %mul3A_7, %mul3A_198 : i32
          %dma_start3A_200 = tpu.memref_slice %arg4[%add3A_199] : memref<160000xi32, #tpu.memory_space<hbm>> -> memref<128xi32, #tpu.memory_space<hbm>>
          %dma_start3A_201 = tpu.memref_slice %arg4[%add3A_199] : memref<160000xi32, #tpu.memory_space<hbm>> -> memref<128xi32, #tpu.memory_space<hbm>>
          tpu.enqueue_dma source(%dma_start3A_201 : memref<128xi32, #tpu.memory_space<hbm>>) target(%arg10 : memref<128xi32, #tpu.memory_space<vmem>>) target_semaphore(%arg21 : memref<!tpu.dma_semaphore, #tpu.memory_space<semaphore_mem>>)
          %dma_start3A_202 = tpu.memref_slice %arg5[%add3A_199] : memref<160000xi32, #tpu.memory_space<hbm>> -> memref<128xi32, #tpu.memory_space<hbm>>
          %dma_start3A_203 = tpu.memref_slice %arg5[%add3A_199] : memref<160000xi32, #tpu.memory_space<hbm>> -> memref<128xi32, #tpu.memory_space<hbm>>
          tpu.enqueue_dma source(%dma_start3A_203 : memref<128xi32, #tpu.memory_space<hbm>>) target(%arg13 : memref<128xi32, #tpu.memory_space<vmem>>) target_semaphore(%arg24 : memref<!tpu.dma_semaphore, #tpu.memory_space<semaphore_mem>>)
        } else {
        }
        %add3A_113 = arith.constant 2 : i32
        %add3A_114 = arith.addi %add3A_106, %add3A_113 : i32
        %sub3A = arith.constant 1 : i32
        %sub3A_115 = arith.subi %add3A_114, %sub3A : i32
        %lt3A_116 = arith.constant 39 : i32
        %lt3A_117 = arith.cmpi slt, %sub3A_115, %lt3A_116 : i32
        %convert_element_type3A_118 = arith.extui %lt3A_117 : i1 to i32
        %cond3A_119 = arith.constant 0 : i32
        %cond3A_120 = arith.cmpi ne, %convert_element_type3A_118, %cond3A_119 : i32
        scf.if %cond3A_120 {
          %dma_wait3A_191 = arith.constant 0 : i32
          %dma_wait3A_192 = tpu.memref_slice %arg4[%dma_wait3A_191] : memref<160000xi32, #tpu.memory_space<hbm>> -> memref<128xi32, #tpu.memory_space<hbm>>
          %dma_wait3A_193 = arith.constant 0 : i32
          %dma_wait3A_194 = tpu.memref_slice %arg4[%dma_wait3A_193] : memref<160000xi32, #tpu.memory_space<hbm>> -> memref<128xi32, #tpu.memory_space<hbm>>
          tpu.wait_dma2 semaphore(%arg20 : memref<!tpu.dma_semaphore, #tpu.memory_space<semaphore_mem>>) src(%dma_wait3A_194 : memref<128xi32, #tpu.memory_space<hbm>>) dst(%arg9 : memref<128xi32, #tpu.memory_space<vmem>>)
          %dma_start3A_195 = arith.constant 0 : i32
          %dma_start3A_196 = arith.constant 0 : i32
          %dma_start3A_197 = tpu.memref_slice %arg2[%dma_start3A_195, %dma_start3A_196] : memref<10000x64xf32, #tpu.memory_space<hbm>> -> memref<10000x64xf32, #tpu.memory_space<hbm>>
          tpu.enqueue_indirect_dma source(%dma_start3A_197 : memref<10000x64xf32, #tpu.memory_space<hbm>>) target(%arg17 : memref<128x64xf32, #tpu.memory_space<vmem>>) offsets(%arg9 : memref<128xi32, #tpu.memory_space<vmem>>) semaphore(%arg26 : memref<!tpu.dma_semaphore, #tpu.memory_space<semaphore_mem>>)
        } else {
        }
        %dma_wait3A_121 = arith.constant 0 : i32
        %dma_wait3A_122 = arith.constant 0 : i32
        %dma_wait3A_123 = tpu.memref_slice %arg2[%dma_wait3A_121, %dma_wait3A_122] : memref<10000x64xf32, #tpu.memory_space<hbm>> -> memref<10000x64xf32, #tpu.memory_space<hbm>>
        tpu.wait_indirect_dma semaphore(%arg25 : memref<!tpu.dma_semaphore, #tpu.memory_space<semaphore_mem>>) src(%dma_wait3A_123 : memref<10000x64xf32, #tpu.memory_space<hbm>>) dst(%arg16 : memref<128x64xf32, #tpu.memory_space<vmem>>)
        %dma_wait3A_124 = arith.constant 0 : i32
        %dma_wait3A_125 = tpu.memref_slice %arg5[%dma_wait3A_124] : memref<160000xi32, #tpu.memory_space<hbm>> -> memref<128xi32, #tpu.memory_space<hbm>>
        %dma_wait3A_126 = arith.constant 0 : i32
        %dma_wait3A_127 = tpu.memref_slice %arg5[%dma_wait3A_126] : memref<160000xi32, #tpu.memory_space<hbm>> -> memref<128xi32, #tpu.memory_space<hbm>>
        tpu.wait_dma2 semaphore(%arg22 : memref<!tpu.dma_semaphore, #tpu.memory_space<semaphore_mem>>) src(%dma_wait3A_127 : memref<128xi32, #tpu.memory_space<hbm>>) dst(%arg11 : memref<128xi32, #tpu.memory_space<vmem>>)
        %dma_start3A_128 = arith.constant 0 : i32
        %dma_start3A_129 = arith.constant 0 : i32
        %dma_start3A_130 = tpu.memref_slice %arg34[%dma_start3A_128, %dma_start3A_129] : memref<10000x64xf32, #tpu.memory_space<vmem_shared>> -> memref<10000x64xf32, #tpu.memory_space<vmem_shared>>
        tpu.enqueue_indirect_dma source(%arg16 : memref<128x64xf32, #tpu.memory_space<vmem>>) target(%dma_start3A_130 : memref<10000x64xf32, #tpu.memory_space<vmem_shared>>) offsets(%arg11 : memref<128xi32, #tpu.memory_space<vmem>>) semaphore(%arg28 : memref<!tpu.dma_semaphore, #tpu.memory_space<semaphore_mem>>) {add = true}
        %mul3A_131 = arith.constant 3 : i32
        %mul3A_132 = arith.muli %scan3A_102, %mul3A_131 : i32
        %add3A_133 = arith.constant 1 : i32
        %add3A_134 = arith.addi %mul3A_132, %add3A_133 : i32
        %add3A_135 = arith.constant 2 : i32
        %add3A_136 = arith.addi %add3A_134, %add3A_135 : i32
        %lt3A_137 = arith.constant 39 : i32
        %lt3A_138 = arith.cmpi slt, %add3A_136, %lt3A_137 : i32
        %convert_element_type3A_139 = arith.extui %lt3A_138 : i1 to i32
        %cond3A_140 = arith.constant 0 : i32
        %cond3A_141 = arith.cmpi ne, %convert_element_type3A_139, %cond3A_140 : i32
        scf.if %cond3A_141 {
          %ge3A = arith.constant 1 : i32
          %ge3A_191 = arith.cmpi sge, %add3A_134, %ge3A : i32
          %convert_element_type3A_192 = arith.extui %ge3A_191 : i1 to i32
          %cond3A_193 = arith.constant 0 : i32
          %cond3A_194 = arith.cmpi ne, %convert_element_type3A_192, %cond3A_193 : i32
          scf.if %cond3A_194 {
            %dma_wait3A_204 = arith.constant 0 : i32
            %dma_wait3A_205 = arith.constant 0 : i32
            %dma_wait3A_206 = tpu.memref_slice %arg34[%dma_wait3A_204, %dma_wait3A_205] : memref<10000x64xf32, #tpu.memory_space<vmem_shared>> -> memref<10000x64xf32, #tpu.memory_space<vmem_shared>>
            tpu.wait_indirect_dma semaphore(%arg28 : memref<!tpu.dma_semaphore, #tpu.memory_space<semaphore_mem>>) src(%arg16 : memref<128x64xf32, #tpu.memory_space<vmem>>) dst(%dma_wait3A_206 : memref<10000x64xf32, #tpu.memory_space<vmem_shared>>)
          } else {
          }
          %add3A_195 = arith.constant 2 : i32
          %add3A_196 = arith.addi %add3A_134, %add3A_195 : i32
          %mul3A_197 = arith.constant 128 : i32
          %mul3A_198 = arith.muli %add3A_196, %mul3A_197 : i32
          %add3A_199 = arith.addi %mul3A_7, %mul3A_198 : i32
          %dma_start3A_200 = tpu.memref_slice %arg4[%add3A_199] : memref<160000xi32, #tpu.memory_space<hbm>> -> memref<128xi32, #tpu.memory_space<hbm>>
          %dma_start3A_201 = tpu.memref_slice %arg4[%add3A_199] : memref<160000xi32, #tpu.memory_space<hbm>> -> memref<128xi32, #tpu.memory_space<hbm>>
          tpu.enqueue_dma source(%dma_start3A_201 : memref<128xi32, #tpu.memory_space<hbm>>) target(%arg8 : memref<128xi32, #tpu.memory_space<vmem>>) target_semaphore(%arg19 : memref<!tpu.dma_semaphore, #tpu.memory_space<semaphore_mem>>)
          %dma_start3A_202 = tpu.memref_slice %arg5[%add3A_199] : memref<160000xi32, #tpu.memory_space<hbm>> -> memref<128xi32, #tpu.memory_space<hbm>>
          %dma_start3A_203 = tpu.memref_slice %arg5[%add3A_199] : memref<160000xi32, #tpu.memory_space<hbm>> -> memref<128xi32, #tpu.memory_space<hbm>>
          tpu.enqueue_dma source(%dma_start3A_203 : memref<128xi32, #tpu.memory_space<hbm>>) target(%arg11 : memref<128xi32, #tpu.memory_space<vmem>>) target_semaphore(%arg22 : memref<!tpu.dma_semaphore, #tpu.memory_space<semaphore_mem>>)
        } else {
        }
        %add3A_142 = arith.constant 2 : i32
        %add3A_143 = arith.addi %add3A_134, %add3A_142 : i32
        %sub3A_144 = arith.constant 1 : i32
        %sub3A_145 = arith.subi %add3A_143, %sub3A_144 : i32
        %lt3A_146 = arith.constant 39 : i32
        %lt3A_147 = arith.cmpi slt, %sub3A_145, %lt3A_146 : i32
        %convert_element_type3A_148 = arith.extui %lt3A_147 : i1 to i32
        %cond3A_149 = arith.constant 0 : i32
        %cond3A_150 = arith.cmpi ne, %convert_element_type3A_148, %cond3A_149 : i32
        scf.if %cond3A_150 {
          %dma_wait3A_191 = arith.constant 0 : i32
          %dma_wait3A_192 = tpu.memref_slice %arg4[%dma_wait3A_191] : memref<160000xi32, #tpu.memory_space<hbm>> -> memref<128xi32, #tpu.memory_space<hbm>>
          %dma_wait3A_193 = arith.constant 0 : i32
          %dma_wait3A_194 = tpu.memref_slice %arg4[%dma_wait3A_193] : memref<160000xi32, #tpu.memory_space<hbm>> -> memref<128xi32, #tpu.memory_space<hbm>>
          tpu.wait_dma2 semaphore(%arg21 : memref<!tpu.dma_semaphore, #tpu.memory_space<semaphore_mem>>) src(%dma_wait3A_194 : memref<128xi32, #tpu.memory_space<hbm>>) dst(%arg10 : memref<128xi32, #tpu.memory_space<vmem>>)
          %dma_start3A_195 = arith.constant 0 : i32
          %dma_start3A_196 = arith.constant 0 : i32
          %dma_start3A_197 = tpu.memref_slice %arg2[%dma_start3A_195, %dma_start3A_196] : memref<10000x64xf32, #tpu.memory_space<hbm>> -> memref<10000x64xf32, #tpu.memory_space<hbm>>
          tpu.enqueue_indirect_dma source(%dma_start3A_197 : memref<10000x64xf32, #tpu.memory_space<hbm>>) target(%arg18 : memref<128x64xf32, #tpu.memory_space<vmem>>) offsets(%arg10 : memref<128xi32, #tpu.memory_space<vmem>>) semaphore(%arg27 : memref<!tpu.dma_semaphore, #tpu.memory_space<semaphore_mem>>)
        } else {
        }
        %dma_wait3A_151 = arith.constant 0 : i32
        %dma_wait3A_152 = arith.constant 0 : i32
        %dma_wait3A_153 = tpu.memref_slice %arg2[%dma_wait3A_151, %dma_wait3A_152] : memref<10000x64xf32, #tpu.memory_space<hbm>> -> memref<10000x64xf32, #tpu.memory_space<hbm>>
        tpu.wait_indirect_dma semaphore(%arg26 : memref<!tpu.dma_semaphore, #tpu.memory_space<semaphore_mem>>) src(%dma_wait3A_153 : memref<10000x64xf32, #tpu.memory_space<hbm>>) dst(%arg17 : memref<128x64xf32, #tpu.memory_space<vmem>>)
        %dma_wait3A_154 = arith.constant 0 : i32
        %dma_wait3A_155 = tpu.memref_slice %arg5[%dma_wait3A_154] : memref<160000xi32, #tpu.memory_space<hbm>> -> memref<128xi32, #tpu.memory_space<hbm>>
        %dma_wait3A_156 = arith.constant 0 : i32
        %dma_wait3A_157 = tpu.memref_slice %arg5[%dma_wait3A_156] : memref<160000xi32, #tpu.memory_space<hbm>> -> memref<128xi32, #tpu.memory_space<hbm>>
        tpu.wait_dma2 semaphore(%arg23 : memref<!tpu.dma_semaphore, #tpu.memory_space<semaphore_mem>>) src(%dma_wait3A_157 : memref<128xi32, #tpu.memory_space<hbm>>) dst(%arg12 : memref<128xi32, #tpu.memory_space<vmem>>)
        %dma_start3A_158 = arith.constant 0 : i32
        %dma_start3A_159 = arith.constant 0 : i32
        %dma_start3A_160 = tpu.memref_slice %arg34[%dma_start3A_158, %dma_start3A_159] : memref<10000x64xf32, #tpu.memory_space<vmem_shared>> -> memref<10000x64xf32, #tpu.memory_space<vmem_shared>>
        tpu.enqueue_indirect_dma source(%arg17 : memref<128x64xf32, #tpu.memory_space<vmem>>) target(%dma_start3A_160 : memref<10000x64xf32, #tpu.memory_space<vmem_shared>>) offsets(%arg12 : memref<128xi32, #tpu.memory_space<vmem>>) semaphore(%arg29 : memref<!tpu.dma_semaphore, #tpu.memory_space<semaphore_mem>>) {add = true}
        %mul3A_161 = arith.constant 3 : i32
        %mul3A_162 = arith.muli %scan3A_102, %mul3A_161 : i32
        %add3A_163 = arith.constant 2 : i32
        %add3A_164 = arith.addi %mul3A_162, %add3A_163 : i32
        %add3A_165 = arith.constant 2 : i32
        %add3A_166 = arith.addi %add3A_164, %add3A_165 : i32
        %lt3A_167 = arith.constant 39 : i32
        %lt3A_168 = arith.cmpi slt, %add3A_166, %lt3A_167 : i32
        %convert_element_type3A_169 = arith.extui %lt3A_168 : i1 to i32
        %cond3A_170 = arith.constant 0 : i32
        %cond3A_171 = arith.cmpi ne, %convert_element_type3A_169, %cond3A_170 : i32
        scf.if %cond3A_171 {
          %ge3A = arith.constant 1 : i32
          %ge3A_191 = arith.cmpi sge, %add3A_164, %ge3A : i32
          %convert_element_type3A_192 = arith.extui %ge3A_191 : i1 to i32
          %cond3A_193 = arith.constant 0 : i32
          %cond3A_194 = arith.cmpi ne, %convert_element_type3A_192, %cond3A_193 : i32
          scf.if %cond3A_194 {
            %dma_wait3A_204 = arith.constant 0 : i32
            %dma_wait3A_205 = arith.constant 0 : i32
            %dma_wait3A_206 = tpu.memref_slice %arg34[%dma_wait3A_204, %dma_wait3A_205] : memref<10000x64xf32, #tpu.memory_space<vmem_shared>> -> memref<10000x64xf32, #tpu.memory_space<vmem_shared>>
            tpu.wait_indirect_dma semaphore(%arg29 : memref<!tpu.dma_semaphore, #tpu.memory_space<semaphore_mem>>) src(%arg17 : memref<128x64xf32, #tpu.memory_space<vmem>>) dst(%dma_wait3A_206 : memref<10000x64xf32, #tpu.memory_space<vmem_shared>>)
          } else {
          }
          %add3A_195 = arith.constant 2 : i32
          %add3A_196 = arith.addi %add3A_164, %add3A_195 : i32
          %mul3A_197 = arith.constant 128 : i32
          %mul3A_198 = arith.muli %add3A_196, %mul3A_197 : i32
          %add3A_199 = arith.addi %mul3A_7, %mul3A_198 : i32
          %dma_start3A_200 = tpu.memref_slice %arg4[%add3A_199] : memref<160000xi32, #tpu.memory_space<hbm>> -> memref<128xi32, #tpu.memory_space<hbm>>
          %dma_start3A_201 = tpu.memref_slice %arg4[%add3A_199] : memref<160000xi32, #tpu.memory_space<hbm>> -> memref<128xi32, #tpu.memory_space<hbm>>
          tpu.enqueue_dma source(%dma_start3A_201 : memref<128xi32, #tpu.memory_space<hbm>>) target(%arg9 : memref<128xi32, #tpu.memory_space<vmem>>) target_semaphore(%arg20 : memref<!tpu.dma_semaphore, #tpu.memory_space<semaphore_mem>>)
          %dma_start3A_202 = tpu.memref_slice %arg5[%add3A_199] : memref<160000xi32, #tpu.memory_space<hbm>> -> memref<128xi32, #tpu.memory_space<hbm>>
          %dma_start3A_203 = tpu.memref_slice %arg5[%add3A_199] : memref<160000xi32, #tpu.memory_space<hbm>> -> memref<128xi32, #tpu.memory_space<hbm>>
          tpu.enqueue_dma source(%dma_start3A_203 : memref<128xi32, #tpu.memory_space<hbm>>) target(%arg12 : memref<128xi32, #tpu.memory_space<vmem>>) target_semaphore(%arg23 : memref<!tpu.dma_semaphore, #tpu.memory_space<semaphore_mem>>)
        } else {
        }
        %add3A_172 = arith.constant 2 : i32
        %add3A_173 = arith.addi %add3A_164, %add3A_172 : i32
        %sub3A_174 = arith.constant 1 : i32
        %sub3A_175 = arith.subi %add3A_173, %sub3A_174 : i32
        %lt3A_176 = arith.constant 39 : i32
        %lt3A_177 = arith.cmpi slt, %sub3A_175, %lt3A_176 : i32
        %convert_element_type3A_178 = arith.extui %lt3A_177 : i1 to i32
        %cond3A_179 = arith.constant 0 : i32
        %cond3A_180 = arith.cmpi ne, %convert_element_type3A_178, %cond3A_179 : i32
        scf.if %cond3A_180 {
          %dma_wait3A_191 = arith.constant 0 : i32
          %dma_wait3A_192 = tpu.memref_slice %arg4[%dma_wait3A_191] : memref<160000xi32, #tpu.memory_space<hbm>> -> memref<128xi32, #tpu.memory_space<hbm>>
          %dma_wait3A_193 = arith.constant 0 : i32
          %dma_wait3A_194 = tpu.memref_slice %arg4[%dma_wait3A_193] : memref<160000xi32, #tpu.memory_space<hbm>> -> memref<128xi32, #tpu.memory_space<hbm>>
          tpu.wait_dma2 semaphore(%arg19 : memref<!tpu.dma_semaphore, #tpu.memory_space<semaphore_mem>>) src(%dma_wait3A_194 : memref<128xi32, #tpu.memory_space<hbm>>) dst(%arg8 : memref<128xi32, #tpu.memory_space<vmem>>)
          %dma_start3A_195 = arith.constant 0 : i32
          %dma_start3A_196 = arith.constant 0 : i32
          %dma_start3A_197 = tpu.memref_slice %arg2[%dma_start3A_195, %dma_start3A_196] : memref<10000x64xf32, #tpu.memory_space<hbm>> -> memref<10000x64xf32, #tpu.memory_space<hbm>>
          tpu.enqueue_indirect_dma source(%dma_start3A_197 : memref<10000x64xf32, #tpu.memory_space<hbm>>) target(%arg16 : memref<128x64xf32, #tpu.memory_space<vmem>>) offsets(%arg8 : memref<128xi32, #tpu.memory_space<vmem>>) semaphore(%arg25 : memref<!tpu.dma_semaphore, #tpu.memory_space<semaphore_mem>>)
        } else {
        }
        %dma_wait3A_181 = arith.constant 0 : i32
        %dma_wait3A_182 = arith.constant 0 : i32
        %dma_wait3A_183 = tpu.memref_slice %arg2[%dma_wait3A_181, %dma_wait3A_182] : memref<10000x64xf32, #tpu.memory_space<hbm>> -> memref<10000x64xf32, #tpu.memory_space<hbm>>
        tpu.wait_indirect_dma semaphore(%arg27 : memref<!tpu.dma_semaphore, #tpu.memory_space<semaphore_mem>>) src(%dma_wait3A_183 : memref<10000x64xf32, #tpu.memory_space<hbm>>) dst(%arg18 : memref<128x64xf32, #tpu.memory_space<vmem>>)
        %dma_wait3A_184 = arith.constant 0 : i32
        %dma_wait3A_185 = tpu.memref_slice %arg5[%dma_wait3A_184] : memref<160000xi32, #tpu.memory_space<hbm>> -> memref<128xi32, #tpu.memory_space<hbm>>
        %dma_wait3A_186 = arith.constant 0 : i32
        %dma_wait3A_187 = tpu.memref_slice %arg5[%dma_wait3A_186] : memref<160000xi32, #tpu.memory_space<hbm>> -> memref<128xi32, #tpu.memory_space<hbm>>
        tpu.wait_dma2 semaphore(%arg24 : memref<!tpu.dma_semaphore, #tpu.memory_space<semaphore_mem>>) src(%dma_wait3A_187 : memref<128xi32, #tpu.memory_space<hbm>>) dst(%arg13 : memref<128xi32, #tpu.memory_space<vmem>>)
        %dma_start3A_188 = arith.constant 0 : i32
        %dma_start3A_189 = arith.constant 0 : i32
        %dma_start3A_190 = tpu.memref_slice %arg34[%dma_start3A_188, %dma_start3A_189] : memref<10000x64xf32, #tpu.memory_space<vmem_shared>> -> memref<10000x64xf32, #tpu.memory_space<vmem_shared>>
        tpu.enqueue_indirect_dma source(%arg18 : memref<128x64xf32, #tpu.memory_space<vmem>>) target(%dma_start3A_190 : memref<10000x64xf32, #tpu.memory_space<vmem_shared>>) offsets(%arg13 : memref<128xi32, #tpu.memory_space<vmem>>) semaphore(%arg30 : memref<!tpu.dma_semaphore, #tpu.memory_space<semaphore_mem>>) {add = true}
      }
      %scan3A_48 = arith.constant 13 : i32
      %add3A_49 = arith.constant 4992 : i32
      %add3A_50 = arith.addi %mul3A_7, %add3A_49 : i32
      %dma_wait3A_51 = arith.constant 0 : i32
      %dma_wait3A_52 = arith.constant 0 : i32
      %dma_wait3A_53 = tpu.memref_slice %arg34[%dma_wait3A_51, %dma_wait3A_52] : memref<10000x64xf32, #tpu.memory_space<vmem_shared>> -> memref<10000x64xf32, #tpu.memory_space<vmem_shared>>
      tpu.wait_indirect_dma semaphore(%arg28 : memref<!tpu.dma_semaphore, #tpu.memory_space<semaphore_mem>>) src(%arg16 : memref<128x64xf32, #tpu.memory_space<vmem>>) dst(%dma_wait3A_53 : memref<10000x64xf32, #tpu.memory_space<vmem_shared>>)
      %dma_start3A_54 = tpu.memref_slice %arg4[%add3A_50] : memref<160000xi32, #tpu.memory_space<hbm>> -> memref<8xi32, #tpu.memory_space<hbm>>
      %dma_start3A_55 = tpu.memref_slice %arg4[%add3A_50] : memref<160000xi32, #tpu.memory_space<hbm>> -> memref<8xi32, #tpu.memory_space<hbm>>
      tpu.enqueue_dma source(%dma_start3A_55 : memref<8xi32, #tpu.memory_space<hbm>>) target(%arg14 : memref<8xi32, #tpu.memory_space<vmem>>) target_semaphore(%arg19 : memref<!tpu.dma_semaphore, #tpu.memory_space<semaphore_mem>>)
      %dma_start3A_56 = tpu.memref_slice %arg5[%add3A_50] : memref<160000xi32, #tpu.memory_space<hbm>> -> memref<8xi32, #tpu.memory_space<hbm>>
      %dma_start3A_57 = tpu.memref_slice %arg5[%add3A_50] : memref<160000xi32, #tpu.memory_space<hbm>> -> memref<8xi32, #tpu.memory_space<hbm>>
      tpu.enqueue_dma source(%dma_start3A_57 : memref<8xi32, #tpu.memory_space<hbm>>) target(%arg15 : memref<8xi32, #tpu.memory_space<vmem>>) target_semaphore(%arg22 : memref<!tpu.dma_semaphore, #tpu.memory_space<semaphore_mem>>)
      %dma_wait3A_58 = arith.constant 0 : i32
      %dma_wait3A_59 = tpu.memref_slice %arg4[%dma_wait3A_58] : memref<160000xi32, #tpu.memory_space<hbm>> -> memref<8xi32, #tpu.memory_space<hbm>>
      %dma_wait3A_60 = arith.constant 0 : i32
      %dma_wait3A_61 = tpu.memref_slice %arg4[%dma_wait3A_60] : memref<160000xi32, #tpu.memory_space<hbm>> -> memref<8xi32, #tpu.memory_space<hbm>>
      tpu.wait_dma2 semaphore(%arg19 : memref<!tpu.dma_semaphore, #tpu.memory_space<semaphore_mem>>) src(%dma_wait3A_61 : memref<8xi32, #tpu.memory_space<hbm>>) dst(%arg14 : memref<8xi32, #tpu.memory_space<vmem>>)
      %dma_start3A_62 = arith.constant 0 : i32
      %dma_start3A_63 = arith.constant 0 : i32
      %dma_start3A_64 = tpu.memref_slice %arg16[%dma_start3A_62, %dma_start3A_63] : memref<128x64xf32, #tpu.memory_space<vmem>> -> memref<8x64xf32, #tpu.memory_space<vmem>>
      %dma_start3A_65 = arith.constant 0 : i32
      %dma_start3A_66 = arith.constant 0 : i32
      %dma_start3A_67 = tpu.memref_slice %arg2[%dma_start3A_65, %dma_start3A_66] : memref<10000x64xf32, #tpu.memory_space<hbm>> -> memref<10000x64xf32, #tpu.memory_space<hbm>>
      tpu.enqueue_indirect_dma source(%dma_start3A_67 : memref<10000x64xf32, #tpu.memory_space<hbm>>) target(%dma_start3A_64 : memref<8x64xf32, #tpu.memory_space<vmem>>) offsets(%arg14 : memref<8xi32, #tpu.memory_space<vmem>>) semaphore(%arg31 : memref<!tpu.dma_semaphore, #tpu.memory_space<semaphore_mem>>)
      %dma_wait3A_68 = arith.constant 0 : i32
      %dma_wait3A_69 = arith.constant 0 : i32
      %dma_wait3A_70 = tpu.memref_slice %arg16[%dma_wait3A_68, %dma_wait3A_69] : memref<128x64xf32, #tpu.memory_space<vmem>> -> memref<8x64xf32, #tpu.memory_space<vmem>>
      %dma_wait3A_71 = arith.constant 0 : i32
      %dma_wait3A_72 = arith.constant 0 : i32
      %dma_wait3A_73 = tpu.memref_slice %arg2[%dma_wait3A_71, %dma_wait3A_72] : memref<10000x64xf32, #tpu.memory_space<hbm>> -> memref<10000x64xf32, #tpu.memory_space<hbm>>
      tpu.wait_indirect_dma semaphore(%arg31 : memref<!tpu.dma_semaphore, #tpu.memory_space<semaphore_mem>>) src(%dma_wait3A_73 : memref<10000x64xf32, #tpu.memory_space<hbm>>) dst(%dma_wait3A_70 : memref<8x64xf32, #tpu.memory_space<vmem>>)
      %dma_wait3A_74 = arith.constant 0 : i32
      %dma_wait3A_75 = tpu.memref_slice %arg5[%dma_wait3A_74] : memref<160000xi32, #tpu.memory_space<hbm>> -> memref<8xi32, #tpu.memory_space<hbm>>
      %dma_wait3A_76 = arith.constant 0 : i32
      %dma_wait3A_77 = tpu.memref_slice %arg5[%dma_wait3A_76] : memref<160000xi32, #tpu.memory_space<hbm>> -> memref<8xi32, #tpu.memory_space<hbm>>
      tpu.wait_dma2 semaphore(%arg22 : memref<!tpu.dma_semaphore, #tpu.memory_space<semaphore_mem>>) src(%dma_wait3A_77 : memref<8xi32, #tpu.memory_space<hbm>>) dst(%arg15 : memref<8xi32, #tpu.memory_space<vmem>>)
      %dma_start3A_78 = arith.constant 0 : i32
      %dma_start3A_79 = arith.constant 0 : i32
      %dma_start3A_80 = tpu.memref_slice %arg16[%dma_start3A_78, %dma_start3A_79] : memref<128x64xf32, #tpu.memory_space<vmem>> -> memref<8x64xf32, #tpu.memory_space<vmem>>
      %dma_start3A_81 = arith.constant 0 : i32
      %dma_start3A_82 = arith.constant 0 : i32
      %dma_start3A_83 = tpu.memref_slice %arg34[%dma_start3A_81, %dma_start3A_82] : memref<10000x64xf32, #tpu.memory_space<vmem_shared>> -> memref<10000x64xf32, #tpu.memory_space<vmem_shared>>
      tpu.enqueue_indirect_dma source(%dma_start3A_80 : memref<8x64xf32, #tpu.memory_space<vmem>>) target(%dma_start3A_83 : memref<10000x64xf32, #tpu.memory_space<vmem_shared>>) offsets(%arg15 : memref<8xi32, #tpu.memory_space<vmem>>) semaphore(%arg31 : memref<!tpu.dma_semaphore, #tpu.memory_space<semaphore_mem>>) {add = true}
      %dma_wait3A_84 = arith.constant 0 : i32
      %dma_wait3A_85 = arith.constant 0 : i32
      %dma_wait3A_86 = tpu.memref_slice %arg34[%dma_wait3A_84, %dma_wait3A_85] : memref<10000x64xf32, #tpu.memory_space<vmem_shared>> -> memref<10000x64xf32, #tpu.memory_space<vmem_shared>>
      tpu.wait_indirect_dma semaphore(%arg29 : memref<!tpu.dma_semaphore, #tpu.memory_space<semaphore_mem>>) src(%arg17 : memref<128x64xf32, #tpu.memory_space<vmem>>) dst(%dma_wait3A_86 : memref<10000x64xf32, #tpu.memory_space<vmem_shared>>)
      %dma_wait3A_87 = arith.constant 0 : i32
      %dma_wait3A_88 = arith.constant 0 : i32
      %dma_wait3A_89 = tpu.memref_slice %arg34[%dma_wait3A_87, %dma_wait3A_88] : memref<10000x64xf32, #tpu.memory_space<vmem_shared>> -> memref<10000x64xf32, #tpu.memory_space<vmem_shared>>
      tpu.wait_indirect_dma semaphore(%arg30 : memref<!tpu.dma_semaphore, #tpu.memory_space<semaphore_mem>>) src(%arg18 : memref<128x64xf32, #tpu.memory_space<vmem>>) dst(%dma_wait3A_89 : memref<10000x64xf32, #tpu.memory_space<vmem_shared>>)
      %dma_wait3A_90 = arith.constant 0 : i32
      %dma_wait3A_91 = arith.constant 0 : i32
      %dma_wait3A_92 = tpu.memref_slice %arg16[%dma_wait3A_90, %dma_wait3A_91] : memref<128x64xf32, #tpu.memory_space<vmem>> -> memref<8x64xf32, #tpu.memory_space<vmem>>
      %dma_wait3A_93 = arith.constant 0 : i32
      %dma_wait3A_94 = arith.constant 0 : i32
      %dma_wait3A_95 = tpu.memref_slice %arg34[%dma_wait3A_93, %dma_wait3A_94] : memref<10000x64xf32, #tpu.memory_space<vmem_shared>> -> memref<10000x64xf32, #tpu.memory_space<vmem_shared>>
      tpu.wait_indirect_dma semaphore(%arg31 : memref<!tpu.dma_semaphore, #tpu.memory_space<semaphore_mem>>) src(%dma_wait3A_92 : memref<8x64xf32, #tpu.memory_space<vmem>>) dst(%dma_wait3A_95 : memref<10000x64xf32, #tpu.memory_space<vmem_shared>>)
      %barrier3A_96 = arith.constant 0 : index
      tpu.barrier barrier_id(%barrier3A_96)
      "tpu.region"() ({
        %run_scoped3A = tpu.sem_alloc : memref<!tpu.dma_semaphore, #tpu.memory_space<semaphore_mem>>
        %dma_start3A_102 = arith.constant 0 : i32
        %dma_start3A_103 = tpu.memref_slice %arg6[%mul3A_9, %dma_start3A_102] : memref<10000x64xf32, #tpu.memory_space<hbm>> -> memref<624x64xf32, #tpu.memory_space<hbm>>
        %dma_start3A_104 = arith.constant 0 : i32
        %dma_start3A_105 = tpu.memref_slice %arg34[%mul3A_9, %dma_start3A_104] : memref<10000x64xf32, #tpu.memory_space<vmem_shared>> -> memref<624x64xf32, #tpu.memory_space<vmem_shared>>
        tpu.enqueue_dma source(%dma_start3A_105 : memref<624x64xf32, #tpu.memory_space<vmem_shared>>) target(%dma_start3A_103 : memref<624x64xf32, #tpu.memory_space<hbm>>) target_semaphore(%run_scoped3A : memref<!tpu.dma_semaphore, #tpu.memory_space<semaphore_mem>>)
        %dma_wait3A_106 = arith.constant 0 : i32
        %dma_wait3A_107 = tpu.memref_slice %arg6[%mul3A_9, %dma_wait3A_106] : memref<10000x64xf32, #tpu.memory_space<hbm>> -> memref<624x64xf32, #tpu.memory_space<hbm>>
        %dma_wait3A_108 = arith.constant 0 : i32
        %dma_wait3A_109 = tpu.memref_slice %arg34[%mul3A_9, %dma_wait3A_108] : memref<10000x64xf32, #tpu.memory_space<vmem_shared>> -> memref<624x64xf32, #tpu.memory_space<vmem_shared>>
        tpu.wait_dma2 semaphore(%run_scoped3A : memref<!tpu.dma_semaphore, #tpu.memory_space<semaphore_mem>>) src(%dma_wait3A_109 : memref<624x64xf32, #tpu.memory_space<vmem_shared>>) dst(%dma_wait3A_107 : memref<624x64xf32, #tpu.memory_space<hbm>>)
        tpu.yield
      }) : () -> ()
      %eq3A_97 = arith.constant 0 : i32
      %eq3A_98 = arith.cmpi eq, %arg1, %eq3A_97 : i32
      %convert_element_type3A_99 = arith.extui %eq3A_98 : i1 to i32
      %cond3A_100 = arith.constant 0 : i32
      %cond3A_101 = arith.cmpi ne, %convert_element_type3A_99, %cond3A_100 : i32
      scf.if %cond3A_101 {
        "tpu.region"() ({
          %run_scoped3A = tpu.sem_alloc : memref<!tpu.dma_semaphore, #tpu.memory_space<semaphore_mem>>
          %dma_start3A_102 = arith.constant 9984 : i32
          %dma_start3A_103 = arith.constant 0 : i32
          %dma_start3A_104 = tpu.memref_slice %arg6[%dma_start3A_102, %dma_start3A_103] : memref<10000x64xf32, #tpu.memory_space<hbm>> -> memref<16x64xf32, #tpu.memory_space<hbm>>
          %dma_start3A_105 = arith.constant 9984 : i32
          %dma_start3A_106 = arith.constant 0 : i32
          %dma_start3A_107 = tpu.memref_slice %arg34[%dma_start3A_105, %dma_start3A_106] : memref<10000x64xf32, #tpu.memory_space<vmem_shared>> -> memref<16x64xf32, #tpu.memory_space<vmem_shared>>
          tpu.enqueue_dma source(%dma_start3A_107 : memref<16x64xf32, #tpu.memory_space<vmem_shared>>) target(%dma_start3A_104 : memref<16x64xf32, #tpu.memory_space<hbm>>) target_semaphore(%run_scoped3A : memref<!tpu.dma_semaphore, #tpu.memory_space<semaphore_mem>>)
          %dma_wait3A_108 = arith.constant 9984 : i32
          %dma_wait3A_109 = arith.constant 0 : i32
          %dma_wait3A_110 = tpu.memref_slice %arg6[%dma_wait3A_108, %dma_wait3A_109] : memref<10000x64xf32, #tpu.memory_space<hbm>> -> memref<16x64xf32, #tpu.memory_space<hbm>>
          %dma_wait3A_111 = arith.constant 9984 : i32
          %dma_wait3A_112 = arith.constant 0 : i32
          %dma_wait3A_113 = tpu.memref_slice %arg34[%dma_wait3A_111, %dma_wait3A_112] : memref<10000x64xf32, #tpu.memory_space<vmem_shared>> -> memref<16x64xf32, #tpu.memory_space<vmem_shared>>
          tpu.wait_dma2 semaphore(%run_scoped3A : memref<!tpu.dma_semaphore, #tpu.memory_space<semaphore_mem>>) src(%dma_wait3A_113 : memref<16x64xf32, #tpu.memory_space<vmem_shared>>) dst(%dma_wait3A_110 : memref<16x64xf32, #tpu.memory_space<hbm>>)
          tpu.yield
        }) : () -> ()
      } else {
      }
    } else {
    }
    %eq3A_2 = arith.constant 1 : i32
    %eq3A_3 = arith.cmpi eq, %arg0, %eq3A_2 : i32
    %convert_element_type3A_4 = arith.extui %eq3A_3 : i1 to i32
    %cond3A_5 = arith.constant 0 : i32
    %cond3A_6 = arith.cmpi ne, %convert_element_type3A_4, %cond3A_5 : i32
    scf.if %cond3A_6 {
      %mul3A = arith.constant 5000 : i32
      %mul3A_7 = arith.muli %arg1, %mul3A : i32
      %add3A = arith.constant 80000 : i32
      %add3A_8 = arith.addi %add3A, %mul3A_7 : i32
      %mul3A_9 = arith.constant 624 : i32
      %mul3A_10 = arith.muli %arg1, %mul3A_9 : i32
      %dma_start3A = arith.constant 0 : i32
      %dma_start3A_11 = tpu.memref_slice %arg34[%mul3A_10, %dma_start3A] : memref<10000x64xf32, #tpu.memory_space<vmem_shared>> -> memref<624x64xf32, #tpu.memory_space<vmem_shared>>
      %dma_start3A_12 = arith.constant 0 : i32
      %dma_start3A_13 = tpu.memref_slice %arg3[%mul3A_10, %dma_start3A_12] : memref<10000x64xf32, #tpu.memory_space<hbm>> -> memref<624x64xf32, #tpu.memory_space<hbm>>
      tpu.enqueue_dma source(%dma_start3A_13 : memref<624x64xf32, #tpu.memory_space<hbm>>) target(%dma_start3A_11 : memref<624x64xf32, #tpu.memory_space<vmem_shared>>) target_semaphore(%arg32 : memref<!tpu.dma_semaphore, #tpu.memory_space<semaphore_mem>>)
      %eq3A_14 = arith.constant 0 : i32
      %eq3A_15 = arith.cmpi eq, %arg1, %eq3A_14 : i32
      %convert_element_type3A_16 = arith.extui %eq3A_15 : i1 to i32
      %cond3A_17 = arith.constant 0 : i32
      %cond3A_18 = arith.cmpi ne, %convert_element_type3A_16, %cond3A_17 : i32
      scf.if %cond3A_18 {
        %dma_start3A_104 = arith.constant 9984 : i32
        %dma_start3A_105 = arith.constant 0 : i32
        %dma_start3A_106 = tpu.memref_slice %arg34[%dma_start3A_104, %dma_start3A_105] : memref<10000x64xf32, #tpu.memory_space<vmem_shared>> -> memref<16x64xf32, #tpu.memory_space<vmem_shared>>
        %dma_start3A_107 = arith.constant 9984 : i32
        %dma_start3A_108 = arith.constant 0 : i32
        %dma_start3A_109 = tpu.memref_slice %arg3[%dma_start3A_107, %dma_start3A_108] : memref<10000x64xf32, #tpu.memory_space<hbm>> -> memref<16x64xf32, #tpu.memory_space<hbm>>
        tpu.enqueue_dma source(%dma_start3A_109 : memref<16x64xf32, #tpu.memory_space<hbm>>) target(%dma_start3A_106 : memref<16x64xf32, #tpu.memory_space<vmem_shared>>) target_semaphore(%arg33 : memref<!tpu.dma_semaphore, #tpu.memory_space<semaphore_mem>>)
      } else {
      }
      %add3A_19 = arith.constant 0 : i32
      %add3A_20 = arith.addi %add3A_8, %add3A_19 : i32
      %dma_start3A_21 = tpu.memref_slice %arg4[%add3A_20] : memref<160000xi32, #tpu.memory_space<hbm>> -> memref<128xi32, #tpu.memory_space<hbm>>
      %dma_start3A_22 = tpu.memref_slice %arg4[%add3A_20] : memref<160000xi32, #tpu.memory_space<hbm>> -> memref<128xi32, #tpu.memory_space<hbm>>
      tpu.enqueue_dma source(%dma_start3A_22 : memref<128xi32, #tpu.memory_space<hbm>>) target(%arg8 : memref<128xi32, #tpu.memory_space<vmem>>) target_semaphore(%arg19 : memref<!tpu.dma_semaphore, #tpu.memory_space<semaphore_mem>>)
      %dma_start3A_23 = tpu.memref_slice %arg5[%add3A_20] : memref<160000xi32, #tpu.memory_space<hbm>> -> memref<128xi32, #tpu.memory_space<hbm>>
      %dma_start3A_24 = tpu.memref_slice %arg5[%add3A_20] : memref<160000xi32, #tpu.memory_space<hbm>> -> memref<128xi32, #tpu.memory_space<hbm>>
      tpu.enqueue_dma source(%dma_start3A_24 : memref<128xi32, #tpu.memory_space<hbm>>) target(%arg11 : memref<128xi32, #tpu.memory_space<vmem>>) target_semaphore(%arg22 : memref<!tpu.dma_semaphore, #tpu.memory_space<semaphore_mem>>)
      %add3A_25 = arith.constant 128 : i32
      %add3A_26 = arith.addi %add3A_8, %add3A_25 : i32
      %dma_start3A_27 = tpu.memref_slice %arg4[%add3A_26] : memref<160000xi32, #tpu.memory_space<hbm>> -> memref<128xi32, #tpu.memory_space<hbm>>
      %dma_start3A_28 = tpu.memref_slice %arg4[%add3A_26] : memref<160000xi32, #tpu.memory_space<hbm>> -> memref<128xi32, #tpu.memory_space<hbm>>
      tpu.enqueue_dma source(%dma_start3A_28 : memref<128xi32, #tpu.memory_space<hbm>>) target(%arg9 : memref<128xi32, #tpu.memory_space<vmem>>) target_semaphore(%arg20 : memref<!tpu.dma_semaphore, #tpu.memory_space<semaphore_mem>>)
      %dma_start3A_29 = tpu.memref_slice %arg5[%add3A_26] : memref<160000xi32, #tpu.memory_space<hbm>> -> memref<128xi32, #tpu.memory_space<hbm>>
      %dma_start3A_30 = tpu.memref_slice %arg5[%add3A_26] : memref<160000xi32, #tpu.memory_space<hbm>> -> memref<128xi32, #tpu.memory_space<hbm>>
      tpu.enqueue_dma source(%dma_start3A_30 : memref<128xi32, #tpu.memory_space<hbm>>) target(%arg12 : memref<128xi32, #tpu.memory_space<vmem>>) target_semaphore(%arg23 : memref<!tpu.dma_semaphore, #tpu.memory_space<semaphore_mem>>)
      %dma_wait3A = arith.constant 0 : i32
      %dma_wait3A_31 = tpu.memref_slice %arg4[%dma_wait3A] : memref<160000xi32, #tpu.memory_space<hbm>> -> memref<128xi32, #tpu.memory_space<hbm>>
      %dma_wait3A_32 = arith.constant 0 : i32
      %dma_wait3A_33 = tpu.memref_slice %arg4[%dma_wait3A_32] : memref<160000xi32, #tpu.memory_space<hbm>> -> memref<128xi32, #tpu.memory_space<hbm>>
      tpu.wait_dma2 semaphore(%arg19 : memref<!tpu.dma_semaphore, #tpu.memory_space<semaphore_mem>>) src(%dma_wait3A_33 : memref<128xi32, #tpu.memory_space<hbm>>) dst(%arg8 : memref<128xi32, #tpu.memory_space<vmem>>)
      %dma_start3A_34 = arith.constant 0 : i32
      %dma_start3A_35 = arith.constant 0 : i32
      %dma_start3A_36 = tpu.memref_slice %arg3[%dma_start3A_34, %dma_start3A_35] : memref<10000x64xf32, #tpu.memory_space<hbm>> -> memref<10000x64xf32, #tpu.memory_space<hbm>>
      tpu.enqueue_indirect_dma source(%dma_start3A_36 : memref<10000x64xf32, #tpu.memory_space<hbm>>) target(%arg16 : memref<128x64xf32, #tpu.memory_space<vmem>>) offsets(%arg8 : memref<128xi32, #tpu.memory_space<vmem>>) semaphore(%arg25 : memref<!tpu.dma_semaphore, #tpu.memory_space<semaphore_mem>>)
      %dma_wait3A_37 = arith.constant 0 : i32
      %dma_wait3A_38 = tpu.memref_slice %arg34[%mul3A_10, %dma_wait3A_37] : memref<10000x64xf32, #tpu.memory_space<vmem_shared>> -> memref<624x64xf32, #tpu.memory_space<vmem_shared>>
      %dma_wait3A_39 = arith.constant 0 : i32
      %dma_wait3A_40 = tpu.memref_slice %arg3[%mul3A_10, %dma_wait3A_39] : memref<10000x64xf32, #tpu.memory_space<hbm>> -> memref<624x64xf32, #tpu.memory_space<hbm>>
      tpu.wait_dma2 semaphore(%arg32 : memref<!tpu.dma_semaphore, #tpu.memory_space<semaphore_mem>>) src(%dma_wait3A_40 : memref<624x64xf32, #tpu.memory_space<hbm>>) dst(%dma_wait3A_38 : memref<624x64xf32, #tpu.memory_space<vmem_shared>>)
      %eq3A_41 = arith.constant 0 : i32
      %eq3A_42 = arith.cmpi eq, %arg1, %eq3A_41 : i32
      %convert_element_type3A_43 = arith.extui %eq3A_42 : i1 to i32
      %cond3A_44 = arith.constant 0 : i32
      %cond3A_45 = arith.cmpi ne, %convert_element_type3A_43, %cond3A_44 : i32
      scf.if %cond3A_45 {
        %dma_wait3A_104 = arith.constant 9984 : i32
        %dma_wait3A_105 = arith.constant 0 : i32
        %dma_wait3A_106 = tpu.memref_slice %arg34[%dma_wait3A_104, %dma_wait3A_105] : memref<10000x64xf32, #tpu.memory_space<vmem_shared>> -> memref<16x64xf32, #tpu.memory_space<vmem_shared>>
        %dma_wait3A_107 = arith.constant 9984 : i32
        %dma_wait3A_108 = arith.constant 0 : i32
        %dma_wait3A_109 = tpu.memref_slice %arg3[%dma_wait3A_107, %dma_wait3A_108] : memref<10000x64xf32, #tpu.memory_space<hbm>> -> memref<16x64xf32, #tpu.memory_space<hbm>>
        tpu.wait_dma2 semaphore(%arg33 : memref<!tpu.dma_semaphore, #tpu.memory_space<semaphore_mem>>) src(%dma_wait3A_109 : memref<16x64xf32, #tpu.memory_space<hbm>>) dst(%dma_wait3A_106 : memref<16x64xf32, #tpu.memory_space<vmem_shared>>)
      } else {
      }
      %barrier3A = arith.constant 0 : index
      tpu.barrier barrier_id(%barrier3A)
      %scan3A = arith.constant 0 : i32
      %scan3A_46 = arith.constant 0 : i32
      %scan3A_47 = arith.constant 13 : i32
      %scan3A_48 = arith.addi %scan3A_46, %scan3A_47 : i32
      %scan3A_49 = arith.constant 1 : i32
      scf.for %scan3A_104 = %scan3A_46 to %scan3A_48 step %scan3A_49  : i32 {
        %mul3A_105 = arith.constant 3 : i32
        %mul3A_106 = arith.muli %scan3A_104, %mul3A_105 : i32
        %add3A_107 = arith.constant 0 : i32
        %add3A_108 = arith.addi %mul3A_106, %add3A_107 : i32
        %add3A_109 = arith.constant 2 : i32
        %add3A_110 = arith.addi %add3A_108, %add3A_109 : i32
        %lt3A = arith.constant 39 : i32
        %lt3A_111 = arith.cmpi slt, %add3A_110, %lt3A : i32
        %convert_element_type3A_112 = arith.extui %lt3A_111 : i1 to i32
        %cond3A_113 = arith.constant 0 : i32
        %cond3A_114 = arith.cmpi ne, %convert_element_type3A_112, %cond3A_113 : i32
        scf.if %cond3A_114 {
          %ge3A = arith.constant 1 : i32
          %ge3A_193 = arith.cmpi sge, %add3A_108, %ge3A : i32
          %convert_element_type3A_194 = arith.extui %ge3A_193 : i1 to i32
          %cond3A_195 = arith.constant 0 : i32
          %cond3A_196 = arith.cmpi ne, %convert_element_type3A_194, %cond3A_195 : i32
          scf.if %cond3A_196 {
            %dma_wait3A_206 = arith.constant 0 : i32
            %dma_wait3A_207 = arith.constant 0 : i32
            %dma_wait3A_208 = tpu.memref_slice %arg34[%dma_wait3A_206, %dma_wait3A_207] : memref<10000x64xf32, #tpu.memory_space<vmem_shared>> -> memref<10000x64xf32, #tpu.memory_space<vmem_shared>>
            tpu.wait_indirect_dma semaphore(%arg30 : memref<!tpu.dma_semaphore, #tpu.memory_space<semaphore_mem>>) src(%arg18 : memref<128x64xf32, #tpu.memory_space<vmem>>) dst(%dma_wait3A_208 : memref<10000x64xf32, #tpu.memory_space<vmem_shared>>)
          } else {
          }
          %add3A_197 = arith.constant 2 : i32
          %add3A_198 = arith.addi %add3A_108, %add3A_197 : i32
          %mul3A_199 = arith.constant 128 : i32
          %mul3A_200 = arith.muli %add3A_198, %mul3A_199 : i32
          %add3A_201 = arith.addi %add3A_8, %mul3A_200 : i32
          %dma_start3A_202 = tpu.memref_slice %arg4[%add3A_201] : memref<160000xi32, #tpu.memory_space<hbm>> -> memref<128xi32, #tpu.memory_space<hbm>>
          %dma_start3A_203 = tpu.memref_slice %arg4[%add3A_201] : memref<160000xi32, #tpu.memory_space<hbm>> -> memref<128xi32, #tpu.memory_space<hbm>>
          tpu.enqueue_dma source(%dma_start3A_203 : memref<128xi32, #tpu.memory_space<hbm>>) target(%arg10 : memref<128xi32, #tpu.memory_space<vmem>>) target_semaphore(%arg21 : memref<!tpu.dma_semaphore, #tpu.memory_space<semaphore_mem>>)
          %dma_start3A_204 = tpu.memref_slice %arg5[%add3A_201] : memref<160000xi32, #tpu.memory_space<hbm>> -> memref<128xi32, #tpu.memory_space<hbm>>
          %dma_start3A_205 = tpu.memref_slice %arg5[%add3A_201] : memref<160000xi32, #tpu.memory_space<hbm>> -> memref<128xi32, #tpu.memory_space<hbm>>
          tpu.enqueue_dma source(%dma_start3A_205 : memref<128xi32, #tpu.memory_space<hbm>>) target(%arg13 : memref<128xi32, #tpu.memory_space<vmem>>) target_semaphore(%arg24 : memref<!tpu.dma_semaphore, #tpu.memory_space<semaphore_mem>>)
        } else {
        }
        %add3A_115 = arith.constant 2 : i32
        %add3A_116 = arith.addi %add3A_108, %add3A_115 : i32
        %sub3A = arith.constant 1 : i32
        %sub3A_117 = arith.subi %add3A_116, %sub3A : i32
        %lt3A_118 = arith.constant 39 : i32
        %lt3A_119 = arith.cmpi slt, %sub3A_117, %lt3A_118 : i32
        %convert_element_type3A_120 = arith.extui %lt3A_119 : i1 to i32
        %cond3A_121 = arith.constant 0 : i32
        %cond3A_122 = arith.cmpi ne, %convert_element_type3A_120, %cond3A_121 : i32
        scf.if %cond3A_122 {
          %dma_wait3A_193 = arith.constant 0 : i32
          %dma_wait3A_194 = tpu.memref_slice %arg4[%dma_wait3A_193] : memref<160000xi32, #tpu.memory_space<hbm>> -> memref<128xi32, #tpu.memory_space<hbm>>
          %dma_wait3A_195 = arith.constant 0 : i32
          %dma_wait3A_196 = tpu.memref_slice %arg4[%dma_wait3A_195] : memref<160000xi32, #tpu.memory_space<hbm>> -> memref<128xi32, #tpu.memory_space<hbm>>
          tpu.wait_dma2 semaphore(%arg20 : memref<!tpu.dma_semaphore, #tpu.memory_space<semaphore_mem>>) src(%dma_wait3A_196 : memref<128xi32, #tpu.memory_space<hbm>>) dst(%arg9 : memref<128xi32, #tpu.memory_space<vmem>>)
          %dma_start3A_197 = arith.constant 0 : i32
          %dma_start3A_198 = arith.constant 0 : i32
          %dma_start3A_199 = tpu.memref_slice %arg3[%dma_start3A_197, %dma_start3A_198] : memref<10000x64xf32, #tpu.memory_space<hbm>> -> memref<10000x64xf32, #tpu.memory_space<hbm>>
          tpu.enqueue_indirect_dma source(%dma_start3A_199 : memref<10000x64xf32, #tpu.memory_space<hbm>>) target(%arg17 : memref<128x64xf32, #tpu.memory_space<vmem>>) offsets(%arg9 : memref<128xi32, #tpu.memory_space<vmem>>) semaphore(%arg26 : memref<!tpu.dma_semaphore, #tpu.memory_space<semaphore_mem>>)
        } else {
        }
        %dma_wait3A_123 = arith.constant 0 : i32
        %dma_wait3A_124 = arith.constant 0 : i32
        %dma_wait3A_125 = tpu.memref_slice %arg3[%dma_wait3A_123, %dma_wait3A_124] : memref<10000x64xf32, #tpu.memory_space<hbm>> -> memref<10000x64xf32, #tpu.memory_space<hbm>>
        tpu.wait_indirect_dma semaphore(%arg25 : memref<!tpu.dma_semaphore, #tpu.memory_space<semaphore_mem>>) src(%dma_wait3A_125 : memref<10000x64xf32, #tpu.memory_space<hbm>>) dst(%arg16 : memref<128x64xf32, #tpu.memory_space<vmem>>)
        %dma_wait3A_126 = arith.constant 0 : i32
        %dma_wait3A_127 = tpu.memref_slice %arg5[%dma_wait3A_126] : memref<160000xi32, #tpu.memory_space<hbm>> -> memref<128xi32, #tpu.memory_space<hbm>>
        %dma_wait3A_128 = arith.constant 0 : i32
        %dma_wait3A_129 = tpu.memref_slice %arg5[%dma_wait3A_128] : memref<160000xi32, #tpu.memory_space<hbm>> -> memref<128xi32, #tpu.memory_space<hbm>>
        tpu.wait_dma2 semaphore(%arg22 : memref<!tpu.dma_semaphore, #tpu.memory_space<semaphore_mem>>) src(%dma_wait3A_129 : memref<128xi32, #tpu.memory_space<hbm>>) dst(%arg11 : memref<128xi32, #tpu.memory_space<vmem>>)
        %dma_start3A_130 = arith.constant 0 : i32
        %dma_start3A_131 = arith.constant 0 : i32
        %dma_start3A_132 = tpu.memref_slice %arg34[%dma_start3A_130, %dma_start3A_131] : memref<10000x64xf32, #tpu.memory_space<vmem_shared>> -> memref<10000x64xf32, #tpu.memory_space<vmem_shared>>
        tpu.enqueue_indirect_dma source(%arg16 : memref<128x64xf32, #tpu.memory_space<vmem>>) target(%dma_start3A_132 : memref<10000x64xf32, #tpu.memory_space<vmem_shared>>) offsets(%arg11 : memref<128xi32, #tpu.memory_space<vmem>>) semaphore(%arg28 : memref<!tpu.dma_semaphore, #tpu.memory_space<semaphore_mem>>) {add = true}
        %mul3A_133 = arith.constant 3 : i32
        %mul3A_134 = arith.muli %scan3A_104, %mul3A_133 : i32
        %add3A_135 = arith.constant 1 : i32
        %add3A_136 = arith.addi %mul3A_134, %add3A_135 : i32
        %add3A_137 = arith.constant 2 : i32
        %add3A_138 = arith.addi %add3A_136, %add3A_137 : i32
        %lt3A_139 = arith.constant 39 : i32
        %lt3A_140 = arith.cmpi slt, %add3A_138, %lt3A_139 : i32
        %convert_element_type3A_141 = arith.extui %lt3A_140 : i1 to i32
        %cond3A_142 = arith.constant 0 : i32
        %cond3A_143 = arith.cmpi ne, %convert_element_type3A_141, %cond3A_142 : i32
        scf.if %cond3A_143 {
          %ge3A = arith.constant 1 : i32
          %ge3A_193 = arith.cmpi sge, %add3A_136, %ge3A : i32
          %convert_element_type3A_194 = arith.extui %ge3A_193 : i1 to i32
          %cond3A_195 = arith.constant 0 : i32
          %cond3A_196 = arith.cmpi ne, %convert_element_type3A_194, %cond3A_195 : i32
          scf.if %cond3A_196 {
            %dma_wait3A_206 = arith.constant 0 : i32
            %dma_wait3A_207 = arith.constant 0 : i32
            %dma_wait3A_208 = tpu.memref_slice %arg34[%dma_wait3A_206, %dma_wait3A_207] : memref<10000x64xf32, #tpu.memory_space<vmem_shared>> -> memref<10000x64xf32, #tpu.memory_space<vmem_shared>>
            tpu.wait_indirect_dma semaphore(%arg28 : memref<!tpu.dma_semaphore, #tpu.memory_space<semaphore_mem>>) src(%arg16 : memref<128x64xf32, #tpu.memory_space<vmem>>) dst(%dma_wait3A_208 : memref<10000x64xf32, #tpu.memory_space<vmem_shared>>)
          } else {
          }
          %add3A_197 = arith.constant 2 : i32
          %add3A_198 = arith.addi %add3A_136, %add3A_197 : i32
          %mul3A_199 = arith.constant 128 : i32
          %mul3A_200 = arith.muli %add3A_198, %mul3A_199 : i32
          %add3A_201 = arith.addi %add3A_8, %mul3A_200 : i32
          %dma_start3A_202 = tpu.memref_slice %arg4[%add3A_201] : memref<160000xi32, #tpu.memory_space<hbm>> -> memref<128xi32, #tpu.memory_space<hbm>>
          %dma_start3A_203 = tpu.memref_slice %arg4[%add3A_201] : memref<160000xi32, #tpu.memory_space<hbm>> -> memref<128xi32, #tpu.memory_space<hbm>>
          tpu.enqueue_dma source(%dma_start3A_203 : memref<128xi32, #tpu.memory_space<hbm>>) target(%arg8 : memref<128xi32, #tpu.memory_space<vmem>>) target_semaphore(%arg19 : memref<!tpu.dma_semaphore, #tpu.memory_space<semaphore_mem>>)
          %dma_start3A_204 = tpu.memref_slice %arg5[%add3A_201] : memref<160000xi32, #tpu.memory_space<hbm>> -> memref<128xi32, #tpu.memory_space<hbm>>
          %dma_start3A_205 = tpu.memref_slice %arg5[%add3A_201] : memref<160000xi32, #tpu.memory_space<hbm>> -> memref<128xi32, #tpu.memory_space<hbm>>
          tpu.enqueue_dma source(%dma_start3A_205 : memref<128xi32, #tpu.memory_space<hbm>>) target(%arg11 : memref<128xi32, #tpu.memory_space<vmem>>) target_semaphore(%arg22 : memref<!tpu.dma_semaphore, #tpu.memory_space<semaphore_mem>>)
        } else {
        }
        %add3A_144 = arith.constant 2 : i32
        %add3A_145 = arith.addi %add3A_136, %add3A_144 : i32
        %sub3A_146 = arith.constant 1 : i32
        %sub3A_147 = arith.subi %add3A_145, %sub3A_146 : i32
        %lt3A_148 = arith.constant 39 : i32
        %lt3A_149 = arith.cmpi slt, %sub3A_147, %lt3A_148 : i32
        %convert_element_type3A_150 = arith.extui %lt3A_149 : i1 to i32
        %cond3A_151 = arith.constant 0 : i32
        %cond3A_152 = arith.cmpi ne, %convert_element_type3A_150, %cond3A_151 : i32
        scf.if %cond3A_152 {
          %dma_wait3A_193 = arith.constant 0 : i32
          %dma_wait3A_194 = tpu.memref_slice %arg4[%dma_wait3A_193] : memref<160000xi32, #tpu.memory_space<hbm>> -> memref<128xi32, #tpu.memory_space<hbm>>
          %dma_wait3A_195 = arith.constant 0 : i32
          %dma_wait3A_196 = tpu.memref_slice %arg4[%dma_wait3A_195] : memref<160000xi32, #tpu.memory_space<hbm>> -> memref<128xi32, #tpu.memory_space<hbm>>
          tpu.wait_dma2 semaphore(%arg21 : memref<!tpu.dma_semaphore, #tpu.memory_space<semaphore_mem>>) src(%dma_wait3A_196 : memref<128xi32, #tpu.memory_space<hbm>>) dst(%arg10 : memref<128xi32, #tpu.memory_space<vmem>>)
          %dma_start3A_197 = arith.constant 0 : i32
          %dma_start3A_198 = arith.constant 0 : i32
          %dma_start3A_199 = tpu.memref_slice %arg3[%dma_start3A_197, %dma_start3A_198] : memref<10000x64xf32, #tpu.memory_space<hbm>> -> memref<10000x64xf32, #tpu.memory_space<hbm>>
          tpu.enqueue_indirect_dma source(%dma_start3A_199 : memref<10000x64xf32, #tpu.memory_space<hbm>>) target(%arg18 : memref<128x64xf32, #tpu.memory_space<vmem>>) offsets(%arg10 : memref<128xi32, #tpu.memory_space<vmem>>) semaphore(%arg27 : memref<!tpu.dma_semaphore, #tpu.memory_space<semaphore_mem>>)
        } else {
        }
        %dma_wait3A_153 = arith.constant 0 : i32
        %dma_wait3A_154 = arith.constant 0 : i32
        %dma_wait3A_155 = tpu.memref_slice %arg3[%dma_wait3A_153, %dma_wait3A_154] : memref<10000x64xf32, #tpu.memory_space<hbm>> -> memref<10000x64xf32, #tpu.memory_space<hbm>>
        tpu.wait_indirect_dma semaphore(%arg26 : memref<!tpu.dma_semaphore, #tpu.memory_space<semaphore_mem>>) src(%dma_wait3A_155 : memref<10000x64xf32, #tpu.memory_space<hbm>>) dst(%arg17 : memref<128x64xf32, #tpu.memory_space<vmem>>)
        %dma_wait3A_156 = arith.constant 0 : i32
        %dma_wait3A_157 = tpu.memref_slice %arg5[%dma_wait3A_156] : memref<160000xi32, #tpu.memory_space<hbm>> -> memref<128xi32, #tpu.memory_space<hbm>>
        %dma_wait3A_158 = arith.constant 0 : i32
        %dma_wait3A_159 = tpu.memref_slice %arg5[%dma_wait3A_158] : memref<160000xi32, #tpu.memory_space<hbm>> -> memref<128xi32, #tpu.memory_space<hbm>>
        tpu.wait_dma2 semaphore(%arg23 : memref<!tpu.dma_semaphore, #tpu.memory_space<semaphore_mem>>) src(%dma_wait3A_159 : memref<128xi32, #tpu.memory_space<hbm>>) dst(%arg12 : memref<128xi32, #tpu.memory_space<vmem>>)
        %dma_start3A_160 = arith.constant 0 : i32
        %dma_start3A_161 = arith.constant 0 : i32
        %dma_start3A_162 = tpu.memref_slice %arg34[%dma_start3A_160, %dma_start3A_161] : memref<10000x64xf32, #tpu.memory_space<vmem_shared>> -> memref<10000x64xf32, #tpu.memory_space<vmem_shared>>
        tpu.enqueue_indirect_dma source(%arg17 : memref<128x64xf32, #tpu.memory_space<vmem>>) target(%dma_start3A_162 : memref<10000x64xf32, #tpu.memory_space<vmem_shared>>) offsets(%arg12 : memref<128xi32, #tpu.memory_space<vmem>>) semaphore(%arg29 : memref<!tpu.dma_semaphore, #tpu.memory_space<semaphore_mem>>) {add = true}
        %mul3A_163 = arith.constant 3 : i32
        %mul3A_164 = arith.muli %scan3A_104, %mul3A_163 : i32
        %add3A_165 = arith.constant 2 : i32
        %add3A_166 = arith.addi %mul3A_164, %add3A_165 : i32
        %add3A_167 = arith.constant 2 : i32
        %add3A_168 = arith.addi %add3A_166, %add3A_167 : i32
        %lt3A_169 = arith.constant 39 : i32
        %lt3A_170 = arith.cmpi slt, %add3A_168, %lt3A_169 : i32
        %convert_element_type3A_171 = arith.extui %lt3A_170 : i1 to i32
        %cond3A_172 = arith.constant 0 : i32
        %cond3A_173 = arith.cmpi ne, %convert_element_type3A_171, %cond3A_172 : i32
        scf.if %cond3A_173 {
          %ge3A = arith.constant 1 : i32
          %ge3A_193 = arith.cmpi sge, %add3A_166, %ge3A : i32
          %convert_element_type3A_194 = arith.extui %ge3A_193 : i1 to i32
          %cond3A_195 = arith.constant 0 : i32
          %cond3A_196 = arith.cmpi ne, %convert_element_type3A_194, %cond3A_195 : i32
          scf.if %cond3A_196 {
            %dma_wait3A_206 = arith.constant 0 : i32
            %dma_wait3A_207 = arith.constant 0 : i32
            %dma_wait3A_208 = tpu.memref_slice %arg34[%dma_wait3A_206, %dma_wait3A_207] : memref<10000x64xf32, #tpu.memory_space<vmem_shared>> -> memref<10000x64xf32, #tpu.memory_space<vmem_shared>>
            tpu.wait_indirect_dma semaphore(%arg29 : memref<!tpu.dma_semaphore, #tpu.memory_space<semaphore_mem>>) src(%arg17 : memref<128x64xf32, #tpu.memory_space<vmem>>) dst(%dma_wait3A_208 : memref<10000x64xf32, #tpu.memory_space<vmem_shared>>)
          } else {
          }
          %add3A_197 = arith.constant 2 : i32
          %add3A_198 = arith.addi %add3A_166, %add3A_197 : i32
          %mul3A_199 = arith.constant 128 : i32
          %mul3A_200 = arith.muli %add3A_198, %mul3A_199 : i32
          %add3A_201 = arith.addi %add3A_8, %mul3A_200 : i32
          %dma_start3A_202 = tpu.memref_slice %arg4[%add3A_201] : memref<160000xi32, #tpu.memory_space<hbm>> -> memref<128xi32, #tpu.memory_space<hbm>>
          %dma_start3A_203 = tpu.memref_slice %arg4[%add3A_201] : memref<160000xi32, #tpu.memory_space<hbm>> -> memref<128xi32, #tpu.memory_space<hbm>>
          tpu.enqueue_dma source(%dma_start3A_203 : memref<128xi32, #tpu.memory_space<hbm>>) target(%arg9 : memref<128xi32, #tpu.memory_space<vmem>>) target_semaphore(%arg20 : memref<!tpu.dma_semaphore, #tpu.memory_space<semaphore_mem>>)
          %dma_start3A_204 = tpu.memref_slice %arg5[%add3A_201] : memref<160000xi32, #tpu.memory_space<hbm>> -> memref<128xi32, #tpu.memory_space<hbm>>
          %dma_start3A_205 = tpu.memref_slice %arg5[%add3A_201] : memref<160000xi32, #tpu.memory_space<hbm>> -> memref<128xi32, #tpu.memory_space<hbm>>
          tpu.enqueue_dma source(%dma_start3A_205 : memref<128xi32, #tpu.memory_space<hbm>>) target(%arg12 : memref<128xi32, #tpu.memory_space<vmem>>) target_semaphore(%arg23 : memref<!tpu.dma_semaphore, #tpu.memory_space<semaphore_mem>>)
        } else {
        }
        %add3A_174 = arith.constant 2 : i32
        %add3A_175 = arith.addi %add3A_166, %add3A_174 : i32
        %sub3A_176 = arith.constant 1 : i32
        %sub3A_177 = arith.subi %add3A_175, %sub3A_176 : i32
        %lt3A_178 = arith.constant 39 : i32
        %lt3A_179 = arith.cmpi slt, %sub3A_177, %lt3A_178 : i32
        %convert_element_type3A_180 = arith.extui %lt3A_179 : i1 to i32
        %cond3A_181 = arith.constant 0 : i32
        %cond3A_182 = arith.cmpi ne, %convert_element_type3A_180, %cond3A_181 : i32
        scf.if %cond3A_182 {
          %dma_wait3A_193 = arith.constant 0 : i32
          %dma_wait3A_194 = tpu.memref_slice %arg4[%dma_wait3A_193] : memref<160000xi32, #tpu.memory_space<hbm>> -> memref<128xi32, #tpu.memory_space<hbm>>
          %dma_wait3A_195 = arith.constant 0 : i32
          %dma_wait3A_196 = tpu.memref_slice %arg4[%dma_wait3A_195] : memref<160000xi32, #tpu.memory_space<hbm>> -> memref<128xi32, #tpu.memory_space<hbm>>
          tpu.wait_dma2 semaphore(%arg19 : memref<!tpu.dma_semaphore, #tpu.memory_space<semaphore_mem>>) src(%dma_wait3A_196 : memref<128xi32, #tpu.memory_space<hbm>>) dst(%arg8 : memref<128xi32, #tpu.memory_space<vmem>>)
          %dma_start3A_197 = arith.constant 0 : i32
          %dma_start3A_198 = arith.constant 0 : i32
          %dma_start3A_199 = tpu.memref_slice %arg3[%dma_start3A_197, %dma_start3A_198] : memref<10000x64xf32, #tpu.memory_space<hbm>> -> memref<10000x64xf32, #tpu.memory_space<hbm>>
          tpu.enqueue_indirect_dma source(%dma_start3A_199 : memref<10000x64xf32, #tpu.memory_space<hbm>>) target(%arg16 : memref<128x64xf32, #tpu.memory_space<vmem>>) offsets(%arg8 : memref<128xi32, #tpu.memory_space<vmem>>) semaphore(%arg25 : memref<!tpu.dma_semaphore, #tpu.memory_space<semaphore_mem>>)
        } else {
        }
        %dma_wait3A_183 = arith.constant 0 : i32
        %dma_wait3A_184 = arith.constant 0 : i32
        %dma_wait3A_185 = tpu.memref_slice %arg3[%dma_wait3A_183, %dma_wait3A_184] : memref<10000x64xf32, #tpu.memory_space<hbm>> -> memref<10000x64xf32, #tpu.memory_space<hbm>>
        tpu.wait_indirect_dma semaphore(%arg27 : memref<!tpu.dma_semaphore, #tpu.memory_space<semaphore_mem>>) src(%dma_wait3A_185 : memref<10000x64xf32, #tpu.memory_space<hbm>>) dst(%arg18 : memref<128x64xf32, #tpu.memory_space<vmem>>)
        %dma_wait3A_186 = arith.constant 0 : i32
        %dma_wait3A_187 = tpu.memref_slice %arg5[%dma_wait3A_186] : memref<160000xi32, #tpu.memory_space<hbm>> -> memref<128xi32, #tpu.memory_space<hbm>>
        %dma_wait3A_188 = arith.constant 0 : i32
        %dma_wait3A_189 = tpu.memref_slice %arg5[%dma_wait3A_188] : memref<160000xi32, #tpu.memory_space<hbm>> -> memref<128xi32, #tpu.memory_space<hbm>>
        tpu.wait_dma2 semaphore(%arg24 : memref<!tpu.dma_semaphore, #tpu.memory_space<semaphore_mem>>) src(%dma_wait3A_189 : memref<128xi32, #tpu.memory_space<hbm>>) dst(%arg13 : memref<128xi32, #tpu.memory_space<vmem>>)
        %dma_start3A_190 = arith.constant 0 : i32
        %dma_start3A_191 = arith.constant 0 : i32
        %dma_start3A_192 = tpu.memref_slice %arg34[%dma_start3A_190, %dma_start3A_191] : memref<10000x64xf32, #tpu.memory_space<vmem_shared>> -> memref<10000x64xf32, #tpu.memory_space<vmem_shared>>
        tpu.enqueue_indirect_dma source(%arg18 : memref<128x64xf32, #tpu.memory_space<vmem>>) target(%dma_start3A_192 : memref<10000x64xf32, #tpu.memory_space<vmem_shared>>) offsets(%arg13 : memref<128xi32, #tpu.memory_space<vmem>>) semaphore(%arg30 : memref<!tpu.dma_semaphore, #tpu.memory_space<semaphore_mem>>) {add = true}
      }
      %scan3A_50 = arith.constant 13 : i32
      %add3A_51 = arith.constant 4992 : i32
      %add3A_52 = arith.addi %add3A_8, %add3A_51 : i32
      %dma_wait3A_53 = arith.constant 0 : i32
      %dma_wait3A_54 = arith.constant 0 : i32
      %dma_wait3A_55 = tpu.memref_slice %arg34[%dma_wait3A_53, %dma_wait3A_54] : memref<10000x64xf32, #tpu.memory_space<vmem_shared>> -> memref<10000x64xf32, #tpu.memory_space<vmem_shared>>
      tpu.wait_indirect_dma semaphore(%arg28 : memref<!tpu.dma_semaphore, #tpu.memory_space<semaphore_mem>>) src(%arg16 : memref<128x64xf32, #tpu.memory_space<vmem>>) dst(%dma_wait3A_55 : memref<10000x64xf32, #tpu.memory_space<vmem_shared>>)
      %dma_start3A_56 = tpu.memref_slice %arg4[%add3A_52] : memref<160000xi32, #tpu.memory_space<hbm>> -> memref<8xi32, #tpu.memory_space<hbm>>
      %dma_start3A_57 = tpu.memref_slice %arg4[%add3A_52] : memref<160000xi32, #tpu.memory_space<hbm>> -> memref<8xi32, #tpu.memory_space<hbm>>
      tpu.enqueue_dma source(%dma_start3A_57 : memref<8xi32, #tpu.memory_space<hbm>>) target(%arg14 : memref<8xi32, #tpu.memory_space<vmem>>) target_semaphore(%arg19 : memref<!tpu.dma_semaphore, #tpu.memory_space<semaphore_mem>>)
      %dma_start3A_58 = tpu.memref_slice %arg5[%add3A_52] : memref<160000xi32, #tpu.memory_space<hbm>> -> memref<8xi32, #tpu.memory_space<hbm>>
      %dma_start3A_59 = tpu.memref_slice %arg5[%add3A_52] : memref<160000xi32, #tpu.memory_space<hbm>> -> memref<8xi32, #tpu.memory_space<hbm>>
      tpu.enqueue_dma source(%dma_start3A_59 : memref<8xi32, #tpu.memory_space<hbm>>) target(%arg15 : memref<8xi32, #tpu.memory_space<vmem>>) target_semaphore(%arg22 : memref<!tpu.dma_semaphore, #tpu.memory_space<semaphore_mem>>)
      %dma_wait3A_60 = arith.constant 0 : i32
      %dma_wait3A_61 = tpu.memref_slice %arg4[%dma_wait3A_60] : memref<160000xi32, #tpu.memory_space<hbm>> -> memref<8xi32, #tpu.memory_space<hbm>>
      %dma_wait3A_62 = arith.constant 0 : i32
      %dma_wait3A_63 = tpu.memref_slice %arg4[%dma_wait3A_62] : memref<160000xi32, #tpu.memory_space<hbm>> -> memref<8xi32, #tpu.memory_space<hbm>>
      tpu.wait_dma2 semaphore(%arg19 : memref<!tpu.dma_semaphore, #tpu.memory_space<semaphore_mem>>) src(%dma_wait3A_63 : memref<8xi32, #tpu.memory_space<hbm>>) dst(%arg14 : memref<8xi32, #tpu.memory_space<vmem>>)
      %dma_start3A_64 = arith.constant 0 : i32
      %dma_start3A_65 = arith.constant 0 : i32
      %dma_start3A_66 = tpu.memref_slice %arg16[%dma_start3A_64, %dma_start3A_65] : memref<128x64xf32, #tpu.memory_space<vmem>> -> memref<8x64xf32, #tpu.memory_space<vmem>>
      %dma_start3A_67 = arith.constant 0 : i32
      %dma_start3A_68 = arith.constant 0 : i32
      %dma_start3A_69 = tpu.memref_slice %arg3[%dma_start3A_67, %dma_start3A_68] : memref<10000x64xf32, #tpu.memory_space<hbm>> -> memref<10000x64xf32, #tpu.memory_space<hbm>>
      tpu.enqueue_indirect_dma source(%dma_start3A_69 : memref<10000x64xf32, #tpu.memory_space<hbm>>) target(%dma_start3A_66 : memref<8x64xf32, #tpu.memory_space<vmem>>) offsets(%arg14 : memref<8xi32, #tpu.memory_space<vmem>>) semaphore(%arg31 : memref<!tpu.dma_semaphore, #tpu.memory_space<semaphore_mem>>)
      %dma_wait3A_70 = arith.constant 0 : i32
      %dma_wait3A_71 = arith.constant 0 : i32
      %dma_wait3A_72 = tpu.memref_slice %arg16[%dma_wait3A_70, %dma_wait3A_71] : memref<128x64xf32, #tpu.memory_space<vmem>> -> memref<8x64xf32, #tpu.memory_space<vmem>>
      %dma_wait3A_73 = arith.constant 0 : i32
      %dma_wait3A_74 = arith.constant 0 : i32
      %dma_wait3A_75 = tpu.memref_slice %arg3[%dma_wait3A_73, %dma_wait3A_74] : memref<10000x64xf32, #tpu.memory_space<hbm>> -> memref<10000x64xf32, #tpu.memory_space<hbm>>
      tpu.wait_indirect_dma semaphore(%arg31 : memref<!tpu.dma_semaphore, #tpu.memory_space<semaphore_mem>>) src(%dma_wait3A_75 : memref<10000x64xf32, #tpu.memory_space<hbm>>) dst(%dma_wait3A_72 : memref<8x64xf32, #tpu.memory_space<vmem>>)
      %dma_wait3A_76 = arith.constant 0 : i32
      %dma_wait3A_77 = tpu.memref_slice %arg5[%dma_wait3A_76] : memref<160000xi32, #tpu.memory_space<hbm>> -> memref<8xi32, #tpu.memory_space<hbm>>
      %dma_wait3A_78 = arith.constant 0 : i32
      %dma_wait3A_79 = tpu.memref_slice %arg5[%dma_wait3A_78] : memref<160000xi32, #tpu.memory_space<hbm>> -> memref<8xi32, #tpu.memory_space<hbm>>
      tpu.wait_dma2 semaphore(%arg22 : memref<!tpu.dma_semaphore, #tpu.memory_space<semaphore_mem>>) src(%dma_wait3A_79 : memref<8xi32, #tpu.memory_space<hbm>>) dst(%arg15 : memref<8xi32, #tpu.memory_space<vmem>>)
      %dma_start3A_80 = arith.constant 0 : i32
      %dma_start3A_81 = arith.constant 0 : i32
      %dma_start3A_82 = tpu.memref_slice %arg16[%dma_start3A_80, %dma_start3A_81] : memref<128x64xf32, #tpu.memory_space<vmem>> -> memref<8x64xf32, #tpu.memory_space<vmem>>
      %dma_start3A_83 = arith.constant 0 : i32
      %dma_start3A_84 = arith.constant 0 : i32
      %dma_start3A_85 = tpu.memref_slice %arg34[%dma_start3A_83, %dma_start3A_84] : memref<10000x64xf32, #tpu.memory_space<vmem_shared>> -> memref<10000x64xf32, #tpu.memory_space<vmem_shared>>
      tpu.enqueue_indirect_dma source(%dma_start3A_82 : memref<8x64xf32, #tpu.memory_space<vmem>>) target(%dma_start3A_85 : memref<10000x64xf32, #tpu.memory_space<vmem_shared>>) offsets(%arg15 : memref<8xi32, #tpu.memory_space<vmem>>) semaphore(%arg31 : memref<!tpu.dma_semaphore, #tpu.memory_space<semaphore_mem>>) {add = true}
      %dma_wait3A_86 = arith.constant 0 : i32
      %dma_wait3A_87 = arith.constant 0 : i32
      %dma_wait3A_88 = tpu.memref_slice %arg34[%dma_wait3A_86, %dma_wait3A_87] : memref<10000x64xf32, #tpu.memory_space<vmem_shared>> -> memref<10000x64xf32, #tpu.memory_space<vmem_shared>>
      tpu.wait_indirect_dma semaphore(%arg29 : memref<!tpu.dma_semaphore, #tpu.memory_space<semaphore_mem>>) src(%arg17 : memref<128x64xf32, #tpu.memory_space<vmem>>) dst(%dma_wait3A_88 : memref<10000x64xf32, #tpu.memory_space<vmem_shared>>)
      %dma_wait3A_89 = arith.constant 0 : i32
      %dma_wait3A_90 = arith.constant 0 : i32
      %dma_wait3A_91 = tpu.memref_slice %arg34[%dma_wait3A_89, %dma_wait3A_90] : memref<10000x64xf32, #tpu.memory_space<vmem_shared>> -> memref<10000x64xf32, #tpu.memory_space<vmem_shared>>
      tpu.wait_indirect_dma semaphore(%arg30 : memref<!tpu.dma_semaphore, #tpu.memory_space<semaphore_mem>>) src(%arg18 : memref<128x64xf32, #tpu.memory_space<vmem>>) dst(%dma_wait3A_91 : memref<10000x64xf32, #tpu.memory_space<vmem_shared>>)
      %dma_wait3A_92 = arith.constant 0 : i32
      %dma_wait3A_93 = arith.constant 0 : i32
      %dma_wait3A_94 = tpu.memref_slice %arg16[%dma_wait3A_92, %dma_wait3A_93] : memref<128x64xf32, #tpu.memory_space<vmem>> -> memref<8x64xf32, #tpu.memory_space<vmem>>
      %dma_wait3A_95 = arith.constant 0 : i32
      %dma_wait3A_96 = arith.constant 0 : i32
      %dma_wait3A_97 = tpu.memref_slice %arg34[%dma_wait3A_95, %dma_wait3A_96] : memref<10000x64xf32, #tpu.memory_space<vmem_shared>> -> memref<10000x64xf32, #tpu.memory_space<vmem_shared>>
      tpu.wait_indirect_dma semaphore(%arg31 : memref<!tpu.dma_semaphore, #tpu.memory_space<semaphore_mem>>) src(%dma_wait3A_94 : memref<8x64xf32, #tpu.memory_space<vmem>>) dst(%dma_wait3A_97 : memref<10000x64xf32, #tpu.memory_space<vmem_shared>>)
      %barrier3A_98 = arith.constant 0 : index
      tpu.barrier barrier_id(%barrier3A_98)
      "tpu.region"() ({
        %run_scoped3A = tpu.sem_alloc : memref<!tpu.dma_semaphore, #tpu.memory_space<semaphore_mem>>
        %dma_start3A_104 = arith.constant 0 : i32
        %dma_start3A_105 = tpu.memref_slice %arg7[%mul3A_10, %dma_start3A_104] : memref<10000x64xf32, #tpu.memory_space<hbm>> -> memref<624x64xf32, #tpu.memory_space<hbm>>
        %dma_start3A_106 = arith.constant 0 : i32
        %dma_start3A_107 = tpu.memref_slice %arg34[%mul3A_10, %dma_start3A_106] : memref<10000x64xf32, #tpu.memory_space<vmem_shared>> -> memref<624x64xf32, #tpu.memory_space<vmem_shared>>
        tpu.enqueue_dma source(%dma_start3A_107 : memref<624x64xf32, #tpu.memory_space<vmem_shared>>) target(%dma_start3A_105 : memref<624x64xf32, #tpu.memory_space<hbm>>) target_semaphore(%run_scoped3A : memref<!tpu.dma_semaphore, #tpu.memory_space<semaphore_mem>>)
        %dma_wait3A_108 = arith.constant 0 : i32
        %dma_wait3A_109 = tpu.memref_slice %arg7[%mul3A_10, %dma_wait3A_108] : memref<10000x64xf32, #tpu.memory_space<hbm>> -> memref<624x64xf32, #tpu.memory_space<hbm>>
        %dma_wait3A_110 = arith.constant 0 : i32
        %dma_wait3A_111 = tpu.memref_slice %arg34[%mul3A_10, %dma_wait3A_110] : memref<10000x64xf32, #tpu.memory_space<vmem_shared>> -> memref<624x64xf32, #tpu.memory_space<vmem_shared>>
        tpu.wait_dma2 semaphore(%run_scoped3A : memref<!tpu.dma_semaphore, #tpu.memory_space<semaphore_mem>>) src(%dma_wait3A_111 : memref<624x64xf32, #tpu.memory_space<vmem_shared>>) dst(%dma_wait3A_109 : memref<624x64xf32, #tpu.memory_space<hbm>>)
        tpu.yield
      }) : () -> ()
      %eq3A_99 = arith.constant 0 : i32
      %eq3A_100 = arith.cmpi eq, %arg1, %eq3A_99 : i32
      %convert_element_type3A_101 = arith.extui %eq3A_100 : i1 to i32
      %cond3A_102 = arith.constant 0 : i32
      %cond3A_103 = arith.cmpi ne, %convert_element_type3A_101, %cond3A_102 : i32
      scf.if %cond3A_103 {
        "tpu.region"() ({
          %run_scoped3A = tpu.sem_alloc : memref<!tpu.dma_semaphore, #tpu.memory_space<semaphore_mem>>
          %dma_start3A_104 = arith.constant 9984 : i32
          %dma_start3A_105 = arith.constant 0 : i32
          %dma_start3A_106 = tpu.memref_slice %arg7[%dma_start3A_104, %dma_start3A_105] : memref<10000x64xf32, #tpu.memory_space<hbm>> -> memref<16x64xf32, #tpu.memory_space<hbm>>
          %dma_start3A_107 = arith.constant 9984 : i32
          %dma_start3A_108 = arith.constant 0 : i32
          %dma_start3A_109 = tpu.memref_slice %arg34[%dma_start3A_107, %dma_start3A_108] : memref<10000x64xf32, #tpu.memory_space<vmem_shared>> -> memref<16x64xf32, #tpu.memory_space<vmem_shared>>
          tpu.enqueue_dma source(%dma_start3A_109 : memref<16x64xf32, #tpu.memory_space<vmem_shared>>) target(%dma_start3A_106 : memref<16x64xf32, #tpu.memory_space<hbm>>) target_semaphore(%run_scoped3A : memref<!tpu.dma_semaphore, #tpu.memory_space<semaphore_mem>>)
          %dma_wait3A_110 = arith.constant 9984 : i32
          %dma_wait3A_111 = arith.constant 0 : i32
          %dma_wait3A_112 = tpu.memref_slice %arg7[%dma_wait3A_110, %dma_wait3A_111] : memref<10000x64xf32, #tpu.memory_space<hbm>> -> memref<16x64xf32, #tpu.memory_space<hbm>>
          %dma_wait3A_113 = arith.constant 9984 : i32
          %dma_wait3A_114 = arith.constant 0 : i32
          %dma_wait3A_115 = tpu.memref_slice %arg34[%dma_wait3A_113, %dma_wait3A_114] : memref<10000x64xf32, #tpu.memory_space<vmem_shared>> -> memref<16x64xf32, #tpu.memory_space<vmem_shared>>
          tpu.wait_dma2 semaphore(%run_scoped3A : memref<!tpu.dma_semaphore, #tpu.memory_space<semaphore_mem>>) src(%dma_wait3A_115 : memref<16x64xf32, #tpu.memory_space<vmem_shared>>) dst(%dma_wait3A_112 : memref<16x64xf32, #tpu.memory_space<hbm>>)
          tpu.yield
        }) : () -> ()
      } else {
      }
    } else {
    }
    return
  }
}

#map = affine_map<(d0, d1) -> (0)>
module attributes {stable_mosaic.version = 14 : i64} {
  func.func @deg_kernel(%arg0: i32, %arg1: i32, %arg2: memref<160000xi32, #tpu.memory_space<hbm>>, %arg3: memref<40xf32, #tpu.memory_space<hbm>>, %arg4: memref<10000xf32, #tpu.memory_space<hbm>>, %arg5: memref<10000xf32, #tpu.memory_space<hbm>>, %arg6: memref<10000xf32, #tpu.memory_space<hbm>>, %arg7: memref<5000xi32, #tpu.memory_space<vmem>>, %arg8: memref<40xf32, #tpu.memory_space<vmem>>, %arg9: memref<10000xf32, #tpu.memory_space<vmem_shared>>, %arg10: memref<!tpu.dma_semaphore, #tpu.memory_space<semaphore_mem>>) attributes {dimension_semantics = [#tpu.dimension_semantics<core_parallel>, #tpu.dimension_semantics<subcore_parallel>], iteration_bounds = array<i64: 2, 16>, scalar_prefetch = 0 : i64, scratch_operands = 4 : i64, tpu.core_type = #tpu.core_type<sc_vector_subcore>, window_params = [{transform_indices = #map}, {transform_indices = #map}, {transform_indices = #map}, {transform_indices = #map}, {transform_indices = #map}]} {
    %mul3A = arith.constant 16 : i32
    %mul3A_0 = arith.muli %arg0, %mul3A : i32
    %add3A = arith.addi %mul3A_0, %arg1 : i32
    %mul3A_1 = arith.constant 5000 : i32
    %mul3A_2 = arith.muli %add3A, %mul3A_1 : i32
    "tpu.region"() ({
      %run_scoped3A = tpu.sem_alloc : memref<!tpu.dma_semaphore, #tpu.memory_space<semaphore_mem>>
      %dma_start3A = tpu.memref_slice %arg2[%mul3A_2] : memref<160000xi32, #tpu.memory_space<hbm>> -> memref<5000xi32, #tpu.memory_space<hbm>>
      %dma_start3A_22 = tpu.memref_slice %arg2[%mul3A_2] : memref<160000xi32, #tpu.memory_space<hbm>> -> memref<5000xi32, #tpu.memory_space<hbm>>
      tpu.enqueue_dma source(%dma_start3A_22 : memref<5000xi32, #tpu.memory_space<hbm>>) target(%arg7 : memref<5000xi32, #tpu.memory_space<vmem>>) target_semaphore(%run_scoped3A : memref<!tpu.dma_semaphore, #tpu.memory_space<semaphore_mem>>)
      %dma_wait3A = tpu.memref_slice %arg2[%mul3A_2] : memref<160000xi32, #tpu.memory_space<hbm>> -> memref<5000xi32, #tpu.memory_space<hbm>>
      %dma_wait3A_23 = tpu.memref_slice %arg2[%mul3A_2] : memref<160000xi32, #tpu.memory_space<hbm>> -> memref<5000xi32, #tpu.memory_space<hbm>>
      tpu.wait_dma2 semaphore(%run_scoped3A : memref<!tpu.dma_semaphore, #tpu.memory_space<semaphore_mem>>) src(%dma_wait3A_23 : memref<5000xi32, #tpu.memory_space<hbm>>) dst(%arg7 : memref<5000xi32, #tpu.memory_space<vmem>>)
      tpu.yield
    }) : () -> ()
    "tpu.region"() ({
      %run_scoped3A = tpu.sem_alloc : memref<!tpu.dma_semaphore, #tpu.memory_space<semaphore_mem>>
      tpu.enqueue_dma source(%arg3 : memref<40xf32, #tpu.memory_space<hbm>>) target(%arg8 : memref<40xf32, #tpu.memory_space<vmem>>) target_semaphore(%run_scoped3A : memref<!tpu.dma_semaphore, #tpu.memory_space<semaphore_mem>>)
      tpu.wait_dma2 semaphore(%run_scoped3A : memref<!tpu.dma_semaphore, #tpu.memory_space<semaphore_mem>>) src(%arg3 : memref<40xf32, #tpu.memory_space<hbm>>) dst(%arg8 : memref<40xf32, #tpu.memory_space<vmem>>)
      tpu.yield
    }) : () -> ()
    %eq3A = arith.constant 0 : i32
    %eq3A_3 = arith.cmpi eq, %arg1, %eq3A : i32
    %convert_element_type3A = arith.extui %eq3A_3 : i1 to i32
    %cond3A = arith.constant 0 : i32
    %cond3A_4 = arith.cmpi ne, %convert_element_type3A, %cond3A : i32
    scf.if %cond3A_4 {
      "tpu.region"() ({
        %run_scoped3A = tpu.sem_alloc : memref<!tpu.dma_semaphore, #tpu.memory_space<semaphore_mem>>
        tpu.enqueue_dma source(%arg4 : memref<10000xf32, #tpu.memory_space<hbm>>) target(%arg9 : memref<10000xf32, #tpu.memory_space<vmem_shared>>) target_semaphore(%run_scoped3A : memref<!tpu.dma_semaphore, #tpu.memory_space<semaphore_mem>>)
        tpu.wait_dma2 semaphore(%run_scoped3A : memref<!tpu.dma_semaphore, #tpu.memory_space<semaphore_mem>>) src(%arg4 : memref<10000xf32, #tpu.memory_space<hbm>>) dst(%arg9 : memref<10000xf32, #tpu.memory_space<vmem_shared>>)
        tpu.yield
      }) : () -> ()
    } else {
    }
    %barrier3A = arith.constant 0 : index
    tpu.barrier barrier_id(%barrier3A)
    %scan3A = arith.constant 0 : i32
    %scan3A_5 = arith.constant 0 : i32
    %scan3A_6 = arith.constant 125 : i32
    %scan3A_7 = arith.addi %scan3A_5, %scan3A_6 : i32
    %scan3A_8 = arith.constant 1 : i32
    scf.for %scan3A_22 = %scan3A_5 to %scan3A_7 step %scan3A_8  : i32 {
      %mul3A_23 = arith.constant 40 : i32
      %mul3A_24 = arith.muli %scan3A_22, %mul3A_23 : i32
      %dma_start3A = tpu.memref_slice %arg7[%mul3A_24] : memref<5000xi32, #tpu.memory_space<vmem>> -> memref<40xi32, #tpu.memory_space<vmem>>
      %dma_start3A_25 = arith.constant 0 : i32
      %dma_start3A_26 = tpu.memref_slice %arg9[%dma_start3A_25] : memref<10000xf32, #tpu.memory_space<vmem_shared>> -> memref<10000xf32, #tpu.memory_space<vmem_shared>>
      tpu.enqueue_indirect_dma source(%arg8 : memref<40xf32, #tpu.memory_space<vmem>>) target(%dma_start3A_26 : memref<10000xf32, #tpu.memory_space<vmem_shared>>) offsets(%dma_start3A : memref<40xi32, #tpu.memory_space<vmem>>) semaphore(%arg10 : memref<!tpu.dma_semaphore, #tpu.memory_space<semaphore_mem>>) {add = true}
    }
    %scan3A_9 = arith.constant 125 : i32
    %scan3A_10 = arith.constant 0 : i32
    %scan3A_11 = arith.constant 0 : i32
    %scan3A_12 = arith.constant 125 : i32
    %scan3A_13 = arith.addi %scan3A_11, %scan3A_12 : i32
    %scan3A_14 = arith.constant 1 : i32
    scf.for %scan3A_22 = %scan3A_11 to %scan3A_13 step %scan3A_14  : i32 {
      %dma_wait3A = arith.constant 0 : i32
      %dma_wait3A_23 = tpu.memref_slice %arg7[%dma_wait3A] : memref<5000xi32, #tpu.memory_space<vmem>> -> memref<40xi32, #tpu.memory_space<vmem>>
      %dma_wait3A_24 = arith.constant 0 : i32
      %dma_wait3A_25 = tpu.memref_slice %arg9[%dma_wait3A_24] : memref<10000xf32, #tpu.memory_space<vmem_shared>> -> memref<10000xf32, #tpu.memory_space<vmem_shared>>
      tpu.wait_indirect_dma semaphore(%arg10 : memref<!tpu.dma_semaphore, #tpu.memory_space<semaphore_mem>>) src(%arg8 : memref<40xf32, #tpu.memory_space<vmem>>) dst(%dma_wait3A_25 : memref<10000xf32, #tpu.memory_space<vmem_shared>>)
    }
    %scan3A_15 = arith.constant 125 : i32
    %barrier3A_16 = arith.constant 0 : index
    tpu.barrier barrier_id(%barrier3A_16)
    %eq3A_17 = arith.constant 0 : i32
    %eq3A_18 = arith.cmpi eq, %arg1, %eq3A_17 : i32
    %convert_element_type3A_19 = arith.extui %eq3A_18 : i1 to i32
    %cond3A_20 = arith.constant 0 : i32
    %cond3A_21 = arith.cmpi ne, %convert_element_type3A_19, %cond3A_20 : i32
    scf.if %cond3A_21 {
      %eq3A_22 = arith.constant 0 : i32
      %eq3A_23 = arith.cmpi eq, %arg0, %eq3A_22 : i32
      %convert_element_type3A_24 = arith.extui %eq3A_23 : i1 to i32
      %cond3A_25 = arith.constant 0 : i32
      %cond3A_26 = arith.cmpi ne, %convert_element_type3A_24, %cond3A_25 : i32
      scf.if %cond3A_26 {
        "tpu.region"() ({
          %run_scoped3A = tpu.sem_alloc : memref<!tpu.dma_semaphore, #tpu.memory_space<semaphore_mem>>
          tpu.enqueue_dma source(%arg9 : memref<10000xf32, #tpu.memory_space<vmem_shared>>) target(%arg5 : memref<10000xf32, #tpu.memory_space<hbm>>) target_semaphore(%run_scoped3A : memref<!tpu.dma_semaphore, #tpu.memory_space<semaphore_mem>>)
          tpu.wait_dma2 semaphore(%run_scoped3A : memref<!tpu.dma_semaphore, #tpu.memory_space<semaphore_mem>>) src(%arg9 : memref<10000xf32, #tpu.memory_space<vmem_shared>>) dst(%arg5 : memref<10000xf32, #tpu.memory_space<hbm>>)
          tpu.yield
        }) : () -> ()
      } else {
      }
      %eq3A_27 = arith.constant 1 : i32
      %eq3A_28 = arith.cmpi eq, %arg0, %eq3A_27 : i32
      %convert_element_type3A_29 = arith.extui %eq3A_28 : i1 to i32
      %cond3A_30 = arith.constant 0 : i32
      %cond3A_31 = arith.cmpi ne, %convert_element_type3A_29, %cond3A_30 : i32
      scf.if %cond3A_31 {
        "tpu.region"() ({
          %run_scoped3A = tpu.sem_alloc : memref<!tpu.dma_semaphore, #tpu.memory_space<semaphore_mem>>
          tpu.enqueue_dma source(%arg9 : memref<10000xf32, #tpu.memory_space<vmem_shared>>) target(%arg6 : memref<10000xf32, #tpu.memory_space<hbm>>) target_semaphore(%run_scoped3A : memref<!tpu.dma_semaphore, #tpu.memory_space<semaphore_mem>>)
          tpu.wait_dma2 semaphore(%run_scoped3A : memref<!tpu.dma_semaphore, #tpu.memory_space<semaphore_mem>>) src(%arg9 : memref<10000xf32, #tpu.memory_space<vmem_shared>>) dst(%arg6 : memref<10000xf32, #tpu.memory_space<hbm>>)
          tpu.yield
        }) : () -> ()
      } else {
      }
    } else {
    }
    return
  }
}

#map = affine_map<(d0, d1) -> (0, 0)>
#map1 = affine_map<(d0, d1) -> (0)>
module attributes {stable_mosaic.version = 14 : i64} {
  func.func @agg(%arg0: i32, %arg1: i32, %arg2: memref<10000x128xf32, #tpu.memory_space<hbm>>, %arg3: memref<10000x128xf32, #tpu.memory_space<hbm>>, %arg4: memref<160000xi32, #tpu.memory_space<hbm>>, %arg5: memref<160000xi32, #tpu.memory_space<hbm>>, %arg6: memref<10000x128xf32, #tpu.memory_space<hbm>>, %arg7: memref<10000x128xf32, #tpu.memory_space<hbm>>, %arg8: memref<96xi32, #tpu.memory_space<vmem>>, %arg9: memref<96xi32, #tpu.memory_space<vmem>>, %arg10: memref<96xi32, #tpu.memory_space<vmem>>, %arg11: memref<96xi32, #tpu.memory_space<vmem>>, %arg12: memref<96xi32, #tpu.memory_space<vmem>>, %arg13: memref<96xi32, #tpu.memory_space<vmem>>, %arg14: memref<96xi32, #tpu.memory_space<vmem>>, %arg15: memref<96xi32, #tpu.memory_space<vmem>>, %arg16: memref<16xi32, #tpu.memory_space<vmem>>, %arg17: memref<16xi32, #tpu.memory_space<vmem>>, %arg18: memref<96x128xf32, #tpu.memory_space<vmem>>, %arg19: memref<96x128xf32, #tpu.memory_space<vmem>>, %arg20: memref<96x128xf32, #tpu.memory_space<vmem>>, %arg21: memref<96x128xf32, #tpu.memory_space<vmem>>, %arg22: memref<!tpu.dma_semaphore, #tpu.memory_space<semaphore_mem>>, %arg23: memref<!tpu.dma_semaphore, #tpu.memory_space<semaphore_mem>>, %arg24: memref<!tpu.dma_semaphore, #tpu.memory_space<semaphore_mem>>, %arg25: memref<!tpu.dma_semaphore, #tpu.memory_space<semaphore_mem>>, %arg26: memref<!tpu.dma_semaphore, #tpu.memory_space<semaphore_mem>>, %arg27: memref<!tpu.dma_semaphore, #tpu.memory_space<semaphore_mem>>, %arg28: memref<!tpu.dma_semaphore, #tpu.memory_space<semaphore_mem>>, %arg29: memref<!tpu.dma_semaphore, #tpu.memory_space<semaphore_mem>>, %arg30: memref<!tpu.dma_semaphore, #tpu.memory_space<semaphore_mem>>, %arg31: memref<!tpu.dma_semaphore, #tpu.memory_space<semaphore_mem>>, %arg32: memref<!tpu.dma_semaphore, #tpu.memory_space<semaphore_mem>>, %arg33: memref<!tpu.dma_semaphore, #tpu.memory_space<semaphore_mem>>, %arg34: memref<!tpu.dma_semaphore, #tpu.memory_space<semaphore_mem>>, %arg35: memref<!tpu.dma_semaphore, #tpu.memory_space<semaphore_mem>>, %arg36: memref<!tpu.dma_semaphore, #tpu.memory_space<semaphore_mem>>, %arg37: memref<!tpu.dma_semaphore, #tpu.memory_space<semaphore_mem>>, %arg38: memref<!tpu.dma_semaphore, #tpu.memory_space<semaphore_mem>>, %arg39: memref<!tpu.dma_semaphore, #tpu.memory_space<semaphore_mem>>, %arg40: memref<!tpu.dma_semaphore, #tpu.memory_space<semaphore_mem>>, %arg41: memref<10000x128xf32, #tpu.memory_space<vmem_shared>>) attributes {dimension_semantics = [#tpu.dimension_semantics<core_parallel>, #tpu.dimension_semantics<subcore_parallel>], iteration_bounds = array<i64: 2, 16>, scalar_prefetch = 0 : i64, scratch_operands = 34 : i64, tpu.core_type = #tpu.core_type<sc_vector_subcore>, window_params = [{transform_indices = #map}, {transform_indices = #map}, {transform_indices = #map1}, {transform_indices = #map1}, {transform_indices = #map}, {transform_indices = #map}]} {
    %eq3A = arith.constant 0 : i32
    %eq3A_0 = arith.cmpi eq, %arg0, %eq3A : i32
    %convert_element_type3A = arith.extui %eq3A_0 : i1 to i32
    %cond3A = arith.constant 0 : i32
    %cond3A_1 = arith.cmpi ne, %convert_element_type3A, %cond3A : i32
    scf.if %cond3A_1 {
      %mul3A = arith.constant 10000 : i32
      %mul3A_7 = arith.muli %arg1, %mul3A : i32
      %mul3A_8 = arith.constant 624 : i32
      %mul3A_9 = arith.muli %arg1, %mul3A_8 : i32
      %dma_start3A = arith.constant 0 : i32
      %dma_start3A_10 = tpu.memref_slice %arg41[%mul3A_9, %dma_start3A] : memref<10000x128xf32, #tpu.memory_space<vmem_shared>> -> memref<624x128xf32, #tpu.memory_space<vmem_shared>>
      %dma_start3A_11 = arith.constant 0 : i32
      %dma_start3A_12 = tpu.memref_slice %arg2[%mul3A_9, %dma_start3A_11] : memref<10000x128xf32, #tpu.memory_space<hbm>> -> memref<624x128xf32, #tpu.memory_space<hbm>>
      tpu.enqueue_dma source(%dma_start3A_12 : memref<624x128xf32, #tpu.memory_space<hbm>>) target(%dma_start3A_10 : memref<624x128xf32, #tpu.memory_space<vmem_shared>>) target_semaphore(%arg39 : memref<!tpu.dma_semaphore, #tpu.memory_space<semaphore_mem>>)
      %eq3A_13 = arith.constant 0 : i32
      %eq3A_14 = arith.cmpi eq, %arg1, %eq3A_13 : i32
      %convert_element_type3A_15 = arith.extui %eq3A_14 : i1 to i32
      %cond3A_16 = arith.constant 0 : i32
      %cond3A_17 = arith.cmpi ne, %convert_element_type3A_15, %cond3A_16 : i32
      scf.if %cond3A_17 {
        %dma_start3A_105 = arith.constant 9984 : i32
        %dma_start3A_106 = arith.constant 0 : i32
        %dma_start3A_107 = tpu.memref_slice %arg41[%dma_start3A_105, %dma_start3A_106] : memref<10000x128xf32, #tpu.memory_space<vmem_shared>> -> memref<16x128xf32, #tpu.memory_space<vmem_shared>>
        %dma_start3A_108 = arith.constant 9984 : i32
        %dma_start3A_109 = arith.constant 0 : i32
        %dma_start3A_110 = tpu.memref_slice %arg2[%dma_start3A_108, %dma_start3A_109] : memref<10000x128xf32, #tpu.memory_space<hbm>> -> memref<16x128xf32, #tpu.memory_space<hbm>>
        tpu.enqueue_dma source(%dma_start3A_110 : memref<16x128xf32, #tpu.memory_space<hbm>>) target(%dma_start3A_107 : memref<16x128xf32, #tpu.memory_space<vmem_shared>>) target_semaphore(%arg40 : memref<!tpu.dma_semaphore, #tpu.memory_space<semaphore_mem>>)
      } else {
      }
      %add3A = arith.constant 0 : i32
      %add3A_18 = arith.addi %mul3A_7, %add3A : i32
      %dma_start3A_19 = tpu.memref_slice %arg4[%add3A_18] : memref<160000xi32, #tpu.memory_space<hbm>> -> memref<96xi32, #tpu.memory_space<hbm>>
      %dma_start3A_20 = tpu.memref_slice %arg4[%add3A_18] : memref<160000xi32, #tpu.memory_space<hbm>> -> memref<96xi32, #tpu.memory_space<hbm>>
      tpu.enqueue_dma source(%dma_start3A_20 : memref<96xi32, #tpu.memory_space<hbm>>) target(%arg8 : memref<96xi32, #tpu.memory_space<vmem>>) target_semaphore(%arg22 : memref<!tpu.dma_semaphore, #tpu.memory_space<semaphore_mem>>)
      %dma_start3A_21 = tpu.memref_slice %arg5[%add3A_18] : memref<160000xi32, #tpu.memory_space<hbm>> -> memref<96xi32, #tpu.memory_space<hbm>>
      %dma_start3A_22 = tpu.memref_slice %arg5[%add3A_18] : memref<160000xi32, #tpu.memory_space<hbm>> -> memref<96xi32, #tpu.memory_space<hbm>>
      tpu.enqueue_dma source(%dma_start3A_22 : memref<96xi32, #tpu.memory_space<hbm>>) target(%arg12 : memref<96xi32, #tpu.memory_space<vmem>>) target_semaphore(%arg26 : memref<!tpu.dma_semaphore, #tpu.memory_space<semaphore_mem>>)
      %add3A_23 = arith.constant 96 : i32
      %add3A_24 = arith.addi %mul3A_7, %add3A_23 : i32
      %dma_start3A_25 = tpu.memref_slice %arg4[%add3A_24] : memref<160000xi32, #tpu.memory_space<hbm>> -> memref<96xi32, #tpu.memory_space<hbm>>
      %dma_start3A_26 = tpu.memref_slice %arg4[%add3A_24] : memref<160000xi32, #tpu.memory_space<hbm>> -> memref<96xi32, #tpu.memory_space<hbm>>
      tpu.enqueue_dma source(%dma_start3A_26 : memref<96xi32, #tpu.memory_space<hbm>>) target(%arg9 : memref<96xi32, #tpu.memory_space<vmem>>) target_semaphore(%arg23 : memref<!tpu.dma_semaphore, #tpu.memory_space<semaphore_mem>>)
      %dma_start3A_27 = tpu.memref_slice %arg5[%add3A_24] : memref<160000xi32, #tpu.memory_space<hbm>> -> memref<96xi32, #tpu.memory_space<hbm>>
      %dma_start3A_28 = tpu.memref_slice %arg5[%add3A_24] : memref<160000xi32, #tpu.memory_space<hbm>> -> memref<96xi32, #tpu.memory_space<hbm>>
      tpu.enqueue_dma source(%dma_start3A_28 : memref<96xi32, #tpu.memory_space<hbm>>) target(%arg13 : memref<96xi32, #tpu.memory_space<vmem>>) target_semaphore(%arg27 : memref<!tpu.dma_semaphore, #tpu.memory_space<semaphore_mem>>)
      %dma_wait3A = arith.constant 0 : i32
      %dma_wait3A_29 = tpu.memref_slice %arg4[%dma_wait3A] : memref<160000xi32, #tpu.memory_space<hbm>> -> memref<96xi32, #tpu.memory_space<hbm>>
      %dma_wait3A_30 = arith.constant 0 : i32
      %dma_wait3A_31 = tpu.memref_slice %arg4[%dma_wait3A_30] : memref<160000xi32, #tpu.memory_space<hbm>> -> memref<96xi32, #tpu.memory_space<hbm>>
      tpu.wait_dma2 semaphore(%arg22 : memref<!tpu.dma_semaphore, #tpu.memory_space<semaphore_mem>>) src(%dma_wait3A_31 : memref<96xi32, #tpu.memory_space<hbm>>) dst(%arg8 : memref<96xi32, #tpu.memory_space<vmem>>)
      %dma_start3A_32 = arith.constant 0 : i32
      %dma_start3A_33 = arith.constant 0 : i32
      %dma_start3A_34 = tpu.memref_slice %arg2[%dma_start3A_32, %dma_start3A_33] : memref<10000x128xf32, #tpu.memory_space<hbm>> -> memref<10000x128xf32, #tpu.memory_space<hbm>>
      tpu.enqueue_indirect_dma source(%dma_start3A_34 : memref<10000x128xf32, #tpu.memory_space<hbm>>) target(%arg18 : memref<96x128xf32, #tpu.memory_space<vmem>>) offsets(%arg8 : memref<96xi32, #tpu.memory_space<vmem>>) semaphore(%arg30 : memref<!tpu.dma_semaphore, #tpu.memory_space<semaphore_mem>>)
      %dma_wait3A_35 = arith.constant 0 : i32
      %dma_wait3A_36 = tpu.memref_slice %arg41[%mul3A_9, %dma_wait3A_35] : memref<10000x128xf32, #tpu.memory_space<vmem_shared>> -> memref<624x128xf32, #tpu.memory_space<vmem_shared>>
      %dma_wait3A_37 = arith.constant 0 : i32
      %dma_wait3A_38 = tpu.memref_slice %arg2[%mul3A_9, %dma_wait3A_37] : memref<10000x128xf32, #tpu.memory_space<hbm>> -> memref<624x128xf32, #tpu.memory_space<hbm>>
      tpu.wait_dma2 semaphore(%arg39 : memref<!tpu.dma_semaphore, #tpu.memory_space<semaphore_mem>>) src(%dma_wait3A_38 : memref<624x128xf32, #tpu.memory_space<hbm>>) dst(%dma_wait3A_36 : memref<624x128xf32, #tpu.memory_space<vmem_shared>>)
      %eq3A_39 = arith.constant 0 : i32
      %eq3A_40 = arith.cmpi eq, %arg1, %eq3A_39 : i32
      %convert_element_type3A_41 = arith.extui %eq3A_40 : i1 to i32
      %cond3A_42 = arith.constant 0 : i32
      %cond3A_43 = arith.cmpi ne, %convert_element_type3A_41, %cond3A_42 : i32
      scf.if %cond3A_43 {
        %dma_wait3A_105 = arith.constant 9984 : i32
        %dma_wait3A_106 = arith.constant 0 : i32
        %dma_wait3A_107 = tpu.memref_slice %arg41[%dma_wait3A_105, %dma_wait3A_106] : memref<10000x128xf32, #tpu.memory_space<vmem_shared>> -> memref<16x128xf32, #tpu.memory_space<vmem_shared>>
        %dma_wait3A_108 = arith.constant 9984 : i32
        %dma_wait3A_109 = arith.constant 0 : i32
        %dma_wait3A_110 = tpu.memref_slice %arg2[%dma_wait3A_108, %dma_wait3A_109] : memref<10000x128xf32, #tpu.memory_space<hbm>> -> memref<16x128xf32, #tpu.memory_space<hbm>>
        tpu.wait_dma2 semaphore(%arg40 : memref<!tpu.dma_semaphore, #tpu.memory_space<semaphore_mem>>) src(%dma_wait3A_110 : memref<16x128xf32, #tpu.memory_space<hbm>>) dst(%dma_wait3A_107 : memref<16x128xf32, #tpu.memory_space<vmem_shared>>)
      } else {
      }
      %barrier3A = arith.constant 0 : index
      tpu.barrier barrier_id(%barrier3A)
      %scan3A = arith.constant 0 : i32
      %scan3A_44 = arith.constant 0 : i32
      %scan3A_45 = arith.constant 26 : i32
      %scan3A_46 = arith.addi %scan3A_44, %scan3A_45 : i32
      %scan3A_47 = arith.constant 1 : i32
      scf.for %scan3A_105 = %scan3A_44 to %scan3A_46 step %scan3A_47  : i32 {
        %mul3A_106 = arith.constant 4 : i32
        %mul3A_107 = arith.muli %scan3A_105, %mul3A_106 : i32
        %add3A_108 = arith.constant 0 : i32
        %add3A_109 = arith.addi %mul3A_107, %add3A_108 : i32
        %add3A_110 = arith.constant 2 : i32
        %add3A_111 = arith.addi %add3A_109, %add3A_110 : i32
        %lt3A = arith.constant 104 : i32
        %lt3A_112 = arith.cmpi slt, %add3A_111, %lt3A : i32
        %convert_element_type3A_113 = arith.extui %lt3A_112 : i1 to i32
        %cond3A_114 = arith.constant 0 : i32
        %cond3A_115 = arith.cmpi ne, %convert_element_type3A_113, %cond3A_114 : i32
        scf.if %cond3A_115 {
          %ge3A = arith.constant 2 : i32
          %ge3A_224 = arith.cmpi sge, %add3A_109, %ge3A : i32
          %convert_element_type3A_225 = arith.extui %ge3A_224 : i1 to i32
          %cond3A_226 = arith.constant 0 : i32
          %cond3A_227 = arith.cmpi ne, %convert_element_type3A_225, %cond3A_226 : i32
          scf.if %cond3A_227 {
            %dma_wait3A_237 = arith.constant 0 : i32
            %dma_wait3A_238 = arith.constant 0 : i32
            %dma_wait3A_239 = tpu.memref_slice %arg41[%dma_wait3A_237, %dma_wait3A_238] : memref<10000x128xf32, #tpu.memory_space<vmem_shared>> -> memref<10000x128xf32, #tpu.memory_space<vmem_shared>>
            tpu.wait_indirect_dma semaphore(%arg36 : memref<!tpu.dma_semaphore, #tpu.memory_space<semaphore_mem>>) src(%arg20 : memref<96x128xf32, #tpu.memory_space<vmem>>) dst(%dma_wait3A_239 : memref<10000x128xf32, #tpu.memory_space<vmem_shared>>)
          } else {
          }
          %add3A_228 = arith.constant 2 : i32
          %add3A_229 = arith.addi %add3A_109, %add3A_228 : i32
          %mul3A_230 = arith.constant 96 : i32
          %mul3A_231 = arith.muli %add3A_229, %mul3A_230 : i32
          %add3A_232 = arith.addi %mul3A_7, %mul3A_231 : i32
          %dma_start3A_233 = tpu.memref_slice %arg4[%add3A_232] : memref<160000xi32, #tpu.memory_space<hbm>> -> memref<96xi32, #tpu.memory_space<hbm>>
          %dma_start3A_234 = tpu.memref_slice %arg4[%add3A_232] : memref<160000xi32, #tpu.memory_space<hbm>> -> memref<96xi32, #tpu.memory_space<hbm>>
          tpu.enqueue_dma source(%dma_start3A_234 : memref<96xi32, #tpu.memory_space<hbm>>) target(%arg10 : memref<96xi32, #tpu.memory_space<vmem>>) target_semaphore(%arg24 : memref<!tpu.dma_semaphore, #tpu.memory_space<semaphore_mem>>)
          %dma_start3A_235 = tpu.memref_slice %arg5[%add3A_232] : memref<160000xi32, #tpu.memory_space<hbm>> -> memref<96xi32, #tpu.memory_space<hbm>>
          %dma_start3A_236 = tpu.memref_slice %arg5[%add3A_232] : memref<160000xi32, #tpu.memory_space<hbm>> -> memref<96xi32, #tpu.memory_space<hbm>>
          tpu.enqueue_dma source(%dma_start3A_236 : memref<96xi32, #tpu.memory_space<hbm>>) target(%arg14 : memref<96xi32, #tpu.memory_space<vmem>>) target_semaphore(%arg28 : memref<!tpu.dma_semaphore, #tpu.memory_space<semaphore_mem>>)
        } else {
        }
        %add3A_116 = arith.constant 2 : i32
        %add3A_117 = arith.addi %add3A_109, %add3A_116 : i32
        %sub3A = arith.constant 1 : i32
        %sub3A_118 = arith.subi %add3A_117, %sub3A : i32
        %lt3A_119 = arith.constant 104 : i32
        %lt3A_120 = arith.cmpi slt, %sub3A_118, %lt3A_119 : i32
        %convert_element_type3A_121 = arith.extui %lt3A_120 : i1 to i32
        %cond3A_122 = arith.constant 0 : i32
        %cond3A_123 = arith.cmpi ne, %convert_element_type3A_121, %cond3A_122 : i32
        scf.if %cond3A_123 {
          %dma_wait3A_224 = arith.constant 0 : i32
          %dma_wait3A_225 = tpu.memref_slice %arg4[%dma_wait3A_224] : memref<160000xi32, #tpu.memory_space<hbm>> -> memref<96xi32, #tpu.memory_space<hbm>>
          %dma_wait3A_226 = arith.constant 0 : i32
          %dma_wait3A_227 = tpu.memref_slice %arg4[%dma_wait3A_226] : memref<160000xi32, #tpu.memory_space<hbm>> -> memref<96xi32, #tpu.memory_space<hbm>>
          tpu.wait_dma2 semaphore(%arg23 : memref<!tpu.dma_semaphore, #tpu.memory_space<semaphore_mem>>) src(%dma_wait3A_227 : memref<96xi32, #tpu.memory_space<hbm>>) dst(%arg9 : memref<96xi32, #tpu.memory_space<vmem>>)
          %dma_start3A_228 = arith.constant 0 : i32
          %dma_start3A_229 = arith.constant 0 : i32
          %dma_start3A_230 = tpu.memref_slice %arg2[%dma_start3A_228, %dma_start3A_229] : memref<10000x128xf32, #tpu.memory_space<hbm>> -> memref<10000x128xf32, #tpu.memory_space<hbm>>
          tpu.enqueue_indirect_dma source(%dma_start3A_230 : memref<10000x128xf32, #tpu.memory_space<hbm>>) target(%arg19 : memref<96x128xf32, #tpu.memory_space<vmem>>) offsets(%arg9 : memref<96xi32, #tpu.memory_space<vmem>>) semaphore(%arg31 : memref<!tpu.dma_semaphore, #tpu.memory_space<semaphore_mem>>)
        } else {
        }
        %dma_wait3A_124 = arith.constant 0 : i32
        %dma_wait3A_125 = arith.constant 0 : i32
        %dma_wait3A_126 = tpu.memref_slice %arg2[%dma_wait3A_124, %dma_wait3A_125] : memref<10000x128xf32, #tpu.memory_space<hbm>> -> memref<10000x128xf32, #tpu.memory_space<hbm>>
        tpu.wait_indirect_dma semaphore(%arg30 : memref<!tpu.dma_semaphore, #tpu.memory_space<semaphore_mem>>) src(%dma_wait3A_126 : memref<10000x128xf32, #tpu.memory_space<hbm>>) dst(%arg18 : memref<96x128xf32, #tpu.memory_space<vmem>>)
        %dma_wait3A_127 = arith.constant 0 : i32
        %dma_wait3A_128 = tpu.memref_slice %arg5[%dma_wait3A_127] : memref<160000xi32, #tpu.memory_space<hbm>> -> memref<96xi32, #tpu.memory_space<hbm>>
        %dma_wait3A_129 = arith.constant 0 : i32
        %dma_wait3A_130 = tpu.memref_slice %arg5[%dma_wait3A_129] : memref<160000xi32, #tpu.memory_space<hbm>> -> memref<96xi32, #tpu.memory_space<hbm>>
        tpu.wait_dma2 semaphore(%arg26 : memref<!tpu.dma_semaphore, #tpu.memory_space<semaphore_mem>>) src(%dma_wait3A_130 : memref<96xi32, #tpu.memory_space<hbm>>) dst(%arg12 : memref<96xi32, #tpu.memory_space<vmem>>)
        %dma_start3A_131 = arith.constant 0 : i32
        %dma_start3A_132 = arith.constant 0 : i32
        %dma_start3A_133 = tpu.memref_slice %arg41[%dma_start3A_131, %dma_start3A_132] : memref<10000x128xf32, #tpu.memory_space<vmem_shared>> -> memref<10000x128xf32, #tpu.memory_space<vmem_shared>>
        tpu.enqueue_indirect_dma source(%arg18 : memref<96x128xf32, #tpu.memory_space<vmem>>) target(%dma_start3A_133 : memref<10000x128xf32, #tpu.memory_space<vmem_shared>>) offsets(%arg12 : memref<96xi32, #tpu.memory_space<vmem>>) semaphore(%arg34 : memref<!tpu.dma_semaphore, #tpu.memory_space<semaphore_mem>>) {add = true}
        %mul3A_134 = arith.constant 4 : i32
        %mul3A_135 = arith.muli %scan3A_105, %mul3A_134 : i32
        %add3A_136 = arith.constant 1 : i32
        %add3A_137 = arith.addi %mul3A_135, %add3A_136 : i32
        %add3A_138 = arith.constant 2 : i32
        %add3A_139 = arith.addi %add3A_137, %add3A_138 : i32
        %lt3A_140 = arith.constant 104 : i32
        %lt3A_141 = arith.cmpi slt, %add3A_139, %lt3A_140 : i32
        %convert_element_type3A_142 = arith.extui %lt3A_141 : i1 to i32
        %cond3A_143 = arith.constant 0 : i32
        %cond3A_144 = arith.cmpi ne, %convert_element_type3A_142, %cond3A_143 : i32
        scf.if %cond3A_144 {
          %ge3A = arith.constant 2 : i32
          %ge3A_224 = arith.cmpi sge, %add3A_137, %ge3A : i32
          %convert_element_type3A_225 = arith.extui %ge3A_224 : i1 to i32
          %cond3A_226 = arith.constant 0 : i32
          %cond3A_227 = arith.cmpi ne, %convert_element_type3A_225, %cond3A_226 : i32
          scf.if %cond3A_227 {
            %dma_wait3A_237 = arith.constant 0 : i32
            %dma_wait3A_238 = arith.constant 0 : i32
            %dma_wait3A_239 = tpu.memref_slice %arg41[%dma_wait3A_237, %dma_wait3A_238] : memref<10000x128xf32, #tpu.memory_space<vmem_shared>> -> memref<10000x128xf32, #tpu.memory_space<vmem_shared>>
            tpu.wait_indirect_dma semaphore(%arg37 : memref<!tpu.dma_semaphore, #tpu.memory_space<semaphore_mem>>) src(%arg21 : memref<96x128xf32, #tpu.memory_space<vmem>>) dst(%dma_wait3A_239 : memref<10000x128xf32, #tpu.memory_space<vmem_shared>>)
          } else {
          }
          %add3A_228 = arith.constant 2 : i32
          %add3A_229 = arith.addi %add3A_137, %add3A_228 : i32
          %mul3A_230 = arith.constant 96 : i32
          %mul3A_231 = arith.muli %add3A_229, %mul3A_230 : i32
          %add3A_232 = arith.addi %mul3A_7, %mul3A_231 : i32
          %dma_start3A_233 = tpu.memref_slice %arg4[%add3A_232] : memref<160000xi32, #tpu.memory_space<hbm>> -> memref<96xi32, #tpu.memory_space<hbm>>
          %dma_start3A_234 = tpu.memref_slice %arg4[%add3A_232] : memref<160000xi32, #tpu.memory_space<hbm>> -> memref<96xi32, #tpu.memory_space<hbm>>
          tpu.enqueue_dma source(%dma_start3A_234 : memref<96xi32, #tpu.memory_space<hbm>>) target(%arg11 : memref<96xi32, #tpu.memory_space<vmem>>) target_semaphore(%arg25 : memref<!tpu.dma_semaphore, #tpu.memory_space<semaphore_mem>>)
          %dma_start3A_235 = tpu.memref_slice %arg5[%add3A_232] : memref<160000xi32, #tpu.memory_space<hbm>> -> memref<96xi32, #tpu.memory_space<hbm>>
          %dma_start3A_236 = tpu.memref_slice %arg5[%add3A_232] : memref<160000xi32, #tpu.memory_space<hbm>> -> memref<96xi32, #tpu.memory_space<hbm>>
          tpu.enqueue_dma source(%dma_start3A_236 : memref<96xi32, #tpu.memory_space<hbm>>) target(%arg15 : memref<96xi32, #tpu.memory_space<vmem>>) target_semaphore(%arg29 : memref<!tpu.dma_semaphore, #tpu.memory_space<semaphore_mem>>)
        } else {
        }
        %add3A_145 = arith.constant 2 : i32
        %add3A_146 = arith.addi %add3A_137, %add3A_145 : i32
        %sub3A_147 = arith.constant 1 : i32
        %sub3A_148 = arith.subi %add3A_146, %sub3A_147 : i32
        %lt3A_149 = arith.constant 104 : i32
        %lt3A_150 = arith.cmpi slt, %sub3A_148, %lt3A_149 : i32
        %convert_element_type3A_151 = arith.extui %lt3A_150 : i1 to i32
        %cond3A_152 = arith.constant 0 : i32
        %cond3A_153 = arith.cmpi ne, %convert_element_type3A_151, %cond3A_152 : i32
        scf.if %cond3A_153 {
          %dma_wait3A_224 = arith.constant 0 : i32
          %dma_wait3A_225 = tpu.memref_slice %arg4[%dma_wait3A_224] : memref<160000xi32, #tpu.memory_space<hbm>> -> memref<96xi32, #tpu.memory_space<hbm>>
          %dma_wait3A_226 = arith.constant 0 : i32
          %dma_wait3A_227 = tpu.memref_slice %arg4[%dma_wait3A_226] : memref<160000xi32, #tpu.memory_space<hbm>> -> memref<96xi32, #tpu.memory_space<hbm>>
          tpu.wait_dma2 semaphore(%arg24 : memref<!tpu.dma_semaphore, #tpu.memory_space<semaphore_mem>>) src(%dma_wait3A_227 : memref<96xi32, #tpu.memory_space<hbm>>) dst(%arg10 : memref<96xi32, #tpu.memory_space<vmem>>)
          %dma_start3A_228 = arith.constant 0 : i32
          %dma_start3A_229 = arith.constant 0 : i32
          %dma_start3A_230 = tpu.memref_slice %arg2[%dma_start3A_228, %dma_start3A_229] : memref<10000x128xf32, #tpu.memory_space<hbm>> -> memref<10000x128xf32, #tpu.memory_space<hbm>>
          tpu.enqueue_indirect_dma source(%dma_start3A_230 : memref<10000x128xf32, #tpu.memory_space<hbm>>) target(%arg20 : memref<96x128xf32, #tpu.memory_space<vmem>>) offsets(%arg10 : memref<96xi32, #tpu.memory_space<vmem>>) semaphore(%arg32 : memref<!tpu.dma_semaphore, #tpu.memory_space<semaphore_mem>>)
        } else {
        }
        %dma_wait3A_154 = arith.constant 0 : i32
        %dma_wait3A_155 = arith.constant 0 : i32
        %dma_wait3A_156 = tpu.memref_slice %arg2[%dma_wait3A_154, %dma_wait3A_155] : memref<10000x128xf32, #tpu.memory_space<hbm>> -> memref<10000x128xf32, #tpu.memory_space<hbm>>
        tpu.wait_indirect_dma semaphore(%arg31 : memref<!tpu.dma_semaphore, #tpu.memory_space<semaphore_mem>>) src(%dma_wait3A_156 : memref<10000x128xf32, #tpu.memory_space<hbm>>) dst(%arg19 : memref<96x128xf32, #tpu.memory_space<vmem>>)
        %dma_wait3A_157 = arith.constant 0 : i32
        %dma_wait3A_158 = tpu.memref_slice %arg5[%dma_wait3A_157] : memref<160000xi32, #tpu.memory_space<hbm>> -> memref<96xi32, #tpu.memory_space<hbm>>
        %dma_wait3A_159 = arith.constant 0 : i32
        %dma_wait3A_160 = tpu.memref_slice %arg5[%dma_wait3A_159] : memref<160000xi32, #tpu.memory_space<hbm>> -> memref<96xi32, #tpu.memory_space<hbm>>
        tpu.wait_dma2 semaphore(%arg27 : memref<!tpu.dma_semaphore, #tpu.memory_space<semaphore_mem>>) src(%dma_wait3A_160 : memref<96xi32, #tpu.memory_space<hbm>>) dst(%arg13 : memref<96xi32, #tpu.memory_space<vmem>>)
        %dma_start3A_161 = arith.constant 0 : i32
        %dma_start3A_162 = arith.constant 0 : i32
        %dma_start3A_163 = tpu.memref_slice %arg41[%dma_start3A_161, %dma_start3A_162] : memref<10000x128xf32, #tpu.memory_space<vmem_shared>> -> memref<10000x128xf32, #tpu.memory_space<vmem_shared>>
        tpu.enqueue_indirect_dma source(%arg19 : memref<96x128xf32, #tpu.memory_space<vmem>>) target(%dma_start3A_163 : memref<10000x128xf32, #tpu.memory_space<vmem_shared>>) offsets(%arg13 : memref<96xi32, #tpu.memory_space<vmem>>) semaphore(%arg35 : memref<!tpu.dma_semaphore, #tpu.memory_space<semaphore_mem>>) {add = true}
        %mul3A_164 = arith.constant 4 : i32
        %mul3A_165 = arith.muli %scan3A_105, %mul3A_164 : i32
        %add3A_166 = arith.constant 2 : i32
        %add3A_167 = arith.addi %mul3A_165, %add3A_166 : i32
        %add3A_168 = arith.constant 2 : i32
        %add3A_169 = arith.addi %add3A_167, %add3A_168 : i32
        %lt3A_170 = arith.constant 104 : i32
        %lt3A_171 = arith.cmpi slt, %add3A_169, %lt3A_170 : i32
        %convert_element_type3A_172 = arith.extui %lt3A_171 : i1 to i32
        %cond3A_173 = arith.constant 0 : i32
        %cond3A_174 = arith.cmpi ne, %convert_element_type3A_172, %cond3A_173 : i32
        scf.if %cond3A_174 {
          %ge3A = arith.constant 2 : i32
          %ge3A_224 = arith.cmpi sge, %add3A_167, %ge3A : i32
          %convert_element_type3A_225 = arith.extui %ge3A_224 : i1 to i32
          %cond3A_226 = arith.constant 0 : i32
          %cond3A_227 = arith.cmpi ne, %convert_element_type3A_225, %cond3A_226 : i32
          scf.if %cond3A_227 {
            %dma_wait3A_237 = arith.constant 0 : i32
            %dma_wait3A_238 = arith.constant 0 : i32
            %dma_wait3A_239 = tpu.memref_slice %arg41[%dma_wait3A_237, %dma_wait3A_238] : memref<10000x128xf32, #tpu.memory_space<vmem_shared>> -> memref<10000x128xf32, #tpu.memory_space<vmem_shared>>
            tpu.wait_indirect_dma semaphore(%arg34 : memref<!tpu.dma_semaphore, #tpu.memory_space<semaphore_mem>>) src(%arg18 : memref<96x128xf32, #tpu.memory_space<vmem>>) dst(%dma_wait3A_239 : memref<10000x128xf32, #tpu.memory_space<vmem_shared>>)
          } else {
          }
          %add3A_228 = arith.constant 2 : i32
          %add3A_229 = arith.addi %add3A_167, %add3A_228 : i32
          %mul3A_230 = arith.constant 96 : i32
          %mul3A_231 = arith.muli %add3A_229, %mul3A_230 : i32
          %add3A_232 = arith.addi %mul3A_7, %mul3A_231 : i32
          %dma_start3A_233 = tpu.memref_slice %arg4[%add3A_232] : memref<160000xi32, #tpu.memory_space<hbm>> -> memref<96xi32, #tpu.memory_space<hbm>>
          %dma_start3A_234 = tpu.memref_slice %arg4[%add3A_232] : memref<160000xi32, #tpu.memory_space<hbm>> -> memref<96xi32, #tpu.memory_space<hbm>>
          tpu.enqueue_dma source(%dma_start3A_234 : memref<96xi32, #tpu.memory_space<hbm>>) target(%arg8 : memref<96xi32, #tpu.memory_space<vmem>>) target_semaphore(%arg22 : memref<!tpu.dma_semaphore, #tpu.memory_space<semaphore_mem>>)
          %dma_start3A_235 = tpu.memref_slice %arg5[%add3A_232] : memref<160000xi32, #tpu.memory_space<hbm>> -> memref<96xi32, #tpu.memory_space<hbm>>
          %dma_start3A_236 = tpu.memref_slice %arg5[%add3A_232] : memref<160000xi32, #tpu.memory_space<hbm>> -> memref<96xi32, #tpu.memory_space<hbm>>
          tpu.enqueue_dma source(%dma_start3A_236 : memref<96xi32, #tpu.memory_space<hbm>>) target(%arg12 : memref<96xi32, #tpu.memory_space<vmem>>) target_semaphore(%arg26 : memref<!tpu.dma_semaphore, #tpu.memory_space<semaphore_mem>>)
        } else {
        }
        %add3A_175 = arith.constant 2 : i32
        %add3A_176 = arith.addi %add3A_167, %add3A_175 : i32
        %sub3A_177 = arith.constant 1 : i32
        %sub3A_178 = arith.subi %add3A_176, %sub3A_177 : i32
        %lt3A_179 = arith.constant 104 : i32
        %lt3A_180 = arith.cmpi slt, %sub3A_178, %lt3A_179 : i32
        %convert_element_type3A_181 = arith.extui %lt3A_180 : i1 to i32
        %cond3A_182 = arith.constant 0 : i32
        %cond3A_183 = arith.cmpi ne, %convert_element_type3A_181, %cond3A_182 : i32
        scf.if %cond3A_183 {
          %dma_wait3A_224 = arith.constant 0 : i32
          %dma_wait3A_225 = tpu.memref_slice %arg4[%dma_wait3A_224] : memref<160000xi32, #tpu.memory_space<hbm>> -> memref<96xi32, #tpu.memory_space<hbm>>
          %dma_wait3A_226 = arith.constant 0 : i32
          %dma_wait3A_227 = tpu.memref_slice %arg4[%dma_wait3A_226] : memref<160000xi32, #tpu.memory_space<hbm>> -> memref<96xi32, #tpu.memory_space<hbm>>
          tpu.wait_dma2 semaphore(%arg25 : memref<!tpu.dma_semaphore, #tpu.memory_space<semaphore_mem>>) src(%dma_wait3A_227 : memref<96xi32, #tpu.memory_space<hbm>>) dst(%arg11 : memref<96xi32, #tpu.memory_space<vmem>>)
          %dma_start3A_228 = arith.constant 0 : i32
          %dma_start3A_229 = arith.constant 0 : i32
          %dma_start3A_230 = tpu.memref_slice %arg2[%dma_start3A_228, %dma_start3A_229] : memref<10000x128xf32, #tpu.memory_space<hbm>> -> memref<10000x128xf32, #tpu.memory_space<hbm>>
          tpu.enqueue_indirect_dma source(%dma_start3A_230 : memref<10000x128xf32, #tpu.memory_space<hbm>>) target(%arg21 : memref<96x128xf32, #tpu.memory_space<vmem>>) offsets(%arg11 : memref<96xi32, #tpu.memory_space<vmem>>) semaphore(%arg33 : memref<!tpu.dma_semaphore, #tpu.memory_space<semaphore_mem>>)
        } else {
        }
        %dma_wait3A_184 = arith.constant 0 : i32
        %dma_wait3A_185 = arith.constant 0 : i32
        %dma_wait3A_186 = tpu.memref_slice %arg2[%dma_wait3A_184, %dma_wait3A_185] : memref<10000x128xf32, #tpu.memory_space<hbm>> -> memref<10000x128xf32, #tpu.memory_space<hbm>>
        tpu.wait_indirect_dma semaphore(%arg32 : memref<!tpu.dma_semaphore, #tpu.memory_space<semaphore_mem>>) src(%dma_wait3A_186 : memref<10000x128xf32, #tpu.memory_space<hbm>>) dst(%arg20 : memref<96x128xf32, #tpu.memory_space<vmem>>)
        %dma_wait3A_187 = arith.constant 0 : i32
        %dma_wait3A_188 = tpu.memref_slice %arg5[%dma_wait3A_187] : memref<160000xi32, #tpu.memory_space<hbm>> -> memref<96xi32, #tpu.memory_space<hbm>>
        %dma_wait3A_189 = arith.constant 0 : i32
        %dma_wait3A_190 = tpu.memref_slice %arg5[%dma_wait3A_189] : memref<160000xi32, #tpu.memory_space<hbm>> -> memref<96xi32, #tpu.memory_space<hbm>>
        tpu.wait_dma2 semaphore(%arg28 : memref<!tpu.dma_semaphore, #tpu.memory_space<semaphore_mem>>) src(%dma_wait3A_190 : memref<96xi32, #tpu.memory_space<hbm>>) dst(%arg14 : memref<96xi32, #tpu.memory_space<vmem>>)
        %dma_start3A_191 = arith.constant 0 : i32
        %dma_start3A_192 = arith.constant 0 : i32
        %dma_start3A_193 = tpu.memref_slice %arg41[%dma_start3A_191, %dma_start3A_192] : memref<10000x128xf32, #tpu.memory_space<vmem_shared>> -> memref<10000x128xf32, #tpu.memory_space<vmem_shared>>
        tpu.enqueue_indirect_dma source(%arg20 : memref<96x128xf32, #tpu.memory_space<vmem>>) target(%dma_start3A_193 : memref<10000x128xf32, #tpu.memory_space<vmem_shared>>) offsets(%arg14 : memref<96xi32, #tpu.memory_space<vmem>>) semaphore(%arg36 : memref<!tpu.dma_semaphore, #tpu.memory_space<semaphore_mem>>) {add = true}
        %mul3A_194 = arith.constant 4 : i32
        %mul3A_195 = arith.muli %scan3A_105, %mul3A_194 : i32
        %add3A_196 = arith.constant 3 : i32
        %add3A_197 = arith.addi %mul3A_195, %add3A_196 : i32
        %add3A_198 = arith.constant 2 : i32
        %add3A_199 = arith.addi %add3A_197, %add3A_198 : i32
        %lt3A_200 = arith.constant 104 : i32
        %lt3A_201 = arith.cmpi slt, %add3A_199, %lt3A_200 : i32
        %convert_element_type3A_202 = arith.extui %lt3A_201 : i1 to i32
        %cond3A_203 = arith.constant 0 : i32
        %cond3A_204 = arith.cmpi ne, %convert_element_type3A_202, %cond3A_203 : i32
        scf.if %cond3A_204 {
          %ge3A = arith.constant 2 : i32
          %ge3A_224 = arith.cmpi sge, %add3A_197, %ge3A : i32
          %convert_element_type3A_225 = arith.extui %ge3A_224 : i1 to i32
          %cond3A_226 = arith.constant 0 : i32
          %cond3A_227 = arith.cmpi ne, %convert_element_type3A_225, %cond3A_226 : i32
          scf.if %cond3A_227 {
            %dma_wait3A_237 = arith.constant 0 : i32
            %dma_wait3A_238 = arith.constant 0 : i32
            %dma_wait3A_239 = tpu.memref_slice %arg41[%dma_wait3A_237, %dma_wait3A_238] : memref<10000x128xf32, #tpu.memory_space<vmem_shared>> -> memref<10000x128xf32, #tpu.memory_space<vmem_shared>>
            tpu.wait_indirect_dma semaphore(%arg35 : memref<!tpu.dma_semaphore, #tpu.memory_space<semaphore_mem>>) src(%arg19 : memref<96x128xf32, #tpu.memory_space<vmem>>) dst(%dma_wait3A_239 : memref<10000x128xf32, #tpu.memory_space<vmem_shared>>)
          } else {
          }
          %add3A_228 = arith.constant 2 : i32
          %add3A_229 = arith.addi %add3A_197, %add3A_228 : i32
          %mul3A_230 = arith.constant 96 : i32
          %mul3A_231 = arith.muli %add3A_229, %mul3A_230 : i32
          %add3A_232 = arith.addi %mul3A_7, %mul3A_231 : i32
          %dma_start3A_233 = tpu.memref_slice %arg4[%add3A_232] : memref<160000xi32, #tpu.memory_space<hbm>> -> memref<96xi32, #tpu.memory_space<hbm>>
          %dma_start3A_234 = tpu.memref_slice %arg4[%add3A_232] : memref<160000xi32, #tpu.memory_space<hbm>> -> memref<96xi32, #tpu.memory_space<hbm>>
          tpu.enqueue_dma source(%dma_start3A_234 : memref<96xi32, #tpu.memory_space<hbm>>) target(%arg9 : memref<96xi32, #tpu.memory_space<vmem>>) target_semaphore(%arg23 : memref<!tpu.dma_semaphore, #tpu.memory_space<semaphore_mem>>)
          %dma_start3A_235 = tpu.memref_slice %arg5[%add3A_232] : memref<160000xi32, #tpu.memory_space<hbm>> -> memref<96xi32, #tpu.memory_space<hbm>>
          %dma_start3A_236 = tpu.memref_slice %arg5[%add3A_232] : memref<160000xi32, #tpu.memory_space<hbm>> -> memref<96xi32, #tpu.memory_space<hbm>>
          tpu.enqueue_dma source(%dma_start3A_236 : memref<96xi32, #tpu.memory_space<hbm>>) target(%arg13 : memref<96xi32, #tpu.memory_space<vmem>>) target_semaphore(%arg27 : memref<!tpu.dma_semaphore, #tpu.memory_space<semaphore_mem>>)
        } else {
        }
        %add3A_205 = arith.constant 2 : i32
        %add3A_206 = arith.addi %add3A_197, %add3A_205 : i32
        %sub3A_207 = arith.constant 1 : i32
        %sub3A_208 = arith.subi %add3A_206, %sub3A_207 : i32
        %lt3A_209 = arith.constant 104 : i32
        %lt3A_210 = arith.cmpi slt, %sub3A_208, %lt3A_209 : i32
        %convert_element_type3A_211 = arith.extui %lt3A_210 : i1 to i32
        %cond3A_212 = arith.constant 0 : i32
        %cond3A_213 = arith.cmpi ne, %convert_element_type3A_211, %cond3A_212 : i32
        scf.if %cond3A_213 {
          %dma_wait3A_224 = arith.constant 0 : i32
          %dma_wait3A_225 = tpu.memref_slice %arg4[%dma_wait3A_224] : memref<160000xi32, #tpu.memory_space<hbm>> -> memref<96xi32, #tpu.memory_space<hbm>>
          %dma_wait3A_226 = arith.constant 0 : i32
          %dma_wait3A_227 = tpu.memref_slice %arg4[%dma_wait3A_226] : memref<160000xi32, #tpu.memory_space<hbm>> -> memref<96xi32, #tpu.memory_space<hbm>>
          tpu.wait_dma2 semaphore(%arg22 : memref<!tpu.dma_semaphore, #tpu.memory_space<semaphore_mem>>) src(%dma_wait3A_227 : memref<96xi32, #tpu.memory_space<hbm>>) dst(%arg8 : memref<96xi32, #tpu.memory_space<vmem>>)
          %dma_start3A_228 = arith.constant 0 : i32
          %dma_start3A_229 = arith.constant 0 : i32
          %dma_start3A_230 = tpu.memref_slice %arg2[%dma_start3A_228, %dma_start3A_229] : memref<10000x128xf32, #tpu.memory_space<hbm>> -> memref<10000x128xf32, #tpu.memory_space<hbm>>
          tpu.enqueue_indirect_dma source(%dma_start3A_230 : memref<10000x128xf32, #tpu.memory_space<hbm>>) target(%arg18 : memref<96x128xf32, #tpu.memory_space<vmem>>) offsets(%arg8 : memref<96xi32, #tpu.memory_space<vmem>>) semaphore(%arg30 : memref<!tpu.dma_semaphore, #tpu.memory_space<semaphore_mem>>)
        } else {
        }
        %dma_wait3A_214 = arith.constant 0 : i32
        %dma_wait3A_215 = arith.constant 0 : i32
        %dma_wait3A_216 = tpu.memref_slice %arg2[%dma_wait3A_214, %dma_wait3A_215] : memref<10000x128xf32, #tpu.memory_space<hbm>> -> memref<10000x128xf32, #tpu.memory_space<hbm>>
        tpu.wait_indirect_dma semaphore(%arg33 : memref<!tpu.dma_semaphore, #tpu.memory_space<semaphore_mem>>) src(%dma_wait3A_216 : memref<10000x128xf32, #tpu.memory_space<hbm>>) dst(%arg21 : memref<96x128xf32, #tpu.memory_space<vmem>>)
        %dma_wait3A_217 = arith.constant 0 : i32
        %dma_wait3A_218 = tpu.memref_slice %arg5[%dma_wait3A_217] : memref<160000xi32, #tpu.memory_space<hbm>> -> memref<96xi32, #tpu.memory_space<hbm>>
        %dma_wait3A_219 = arith.constant 0 : i32
        %dma_wait3A_220 = tpu.memref_slice %arg5[%dma_wait3A_219] : memref<160000xi32, #tpu.memory_space<hbm>> -> memref<96xi32, #tpu.memory_space<hbm>>
        tpu.wait_dma2 semaphore(%arg29 : memref<!tpu.dma_semaphore, #tpu.memory_space<semaphore_mem>>) src(%dma_wait3A_220 : memref<96xi32, #tpu.memory_space<hbm>>) dst(%arg15 : memref<96xi32, #tpu.memory_space<vmem>>)
        %dma_start3A_221 = arith.constant 0 : i32
        %dma_start3A_222 = arith.constant 0 : i32
        %dma_start3A_223 = tpu.memref_slice %arg41[%dma_start3A_221, %dma_start3A_222] : memref<10000x128xf32, #tpu.memory_space<vmem_shared>> -> memref<10000x128xf32, #tpu.memory_space<vmem_shared>>
        tpu.enqueue_indirect_dma source(%arg21 : memref<96x128xf32, #tpu.memory_space<vmem>>) target(%dma_start3A_223 : memref<10000x128xf32, #tpu.memory_space<vmem_shared>>) offsets(%arg15 : memref<96xi32, #tpu.memory_space<vmem>>) semaphore(%arg37 : memref<!tpu.dma_semaphore, #tpu.memory_space<semaphore_mem>>) {add = true}
      }
      %scan3A_48 = arith.constant 26 : i32
      %add3A_49 = arith.constant 9984 : i32
      %add3A_50 = arith.addi %mul3A_7, %add3A_49 : i32
      %dma_wait3A_51 = arith.constant 0 : i32
      %dma_wait3A_52 = arith.constant 0 : i32
      %dma_wait3A_53 = tpu.memref_slice %arg41[%dma_wait3A_51, %dma_wait3A_52] : memref<10000x128xf32, #tpu.memory_space<vmem_shared>> -> memref<10000x128xf32, #tpu.memory_space<vmem_shared>>
      tpu.wait_indirect_dma semaphore(%arg34 : memref<!tpu.dma_semaphore, #tpu.memory_space<semaphore_mem>>) src(%arg18 : memref<96x128xf32, #tpu.memory_space<vmem>>) dst(%dma_wait3A_53 : memref<10000x128xf32, #tpu.memory_space<vmem_shared>>)
      %dma_start3A_54 = tpu.memref_slice %arg4[%add3A_50] : memref<160000xi32, #tpu.memory_space<hbm>> -> memref<16xi32, #tpu.memory_space<hbm>>
      %dma_start3A_55 = tpu.memref_slice %arg4[%add3A_50] : memref<160000xi32, #tpu.memory_space<hbm>> -> memref<16xi32, #tpu.memory_space<hbm>>
      tpu.enqueue_dma source(%dma_start3A_55 : memref<16xi32, #tpu.memory_space<hbm>>) target(%arg16 : memref<16xi32, #tpu.memory_space<vmem>>) target_semaphore(%arg22 : memref<!tpu.dma_semaphore, #tpu.memory_space<semaphore_mem>>)
      %dma_start3A_56 = tpu.memref_slice %arg5[%add3A_50] : memref<160000xi32, #tpu.memory_space<hbm>> -> memref<16xi32, #tpu.memory_space<hbm>>
      %dma_start3A_57 = tpu.memref_slice %arg5[%add3A_50] : memref<160000xi32, #tpu.memory_space<hbm>> -> memref<16xi32, #tpu.memory_space<hbm>>
      tpu.enqueue_dma source(%dma_start3A_57 : memref<16xi32, #tpu.memory_space<hbm>>) target(%arg17 : memref<16xi32, #tpu.memory_space<vmem>>) target_semaphore(%arg26 : memref<!tpu.dma_semaphore, #tpu.memory_space<semaphore_mem>>)
      %dma_wait3A_58 = arith.constant 0 : i32
      %dma_wait3A_59 = tpu.memref_slice %arg4[%dma_wait3A_58] : memref<160000xi32, #tpu.memory_space<hbm>> -> memref<16xi32, #tpu.memory_space<hbm>>
      %dma_wait3A_60 = arith.constant 0 : i32
      %dma_wait3A_61 = tpu.memref_slice %arg4[%dma_wait3A_60] : memref<160000xi32, #tpu.memory_space<hbm>> -> memref<16xi32, #tpu.memory_space<hbm>>
      tpu.wait_dma2 semaphore(%arg22 : memref<!tpu.dma_semaphore, #tpu.memory_space<semaphore_mem>>) src(%dma_wait3A_61 : memref<16xi32, #tpu.memory_space<hbm>>) dst(%arg16 : memref<16xi32, #tpu.memory_space<vmem>>)
      %dma_start3A_62 = arith.constant 0 : i32
      %dma_start3A_63 = arith.constant 0 : i32
      %dma_start3A_64 = tpu.memref_slice %arg18[%dma_start3A_62, %dma_start3A_63] : memref<96x128xf32, #tpu.memory_space<vmem>> -> memref<16x128xf32, #tpu.memory_space<vmem>>
      %dma_start3A_65 = arith.constant 0 : i32
      %dma_start3A_66 = arith.constant 0 : i32
      %dma_start3A_67 = tpu.memref_slice %arg2[%dma_start3A_65, %dma_start3A_66] : memref<10000x128xf32, #tpu.memory_space<hbm>> -> memref<10000x128xf32, #tpu.memory_space<hbm>>
      tpu.enqueue_indirect_dma source(%dma_start3A_67 : memref<10000x128xf32, #tpu.memory_space<hbm>>) target(%dma_start3A_64 : memref<16x128xf32, #tpu.memory_space<vmem>>) offsets(%arg16 : memref<16xi32, #tpu.memory_space<vmem>>) semaphore(%arg38 : memref<!tpu.dma_semaphore, #tpu.memory_space<semaphore_mem>>)
      %dma_wait3A_68 = arith.constant 0 : i32
      %dma_wait3A_69 = arith.constant 0 : i32
      %dma_wait3A_70 = tpu.memref_slice %arg18[%dma_wait3A_68, %dma_wait3A_69] : memref<96x128xf32, #tpu.memory_space<vmem>> -> memref<16x128xf32, #tpu.memory_space<vmem>>
      %dma_wait3A_71 = arith.constant 0 : i32
      %dma_wait3A_72 = arith.constant 0 : i32
      %dma_wait3A_73 = tpu.memref_slice %arg2[%dma_wait3A_71, %dma_wait3A_72] : memref<10000x128xf32, #tpu.memory_space<hbm>> -> memref<10000x128xf32, #tpu.memory_space<hbm>>
      tpu.wait_indirect_dma semaphore(%arg38 : memref<!tpu.dma_semaphore, #tpu.memory_space<semaphore_mem>>) src(%dma_wait3A_73 : memref<10000x128xf32, #tpu.memory_space<hbm>>) dst(%dma_wait3A_70 : memref<16x128xf32, #tpu.memory_space<vmem>>)
      %dma_wait3A_74 = arith.constant 0 : i32
      %dma_wait3A_75 = tpu.memref_slice %arg5[%dma_wait3A_74] : memref<160000xi32, #tpu.memory_space<hbm>> -> memref<16xi32, #tpu.memory_space<hbm>>
      %dma_wait3A_76 = arith.constant 0 : i32
      %dma_wait3A_77 = tpu.memref_slice %arg5[%dma_wait3A_76] : memref<160000xi32, #tpu.memory_space<hbm>> -> memref<16xi32, #tpu.memory_space<hbm>>
      tpu.wait_dma2 semaphore(%arg26 : memref<!tpu.dma_semaphore, #tpu.memory_space<semaphore_mem>>) src(%dma_wait3A_77 : memref<16xi32, #tpu.memory_space<hbm>>) dst(%arg17 : memref<16xi32, #tpu.memory_space<vmem>>)
      %dma_start3A_78 = arith.constant 0 : i32
      %dma_start3A_79 = arith.constant 0 : i32
      %dma_start3A_80 = tpu.memref_slice %arg18[%dma_start3A_78, %dma_start3A_79] : memref<96x128xf32, #tpu.memory_space<vmem>> -> memref<16x128xf32, #tpu.memory_space<vmem>>
      %dma_start3A_81 = arith.constant 0 : i32
      %dma_start3A_82 = arith.constant 0 : i32
      %dma_start3A_83 = tpu.memref_slice %arg41[%dma_start3A_81, %dma_start3A_82] : memref<10000x128xf32, #tpu.memory_space<vmem_shared>> -> memref<10000x128xf32, #tpu.memory_space<vmem_shared>>
      tpu.enqueue_indirect_dma source(%dma_start3A_80 : memref<16x128xf32, #tpu.memory_space<vmem>>) target(%dma_start3A_83 : memref<10000x128xf32, #tpu.memory_space<vmem_shared>>) offsets(%arg17 : memref<16xi32, #tpu.memory_space<vmem>>) semaphore(%arg38 : memref<!tpu.dma_semaphore, #tpu.memory_space<semaphore_mem>>) {add = true}
      %dma_wait3A_84 = arith.constant 0 : i32
      %dma_wait3A_85 = arith.constant 0 : i32
      %dma_wait3A_86 = tpu.memref_slice %arg41[%dma_wait3A_84, %dma_wait3A_85] : memref<10000x128xf32, #tpu.memory_space<vmem_shared>> -> memref<10000x128xf32, #tpu.memory_space<vmem_shared>>
      tpu.wait_indirect_dma semaphore(%arg35 : memref<!tpu.dma_semaphore, #tpu.memory_space<semaphore_mem>>) src(%arg19 : memref<96x128xf32, #tpu.memory_space<vmem>>) dst(%dma_wait3A_86 : memref<10000x128xf32, #tpu.memory_space<vmem_shared>>)
      %dma_wait3A_87 = arith.constant 0 : i32
      %dma_wait3A_88 = arith.constant 0 : i32
      %dma_wait3A_89 = tpu.memref_slice %arg41[%dma_wait3A_87, %dma_wait3A_88] : memref<10000x128xf32, #tpu.memory_space<vmem_shared>> -> memref<10000x128xf32, #tpu.memory_space<vmem_shared>>
      tpu.wait_indirect_dma semaphore(%arg36 : memref<!tpu.dma_semaphore, #tpu.memory_space<semaphore_mem>>) src(%arg20 : memref<96x128xf32, #tpu.memory_space<vmem>>) dst(%dma_wait3A_89 : memref<10000x128xf32, #tpu.memory_space<vmem_shared>>)
      %dma_wait3A_90 = arith.constant 0 : i32
      %dma_wait3A_91 = arith.constant 0 : i32
      %dma_wait3A_92 = tpu.memref_slice %arg41[%dma_wait3A_90, %dma_wait3A_91] : memref<10000x128xf32, #tpu.memory_space<vmem_shared>> -> memref<10000x128xf32, #tpu.memory_space<vmem_shared>>
      tpu.wait_indirect_dma semaphore(%arg37 : memref<!tpu.dma_semaphore, #tpu.memory_space<semaphore_mem>>) src(%arg21 : memref<96x128xf32, #tpu.memory_space<vmem>>) dst(%dma_wait3A_92 : memref<10000x128xf32, #tpu.memory_space<vmem_shared>>)
      %dma_wait3A_93 = arith.constant 0 : i32
      %dma_wait3A_94 = arith.constant 0 : i32
      %dma_wait3A_95 = tpu.memref_slice %arg18[%dma_wait3A_93, %dma_wait3A_94] : memref<96x128xf32, #tpu.memory_space<vmem>> -> memref<16x128xf32, #tpu.memory_space<vmem>>
      %dma_wait3A_96 = arith.constant 0 : i32
      %dma_wait3A_97 = arith.constant 0 : i32
      %dma_wait3A_98 = tpu.memref_slice %arg41[%dma_wait3A_96, %dma_wait3A_97] : memref<10000x128xf32, #tpu.memory_space<vmem_shared>> -> memref<10000x128xf32, #tpu.memory_space<vmem_shared>>
      tpu.wait_indirect_dma semaphore(%arg38 : memref<!tpu.dma_semaphore, #tpu.memory_space<semaphore_mem>>) src(%dma_wait3A_95 : memref<16x128xf32, #tpu.memory_space<vmem>>) dst(%dma_wait3A_98 : memref<10000x128xf32, #tpu.memory_space<vmem_shared>>)
      %barrier3A_99 = arith.constant 0 : index
      tpu.barrier barrier_id(%barrier3A_99)
      "tpu.region"() ({
        %run_scoped3A = tpu.sem_alloc : memref<!tpu.dma_semaphore, #tpu.memory_space<semaphore_mem>>
        %dma_start3A_105 = arith.constant 0 : i32
        %dma_start3A_106 = tpu.memref_slice %arg6[%mul3A_9, %dma_start3A_105] : memref<10000x128xf32, #tpu.memory_space<hbm>> -> memref<624x128xf32, #tpu.memory_space<hbm>>
        %dma_start3A_107 = arith.constant 0 : i32
        %dma_start3A_108 = tpu.memref_slice %arg41[%mul3A_9, %dma_start3A_107] : memref<10000x128xf32, #tpu.memory_space<vmem_shared>> -> memref<624x128xf32, #tpu.memory_space<vmem_shared>>
        tpu.enqueue_dma source(%dma_start3A_108 : memref<624x128xf32, #tpu.memory_space<vmem_shared>>) target(%dma_start3A_106 : memref<624x128xf32, #tpu.memory_space<hbm>>) target_semaphore(%run_scoped3A : memref<!tpu.dma_semaphore, #tpu.memory_space<semaphore_mem>>)
        %dma_wait3A_109 = arith.constant 0 : i32
        %dma_wait3A_110 = tpu.memref_slice %arg6[%mul3A_9, %dma_wait3A_109] : memref<10000x128xf32, #tpu.memory_space<hbm>> -> memref<624x128xf32, #tpu.memory_space<hbm>>
        %dma_wait3A_111 = arith.constant 0 : i32
        %dma_wait3A_112 = tpu.memref_slice %arg41[%mul3A_9, %dma_wait3A_111] : memref<10000x128xf32, #tpu.memory_space<vmem_shared>> -> memref<624x128xf32, #tpu.memory_space<vmem_shared>>
        tpu.wait_dma2 semaphore(%run_scoped3A : memref<!tpu.dma_semaphore, #tpu.memory_space<semaphore_mem>>) src(%dma_wait3A_112 : memref<624x128xf32, #tpu.memory_space<vmem_shared>>) dst(%dma_wait3A_110 : memref<624x128xf32, #tpu.memory_space<hbm>>)
        tpu.yield
      }) : () -> ()
      %eq3A_100 = arith.constant 0 : i32
      %eq3A_101 = arith.cmpi eq, %arg1, %eq3A_100 : i32
      %convert_element_type3A_102 = arith.extui %eq3A_101 : i1 to i32
      %cond3A_103 = arith.constant 0 : i32
      %cond3A_104 = arith.cmpi ne, %convert_element_type3A_102, %cond3A_103 : i32
      scf.if %cond3A_104 {
        "tpu.region"() ({
          %run_scoped3A = tpu.sem_alloc : memref<!tpu.dma_semaphore, #tpu.memory_space<semaphore_mem>>
          %dma_start3A_105 = arith.constant 9984 : i32
          %dma_start3A_106 = arith.constant 0 : i32
          %dma_start3A_107 = tpu.memref_slice %arg6[%dma_start3A_105, %dma_start3A_106] : memref<10000x128xf32, #tpu.memory_space<hbm>> -> memref<16x128xf32, #tpu.memory_space<hbm>>
          %dma_start3A_108 = arith.constant 9984 : i32
          %dma_start3A_109 = arith.constant 0 : i32
          %dma_start3A_110 = tpu.memref_slice %arg41[%dma_start3A_108, %dma_start3A_109] : memref<10000x128xf32, #tpu.memory_space<vmem_shared>> -> memref<16x128xf32, #tpu.memory_space<vmem_shared>>
          tpu.enqueue_dma source(%dma_start3A_110 : memref<16x128xf32, #tpu.memory_space<vmem_shared>>) target(%dma_start3A_107 : memref<16x128xf32, #tpu.memory_space<hbm>>) target_semaphore(%run_scoped3A : memref<!tpu.dma_semaphore, #tpu.memory_space<semaphore_mem>>)
          %dma_wait3A_111 = arith.constant 9984 : i32
          %dma_wait3A_112 = arith.constant 0 : i32
          %dma_wait3A_113 = tpu.memref_slice %arg6[%dma_wait3A_111, %dma_wait3A_112] : memref<10000x128xf32, #tpu.memory_space<hbm>> -> memref<16x128xf32, #tpu.memory_space<hbm>>
          %dma_wait3A_114 = arith.constant 9984 : i32
          %dma_wait3A_115 = arith.constant 0 : i32
          %dma_wait3A_116 = tpu.memref_slice %arg41[%dma_wait3A_114, %dma_wait3A_115] : memref<10000x128xf32, #tpu.memory_space<vmem_shared>> -> memref<16x128xf32, #tpu.memory_space<vmem_shared>>
          tpu.wait_dma2 semaphore(%run_scoped3A : memref<!tpu.dma_semaphore, #tpu.memory_space<semaphore_mem>>) src(%dma_wait3A_116 : memref<16x128xf32, #tpu.memory_space<vmem_shared>>) dst(%dma_wait3A_113 : memref<16x128xf32, #tpu.memory_space<hbm>>)
          tpu.yield
        }) : () -> ()
      } else {
      }
    } else {
    }
    %eq3A_2 = arith.constant 1 : i32
    %eq3A_3 = arith.cmpi eq, %arg0, %eq3A_2 : i32
    %convert_element_type3A_4 = arith.extui %eq3A_3 : i1 to i32
    %cond3A_5 = arith.constant 0 : i32
    %cond3A_6 = arith.cmpi ne, %convert_element_type3A_4, %cond3A_5 : i32
    scf.if %cond3A_6 {
      %mul3A = arith.constant 10000 : i32
      %mul3A_7 = arith.muli %arg1, %mul3A : i32
      %add3A = arith.constant 0 : i32
      %add3A_8 = arith.addi %add3A, %mul3A_7 : i32
      %mul3A_9 = arith.constant 624 : i32
      %mul3A_10 = arith.muli %arg1, %mul3A_9 : i32
      %dma_start3A = arith.constant 0 : i32
      %dma_start3A_11 = tpu.memref_slice %arg41[%mul3A_10, %dma_start3A] : memref<10000x128xf32, #tpu.memory_space<vmem_shared>> -> memref<624x128xf32, #tpu.memory_space<vmem_shared>>
      %dma_start3A_12 = arith.constant 0 : i32
      %dma_start3A_13 = tpu.memref_slice %arg3[%mul3A_10, %dma_start3A_12] : memref<10000x128xf32, #tpu.memory_space<hbm>> -> memref<624x128xf32, #tpu.memory_space<hbm>>
      tpu.enqueue_dma source(%dma_start3A_13 : memref<624x128xf32, #tpu.memory_space<hbm>>) target(%dma_start3A_11 : memref<624x128xf32, #tpu.memory_space<vmem_shared>>) target_semaphore(%arg39 : memref<!tpu.dma_semaphore, #tpu.memory_space<semaphore_mem>>)
      %eq3A_14 = arith.constant 0 : i32
      %eq3A_15 = arith.cmpi eq, %arg1, %eq3A_14 : i32
      %convert_element_type3A_16 = arith.extui %eq3A_15 : i1 to i32
      %cond3A_17 = arith.constant 0 : i32
      %cond3A_18 = arith.cmpi ne, %convert_element_type3A_16, %cond3A_17 : i32
      scf.if %cond3A_18 {
        %dma_start3A_107 = arith.constant 9984 : i32
        %dma_start3A_108 = arith.constant 0 : i32
        %dma_start3A_109 = tpu.memref_slice %arg41[%dma_start3A_107, %dma_start3A_108] : memref<10000x128xf32, #tpu.memory_space<vmem_shared>> -> memref<16x128xf32, #tpu.memory_space<vmem_shared>>
        %dma_start3A_110 = arith.constant 9984 : i32
        %dma_start3A_111 = arith.constant 0 : i32
        %dma_start3A_112 = tpu.memref_slice %arg3[%dma_start3A_110, %dma_start3A_111] : memref<10000x128xf32, #tpu.memory_space<hbm>> -> memref<16x128xf32, #tpu.memory_space<hbm>>
        tpu.enqueue_dma source(%dma_start3A_112 : memref<16x128xf32, #tpu.memory_space<hbm>>) target(%dma_start3A_109 : memref<16x128xf32, #tpu.memory_space<vmem_shared>>) target_semaphore(%arg40 : memref<!tpu.dma_semaphore, #tpu.memory_space<semaphore_mem>>)
      } else {
      }
      %add3A_19 = arith.constant 0 : i32
      %add3A_20 = arith.addi %add3A_8, %add3A_19 : i32
      %dma_start3A_21 = tpu.memref_slice %arg4[%add3A_20] : memref<160000xi32, #tpu.memory_space<hbm>> -> memref<96xi32, #tpu.memory_space<hbm>>
      %dma_start3A_22 = tpu.memref_slice %arg4[%add3A_20] : memref<160000xi32, #tpu.memory_space<hbm>> -> memref<96xi32, #tpu.memory_space<hbm>>
      tpu.enqueue_dma source(%dma_start3A_22 : memref<96xi32, #tpu.memory_space<hbm>>) target(%arg8 : memref<96xi32, #tpu.memory_space<vmem>>) target_semaphore(%arg22 : memref<!tpu.dma_semaphore, #tpu.memory_space<semaphore_mem>>)
      %dma_start3A_23 = tpu.memref_slice %arg5[%add3A_20] : memref<160000xi32, #tpu.memory_space<hbm>> -> memref<96xi32, #tpu.memory_space<hbm>>
      %dma_start3A_24 = tpu.memref_slice %arg5[%add3A_20] : memref<160000xi32, #tpu.memory_space<hbm>> -> memref<96xi32, #tpu.memory_space<hbm>>
      tpu.enqueue_dma source(%dma_start3A_24 : memref<96xi32, #tpu.memory_space<hbm>>) target(%arg12 : memref<96xi32, #tpu.memory_space<vmem>>) target_semaphore(%arg26 : memref<!tpu.dma_semaphore, #tpu.memory_space<semaphore_mem>>)
      %add3A_25 = arith.constant 96 : i32
      %add3A_26 = arith.addi %add3A_8, %add3A_25 : i32
      %dma_start3A_27 = tpu.memref_slice %arg4[%add3A_26] : memref<160000xi32, #tpu.memory_space<hbm>> -> memref<96xi32, #tpu.memory_space<hbm>>
      %dma_start3A_28 = tpu.memref_slice %arg4[%add3A_26] : memref<160000xi32, #tpu.memory_space<hbm>> -> memref<96xi32, #tpu.memory_space<hbm>>
      tpu.enqueue_dma source(%dma_start3A_28 : memref<96xi32, #tpu.memory_space<hbm>>) target(%arg9 : memref<96xi32, #tpu.memory_space<vmem>>) target_semaphore(%arg23 : memref<!tpu.dma_semaphore, #tpu.memory_space<semaphore_mem>>)
      %dma_start3A_29 = tpu.memref_slice %arg5[%add3A_26] : memref<160000xi32, #tpu.memory_space<hbm>> -> memref<96xi32, #tpu.memory_space<hbm>>
      %dma_start3A_30 = tpu.memref_slice %arg5[%add3A_26] : memref<160000xi32, #tpu.memory_space<hbm>> -> memref<96xi32, #tpu.memory_space<hbm>>
      tpu.enqueue_dma source(%dma_start3A_30 : memref<96xi32, #tpu.memory_space<hbm>>) target(%arg13 : memref<96xi32, #tpu.memory_space<vmem>>) target_semaphore(%arg27 : memref<!tpu.dma_semaphore, #tpu.memory_space<semaphore_mem>>)
      %dma_wait3A = arith.constant 0 : i32
      %dma_wait3A_31 = tpu.memref_slice %arg4[%dma_wait3A] : memref<160000xi32, #tpu.memory_space<hbm>> -> memref<96xi32, #tpu.memory_space<hbm>>
      %dma_wait3A_32 = arith.constant 0 : i32
      %dma_wait3A_33 = tpu.memref_slice %arg4[%dma_wait3A_32] : memref<160000xi32, #tpu.memory_space<hbm>> -> memref<96xi32, #tpu.memory_space<hbm>>
      tpu.wait_dma2 semaphore(%arg22 : memref<!tpu.dma_semaphore, #tpu.memory_space<semaphore_mem>>) src(%dma_wait3A_33 : memref<96xi32, #tpu.memory_space<hbm>>) dst(%arg8 : memref<96xi32, #tpu.memory_space<vmem>>)
      %dma_start3A_34 = arith.constant 0 : i32
      %dma_start3A_35 = arith.constant 0 : i32
      %dma_start3A_36 = tpu.memref_slice %arg3[%dma_start3A_34, %dma_start3A_35] : memref<10000x128xf32, #tpu.memory_space<hbm>> -> memref<10000x128xf32, #tpu.memory_space<hbm>>
      tpu.enqueue_indirect_dma source(%dma_start3A_36 : memref<10000x128xf32, #tpu.memory_space<hbm>>) target(%arg18 : memref<96x128xf32, #tpu.memory_space<vmem>>) offsets(%arg8 : memref<96xi32, #tpu.memory_space<vmem>>) semaphore(%arg30 : memref<!tpu.dma_semaphore, #tpu.memory_space<semaphore_mem>>)
      %dma_wait3A_37 = arith.constant 0 : i32
      %dma_wait3A_38 = tpu.memref_slice %arg41[%mul3A_10, %dma_wait3A_37] : memref<10000x128xf32, #tpu.memory_space<vmem_shared>> -> memref<624x128xf32, #tpu.memory_space<vmem_shared>>
      %dma_wait3A_39 = arith.constant 0 : i32
      %dma_wait3A_40 = tpu.memref_slice %arg3[%mul3A_10, %dma_wait3A_39] : memref<10000x128xf32, #tpu.memory_space<hbm>> -> memref<624x128xf32, #tpu.memory_space<hbm>>
      tpu.wait_dma2 semaphore(%arg39 : memref<!tpu.dma_semaphore, #tpu.memory_space<semaphore_mem>>) src(%dma_wait3A_40 : memref<624x128xf32, #tpu.memory_space<hbm>>) dst(%dma_wait3A_38 : memref<624x128xf32, #tpu.memory_space<vmem_shared>>)
      %eq3A_41 = arith.constant 0 : i32
      %eq3A_42 = arith.cmpi eq, %arg1, %eq3A_41 : i32
      %convert_element_type3A_43 = arith.extui %eq3A_42 : i1 to i32
      %cond3A_44 = arith.constant 0 : i32
      %cond3A_45 = arith.cmpi ne, %convert_element_type3A_43, %cond3A_44 : i32
      scf.if %cond3A_45 {
        %dma_wait3A_107 = arith.constant 9984 : i32
        %dma_wait3A_108 = arith.constant 0 : i32
        %dma_wait3A_109 = tpu.memref_slice %arg41[%dma_wait3A_107, %dma_wait3A_108] : memref<10000x128xf32, #tpu.memory_space<vmem_shared>> -> memref<16x128xf32, #tpu.memory_space<vmem_shared>>
        %dma_wait3A_110 = arith.constant 9984 : i32
        %dma_wait3A_111 = arith.constant 0 : i32
        %dma_wait3A_112 = tpu.memref_slice %arg3[%dma_wait3A_110, %dma_wait3A_111] : memref<10000x128xf32, #tpu.memory_space<hbm>> -> memref<16x128xf32, #tpu.memory_space<hbm>>
        tpu.wait_dma2 semaphore(%arg40 : memref<!tpu.dma_semaphore, #tpu.memory_space<semaphore_mem>>) src(%dma_wait3A_112 : memref<16x128xf32, #tpu.memory_space<hbm>>) dst(%dma_wait3A_109 : memref<16x128xf32, #tpu.memory_space<vmem_shared>>)
      } else {
      }
      %barrier3A = arith.constant 0 : index
      tpu.barrier barrier_id(%barrier3A)
      %scan3A = arith.constant 0 : i32
      %scan3A_46 = arith.constant 0 : i32
      %scan3A_47 = arith.constant 26 : i32
      %scan3A_48 = arith.addi %scan3A_46, %scan3A_47 : i32
      %scan3A_49 = arith.constant 1 : i32
      scf.for %scan3A_107 = %scan3A_46 to %scan3A_48 step %scan3A_49  : i32 {
        %mul3A_108 = arith.constant 4 : i32
        %mul3A_109 = arith.muli %scan3A_107, %mul3A_108 : i32
        %add3A_110 = arith.constant 0 : i32
        %add3A_111 = arith.addi %mul3A_109, %add3A_110 : i32
        %add3A_112 = arith.constant 2 : i32
        %add3A_113 = arith.addi %add3A_111, %add3A_112 : i32
        %lt3A = arith.constant 104 : i32
        %lt3A_114 = arith.cmpi slt, %add3A_113, %lt3A : i32
        %convert_element_type3A_115 = arith.extui %lt3A_114 : i1 to i32
        %cond3A_116 = arith.constant 0 : i32
        %cond3A_117 = arith.cmpi ne, %convert_element_type3A_115, %cond3A_116 : i32
        scf.if %cond3A_117 {
          %ge3A = arith.constant 2 : i32
          %ge3A_226 = arith.cmpi sge, %add3A_111, %ge3A : i32
          %convert_element_type3A_227 = arith.extui %ge3A_226 : i1 to i32
          %cond3A_228 = arith.constant 0 : i32
          %cond3A_229 = arith.cmpi ne, %convert_element_type3A_227, %cond3A_228 : i32
          scf.if %cond3A_229 {
            %dma_wait3A_239 = arith.constant 0 : i32
            %dma_wait3A_240 = arith.constant 0 : i32
            %dma_wait3A_241 = tpu.memref_slice %arg41[%dma_wait3A_239, %dma_wait3A_240] : memref<10000x128xf32, #tpu.memory_space<vmem_shared>> -> memref<10000x128xf32, #tpu.memory_space<vmem_shared>>
            tpu.wait_indirect_dma semaphore(%arg36 : memref<!tpu.dma_semaphore, #tpu.memory_space<semaphore_mem>>) src(%arg20 : memref<96x128xf32, #tpu.memory_space<vmem>>) dst(%dma_wait3A_241 : memref<10000x128xf32, #tpu.memory_space<vmem_shared>>)
          } else {
          }
          %add3A_230 = arith.constant 2 : i32
          %add3A_231 = arith.addi %add3A_111, %add3A_230 : i32
          %mul3A_232 = arith.constant 96 : i32
          %mul3A_233 = arith.muli %add3A_231, %mul3A_232 : i32
          %add3A_234 = arith.addi %add3A_8, %mul3A_233 : i32
          %dma_start3A_235 = tpu.memref_slice %arg4[%add3A_234] : memref<160000xi32, #tpu.memory_space<hbm>> -> memref<96xi32, #tpu.memory_space<hbm>>
          %dma_start3A_236 = tpu.memref_slice %arg4[%add3A_234] : memref<160000xi32, #tpu.memory_space<hbm>> -> memref<96xi32, #tpu.memory_space<hbm>>
          tpu.enqueue_dma source(%dma_start3A_236 : memref<96xi32, #tpu.memory_space<hbm>>) target(%arg10 : memref<96xi32, #tpu.memory_space<vmem>>) target_semaphore(%arg24 : memref<!tpu.dma_semaphore, #tpu.memory_space<semaphore_mem>>)
          %dma_start3A_237 = tpu.memref_slice %arg5[%add3A_234] : memref<160000xi32, #tpu.memory_space<hbm>> -> memref<96xi32, #tpu.memory_space<hbm>>
          %dma_start3A_238 = tpu.memref_slice %arg5[%add3A_234] : memref<160000xi32, #tpu.memory_space<hbm>> -> memref<96xi32, #tpu.memory_space<hbm>>
          tpu.enqueue_dma source(%dma_start3A_238 : memref<96xi32, #tpu.memory_space<hbm>>) target(%arg14 : memref<96xi32, #tpu.memory_space<vmem>>) target_semaphore(%arg28 : memref<!tpu.dma_semaphore, #tpu.memory_space<semaphore_mem>>)
        } else {
        }
        %add3A_118 = arith.constant 2 : i32
        %add3A_119 = arith.addi %add3A_111, %add3A_118 : i32
        %sub3A = arith.constant 1 : i32
        %sub3A_120 = arith.subi %add3A_119, %sub3A : i32
        %lt3A_121 = arith.constant 104 : i32
        %lt3A_122 = arith.cmpi slt, %sub3A_120, %lt3A_121 : i32
        %convert_element_type3A_123 = arith.extui %lt3A_122 : i1 to i32
        %cond3A_124 = arith.constant 0 : i32
        %cond3A_125 = arith.cmpi ne, %convert_element_type3A_123, %cond3A_124 : i32
        scf.if %cond3A_125 {
          %dma_wait3A_226 = arith.constant 0 : i32
          %dma_wait3A_227 = tpu.memref_slice %arg4[%dma_wait3A_226] : memref<160000xi32, #tpu.memory_space<hbm>> -> memref<96xi32, #tpu.memory_space<hbm>>
          %dma_wait3A_228 = arith.constant 0 : i32
          %dma_wait3A_229 = tpu.memref_slice %arg4[%dma_wait3A_228] : memref<160000xi32, #tpu.memory_space<hbm>> -> memref<96xi32, #tpu.memory_space<hbm>>
          tpu.wait_dma2 semaphore(%arg23 : memref<!tpu.dma_semaphore, #tpu.memory_space<semaphore_mem>>) src(%dma_wait3A_229 : memref<96xi32, #tpu.memory_space<hbm>>) dst(%arg9 : memref<96xi32, #tpu.memory_space<vmem>>)
          %dma_start3A_230 = arith.constant 0 : i32
          %dma_start3A_231 = arith.constant 0 : i32
          %dma_start3A_232 = tpu.memref_slice %arg3[%dma_start3A_230, %dma_start3A_231] : memref<10000x128xf32, #tpu.memory_space<hbm>> -> memref<10000x128xf32, #tpu.memory_space<hbm>>
          tpu.enqueue_indirect_dma source(%dma_start3A_232 : memref<10000x128xf32, #tpu.memory_space<hbm>>) target(%arg19 : memref<96x128xf32, #tpu.memory_space<vmem>>) offsets(%arg9 : memref<96xi32, #tpu.memory_space<vmem>>) semaphore(%arg31 : memref<!tpu.dma_semaphore, #tpu.memory_space<semaphore_mem>>)
        } else {
        }
        %dma_wait3A_126 = arith.constant 0 : i32
        %dma_wait3A_127 = arith.constant 0 : i32
        %dma_wait3A_128 = tpu.memref_slice %arg3[%dma_wait3A_126, %dma_wait3A_127] : memref<10000x128xf32, #tpu.memory_space<hbm>> -> memref<10000x128xf32, #tpu.memory_space<hbm>>
        tpu.wait_indirect_dma semaphore(%arg30 : memref<!tpu.dma_semaphore, #tpu.memory_space<semaphore_mem>>) src(%dma_wait3A_128 : memref<10000x128xf32, #tpu.memory_space<hbm>>) dst(%arg18 : memref<96x128xf32, #tpu.memory_space<vmem>>)
        %dma_wait3A_129 = arith.constant 0 : i32
        %dma_wait3A_130 = tpu.memref_slice %arg5[%dma_wait3A_129] : memref<160000xi32, #tpu.memory_space<hbm>> -> memref<96xi32, #tpu.memory_space<hbm>>
        %dma_wait3A_131 = arith.constant 0 : i32
        %dma_wait3A_132 = tpu.memref_slice %arg5[%dma_wait3A_131] : memref<160000xi32, #tpu.memory_space<hbm>> -> memref<96xi32, #tpu.memory_space<hbm>>
        tpu.wait_dma2 semaphore(%arg26 : memref<!tpu.dma_semaphore, #tpu.memory_space<semaphore_mem>>) src(%dma_wait3A_132 : memref<96xi32, #tpu.memory_space<hbm>>) dst(%arg12 : memref<96xi32, #tpu.memory_space<vmem>>)
        %dma_start3A_133 = arith.constant 0 : i32
        %dma_start3A_134 = arith.constant 0 : i32
        %dma_start3A_135 = tpu.memref_slice %arg41[%dma_start3A_133, %dma_start3A_134] : memref<10000x128xf32, #tpu.memory_space<vmem_shared>> -> memref<10000x128xf32, #tpu.memory_space<vmem_shared>>
        tpu.enqueue_indirect_dma source(%arg18 : memref<96x128xf32, #tpu.memory_space<vmem>>) target(%dma_start3A_135 : memref<10000x128xf32, #tpu.memory_space<vmem_shared>>) offsets(%arg12 : memref<96xi32, #tpu.memory_space<vmem>>) semaphore(%arg34 : memref<!tpu.dma_semaphore, #tpu.memory_space<semaphore_mem>>) {add = true}
        %mul3A_136 = arith.constant 4 : i32
        %mul3A_137 = arith.muli %scan3A_107, %mul3A_136 : i32
        %add3A_138 = arith.constant 1 : i32
        %add3A_139 = arith.addi %mul3A_137, %add3A_138 : i32
        %add3A_140 = arith.constant 2 : i32
        %add3A_141 = arith.addi %add3A_139, %add3A_140 : i32
        %lt3A_142 = arith.constant 104 : i32
        %lt3A_143 = arith.cmpi slt, %add3A_141, %lt3A_142 : i32
        %convert_element_type3A_144 = arith.extui %lt3A_143 : i1 to i32
        %cond3A_145 = arith.constant 0 : i32
        %cond3A_146 = arith.cmpi ne, %convert_element_type3A_144, %cond3A_145 : i32
        scf.if %cond3A_146 {
          %ge3A = arith.constant 2 : i32
          %ge3A_226 = arith.cmpi sge, %add3A_139, %ge3A : i32
          %convert_element_type3A_227 = arith.extui %ge3A_226 : i1 to i32
          %cond3A_228 = arith.constant 0 : i32
          %cond3A_229 = arith.cmpi ne, %convert_element_type3A_227, %cond3A_228 : i32
          scf.if %cond3A_229 {
            %dma_wait3A_239 = arith.constant 0 : i32
            %dma_wait3A_240 = arith.constant 0 : i32
            %dma_wait3A_241 = tpu.memref_slice %arg41[%dma_wait3A_239, %dma_wait3A_240] : memref<10000x128xf32, #tpu.memory_space<vmem_shared>> -> memref<10000x128xf32, #tpu.memory_space<vmem_shared>>
            tpu.wait_indirect_dma semaphore(%arg37 : memref<!tpu.dma_semaphore, #tpu.memory_space<semaphore_mem>>) src(%arg21 : memref<96x128xf32, #tpu.memory_space<vmem>>) dst(%dma_wait3A_241 : memref<10000x128xf32, #tpu.memory_space<vmem_shared>>)
          } else {
          }
          %add3A_230 = arith.constant 2 : i32
          %add3A_231 = arith.addi %add3A_139, %add3A_230 : i32
          %mul3A_232 = arith.constant 96 : i32
          %mul3A_233 = arith.muli %add3A_231, %mul3A_232 : i32
          %add3A_234 = arith.addi %add3A_8, %mul3A_233 : i32
          %dma_start3A_235 = tpu.memref_slice %arg4[%add3A_234] : memref<160000xi32, #tpu.memory_space<hbm>> -> memref<96xi32, #tpu.memory_space<hbm>>
          %dma_start3A_236 = tpu.memref_slice %arg4[%add3A_234] : memref<160000xi32, #tpu.memory_space<hbm>> -> memref<96xi32, #tpu.memory_space<hbm>>
          tpu.enqueue_dma source(%dma_start3A_236 : memref<96xi32, #tpu.memory_space<hbm>>) target(%arg11 : memref<96xi32, #tpu.memory_space<vmem>>) target_semaphore(%arg25 : memref<!tpu.dma_semaphore, #tpu.memory_space<semaphore_mem>>)
          %dma_start3A_237 = tpu.memref_slice %arg5[%add3A_234] : memref<160000xi32, #tpu.memory_space<hbm>> -> memref<96xi32, #tpu.memory_space<hbm>>
          %dma_start3A_238 = tpu.memref_slice %arg5[%add3A_234] : memref<160000xi32, #tpu.memory_space<hbm>> -> memref<96xi32, #tpu.memory_space<hbm>>
          tpu.enqueue_dma source(%dma_start3A_238 : memref<96xi32, #tpu.memory_space<hbm>>) target(%arg15 : memref<96xi32, #tpu.memory_space<vmem>>) target_semaphore(%arg29 : memref<!tpu.dma_semaphore, #tpu.memory_space<semaphore_mem>>)
        } else {
        }
        %add3A_147 = arith.constant 2 : i32
        %add3A_148 = arith.addi %add3A_139, %add3A_147 : i32
        %sub3A_149 = arith.constant 1 : i32
        %sub3A_150 = arith.subi %add3A_148, %sub3A_149 : i32
        %lt3A_151 = arith.constant 104 : i32
        %lt3A_152 = arith.cmpi slt, %sub3A_150, %lt3A_151 : i32
        %convert_element_type3A_153 = arith.extui %lt3A_152 : i1 to i32
        %cond3A_154 = arith.constant 0 : i32
        %cond3A_155 = arith.cmpi ne, %convert_element_type3A_153, %cond3A_154 : i32
        scf.if %cond3A_155 {
          %dma_wait3A_226 = arith.constant 0 : i32
          %dma_wait3A_227 = tpu.memref_slice %arg4[%dma_wait3A_226] : memref<160000xi32, #tpu.memory_space<hbm>> -> memref<96xi32, #tpu.memory_space<hbm>>
          %dma_wait3A_228 = arith.constant 0 : i32
          %dma_wait3A_229 = tpu.memref_slice %arg4[%dma_wait3A_228] : memref<160000xi32, #tpu.memory_space<hbm>> -> memref<96xi32, #tpu.memory_space<hbm>>
          tpu.wait_dma2 semaphore(%arg24 : memref<!tpu.dma_semaphore, #tpu.memory_space<semaphore_mem>>) src(%dma_wait3A_229 : memref<96xi32, #tpu.memory_space<hbm>>) dst(%arg10 : memref<96xi32, #tpu.memory_space<vmem>>)
          %dma_start3A_230 = arith.constant 0 : i32
          %dma_start3A_231 = arith.constant 0 : i32
          %dma_start3A_232 = tpu.memref_slice %arg3[%dma_start3A_230, %dma_start3A_231] : memref<10000x128xf32, #tpu.memory_space<hbm>> -> memref<10000x128xf32, #tpu.memory_space<hbm>>
          tpu.enqueue_indirect_dma source(%dma_start3A_232 : memref<10000x128xf32, #tpu.memory_space<hbm>>) target(%arg20 : memref<96x128xf32, #tpu.memory_space<vmem>>) offsets(%arg10 : memref<96xi32, #tpu.memory_space<vmem>>) semaphore(%arg32 : memref<!tpu.dma_semaphore, #tpu.memory_space<semaphore_mem>>)
        } else {
        }
        %dma_wait3A_156 = arith.constant 0 : i32
        %dma_wait3A_157 = arith.constant 0 : i32
        %dma_wait3A_158 = tpu.memref_slice %arg3[%dma_wait3A_156, %dma_wait3A_157] : memref<10000x128xf32, #tpu.memory_space<hbm>> -> memref<10000x128xf32, #tpu.memory_space<hbm>>
        tpu.wait_indirect_dma semaphore(%arg31 : memref<!tpu.dma_semaphore, #tpu.memory_space<semaphore_mem>>) src(%dma_wait3A_158 : memref<10000x128xf32, #tpu.memory_space<hbm>>) dst(%arg19 : memref<96x128xf32, #tpu.memory_space<vmem>>)
        %dma_wait3A_159 = arith.constant 0 : i32
        %dma_wait3A_160 = tpu.memref_slice %arg5[%dma_wait3A_159] : memref<160000xi32, #tpu.memory_space<hbm>> -> memref<96xi32, #tpu.memory_space<hbm>>
        %dma_wait3A_161 = arith.constant 0 : i32
        %dma_wait3A_162 = tpu.memref_slice %arg5[%dma_wait3A_161] : memref<160000xi32, #tpu.memory_space<hbm>> -> memref<96xi32, #tpu.memory_space<hbm>>
        tpu.wait_dma2 semaphore(%arg27 : memref<!tpu.dma_semaphore, #tpu.memory_space<semaphore_mem>>) src(%dma_wait3A_162 : memref<96xi32, #tpu.memory_space<hbm>>) dst(%arg13 : memref<96xi32, #tpu.memory_space<vmem>>)
        %dma_start3A_163 = arith.constant 0 : i32
        %dma_start3A_164 = arith.constant 0 : i32
        %dma_start3A_165 = tpu.memref_slice %arg41[%dma_start3A_163, %dma_start3A_164] : memref<10000x128xf32, #tpu.memory_space<vmem_shared>> -> memref<10000x128xf32, #tpu.memory_space<vmem_shared>>
        tpu.enqueue_indirect_dma source(%arg19 : memref<96x128xf32, #tpu.memory_space<vmem>>) target(%dma_start3A_165 : memref<10000x128xf32, #tpu.memory_space<vmem_shared>>) offsets(%arg13 : memref<96xi32, #tpu.memory_space<vmem>>) semaphore(%arg35 : memref<!tpu.dma_semaphore, #tpu.memory_space<semaphore_mem>>) {add = true}
        %mul3A_166 = arith.constant 4 : i32
        %mul3A_167 = arith.muli %scan3A_107, %mul3A_166 : i32
        %add3A_168 = arith.constant 2 : i32
        %add3A_169 = arith.addi %mul3A_167, %add3A_168 : i32
        %add3A_170 = arith.constant 2 : i32
        %add3A_171 = arith.addi %add3A_169, %add3A_170 : i32
        %lt3A_172 = arith.constant 104 : i32
        %lt3A_173 = arith.cmpi slt, %add3A_171, %lt3A_172 : i32
        %convert_element_type3A_174 = arith.extui %lt3A_173 : i1 to i32
        %cond3A_175 = arith.constant 0 : i32
        %cond3A_176 = arith.cmpi ne, %convert_element_type3A_174, %cond3A_175 : i32
        scf.if %cond3A_176 {
          %ge3A = arith.constant 2 : i32
          %ge3A_226 = arith.cmpi sge, %add3A_169, %ge3A : i32
          %convert_element_type3A_227 = arith.extui %ge3A_226 : i1 to i32
          %cond3A_228 = arith.constant 0 : i32
          %cond3A_229 = arith.cmpi ne, %convert_element_type3A_227, %cond3A_228 : i32
          scf.if %cond3A_229 {
            %dma_wait3A_239 = arith.constant 0 : i32
            %dma_wait3A_240 = arith.constant 0 : i32
            %dma_wait3A_241 = tpu.memref_slice %arg41[%dma_wait3A_239, %dma_wait3A_240] : memref<10000x128xf32, #tpu.memory_space<vmem_shared>> -> memref<10000x128xf32, #tpu.memory_space<vmem_shared>>
            tpu.wait_indirect_dma semaphore(%arg34 : memref<!tpu.dma_semaphore, #tpu.memory_space<semaphore_mem>>) src(%arg18 : memref<96x128xf32, #tpu.memory_space<vmem>>) dst(%dma_wait3A_241 : memref<10000x128xf32, #tpu.memory_space<vmem_shared>>)
          } else {
          }
          %add3A_230 = arith.constant 2 : i32
          %add3A_231 = arith.addi %add3A_169, %add3A_230 : i32
          %mul3A_232 = arith.constant 96 : i32
          %mul3A_233 = arith.muli %add3A_231, %mul3A_232 : i32
          %add3A_234 = arith.addi %add3A_8, %mul3A_233 : i32
          %dma_start3A_235 = tpu.memref_slice %arg4[%add3A_234] : memref<160000xi32, #tpu.memory_space<hbm>> -> memref<96xi32, #tpu.memory_space<hbm>>
          %dma_start3A_236 = tpu.memref_slice %arg4[%add3A_234] : memref<160000xi32, #tpu.memory_space<hbm>> -> memref<96xi32, #tpu.memory_space<hbm>>
          tpu.enqueue_dma source(%dma_start3A_236 : memref<96xi32, #tpu.memory_space<hbm>>) target(%arg8 : memref<96xi32, #tpu.memory_space<vmem>>) target_semaphore(%arg22 : memref<!tpu.dma_semaphore, #tpu.memory_space<semaphore_mem>>)
          %dma_start3A_237 = tpu.memref_slice %arg5[%add3A_234] : memref<160000xi32, #tpu.memory_space<hbm>> -> memref<96xi32, #tpu.memory_space<hbm>>
          %dma_start3A_238 = tpu.memref_slice %arg5[%add3A_234] : memref<160000xi32, #tpu.memory_space<hbm>> -> memref<96xi32, #tpu.memory_space<hbm>>
          tpu.enqueue_dma source(%dma_start3A_238 : memref<96xi32, #tpu.memory_space<hbm>>) target(%arg12 : memref<96xi32, #tpu.memory_space<vmem>>) target_semaphore(%arg26 : memref<!tpu.dma_semaphore, #tpu.memory_space<semaphore_mem>>)
        } else {
        }
        %add3A_177 = arith.constant 2 : i32
        %add3A_178 = arith.addi %add3A_169, %add3A_177 : i32
        %sub3A_179 = arith.constant 1 : i32
        %sub3A_180 = arith.subi %add3A_178, %sub3A_179 : i32
        %lt3A_181 = arith.constant 104 : i32
        %lt3A_182 = arith.cmpi slt, %sub3A_180, %lt3A_181 : i32
        %convert_element_type3A_183 = arith.extui %lt3A_182 : i1 to i32
        %cond3A_184 = arith.constant 0 : i32
        %cond3A_185 = arith.cmpi ne, %convert_element_type3A_183, %cond3A_184 : i32
        scf.if %cond3A_185 {
          %dma_wait3A_226 = arith.constant 0 : i32
          %dma_wait3A_227 = tpu.memref_slice %arg4[%dma_wait3A_226] : memref<160000xi32, #tpu.memory_space<hbm>> -> memref<96xi32, #tpu.memory_space<hbm>>
          %dma_wait3A_228 = arith.constant 0 : i32
          %dma_wait3A_229 = tpu.memref_slice %arg4[%dma_wait3A_228] : memref<160000xi32, #tpu.memory_space<hbm>> -> memref<96xi32, #tpu.memory_space<hbm>>
          tpu.wait_dma2 semaphore(%arg25 : memref<!tpu.dma_semaphore, #tpu.memory_space<semaphore_mem>>) src(%dma_wait3A_229 : memref<96xi32, #tpu.memory_space<hbm>>) dst(%arg11 : memref<96xi32, #tpu.memory_space<vmem>>)
          %dma_start3A_230 = arith.constant 0 : i32
          %dma_start3A_231 = arith.constant 0 : i32
          %dma_start3A_232 = tpu.memref_slice %arg3[%dma_start3A_230, %dma_start3A_231] : memref<10000x128xf32, #tpu.memory_space<hbm>> -> memref<10000x128xf32, #tpu.memory_space<hbm>>
          tpu.enqueue_indirect_dma source(%dma_start3A_232 : memref<10000x128xf32, #tpu.memory_space<hbm>>) target(%arg21 : memref<96x128xf32, #tpu.memory_space<vmem>>) offsets(%arg11 : memref<96xi32, #tpu.memory_space<vmem>>) semaphore(%arg33 : memref<!tpu.dma_semaphore, #tpu.memory_space<semaphore_mem>>)
        } else {
        }
        %dma_wait3A_186 = arith.constant 0 : i32
        %dma_wait3A_187 = arith.constant 0 : i32
        %dma_wait3A_188 = tpu.memref_slice %arg3[%dma_wait3A_186, %dma_wait3A_187] : memref<10000x128xf32, #tpu.memory_space<hbm>> -> memref<10000x128xf32, #tpu.memory_space<hbm>>
        tpu.wait_indirect_dma semaphore(%arg32 : memref<!tpu.dma_semaphore, #tpu.memory_space<semaphore_mem>>) src(%dma_wait3A_188 : memref<10000x128xf32, #tpu.memory_space<hbm>>) dst(%arg20 : memref<96x128xf32, #tpu.memory_space<vmem>>)
        %dma_wait3A_189 = arith.constant 0 : i32
        %dma_wait3A_190 = tpu.memref_slice %arg5[%dma_wait3A_189] : memref<160000xi32, #tpu.memory_space<hbm>> -> memref<96xi32, #tpu.memory_space<hbm>>
        %dma_wait3A_191 = arith.constant 0 : i32
        %dma_wait3A_192 = tpu.memref_slice %arg5[%dma_wait3A_191] : memref<160000xi32, #tpu.memory_space<hbm>> -> memref<96xi32, #tpu.memory_space<hbm>>
        tpu.wait_dma2 semaphore(%arg28 : memref<!tpu.dma_semaphore, #tpu.memory_space<semaphore_mem>>) src(%dma_wait3A_192 : memref<96xi32, #tpu.memory_space<hbm>>) dst(%arg14 : memref<96xi32, #tpu.memory_space<vmem>>)
        %dma_start3A_193 = arith.constant 0 : i32
        %dma_start3A_194 = arith.constant 0 : i32
        %dma_start3A_195 = tpu.memref_slice %arg41[%dma_start3A_193, %dma_start3A_194] : memref<10000x128xf32, #tpu.memory_space<vmem_shared>> -> memref<10000x128xf32, #tpu.memory_space<vmem_shared>>
        tpu.enqueue_indirect_dma source(%arg20 : memref<96x128xf32, #tpu.memory_space<vmem>>) target(%dma_start3A_195 : memref<10000x128xf32, #tpu.memory_space<vmem_shared>>) offsets(%arg14 : memref<96xi32, #tpu.memory_space<vmem>>) semaphore(%arg36 : memref<!tpu.dma_semaphore, #tpu.memory_space<semaphore_mem>>) {add = true}
        %mul3A_196 = arith.constant 4 : i32
        %mul3A_197 = arith.muli %scan3A_107, %mul3A_196 : i32
        %add3A_198 = arith.constant 3 : i32
        %add3A_199 = arith.addi %mul3A_197, %add3A_198 : i32
        %add3A_200 = arith.constant 2 : i32
        %add3A_201 = arith.addi %add3A_199, %add3A_200 : i32
        %lt3A_202 = arith.constant 104 : i32
        %lt3A_203 = arith.cmpi slt, %add3A_201, %lt3A_202 : i32
        %convert_element_type3A_204 = arith.extui %lt3A_203 : i1 to i32
        %cond3A_205 = arith.constant 0 : i32
        %cond3A_206 = arith.cmpi ne, %convert_element_type3A_204, %cond3A_205 : i32
        scf.if %cond3A_206 {
          %ge3A = arith.constant 2 : i32
          %ge3A_226 = arith.cmpi sge, %add3A_199, %ge3A : i32
          %convert_element_type3A_227 = arith.extui %ge3A_226 : i1 to i32
          %cond3A_228 = arith.constant 0 : i32
          %cond3A_229 = arith.cmpi ne, %convert_element_type3A_227, %cond3A_228 : i32
          scf.if %cond3A_229 {
            %dma_wait3A_239 = arith.constant 0 : i32
            %dma_wait3A_240 = arith.constant 0 : i32
            %dma_wait3A_241 = tpu.memref_slice %arg41[%dma_wait3A_239, %dma_wait3A_240] : memref<10000x128xf32, #tpu.memory_space<vmem_shared>> -> memref<10000x128xf32, #tpu.memory_space<vmem_shared>>
            tpu.wait_indirect_dma semaphore(%arg35 : memref<!tpu.dma_semaphore, #tpu.memory_space<semaphore_mem>>) src(%arg19 : memref<96x128xf32, #tpu.memory_space<vmem>>) dst(%dma_wait3A_241 : memref<10000x128xf32, #tpu.memory_space<vmem_shared>>)
          } else {
          }
          %add3A_230 = arith.constant 2 : i32
          %add3A_231 = arith.addi %add3A_199, %add3A_230 : i32
          %mul3A_232 = arith.constant 96 : i32
          %mul3A_233 = arith.muli %add3A_231, %mul3A_232 : i32
          %add3A_234 = arith.addi %add3A_8, %mul3A_233 : i32
          %dma_start3A_235 = tpu.memref_slice %arg4[%add3A_234] : memref<160000xi32, #tpu.memory_space<hbm>> -> memref<96xi32, #tpu.memory_space<hbm>>
          %dma_start3A_236 = tpu.memref_slice %arg4[%add3A_234] : memref<160000xi32, #tpu.memory_space<hbm>> -> memref<96xi32, #tpu.memory_space<hbm>>
          tpu.enqueue_dma source(%dma_start3A_236 : memref<96xi32, #tpu.memory_space<hbm>>) target(%arg9 : memref<96xi32, #tpu.memory_space<vmem>>) target_semaphore(%arg23 : memref<!tpu.dma_semaphore, #tpu.memory_space<semaphore_mem>>)
          %dma_start3A_237 = tpu.memref_slice %arg5[%add3A_234] : memref<160000xi32, #tpu.memory_space<hbm>> -> memref<96xi32, #tpu.memory_space<hbm>>
          %dma_start3A_238 = tpu.memref_slice %arg5[%add3A_234] : memref<160000xi32, #tpu.memory_space<hbm>> -> memref<96xi32, #tpu.memory_space<hbm>>
          tpu.enqueue_dma source(%dma_start3A_238 : memref<96xi32, #tpu.memory_space<hbm>>) target(%arg13 : memref<96xi32, #tpu.memory_space<vmem>>) target_semaphore(%arg27 : memref<!tpu.dma_semaphore, #tpu.memory_space<semaphore_mem>>)
        } else {
        }
        %add3A_207 = arith.constant 2 : i32
        %add3A_208 = arith.addi %add3A_199, %add3A_207 : i32
        %sub3A_209 = arith.constant 1 : i32
        %sub3A_210 = arith.subi %add3A_208, %sub3A_209 : i32
        %lt3A_211 = arith.constant 104 : i32
        %lt3A_212 = arith.cmpi slt, %sub3A_210, %lt3A_211 : i32
        %convert_element_type3A_213 = arith.extui %lt3A_212 : i1 to i32
        %cond3A_214 = arith.constant 0 : i32
        %cond3A_215 = arith.cmpi ne, %convert_element_type3A_213, %cond3A_214 : i32
        scf.if %cond3A_215 {
          %dma_wait3A_226 = arith.constant 0 : i32
          %dma_wait3A_227 = tpu.memref_slice %arg4[%dma_wait3A_226] : memref<160000xi32, #tpu.memory_space<hbm>> -> memref<96xi32, #tpu.memory_space<hbm>>
          %dma_wait3A_228 = arith.constant 0 : i32
          %dma_wait3A_229 = tpu.memref_slice %arg4[%dma_wait3A_228] : memref<160000xi32, #tpu.memory_space<hbm>> -> memref<96xi32, #tpu.memory_space<hbm>>
          tpu.wait_dma2 semaphore(%arg22 : memref<!tpu.dma_semaphore, #tpu.memory_space<semaphore_mem>>) src(%dma_wait3A_229 : memref<96xi32, #tpu.memory_space<hbm>>) dst(%arg8 : memref<96xi32, #tpu.memory_space<vmem>>)
          %dma_start3A_230 = arith.constant 0 : i32
          %dma_start3A_231 = arith.constant 0 : i32
          %dma_start3A_232 = tpu.memref_slice %arg3[%dma_start3A_230, %dma_start3A_231] : memref<10000x128xf32, #tpu.memory_space<hbm>> -> memref<10000x128xf32, #tpu.memory_space<hbm>>
          tpu.enqueue_indirect_dma source(%dma_start3A_232 : memref<10000x128xf32, #tpu.memory_space<hbm>>) target(%arg18 : memref<96x128xf32, #tpu.memory_space<vmem>>) offsets(%arg8 : memref<96xi32, #tpu.memory_space<vmem>>) semaphore(%arg30 : memref<!tpu.dma_semaphore, #tpu.memory_space<semaphore_mem>>)
        } else {
        }
        %dma_wait3A_216 = arith.constant 0 : i32
        %dma_wait3A_217 = arith.constant 0 : i32
        %dma_wait3A_218 = tpu.memref_slice %arg3[%dma_wait3A_216, %dma_wait3A_217] : memref<10000x128xf32, #tpu.memory_space<hbm>> -> memref<10000x128xf32, #tpu.memory_space<hbm>>
        tpu.wait_indirect_dma semaphore(%arg33 : memref<!tpu.dma_semaphore, #tpu.memory_space<semaphore_mem>>) src(%dma_wait3A_218 : memref<10000x128xf32, #tpu.memory_space<hbm>>) dst(%arg21 : memref<96x128xf32, #tpu.memory_space<vmem>>)
        %dma_wait3A_219 = arith.constant 0 : i32
        %dma_wait3A_220 = tpu.memref_slice %arg5[%dma_wait3A_219] : memref<160000xi32, #tpu.memory_space<hbm>> -> memref<96xi32, #tpu.memory_space<hbm>>
        %dma_wait3A_221 = arith.constant 0 : i32
        %dma_wait3A_222 = tpu.memref_slice %arg5[%dma_wait3A_221] : memref<160000xi32, #tpu.memory_space<hbm>> -> memref<96xi32, #tpu.memory_space<hbm>>
        tpu.wait_dma2 semaphore(%arg29 : memref<!tpu.dma_semaphore, #tpu.memory_space<semaphore_mem>>) src(%dma_wait3A_222 : memref<96xi32, #tpu.memory_space<hbm>>) dst(%arg15 : memref<96xi32, #tpu.memory_space<vmem>>)
        %dma_start3A_223 = arith.constant 0 : i32
        %dma_start3A_224 = arith.constant 0 : i32
        %dma_start3A_225 = tpu.memref_slice %arg41[%dma_start3A_223, %dma_start3A_224] : memref<10000x128xf32, #tpu.memory_space<vmem_shared>> -> memref<10000x128xf32, #tpu.memory_space<vmem_shared>>
        tpu.enqueue_indirect_dma source(%arg21 : memref<96x128xf32, #tpu.memory_space<vmem>>) target(%dma_start3A_225 : memref<10000x128xf32, #tpu.memory_space<vmem_shared>>) offsets(%arg15 : memref<96xi32, #tpu.memory_space<vmem>>) semaphore(%arg37 : memref<!tpu.dma_semaphore, #tpu.memory_space<semaphore_mem>>) {add = true}
      }
      %scan3A_50 = arith.constant 26 : i32
      %add3A_51 = arith.constant 9984 : i32
      %add3A_52 = arith.addi %add3A_8, %add3A_51 : i32
      %dma_wait3A_53 = arith.constant 0 : i32
      %dma_wait3A_54 = arith.constant 0 : i32
      %dma_wait3A_55 = tpu.memref_slice %arg41[%dma_wait3A_53, %dma_wait3A_54] : memref<10000x128xf32, #tpu.memory_space<vmem_shared>> -> memref<10000x128xf32, #tpu.memory_space<vmem_shared>>
      tpu.wait_indirect_dma semaphore(%arg34 : memref<!tpu.dma_semaphore, #tpu.memory_space<semaphore_mem>>) src(%arg18 : memref<96x128xf32, #tpu.memory_space<vmem>>) dst(%dma_wait3A_55 : memref<10000x128xf32, #tpu.memory_space<vmem_shared>>)
      %dma_start3A_56 = tpu.memref_slice %arg4[%add3A_52] : memref<160000xi32, #tpu.memory_space<hbm>> -> memref<16xi32, #tpu.memory_space<hbm>>
      %dma_start3A_57 = tpu.memref_slice %arg4[%add3A_52] : memref<160000xi32, #tpu.memory_space<hbm>> -> memref<16xi32, #tpu.memory_space<hbm>>
      tpu.enqueue_dma source(%dma_start3A_57 : memref<16xi32, #tpu.memory_space<hbm>>) target(%arg16 : memref<16xi32, #tpu.memory_space<vmem>>) target_semaphore(%arg22 : memref<!tpu.dma_semaphore, #tpu.memory_space<semaphore_mem>>)
      %dma_start3A_58 = tpu.memref_slice %arg5[%add3A_52] : memref<160000xi32, #tpu.memory_space<hbm>> -> memref<16xi32, #tpu.memory_space<hbm>>
      %dma_start3A_59 = tpu.memref_slice %arg5[%add3A_52] : memref<160000xi32, #tpu.memory_space<hbm>> -> memref<16xi32, #tpu.memory_space<hbm>>
      tpu.enqueue_dma source(%dma_start3A_59 : memref<16xi32, #tpu.memory_space<hbm>>) target(%arg17 : memref<16xi32, #tpu.memory_space<vmem>>) target_semaphore(%arg26 : memref<!tpu.dma_semaphore, #tpu.memory_space<semaphore_mem>>)
      %dma_wait3A_60 = arith.constant 0 : i32
      %dma_wait3A_61 = tpu.memref_slice %arg4[%dma_wait3A_60] : memref<160000xi32, #tpu.memory_space<hbm>> -> memref<16xi32, #tpu.memory_space<hbm>>
      %dma_wait3A_62 = arith.constant 0 : i32
      %dma_wait3A_63 = tpu.memref_slice %arg4[%dma_wait3A_62] : memref<160000xi32, #tpu.memory_space<hbm>> -> memref<16xi32, #tpu.memory_space<hbm>>
      tpu.wait_dma2 semaphore(%arg22 : memref<!tpu.dma_semaphore, #tpu.memory_space<semaphore_mem>>) src(%dma_wait3A_63 : memref<16xi32, #tpu.memory_space<hbm>>) dst(%arg16 : memref<16xi32, #tpu.memory_space<vmem>>)
      %dma_start3A_64 = arith.constant 0 : i32
      %dma_start3A_65 = arith.constant 0 : i32
      %dma_start3A_66 = tpu.memref_slice %arg18[%dma_start3A_64, %dma_start3A_65] : memref<96x128xf32, #tpu.memory_space<vmem>> -> memref<16x128xf32, #tpu.memory_space<vmem>>
      %dma_start3A_67 = arith.constant 0 : i32
      %dma_start3A_68 = arith.constant 0 : i32
      %dma_start3A_69 = tpu.memref_slice %arg3[%dma_start3A_67, %dma_start3A_68] : memref<10000x128xf32, #tpu.memory_space<hbm>> -> memref<10000x128xf32, #tpu.memory_space<hbm>>
      tpu.enqueue_indirect_dma source(%dma_start3A_69 : memref<10000x128xf32, #tpu.memory_space<hbm>>) target(%dma_start3A_66 : memref<16x128xf32, #tpu.memory_space<vmem>>) offsets(%arg16 : memref<16xi32, #tpu.memory_space<vmem>>) semaphore(%arg38 : memref<!tpu.dma_semaphore, #tpu.memory_space<semaphore_mem>>)
      %dma_wait3A_70 = arith.constant 0 : i32
      %dma_wait3A_71 = arith.constant 0 : i32
      %dma_wait3A_72 = tpu.memref_slice %arg18[%dma_wait3A_70, %dma_wait3A_71] : memref<96x128xf32, #tpu.memory_space<vmem>> -> memref<16x128xf32, #tpu.memory_space<vmem>>
      %dma_wait3A_73 = arith.constant 0 : i32
      %dma_wait3A_74 = arith.constant 0 : i32
      %dma_wait3A_75 = tpu.memref_slice %arg3[%dma_wait3A_73, %dma_wait3A_74] : memref<10000x128xf32, #tpu.memory_space<hbm>> -> memref<10000x128xf32, #tpu.memory_space<hbm>>
      tpu.wait_indirect_dma semaphore(%arg38 : memref<!tpu.dma_semaphore, #tpu.memory_space<semaphore_mem>>) src(%dma_wait3A_75 : memref<10000x128xf32, #tpu.memory_space<hbm>>) dst(%dma_wait3A_72 : memref<16x128xf32, #tpu.memory_space<vmem>>)
      %dma_wait3A_76 = arith.constant 0 : i32
      %dma_wait3A_77 = tpu.memref_slice %arg5[%dma_wait3A_76] : memref<160000xi32, #tpu.memory_space<hbm>> -> memref<16xi32, #tpu.memory_space<hbm>>
      %dma_wait3A_78 = arith.constant 0 : i32
      %dma_wait3A_79 = tpu.memref_slice %arg5[%dma_wait3A_78] : memref<160000xi32, #tpu.memory_space<hbm>> -> memref<16xi32, #tpu.memory_space<hbm>>
      tpu.wait_dma2 semaphore(%arg26 : memref<!tpu.dma_semaphore, #tpu.memory_space<semaphore_mem>>) src(%dma_wait3A_79 : memref<16xi32, #tpu.memory_space<hbm>>) dst(%arg17 : memref<16xi32, #tpu.memory_space<vmem>>)
      %dma_start3A_80 = arith.constant 0 : i32
      %dma_start3A_81 = arith.constant 0 : i32
      %dma_start3A_82 = tpu.memref_slice %arg18[%dma_start3A_80, %dma_start3A_81] : memref<96x128xf32, #tpu.memory_space<vmem>> -> memref<16x128xf32, #tpu.memory_space<vmem>>
      %dma_start3A_83 = arith.constant 0 : i32
      %dma_start3A_84 = arith.constant 0 : i32
      %dma_start3A_85 = tpu.memref_slice %arg41[%dma_start3A_83, %dma_start3A_84] : memref<10000x128xf32, #tpu.memory_space<vmem_shared>> -> memref<10000x128xf32, #tpu.memory_space<vmem_shared>>
      tpu.enqueue_indirect_dma source(%dma_start3A_82 : memref<16x128xf32, #tpu.memory_space<vmem>>) target(%dma_start3A_85 : memref<10000x128xf32, #tpu.memory_space<vmem_shared>>) offsets(%arg17 : memref<16xi32, #tpu.memory_space<vmem>>) semaphore(%arg38 : memref<!tpu.dma_semaphore, #tpu.memory_space<semaphore_mem>>) {add = true}
      %dma_wait3A_86 = arith.constant 0 : i32
      %dma_wait3A_87 = arith.constant 0 : i32
      %dma_wait3A_88 = tpu.memref_slice %arg41[%dma_wait3A_86, %dma_wait3A_87] : memref<10000x128xf32, #tpu.memory_space<vmem_shared>> -> memref<10000x128xf32, #tpu.memory_space<vmem_shared>>
      tpu.wait_indirect_dma semaphore(%arg35 : memref<!tpu.dma_semaphore, #tpu.memory_space<semaphore_mem>>) src(%arg19 : memref<96x128xf32, #tpu.memory_space<vmem>>) dst(%dma_wait3A_88 : memref<10000x128xf32, #tpu.memory_space<vmem_shared>>)
      %dma_wait3A_89 = arith.constant 0 : i32
      %dma_wait3A_90 = arith.constant 0 : i32
      %dma_wait3A_91 = tpu.memref_slice %arg41[%dma_wait3A_89, %dma_wait3A_90] : memref<10000x128xf32, #tpu.memory_space<vmem_shared>> -> memref<10000x128xf32, #tpu.memory_space<vmem_shared>>
      tpu.wait_indirect_dma semaphore(%arg36 : memref<!tpu.dma_semaphore, #tpu.memory_space<semaphore_mem>>) src(%arg20 : memref<96x128xf32, #tpu.memory_space<vmem>>) dst(%dma_wait3A_91 : memref<10000x128xf32, #tpu.memory_space<vmem_shared>>)
      %dma_wait3A_92 = arith.constant 0 : i32
      %dma_wait3A_93 = arith.constant 0 : i32
      %dma_wait3A_94 = tpu.memref_slice %arg41[%dma_wait3A_92, %dma_wait3A_93] : memref<10000x128xf32, #tpu.memory_space<vmem_shared>> -> memref<10000x128xf32, #tpu.memory_space<vmem_shared>>
      tpu.wait_indirect_dma semaphore(%arg37 : memref<!tpu.dma_semaphore, #tpu.memory_space<semaphore_mem>>) src(%arg21 : memref<96x128xf32, #tpu.memory_space<vmem>>) dst(%dma_wait3A_94 : memref<10000x128xf32, #tpu.memory_space<vmem_shared>>)
      %dma_wait3A_95 = arith.constant 0 : i32
      %dma_wait3A_96 = arith.constant 0 : i32
      %dma_wait3A_97 = tpu.memref_slice %arg18[%dma_wait3A_95, %dma_wait3A_96] : memref<96x128xf32, #tpu.memory_space<vmem>> -> memref<16x128xf32, #tpu.memory_space<vmem>>
      %dma_wait3A_98 = arith.constant 0 : i32
      %dma_wait3A_99 = arith.constant 0 : i32
      %dma_wait3A_100 = tpu.memref_slice %arg41[%dma_wait3A_98, %dma_wait3A_99] : memref<10000x128xf32, #tpu.memory_space<vmem_shared>> -> memref<10000x128xf32, #tpu.memory_space<vmem_shared>>
      tpu.wait_indirect_dma semaphore(%arg38 : memref<!tpu.dma_semaphore, #tpu.memory_space<semaphore_mem>>) src(%dma_wait3A_97 : memref<16x128xf32, #tpu.memory_space<vmem>>) dst(%dma_wait3A_100 : memref<10000x128xf32, #tpu.memory_space<vmem_shared>>)
      %barrier3A_101 = arith.constant 0 : index
      tpu.barrier barrier_id(%barrier3A_101)
      "tpu.region"() ({
        %run_scoped3A = tpu.sem_alloc : memref<!tpu.dma_semaphore, #tpu.memory_space<semaphore_mem>>
        %dma_start3A_107 = arith.constant 0 : i32
        %dma_start3A_108 = tpu.memref_slice %arg7[%mul3A_10, %dma_start3A_107] : memref<10000x128xf32, #tpu.memory_space<hbm>> -> memref<624x128xf32, #tpu.memory_space<hbm>>
        %dma_start3A_109 = arith.constant 0 : i32
        %dma_start3A_110 = tpu.memref_slice %arg41[%mul3A_10, %dma_start3A_109] : memref<10000x128xf32, #tpu.memory_space<vmem_shared>> -> memref<624x128xf32, #tpu.memory_space<vmem_shared>>
        tpu.enqueue_dma source(%dma_start3A_110 : memref<624x128xf32, #tpu.memory_space<vmem_shared>>) target(%dma_start3A_108 : memref<624x128xf32, #tpu.memory_space<hbm>>) target_semaphore(%run_scoped3A : memref<!tpu.dma_semaphore, #tpu.memory_space<semaphore_mem>>)
        %dma_wait3A_111 = arith.constant 0 : i32
        %dma_wait3A_112 = tpu.memref_slice %arg7[%mul3A_10, %dma_wait3A_111] : memref<10000x128xf32, #tpu.memory_space<hbm>> -> memref<624x128xf32, #tpu.memory_space<hbm>>
        %dma_wait3A_113 = arith.constant 0 : i32
        %dma_wait3A_114 = tpu.memref_slice %arg41[%mul3A_10, %dma_wait3A_113] : memref<10000x128xf32, #tpu.memory_space<vmem_shared>> -> memref<624x128xf32, #tpu.memory_space<vmem_shared>>
        tpu.wait_dma2 semaphore(%run_scoped3A : memref<!tpu.dma_semaphore, #tpu.memory_space<semaphore_mem>>) src(%dma_wait3A_114 : memref<624x128xf32, #tpu.memory_space<vmem_shared>>) dst(%dma_wait3A_112 : memref<624x128xf32, #tpu.memory_space<hbm>>)
        tpu.yield
      }) : () -> ()
      %eq3A_102 = arith.constant 0 : i32
      %eq3A_103 = arith.cmpi eq, %arg1, %eq3A_102 : i32
      %convert_element_type3A_104 = arith.extui %eq3A_103 : i1 to i32
      %cond3A_105 = arith.constant 0 : i32
      %cond3A_106 = arith.cmpi ne, %convert_element_type3A_104, %cond3A_105 : i32
      scf.if %cond3A_106 {
        "tpu.region"() ({
          %run_scoped3A = tpu.sem_alloc : memref<!tpu.dma_semaphore, #tpu.memory_space<semaphore_mem>>
          %dma_start3A_107 = arith.constant 9984 : i32
          %dma_start3A_108 = arith.constant 0 : i32
          %dma_start3A_109 = tpu.memref_slice %arg7[%dma_start3A_107, %dma_start3A_108] : memref<10000x128xf32, #tpu.memory_space<hbm>> -> memref<16x128xf32, #tpu.memory_space<hbm>>
          %dma_start3A_110 = arith.constant 9984 : i32
          %dma_start3A_111 = arith.constant 0 : i32
          %dma_start3A_112 = tpu.memref_slice %arg41[%dma_start3A_110, %dma_start3A_111] : memref<10000x128xf32, #tpu.memory_space<vmem_shared>> -> memref<16x128xf32, #tpu.memory_space<vmem_shared>>
          tpu.enqueue_dma source(%dma_start3A_112 : memref<16x128xf32, #tpu.memory_space<vmem_shared>>) target(%dma_start3A_109 : memref<16x128xf32, #tpu.memory_space<hbm>>) target_semaphore(%run_scoped3A : memref<!tpu.dma_semaphore, #tpu.memory_space<semaphore_mem>>)
          %dma_wait3A_113 = arith.constant 9984 : i32
          %dma_wait3A_114 = arith.constant 0 : i32
          %dma_wait3A_115 = tpu.memref_slice %arg7[%dma_wait3A_113, %dma_wait3A_114] : memref<10000x128xf32, #tpu.memory_space<hbm>> -> memref<16x128xf32, #tpu.memory_space<hbm>>
          %dma_wait3A_116 = arith.constant 9984 : i32
          %dma_wait3A_117 = arith.constant 0 : i32
          %dma_wait3A_118 = tpu.memref_slice %arg41[%dma_wait3A_116, %dma_wait3A_117] : memref<10000x128xf32, #tpu.memory_space<vmem_shared>> -> memref<16x128xf32, #tpu.memory_space<vmem_shared>>
          tpu.wait_dma2 semaphore(%run_scoped3A : memref<!tpu.dma_semaphore, #tpu.memory_space<semaphore_mem>>) src(%dma_wait3A_118 : memref<16x128xf32, #tpu.memory_space<vmem_shared>>) dst(%dma_wait3A_115 : memref<16x128xf32, #tpu.memory_space<hbm>>)
          tpu.yield
        }) : () -> ()
      } else {
      }
    } else {
    }
    return
  }
}

module attributes {stable_mosaic.version = 14 : i64} {
  func.func @body(%arg0: i32, %arg1: memref<1000x256xf32, #tpu.memory_space<vmem>>, %arg2: memref<256x256xf32, #tpu.memory_space<vmem>>, %arg3: memref<1000x256xf32, #tpu.memory_space<vmem>>) attributes {dimension_semantics = [#tpu.dimension_semantics<arbitrary>], iteration_bounds = array<i64: 10>, scalar_prefetch = 0 : i64, scratch_operands = 0 : i64, tpu.core_type = #tpu.core_type<tc>, window_params = [{transform_indices = @transform_0, window_bounds = array<i64: 1000, 256>}, {pipeline_mode = #tpu.pipeline_mode<synchronous>, transform_indices = @transform_1, window_bounds = array<i64: 256, 256>}, {transform_indices = @transform_2, window_bounds = array<i64: 1000, 256>}]} {
    %get3A = arith.constant 0 : index
    %get3A_0 = arith.constant 0 : index
    %get3A_1 = vector.load %arg1[%get3A, %get3A_0] : memref<1000x256xf32, #tpu.memory_space<vmem>>, vector<1000x256xf32>
    %convert_element_type3A = arith.truncf %get3A_1 : vector<1000x256xf32> to vector<1000x256xbf16>
    %get3A_2 = arith.constant 0 : index
    %get3A_3 = arith.constant 0 : index
    %get3A_4 = vector.load %arg2[%get3A_2, %get3A_3] : memref<256x256xf32, #tpu.memory_space<vmem>>, vector<256x256xf32>
    %convert_element_type3A_5 = arith.truncf %get3A_4 : vector<256x256xf32> to vector<256x256xbf16>
    %dot_general3A = arith.constant dense<0.000000e+00> : vector<1000x256xf32>
    %dot_general3A_6 = tpu.matmul %convert_element_type3A, %convert_element_type3A_5, %dot_general3A {dimension_numbers = #tpu.dot_dimension_numbers<[1], [0], [0], [1], [0, 0, 1, 1], [], []>, transpose_lhs_hint = false} : vector<1000x256xbf16>, vector<256x256xbf16>, vector<1000x256xf32> -> vector<1000x256xf32>
    %swap3A = arith.constant 0 : index
    %swap3A_7 = arith.constant 0 : index
    %swap3A_8 = vector.load %arg3[%swap3A, %swap3A_7] : memref<1000x256xf32, #tpu.memory_space<vmem>>, vector<1000x256xf32>
    tpu.vector_store %arg3[%swap3A, %swap3A_7], %dot_general3A_6 {strides = array<i32>} : memref<1000x256xf32, #tpu.memory_space<vmem>>, vector<1000x256xf32>,
    return
  }
  func.func @transform_0(%arg0: i32) -> (i32, i32) {
    %c0_i32 = arith.constant 0 : i32
    %c0_i32_0 = arith.constant 0 : i32
    return %arg0, %c0_i32 : i32, i32
  }
  func.func @transform_1(%arg0: i32) -> (i32, i32) {
    %c0_i32 = arith.constant 0 : i32
    %c0_i32_0 = arith.constant 0 : i32
    %c0_i32_1 = arith.constant 0 : i32
    return %c0_i32, %c0_i32_0 : i32, i32
  }
  func.func @transform_2(%arg0: i32) -> (i32, i32) {
    %c0_i32 = arith.constant 0 : i32
    %c0_i32_0 = arith.constant 0 : i32
    return %arg0, %c0_i32 : i32, i32
  }
}

module attributes {stable_mosaic.version = 14 : i64} {
  func.func @body(%arg0: i32, %arg1: memref<1000x256xf32, #tpu.memory_space<vmem>>, %arg2: memref<1000x1xf32, #tpu.memory_space<vmem>>, %arg3: memref<1000x1xf32, #tpu.memory_space<vmem>>, %arg4: memref<1000x128xf32, #tpu.memory_space<vmem>>, %arg5: memref<1000x128xf32, #tpu.memory_space<vmem>>, %arg6: memref<1000x1xf32, #tpu.memory_space<vmem>>) attributes {dimension_semantics = [#tpu.dimension_semantics<arbitrary>], iteration_bounds = array<i64: 10>, scalar_prefetch = 0 : i64, scratch_operands = 0 : i64, tpu.core_type = #tpu.core_type<tc>, window_params = [{transform_indices = @transform_0, window_bounds = array<i64: 1000, 256>}, {transform_indices = @transform_1, window_bounds = array<i64: 1000, 1>}, {transform_indices = @transform_2, window_bounds = array<i64: 1000, 1>}, {transform_indices = @transform_3, window_bounds = array<i64: 1000, 128>}, {transform_indices = @transform_4, window_bounds = array<i64: 1000, 128>}, {transform_indices = @transform_5, window_bounds = array<i64: 1000, 1>}]} {
    %get3A = arith.constant 0 : index
    %get3A_0 = arith.constant 0 : index
    %get3A_1 = vector.load %arg2[%get3A, %get3A_0] : memref<1000x1xf32, #tpu.memory_space<vmem>>, vector<1000x1xf32>
    %get3A_2 = arith.constant 0 : index
    %get3A_3 = arith.constant 0 : index
    %get3A_4 = vector.load %arg3[%get3A_2, %get3A_3] : memref<1000x1xf32, #tpu.memory_space<vmem>>, vector<1000x1xf32>
    %add3A = arith.addf %get3A_1, %get3A_4 : vector<1000x1xf32>
    %add3A_5 = arith.constant 1.000000e+00 : f32
    %add3A_6 = vector.broadcast %add3A_5 : f32 to vector<1000x1xf32>
    %add3A_7 = arith.addf %add3A, %add3A_6 : vector<1000x1xf32>
    %rsqrt3A = math.rsqrt %add3A_7 : vector<1000x1xf32>
    %get3A_8 = arith.constant 0 : index
    %get3A_9 = arith.constant 0 : index
    %get3A_10 = vector.load %arg1[%get3A_8, %get3A_9] : memref<1000x256xf32, #tpu.memory_space<vmem>>, vector<1000x256xf32>
    %mul3A = vector.broadcast %rsqrt3A : vector<1000x1xf32> to vector<1000x256xf32>
    %mul3A_11 = arith.mulf %get3A_10, %mul3A : vector<1000x256xf32>
    %slice3A = vector.extract_strided_slice %mul3A_11 {offsets = [0, 0], sizes = [1000, 128], strides = [1, 1]} : vector<1000x256xf32> to vector<1000x128xf32>
    %swap3A = arith.constant 0 : index
    %swap3A_12 = arith.constant 0 : index
    %swap3A_13 = vector.load %arg4[%swap3A, %swap3A_12] : memref<1000x128xf32, #tpu.memory_space<vmem>>, vector<1000x128xf32>
    tpu.vector_store %arg4[%swap3A, %swap3A_12], %slice3A {strides = array<i32>} : memref<1000x128xf32, #tpu.memory_space<vmem>>, vector<1000x128xf32>,
    %slice3A_14 = vector.extract_strided_slice %mul3A_11 {offsets = [0, 128], sizes = [1000, 128], strides = [1, 1]} : vector<1000x256xf32> to vector<1000x128xf32>
    %swap3A_15 = arith.constant 0 : index
    %swap3A_16 = arith.constant 0 : index
    %swap3A_17 = vector.load %arg5[%swap3A_15, %swap3A_16] : memref<1000x128xf32, #tpu.memory_space<vmem>>, vector<1000x128xf32>
    tpu.vector_store %arg5[%swap3A_15, %swap3A_16], %slice3A_14 {strides = array<i32>} : memref<1000x128xf32, #tpu.memory_space<vmem>>, vector<1000x128xf32>,
    %swap3A_18 = arith.constant 0 : index
    %swap3A_19 = arith.constant 0 : index
    %swap3A_20 = vector.load %arg6[%swap3A_18, %swap3A_19] : memref<1000x1xf32, #tpu.memory_space<vmem>>, vector<1000x1xf32>
    tpu.vector_store %arg6[%swap3A_18, %swap3A_19], %rsqrt3A {strides = array<i32>} : memref<1000x1xf32, #tpu.memory_space<vmem>>, vector<1000x1xf32>,
    return
  }
  func.func @transform_0(%arg0: i32) -> (i32, i32) {
    %c0_i32 = arith.constant 0 : i32
    %c0_i32_0 = arith.constant 0 : i32
    return %arg0, %c0_i32 : i32, i32
  }
  func.func @transform_1(%arg0: i32) -> (i32, i32) {
    %c0_i32 = arith.constant 0 : i32
    %c0_i32_0 = arith.constant 0 : i32
    return %arg0, %c0_i32 : i32, i32
  }
  func.func @transform_2(%arg0: i32) -> (i32, i32) {
    %c0_i32 = arith.constant 0 : i32
    %c0_i32_0 = arith.constant 0 : i32
    return %arg0, %c0_i32 : i32, i32
  }
  func.func @transform_3(%arg0: i32) -> (i32, i32) {
    %c0_i32 = arith.constant 0 : i32
    %c0_i32_0 = arith.constant 0 : i32
    return %arg0, %c0_i32 : i32, i32
  }
  func.func @transform_4(%arg0: i32) -> (i32, i32) {
    %c0_i32 = arith.constant 0 : i32
    %c0_i32_0 = arith.constant 0 : i32
    return %arg0, %c0_i32 : i32, i32
  }
  func.func @transform_5(%arg0: i32) -> (i32, i32) {
    %c0_i32 = arith.constant 0 : i32
    %c0_i32_0 = arith.constant 0 : i32
    return %arg0, %c0_i32 : i32, i32
  }
}

module attributes {stable_mosaic.version = 14 : i64} {
  func.func @body(%arg0: i32, %arg1: memref<1000x128xf32, #tpu.memory_space<vmem>>, %arg2: memref<1000x128xf32, #tpu.memory_space<vmem>>, %arg3: memref<1000x1xf32, #tpu.memory_space<vmem>>, %arg4: memref<1x256xf32, #tpu.memory_space<vmem>>, %arg5: memref<256x64xf32, #tpu.memory_space<vmem>>, %arg6: memref<1000x64xf32, #tpu.memory_space<vmem>>) attributes {dimension_semantics = [#tpu.dimension_semantics<arbitrary>], iteration_bounds = array<i64: 10>, scalar_prefetch = 0 : i64, scratch_operands = 0 : i64, tpu.core_type = #tpu.core_type<tc>, window_params = [{transform_indices = @transform_0, window_bounds = array<i64: 1000, 128>}, {transform_indices = @transform_1, window_bounds = array<i64: 1000, 128>}, {transform_indices = @transform_2, window_bounds = array<i64: 1000, 1>}, {pipeline_mode = #tpu.pipeline_mode<synchronous>, transform_indices = @transform_3, window_bounds = array<i64: 1, 256>}, {pipeline_mode = #tpu.pipeline_mode<synchronous>, transform_indices = @transform_4, window_bounds = array<i64: 256, 64>}, {transform_indices = @transform_5, window_bounds = array<i64: 1000, 64>}]} {
    %get3A = arith.constant 0 : index
    %get3A_0 = arith.constant 0 : index
    %get3A_1 = vector.load %arg1[%get3A, %get3A_0] : memref<1000x128xf32, #tpu.memory_space<vmem>>, vector<1000x128xf32>
    %get3A_2 = arith.constant 0 : index
    %get3A_3 = arith.constant 0 : index
    %get3A_4 = vector.load %arg2[%get3A_2, %get3A_3] : memref<1000x128xf32, #tpu.memory_space<vmem>>, vector<1000x128xf32>
    %concatenate3A = tpu.concatenate %get3A_1, %get3A_4 in 1 : vector<1000x128xf32>, vector<1000x128xf32> -> vector<1000x256xf32>
    %get3A_5 = arith.constant 0 : index
    %get3A_6 = arith.constant 0 : index
    %get3A_7 = vector.load %arg3[%get3A_5, %get3A_6] : memref<1000x1xf32, #tpu.memory_space<vmem>>, vector<1000x1xf32>
    %mul3A = vector.broadcast %get3A_7 : vector<1000x1xf32> to vector<1000x256xf32>
    %mul3A_8 = arith.mulf %concatenate3A, %mul3A : vector<1000x256xf32>
    %get3A_9 = arith.constant 0 : index
    %get3A_10 = arith.constant 0 : index
    %get3A_11 = vector.load %arg4[%get3A_9, %get3A_10] : memref<1x256xf32, #tpu.memory_space<vmem>>, vector<1x256xf32>
    %add3A = vector.broadcast %get3A_11 : vector<1x256xf32> to vector<1000x256xf32>
    %add3A_12 = arith.addf %mul3A_8, %add3A : vector<1000x256xf32>
    %max3A = arith.constant 0.000000e+00 : f32
    %max3A_13 = vector.broadcast %max3A : f32 to vector<1000x256xf32>
    %max3A_14 = arith.maximumf %add3A_12, %max3A_13 : vector<1000x256xf32>
    %get3A_15 = arith.constant 0 : index
    %get3A_16 = arith.constant 0 : index
    %get3A_17 = vector.load %arg5[%get3A_15, %get3A_16] : memref<256x64xf32, #tpu.memory_space<vmem>>, vector<256x64xf32>
    %dot_general3A = arith.constant dense<0.000000e+00> : vector<1000x64xf32>
    %dot_general3A_18 = tpu.matmul %max3A_14, %get3A_17, %dot_general3A {dimension_numbers = #tpu.dot_dimension_numbers<[1], [0], [0], [1], [0, 0, 1, 1], [], []>, transpose_lhs_hint = false} : vector<1000x256xf32>, vector<256x64xf32>, vector<1000x64xf32> -> vector<1000x64xf32>
    %mul3A_19 = vector.broadcast %get3A_7 : vector<1000x1xf32> to vector<1000x64xf32>
    %mul3A_20 = arith.mulf %dot_general3A_18, %mul3A_19 : vector<1000x64xf32>
    %swap3A = arith.constant 0 : index
    %swap3A_21 = arith.constant 0 : index
    %swap3A_22 = vector.load %arg6[%swap3A, %swap3A_21] : memref<1000x64xf32, #tpu.memory_space<vmem>>, vector<1000x64xf32>
    tpu.vector_store %arg6[%swap3A, %swap3A_21], %mul3A_20 {strides = array<i32>} : memref<1000x64xf32, #tpu.memory_space<vmem>>, vector<1000x64xf32>,
    return
  }
  func.func @transform_0(%arg0: i32) -> (i32, i32) {
    %c0_i32 = arith.constant 0 : i32
    %c0_i32_0 = arith.constant 0 : i32
    return %arg0, %c0_i32 : i32, i32
  }
  func.func @transform_1(%arg0: i32) -> (i32, i32) {
    %c0_i32 = arith.constant 0 : i32
    %c0_i32_0 = arith.constant 0 : i32
    return %arg0, %c0_i32 : i32, i32
  }
  func.func @transform_2(%arg0: i32) -> (i32, i32) {
    %c0_i32 = arith.constant 0 : i32
    %c0_i32_0 = arith.constant 0 : i32
    return %arg0, %c0_i32 : i32, i32
  }
  func.func @transform_3(%arg0: i32) -> (i32, i32) {
    %c0_i32 = arith.constant 0 : i32
    %c0_i32_0 = arith.constant 0 : i32
    %c0_i32_1 = arith.constant 0 : i32
    return %c0_i32, %c0_i32_0 : i32, i32
  }
  func.func @transform_4(%arg0: i32) -> (i32, i32) {
    %c0_i32 = arith.constant 0 : i32
    %c0_i32_0 = arith.constant 0 : i32
    %c0_i32_1 = arith.constant 0 : i32
    return %c0_i32, %c0_i32_0 : i32, i32
  }
  func.func @transform_5(%arg0: i32) -> (i32, i32) {
    %c0_i32 = arith.constant 0 : i32
    %c0_i32_0 = arith.constant 0 : i32
    return %arg0, %c0_i32 : i32, i32
  }
}

module attributes {stable_mosaic.version = 14 : i64} {
  func.func @body(%arg0: i32, %arg1: memref<1000x64xf32, #tpu.memory_space<vmem>>, %arg2: memref<1000x64xf32, #tpu.memory_space<vmem>>, %arg3: memref<1000x64xf32, #tpu.memory_space<vmem>>, %arg4: memref<1000x1xf32, #tpu.memory_space<vmem>>, %arg5: memref<1x64xf32, #tpu.memory_space<vmem>>, %arg6: memref<1000x64xf32, #tpu.memory_space<vmem>>) attributes {dimension_semantics = [#tpu.dimension_semantics<arbitrary>], iteration_bounds = array<i64: 10>, scalar_prefetch = 0 : i64, scratch_operands = 0 : i64, tpu.core_type = #tpu.core_type<tc>, window_params = [{transform_indices = @transform_0, window_bounds = array<i64: 1000, 64>}, {transform_indices = @transform_1, window_bounds = array<i64: 1000, 64>}, {transform_indices = @transform_2, window_bounds = array<i64: 1000, 64>}, {transform_indices = @transform_3, window_bounds = array<i64: 1000, 1>}, {pipeline_mode = #tpu.pipeline_mode<synchronous>, transform_indices = @transform_4, window_bounds = array<i64: 1, 64>}, {transform_indices = @transform_5, window_bounds = array<i64: 1000, 64>}]} {
    %get3A = arith.constant 0 : index
    %get3A_0 = arith.constant 0 : index
    %get3A_1 = vector.load %arg1[%get3A, %get3A_0] : memref<1000x64xf32, #tpu.memory_space<vmem>>, vector<1000x64xf32>
    %get3A_2 = arith.constant 0 : index
    %get3A_3 = arith.constant 0 : index
    %get3A_4 = vector.load %arg2[%get3A_2, %get3A_3] : memref<1000x64xf32, #tpu.memory_space<vmem>>, vector<1000x64xf32>
    %add3A = arith.addf %get3A_1, %get3A_4 : vector<1000x64xf32>
    %get3A_5 = arith.constant 0 : index
    %get3A_6 = arith.constant 0 : index
    %get3A_7 = vector.load %arg3[%get3A_5, %get3A_6] : memref<1000x64xf32, #tpu.memory_space<vmem>>, vector<1000x64xf32>
    %sub3A = arith.subf %add3A, %get3A_7 : vector<1000x64xf32>
    %get3A_8 = arith.constant 0 : index
    %get3A_9 = arith.constant 0 : index
    %get3A_10 = vector.load %arg4[%get3A_8, %get3A_9] : memref<1000x1xf32, #tpu.memory_space<vmem>>, vector<1000x1xf32>
    %mul3A = vector.broadcast %get3A_10 : vector<1000x1xf32> to vector<1000x64xf32>
    %mul3A_11 = arith.mulf %sub3A, %mul3A : vector<1000x64xf32>
    %get3A_12 = arith.constant 0 : index
    %get3A_13 = arith.constant 0 : index
    %get3A_14 = vector.load %arg5[%get3A_12, %get3A_13] : memref<1x64xf32, #tpu.memory_space<vmem>>, vector<1x64xf32>
    %add3A_15 = vector.broadcast %get3A_14 : vector<1x64xf32> to vector<1000x64xf32>
    %add3A_16 = arith.addf %mul3A_11, %add3A_15 : vector<1000x64xf32>
    %swap3A = arith.constant 0 : index
    %swap3A_17 = arith.constant 0 : index
    %swap3A_18 = vector.load %arg6[%swap3A, %swap3A_17] : memref<1000x64xf32, #tpu.memory_space<vmem>>, vector<1000x64xf32>
    tpu.vector_store %arg6[%swap3A, %swap3A_17], %add3A_16 {strides = array<i32>} : memref<1000x64xf32, #tpu.memory_space<vmem>>, vector<1000x64xf32>,
    return
  }
  func.func @transform_0(%arg0: i32) -> (i32, i32) {
    %c0_i32 = arith.constant 0 : i32
    %c0_i32_0 = arith.constant 0 : i32
    return %arg0, %c0_i32 : i32, i32
  }
  func.func @transform_1(%arg0: i32) -> (i32, i32) {
    %c0_i32 = arith.constant 0 : i32
    %c0_i32_0 = arith.constant 0 : i32
    return %arg0, %c0_i32 : i32, i32
  }
  func.func @transform_2(%arg0: i32) -> (i32, i32) {
    %c0_i32 = arith.constant 0 : i32
    %c0_i32_0 = arith.constant 0 : i32
    return %arg0, %c0_i32 : i32, i32
  }
  func.func @transform_3(%arg0: i32) -> (i32, i32) {
    %c0_i32 = arith.constant 0 : i32
    %c0_i32_0 = arith.constant 0 : i32
    return %arg0, %c0_i32 : i32, i32
  }
  func.func @transform_4(%arg0: i32) -> (i32, i32) {
    %c0_i32 = arith.constant 0 : i32
    %c0_i32_0 = arith.constant 0 : i32
    %c0_i32_1 = arith.constant 0 : i32
    return %c0_i32, %c0_i32_0 : i32, i32
  }
  func.func @transform_5(%arg0: i32) -> (i32, i32) {
    %c0_i32 = arith.constant 0 : i32
    %c0_i32_0 = arith.constant 0 : i32
    return %arg0, %c0_i32 : i32, i32
  }
}

</mosaic_0001>

<sc_bundles>
// kernel: kernel.12.cloned.1.call-start
scs
__scs_entry_jumppad:
0x0: {  	(pc) =	sbr.rel $0x88, $3  }
0x1: {  	(tag) =	ssettag $0x0;
	lr =	simm.s32 $0x1  }
0x2: {  	[smem:$0x3F9B] =	sst lr;
	_ =	strace $0xD0000000  }
0x3: {  	_ = 	snop  }
0x4: {  	_ = 	snop  }
0x5: {  	_ = 	snop  }
0x6: {  	_ = 	snop  }
0x7: {  	_ = 	snop  }
__scs_overlays_trampoline_lowered:
0x8: {  	[smem:$0x3FAA] =	sst s0  }
0x9: {  	[smem:$0x3FAB] =	sst s1  }
0xa: {  	[smem:$0x3FAC] =	sst s2  }
0xb: {  	[smem:$0x3FAD] =	sst s3  }
0xc: {  	[smem:$0x3FAE] =	sst s4  }
0xd: {  	[smem:$0x3FAF] =	sst s5  }
0xe: {  	[smem:$0x3FB0] =	sst s6  }
0xf: {  	[smem:$0x3FB1] =	sst s7  }
0x10: {  	[smem:$0x3FB2] =	sst s8  }
0x11: {  	[smem:$0x3FB3] =	sst s9;
	s0 =	simm.s32 @!p0 $0x0  }
0x12: {  	s1 =	sld [smem:$0x3F99];
	s0 =	simm.s32 @p0 $0x1  }
0x13: {  	[smem:$0x3FB4] =	sst s0;
	s0 =	simm.s32 @!p1 $0x0  }
0x14: {  	s2 =	sld [smem:$0x3F98];
	s0 =	simm.s32 @p1 $0x1  }
0x15: {  	[smem:$0x3FB5] =	sst s0;
	s0 =	simm.s32 @!p2 $0x0  }
0x16: {  	s3 =	sld [smem:$0x3FDB];
	s0 =	simm.s32 @p2 $0x1  }
0x17: {  	s4 =	simm.s32 $0x1BF5;
	[smem:$0x3FB7] =	sst s0  }
0x18: {  	s0 =	sld [smem:$0x3F9A];
	_ =	swait.ge [sflag:s4], $0x0  }
0x19: {  	s7 =	sld [smem:$0x3F9B]  }
0x1a: {  	s8 =	sadd.s32 $0xFFFFE003, lr  }
0x1b: {  	s9 =	sadd.s32 $0xFFFFFEF7, lr;
	s5 =	simm.s32 $0xFFFFFFFF;
	p2 =	slt.u32 s8, $0xFFFFF086  }
0x1c: {  	p1 =	slt.u32 s9, $0xF7A;
	s5 =	simm.s32 @!p2 $0x0  }
0x1d: {  	s5 =	simm.s32 @p1 $0x1;
	p0 =	seq.s32 s7, s2  }
0x1e: {  	s7 =	smul.u32 @!p0 $0xF7A, s2;
	p2 =	seq.s32 @!p0 s5, $0x0  }
0x1f: {  	s9 =	smul.u32 $0xF7A, s1;
	s8 =	simm.s32 @!p0 $0x1BF5;
	p2 =	por !p2, p0  }
0x20: {  	[sflag:s8] =	ssyncset.s32 @!p0 $0xFFFFF086;
	s6 =	sadd.s32 @!p0 s3, s7;
	s7 =	simm.s32 @!p0 $0x108  }
0x21: {  	s3 =	sadd.s32 s3, s9;
	s6 =	sadd.s32 @!p0 $0x88, s6;
	s7 =	simm.s32 @p2 $0x1082  }
0x22: {  	[simem:s7], [sflag:s8] =	dma.local @!p0 [hbm:s6], $0xF7A  }
0x23: {  	s9 =	sor.u32 $0xD0000000, s2;
	s6 =	simm.s32 $0x108;
	_ =	swait.ge @!p0 [sflag:s8], $0x0  }
0x24: {  	s3 =	sadd.s32 $0x88, s3;
	s6 =	simm.s32 @!p1 $0x1082;
	[sflag:s4] =	ssyncset.s32 $0xFFFFF086  }
0x25: {  	[simem:s6], [sflag:s4] =	dma.local [hbm:s3], $0xF7A  }
0x26: {  	[smem:$0x3F9B] =	sst s1;
	(tag) =	ssettag s2;
	_ =	strace s9  }
0x27: {  	s1 =	sld [smem:$0x3FAB]  }
0x28: {  	s2 =	sld [smem:$0x3FAC]  }
0x29: {  	s4 =	sld [smem:$0x3FAE]  }
0x2a: {  	p0 =	seq.s32 s5, $0x0;
	s5 =	sld [smem:$0x3FAF]  }
0x2b: {  	s6 =	sld [smem:$0x3FB0]  }
0x2c: {  	s7 =	sld [smem:$0x3FB1]  }
0x2d: {  	s3 =	simm.s32 $0x108;
	s8 =	sld [smem:$0x3FB2]  }
0x2e: {  	s3 =	simm.s32 @!p0 $0x1082;
	s9 =	sld [smem:$0x3FB3]  }
0x2f: {  	lr =	sadd.s32 s0, s3;
	s0 =	sld [smem:$0x3FAA]  }
0x30: {  	s3 =	sld [smem:$0x3FAD]  }
0x31: {  	[smem:$0x3FB6] =	sst s10  }
0x32: {  	s10 =	sld [smem:$0x3FB4];
	_ =	sdelay $0x3  }
0x33: {  	p0 =	seq.s32 s10, $0x1;
	s10 =	sld [smem:$0x3FB6];
	_ =	sdelay $0x3  }
0x34: {  	[smem:$0x3FB6] =	sst s10  }
0x35: {  	s10 =	sld [smem:$0x3FB5];
	_ =	sdelay $0x3  }
0x36: {  	p1 =	seq.s32 s10, $0x1;
	s10 =	sld [smem:$0x3FB6];
	_ =	sdelay $0x3  }
0x37: {  	[smem:$0x3FB6] =	sst s10  }
0x38: {  	s10 =	sld [smem:$0x3FB7]  }
0x39: {  	_ = 	snop;
	(pc) =	sbr.ind lr, $3  }
0x3a: {  	_ = 	snop  }
0x3b: {  	_ = 	snop  }
0x3c: {  	p2 =	seq.s32 s10, $0x1;
	s10 =	sld [smem:$0x3FB6]  }
0x3d: {  	_ =	shalt  }
0x3e: {  	_ =	shalt  }
0x3f: {  	_ =	shalt  }
0x40: {  	_ =	shalt  }
0x41: {  	_ =	shalt  }
0x42: {  	_ =	shalt  }
0x43: {  	_ =	shalt  }
0x44: {  	_ =	shalt  }
0x45: {  	_ =	shalt  }
0x46: {  	_ =	shalt  }
0x47: {  	_ =	shalt  }
0x48: {  	_ =	shalt  }
0x49: {  	_ =	shalt  }
0x4a: {  	_ =	shalt  }
0x4b: {  	_ =	shalt  }
0x4c: {  	_ =	shalt  }
0x4d: {  	_ =	shalt  }
0x4e: {  	_ =	shalt  }
0x4f: {  	_ =	shalt  }
0x50: {  	_ =	shalt  }
0x51: {  	_ =	shalt  }
0x52: {  	_ =	shalt  }
0x53: {  	_ =	shalt  }
0x54: {  	_ =	shalt  }
0x55: {  	_ =	shalt  }
0x56: {  	_ =	shalt  }
0x57: {  	_ =	shalt  }
0x58: {  	_ =	shalt  }
0x59: {  	_ =	shalt  }
0x5a: {  	_ =	shalt  }
0x5b: {  	_ =	shalt  }
0x5c: {  	_ =	shalt  }
0x5d: {  	_ =	shalt  }
0x5e: {  	_ =	shalt  }
0x5f: {  	_ =	shalt  }
0x60: {  	_ =	shalt  }
0x61: {  	_ =	shalt  }
0x62: {  	_ =	shalt  }
0x63: {  	_ =	shalt  }
0x64: {  	_ =	shalt  }
0x65: {  	_ =	shalt  }
0x66: {  	_ =	shalt  }
0x67: {  	_ =	shalt  }
0x68: {  	_ =	shalt  }
0x69: {  	_ =	shalt  }
0x6a: {  	_ =	shalt  }
0x6b: {  	_ =	shalt  }
0x6c: {  	_ =	shalt  }
0x6d: {  	_ =	shalt  }
0x6e: {  	_ =	shalt  }
0x6f: {  	_ =	shalt  }
0x70: {  	_ =	shalt  }
0x71: {  	_ =	shalt  }
0x72: {  	_ =	shalt  }
0x73: {  	_ =	shalt  }
0x74: {  	_ =	shalt  }
0x75: {  	_ =	shalt  }
0x76: {  	_ =	shalt  }
0x77: {  	_ =	shalt  }
0x78: {  	_ =	shalt  }
0x79: {  	_ =	shalt  }
0x7a: {  	_ =	shalt  }
0x7b: {  	_ =	shalt  }
0x7c: {  	_ =	shalt  }
0x7d: {  	_ =	shalt  }
0x7e: {  	_ =	shalt  }
0x7f: {  	_ =	shalt  }
0x80: {  	_ =	shalt  }
0x81: {  	_ =	shalt  }
0x82: {  	_ =	shalt  }
0x83: {  	_ =	shalt  }
0x84: {  	_ =	shalt  }
0x85: {  	_ =	shalt  }
0x86: {  	_ =	shalt  }
0x87: {  	_ =	shalt  }
.Lfunc_end0:
.L_simem_size_0:
called_computation.1_lowered:
.L_overlay_start_0:
0x88: {  	s2 =	sld [smem:$0x3FD9]  }
0x89: {  	s3 =	sld [smem:$0x3FFE];
	_ =	sdelay $0x1  }
0x8a: {  	s1 =	srdreg.scid  }
0x8b: {  	s0 =	sand.u32 $0x1, s1  }
0x8c: {  	s16 =	sshll.u32 s0, $0xA;
	s2 =	sadd.s32 s3, s2  }
0x8d: {  	s2 =	sadd.s32 s2, s16  }
0x8e: {  	[smem:$0x3FC2] =	sst s2  }
0x8f: {  	_ = 	snop  }
0x90: {  	(tm) =	ssettm $0x1  }
0x91: {  	s17 =	sld [smem:$0x3FFB];
	_ =	sdelay $0x3  }
0x92: {  	_ =	strace s17  }
0x93: {  	s2 =	sld [smem:$0x3FFC];
	_ =	sdelay $0x3  }
0x94: {  	_ =	strace s2  }
0x95: {  	s2 =	sld [smem:$0x3FFD];
	_ =	sdelay $0x3  }
0x96: {  	_ =	strace s2  }
0x97: {  	_ =	strace $0x8FFFFFFF  }
0x98: {  	s18 =	sld [smem:$0x3FDB];
	_ =	sdelay $0x1  }
0x99: {  	s19 =	simm.s32 $_scs_section_size  }
0x9a: {  	s4 =	simm.s32 $_size__tile_overlayer_lowered;
	s5 =	simm.s32 $_tile_overlayer_lowered  }
0x9b: {  	s22 =	simm.s32 $0x1BFF;
	s21 =	sshll.u32 s5, $0x1;
	s2 =	sadd.s32 s19, s18  }
0x9c: {  	s6 =	simm.s32 $0x0;
	s20 =	sshll.u32 s4, $0x1;
	s4 =	sadd.s32 s21, s2  }
0x9d: {  	[timem:s6], [sflag:s22] =	dma.local [hbm:s4], s20  }
0x9e: {  	_ =	swait.ge [sflag:s22], s20  }
0x9f: {  	s3 =	ssub.s32 $0x0, s20;
	[sflag:s22] =	ssyncset.done $0x0  }
0xa0: {  	[sflag:s22] =	ssyncadd.s32 s3;
	_ =	sdelay $0x1  }
0xa1: {  	s23 =	simm.s32 $0x1B8B  }
0xa2: {  	_ =	swait.ge [sflag:s23], $0x1  }
0xa3: {  	[sflag:s23] =	ssyncset.done $0x0  }
0xa4: {  	s25 =	simm.s32 $0x1B8E;
	s24 =	sld [smem:$0x3FFE];
	[sflag:s23] =	ssyncadd.s32 $0xFFFFFFFF  }
0xa5: {  	s26 =	simm.s32 $execute0_lowered;
	[smem:$0x3FD2] =	sst s25  }
0xa6: {  	s4 =	sshll.u32 s26, $0x1;
	_ =	strace $0x80000049;
	[dreg:$0x1] =	wrdreg $0xFFFFFFFF  }
0xa7: {  	s28 =	simm.s32 $_size_execute0_lowered;
	s2 =	sadd.s32 s2, s4;
	[dreg:$0x0] =	wrdreg $0x0  }
0xa8: {  	s4 =	sshll.u32 s28, $0x1;
	[dreg:$0x2] =	wrdreg s2  }
0xa9: {  	[dreg:$0x3] =	wrdreg s4  }
0xaa: {  	[dreg:$0x4] =	wrdreg $0xC0  }
0xab: {  	_ =	task [dreg:s6], $0x5FFFF  }
0xac: {  	[dreg:$0x1] =	wrdreg $0xFFFFFFFF  }
0xad: {  	[dreg:$0x0] =	wrdreg $0x60  }
0xae: {  	[dreg:$0x2] =	wrdreg s24  }
0xaf: {  	[dreg:$0x3] =	wrdreg $0xC5000  }
0xb0: {  	[dreg:$0x4] =	wrdreg $0x9  }
0xb1: {  	_ =	task.clear_ibuf [dreg:s6], $0x5FFFF;
	_ =	strace $0x90000049  }
0xb2: {  	s29 =	simm.s32 $0x9;
	_ =	strace $0x8000004B  }
0xb3: {  	_ =	swait.ge [sflag:s29], $0x1  }
0xb4: {  	[sflag:s29] =	ssyncadd.s32 $0xFFFFFFFF  }
0xb5: {  	_ =	strace $0x9000004B  }
0xb6: {  	_ =	sfence  }
0xb7: {  	s30 =	sld [smem:$0x0];
	_ =	sdelay $0x2  }
0xb8: {  	s31 =	sshll.u32 s1, $0xD;
	s1 =	sshrl.u32 s1, $0x2  }
0xb9: {  	s3 =	sand.u32 $0x4000, s31;
	s1 =	sadd.s32 s1, s30  }
0xba: {  	s0 =	sor.u32 s3, s0;
	s1 =	sshll.u32 s1, $0x11  }
0xbb: {  	s0 =	sor.u32 s1, s0  }
0xbc: {  	s0 =	sadd.s32 $0x8F2B, s0  }
0xbd: {  	[sflag:s0] =	ssyncadd.remote.s32 $0x1  }
0xbe: {  	_ =	sfence.sel $0xFFFF  }
0xbf: {  	[dreg:$0x0] =	wrdreg $0xFFFFFFFF;
	(pc) =	sbr.abs _section_cstart, $3  }
0xc0: {  	[dreg:$0x1] =	wrdreg $0xFFFFFFFF  }
0xc1: {  	_ =	task.clear_ibuf [dreg:s6], $0x2FFFF;
	_ =	strace $0x9FFFFFFF  }
0xc2: {  	(tm) =	ssettm $0x7FFFFFFF  }
0xc3: {  	_ =	shalt  }
tec
execute0_lowered:
.L_overlay_start_1:
0x0: {  	(tag) =	ssettag $0x1  }
0x1: {  	s0 =	rddreg [dreg:$0x0]  }
0x2: {  	s2 =	rddreg [dreg:$0x1]  }
0x3: {  	s1 =	simm.s32 $0x0;
	s6 =	srdreg.scid;
	s13 =	stileid.u32  }
0x4: {  	s28 =	simm.s32 $0x200;
	s29 =	simm.s32 $0x280;
	s30 =	simm.s32 $0x60  }
0x5: {  	s31 =	simm.s32 $0x500;
	[smem:$0x7FF] =	sst s1;
	s3 =	sadd.s32 $0xCC00, s0  }
0x6: {  	s4 =	sadd.s32 $0x33E00, s0;
	s5 =	sadd.s32 $0x2C00, s0;
	s8 =	smul.u32 $0x2710, s13  }
0x7: {  	s7 =	sadd.s32 $0x7C00, s0;
	s6 =	sand.u32 $0x1, s6;
	s10 =	smul.u32 $0x4E000, s13  }
0x8: {  	s14 =	sadd.s32 $0x82200, s0;
	s15 =	sadd.s32 $0xA9400, s0;
	s12 =	smul.u32 $0x2700, s13  }
0x9: {  	s22 =	smul.u32 $0x4E2, s13;
	_ =	strace $0x8000004A;
	[dreg:$0x3] =	wrdreg s14  }
0xa: {  	p1 =	sne.s32 s13, $0x0;
	p2 =	seq.s32 s13, $0x0;
	[dreg:$0x4] =	wrdreg s15  }
0xb: {  	s13 =	simm.s32 $0xA;
	s9 =	ssub.s32 $0x2, s6;
	[dreg:$0x17] =	wrdreg s4  }
0xc: {  	p0 =	seq.s32 s6, $0x1;
	[dreg:$0x18] =	wrdreg s3;
	s11 =	sshrl.u32 s9, $0x1  }
0xd: {  	s24 =	sshrl.u32 s10, $0x2;
	s25 =	sadd.s32 s3, s12;
	s26 =	sshrl.u32 s8, $0x3  }
0xe: {  	s10 =	sadd.s32 $0x138000, s2;
	s21 =	sadd.s32 s14, s12;
	[dreg:$0x6] =	wrdreg s25  }
0xf: {  	s23 =	sadd.s32 s22, s7;
	s14 =	simm.s32 $0x4;
	[dreg:$0x7] =	wrdreg s10  }
0x10: {  	s9 =	ssub.s32 s9, s11;
	s6 =	sadd.s32 s24, s2;
	[dreg:$0xf] =	wrdreg s21  }
0x11: {  	s11 =	sadd.s32 $0x33C00, s0;
	s16 =	sadd.s32 s5, s26;
	[dreg:$0x5] =	wrdreg s6  }
0x12: {  	s17 =	sadd.s32 s7, s26;
	s18 =	sadd.s32 $0xC, s26;
	[dreg:$0x8] =	wrdreg s11  }
0x13: {  	s24 =	sadd.s32 s4, s12;
	s0 =	sadd.s32 $0x5AE00, s0;
	[dreg:$0x9] =	wrdreg s16  }
0x14: {  	s25 =	sadd.s32 s15, s12;
	s15 =	simm.s32 $0x300;
	[dreg:$0xa] =	wrdreg s17  }
0x15: {  	s21 =	simm.s32 $0x5;
	s12 =	simm.s32 $0x6500;
	[dreg:$0x10] =	wrdreg s24  }
0x16: {  	s10 =	simm.s32 $0x8;
	s6 =	sadd.s32 $0x4E0, s26;
	[dreg:$0x11] =	wrdreg s0  }
0x17: {  	s19 =	sadd.s32 s5, s18;
	s8 =	sadd.s32 s7, s18;
	[dreg:$0x12] =	wrdreg s25  }
0x18: {  	s26 =	smax.u32 s9, $0x1;
	s24 =	sadd.s32 s22, s5;
	s17 =	simm.s32 $0x3500  }
0x19: {  	s18 =	simm.s32 $0x380;
	s16 =	simm.s32 $0x9500;
	[dreg:$0xb] =	wrdreg s19  }
.Ltmp0:
0x1a: {  	s22 =	simm.s32 $0xC;
	[dreg:$0xc] =	wrdreg s8;
	(pc) =	sbr.rel .LBB2_1-.Ltmp0, $4  }
0x1b: {  	s20 =	sadd.s32 s5, s6;
	s6 =	sadd.s32 s7, s6;
	[dreg:$0x13] =	wrdreg s26  }
0x1c: {  	s19 =	simm.s32 $0x1;
	s8 =	simm.s32 $0x100;
	s5 =	simm.s32 $0x3  }
0x1d: {  	s7 =	simm.s32 $0xB;
	s26 =	simm.s32 $0x0;
	[dreg:$0xd] =	wrdreg s20  }
0x1e: {  	[dreg:$0xe] =	wrdreg s6;
	s20 =	simm.s32 $0x9;
	s6 =	simm.s32 $0x180  }
.LBB2_8:
0x1f: {  	s11 =	rddreg [dreg:$0x7]  }
0x20: {  	s9 =	sadd.s32 $0x27000, s25;
	s25 =	simm.s32 $0x14;
	s11 =	sshrl.u32 s11, $0x3  }
0x21: {  	[hbm:s9], [sflag:s0] =	dma.local [spmem:s11], $0x100  }
0x22: {  	_ =	swait.ge [sflag:s25], $0x100  }
0x23: {  	[sflag:s25] =	ssyncset.done $0x0  }
0x24: {  	[sflag:s25] =	ssyncadd.s32 $0xFFFFFF00  }
.LBB2_9:
0x25: {  	s26 =	sadd.s32 $0x1, s26;
	s0 =	rddreg [dreg:$0x13]  }
0x26: {  	p3 =	sne.s32 s26, s0  }
.Ltmp1:
0x27: {  	_ = 	snop;
	(pc) =	sbr.rel @!p3 .LBB2_10-.Ltmp1, $1  }
0x28: {  	_ =	sdelay $0x3  }
.LBB2_1:
.Ltmp2:
0x29: {  	[dreg:$0x14] =	wrdreg s26;
	(pc) =	sbr.rel @!p0 .LBB2_2-.Ltmp2, $4  }
0x2a: {  	s0 =	stileid.u32;
	s26 =	rddreg [dreg:$0x5]  }
0x2b: {  	s9 =	sshll.u32 s0, $0x6;
	s0 =	rddreg [dreg:$0x7]  }
0x2c: {  	s11 =	sshrl.u32 s26, $0x3;
	[dreg:$0x16] =	wrdreg s9  }
0x2d: {  	s0 =	sshrl.u32 @!p1 s0, $0x3;
	s25 =	sor.u32 $0x1C12, s9;
	[dreg:$0x15] =	wrdreg s11  }
0x2e: {  	s9 =	rddreg [dreg:$0x10]  }
0x2f: {  	[spmem:s11], [sflag:s25] =	dma.local [hbm:s9], $0x2700  }
0x30: {  	s9 =	simm.s32 @!p1 $0x1C13;
	s11 =	rddreg [dreg:$0x11]  }
0x31: {  	[spmem:s0], [sflag:s9] =	dma.local @!p1 [hbm:s11], $0x100  }
0x32: {  	s0 =	rddreg [dreg:$0x9]  }
0x33: {  	[tilespmem:s1], [sflag:$0x1] =	stream.linear.gather [hbm4b:s0+s1], $0x60, $0x38;
	[tilespmem:$0x1FD80] =	vst v63  }
0x34: {  	s16 =	rddreg [dreg:$0xa]  }
0x35: {  	[tilespmem:s28], [sflag:$0x5] =	stream.linear.gather [hbm4b:s16+s1], $0x60, $0x38;
	[tilespmem:$0x1FD80] =	vst v63  }
0x36: {  	s10 =	simm.s32 $0x80;
	s20 =	rddreg [dreg:$0xb]  }
0x37: {  	[tilespmem:s10], [sflag:$0x2] =	stream.linear.gather [hbm4b:s20+s1], $0x60, $0x38;
	[tilespmem:$0x1FD80] =	vst v63  }
0x38: {  	s21 =	rddreg [dreg:$0xc]  }
0x39: {  	[tilespmem:s29], [sflag:$0x6] =	stream.linear.gather [hbm4b:s21+s1], $0x60, $0x38;
	[tilespmem:$0x1FD80] =	vst v63  }
0x3a: {  	_ =	swait.ge [sflag:s19], $0x60  }
0x3b: {  	[sflag:s19] =	ssyncset.done $0x0  }
0x3c: {  	s22 =	simm.s32 $0x12;
	[sflag:s19] =	ssyncadd.s32 $0xFFFFFFA0  }
0x3d: {  	[tilespmem:s31], [sflag:$0x9] =	stream.indirect.gather [hbm4b:s4+s30], $0x80, s1, s30, $0xb8;
	[tilespmem:$0x1FD80] =	vst v63  }
0x3e: {  	_ =	swait.ge [sflag:s22], $0x2700  }
0x3f: {  	[sflag:s22] =	ssyncset.done $0x0  }
0x40: {  	s0 =	simm.s32 @!p1 $0x13;
	[sflag:s22] =	ssyncadd.s32 $0xFFFFD900  }
0x41: {  	_ =	swait.ge @!p1 [sflag:s0], $0x100  }
0x42: {  	p3 =	por $0x1, $0x1;
	[sflag:s0] =	ssyncset.done @!p1 $0x0  }
0x43: {  	p3 =	por p3, p3;
	[sflag:s0] =	ssyncadd.s32 @!p1 $0xFFFFFF00  }
0x44: {  	s0 =	simm.s32 @!p3 $0xF;
	[bflag:$0x0] =	sbarrier.arrive $0xFFFF  }
0x45: {  	_ =	swait.ge @!p3 [sflag:s0], $0x3000  }
0x46: {  	s25 =	sadd.s32 $0x0, s24;
	[sflag:s0] =	ssyncset.done @!p3 $0x0  }
0x47: {  	s5 =	sadd.s32 $0x0, s23;
	s3 =	sadd.s32 $0x18, s25;
	[sflag:s0] =	ssyncadd.s32 @!p3 $0xFFFFD000  }
0x48: {  	[tilespmem:s8], [sflag:$0x3] =	stream.linear.gather [hbm4b:s3+s1], $0x60, $0x38;
	[tilespmem:$0x1FD80] =	vst v63  }
0x49: {  	s12 =	sadd.s32 $0x18, s5;
	s20 =	simm.s32 $0x2  }
0x4a: {  	[tilespmem:s15], [sflag:$0x7] =	stream.linear.gather [hbm4b:s12+s1], $0x60, $0x38;
	[tilespmem:$0x1FD80] =	vst v63  }
0x4b: {  	_ =	swait.ge [sflag:s20], $0x60  }
0x4c: {  	[sflag:s20] =	ssyncset.done $0x0  }
0x4d: {  	s21 =	simm.s32 $0x9;
	[sflag:s20] =	ssyncadd.s32 $0xFFFFFFA0  }
0x4e: {  	[tilespmem:s17], [sflag:$0xA] =	stream.indirect.gather [hbm4b:s4+s30], $0x80, s10, s30, $0xb8;
	[tilespmem:$0x1FD80] =	vst v63  }
0x4f: {  	_ =	swait.ge [sflag:s21], $0x3000  }
0x50: {  	[sflag:s21] =	ssyncset.done $0x0  }
0x51: {  	s14 =	simm.s32 $0x5;
	[sflag:s21] =	ssyncadd.s32 $0xFFFFD000  }
0x52: {  	_ =	swait.ge [sflag:s14], $0x60  }
0x53: {  	[sflag:s14] =	ssyncset.done $0x0  }
0x54: {  	s0 =	simm.s32 @!p3 $0x10;
	[sflag:s14] =	ssyncadd.s32 $0xFFFFFFA0  }
0x55: {  	[spmem:s2] =	stream.indirect.scatter.add.f32 [tilespmem:s31], [sflag:$0xD], $0x80, s28, s30, $0xb8;
	[tilespmem:$0x1FD80] =	vst v63  }
0x56: {  	_ =	swait.ge @!p3 [sflag:s0], $0x3000  }
0x57: {  	[sflag:s0] =	ssyncset.done @!p3 $0x0  }
0x58: {  	s16 =	sadd.s32 $0x24, s25;
	[sflag:s0] =	ssyncadd.s32 @!p3 $0xFFFFD000  }
0x59: {  	[tilespmem:s6], [sflag:$0x4] =	stream.linear.gather [hbm4b:s16+s1], $0x60, $0x38;
	[tilespmem:$0x1FD80] =	vst v63  }
0x5a: {  	s19 =	sadd.s32 $0x24, s5;
	s12 =	simm.s32 $0x3  }
0x5b: {  	[tilespmem:s18], [sflag:$0x8] =	stream.linear.gather [hbm4b:s19+s1], $0x60, $0x38;
	[tilespmem:$0x1FD80] =	vst v63  }
0x5c: {  	_ =	swait.ge [sflag:s12], $0x60  }
0x5d: {  	[sflag:s12] =	ssyncset.done $0x0  }
0x5e: {  	s26 =	simm.s32 $0x6500;
	[sflag:s12] =	ssyncadd.s32 $0xFFFFFFA0  }
0x5f: {  	[tilespmem:s26], [sflag:$0xB] =	stream.indirect.gather [hbm4b:s4+s30], $0x80, s8, s30, $0xb8;
	[tilespmem:$0x1FD80] =	vst v63  }
0x60: {  	_ =	swait.ge [sflag:s13], $0x3000  }
0x61: {  	[sflag:s13] =	ssyncset.done $0x0  }
0x62: {  	s14 =	simm.s32 $0x6;
	[sflag:s13] =	ssyncadd.s32 $0xFFFFD000  }
0x63: {  	_ =	swait.ge [sflag:s14], $0x60  }
0x64: {  	p3 =	por $0x0, $0x0;
	[sflag:s14] =	ssyncset.done $0x0  }
0x65: {  	s0 =	simm.s32 @!p3 $0xD;
	[sflag:s14] =	ssyncadd.s32 $0xFFFFFFA0  }
0x66: {  	[spmem:s2] =	stream.indirect.scatter.add.f32 [tilespmem:s17], [sflag:$0xE], $0x80, s29, s30, $0xb8;
	[tilespmem:$0x1FD80] =	vst v63  }
0x67: {  	_ =	swait.ge @!p3 [sflag:s0], $0x3000  }
0x68: {  	s9 =	sadd.s32 @!p3 $0x0, s24;
	s11 =	sadd.s32 @!p3 $0x0, s23;
	[sflag:s0] =	ssyncset.done @!p3 $0x0  }
0x69: {  	s25 =	simm.s32 @!p3 $0x0;
	s19 =	sadd.s32 @!p3 $0x30, s9;
	[sflag:s0] =	ssyncadd.s32 @!p3 $0xFFFFD000  }
0x6a: {  	[tilespmem:s25], [sflag:$0x1] =	stream.linear.gather @!p3 [hbm4b:s19+s25], $0x60, $0x38;
	[tilespmem:$0x1FD80] =	vst v63  }
0x6b: {  	s16 =	simm.s32 $0x4;
	s0 =	sadd.s32 @!p3 $0x30, s11;
	s19 =	simm.s32 @!p3 $0x200  }
0x6c: {  	[tilespmem:s19], [sflag:$0x5] =	stream.linear.gather @!p3 [hbm4b:s0+s25], $0x60, $0x38;
	[tilespmem:$0x1FD80] =	vst v63  }
0x6d: {  	_ =	swait.ge [sflag:s16], $0x60  }
0x6e: {  	[sflag:s16] =	ssyncset.done $0x0  }
0x6f: {  	s22 =	simm.s32 $0x9500;
	[sflag:s16] =	ssyncadd.s32 $0xFFFFFFA0  }
0x70: {  	[tilespmem:s22], [sflag:$0xC] =	stream.indirect.gather [hbm4b:s4+s30], $0x80, s6, s30, $0xb8;
	[tilespmem:$0x1FD80] =	vst v63  }
0x71: {  	_ =	swait.ge [sflag:s7], $0x3000  }
0x72: {  	[sflag:s7] =	ssyncset.done $0x0  }
0x73: {  	s22 =	simm.s32 $0x7;
	[sflag:s7] =	ssyncadd.s32 $0xFFFFD000  }
0x74: {  	_ =	swait.ge [sflag:s22], $0x60  }
0x75: {  	[sflag:s22] =	ssyncset.done $0x0  }
0x76: {  	s0 =	simm.s32 @!p3 $0xE;
	[sflag:s22] =	ssyncadd.s32 $0xFFFFFFA0  }
0x77: {  	[spmem:s2] =	stream.indirect.scatter.add.f32 [tilespmem:s26], [sflag:$0xF], $0x80, s15, s30, $0xb8;
	[tilespmem:$0x1FD80] =	vst v63  }
0x78: {  	_ =	swait.ge @!p3 [sflag:s0], $0x3000  }
0x79: {  	[sflag:s0] =	ssyncset.done @!p3 $0x0  }
0x7a: {  	s9 =	sadd.s32 @!p3 $0x3C, s9;
	[sflag:s0] =	ssyncadd.s32 @!p3 $0xFFFFD000;
	s0 =	simm.s32 @!p3 $0x80  }
0x7b: {  	[tilespmem:s0], [sflag:$0x2] =	stream.linear.gather @!p3 [hbm4b:s9+s25], $0x60, $0x38;
	[tilespmem:$0x1FD80] =	vst v63  }
0x7c: {  	s0 =	sadd.s32 @!p3 $0x3C, s11;
	s9 =	simm.s32 @!p3 $0x280  }
0x7d: {  	[tilespmem:s9], [sflag:$0x6] =	stream.linear.gather @!p3 [hbm4b:s0+s25], $0x60, $0x38;
	[tilespmem:$0x1FD80] =	vst v63  }
0x7e: {  	s0 =	simm.s32 @!p3 $0x1  }
0x7f: {  	_ =	swait.ge @!p3 [sflag:s0], $0x60  }
0x80: {  	s10 =	simm.s32 $0xC;
	[sflag:s0] =	ssyncset.done @!p3 $0x0  }
0x81: {  	s9 =	simm.s32 @!p3 $0x60;
	[sflag:s0] =	ssyncadd.s32 @!p3 $0xFFFFFFA0;
	s0 =	simm.s32 @!p3 $0x500  }
0x82: {  	[tilespmem:s0], [sflag:$0x9] =	stream.indirect.gather @!p3 [hbm4b:s4+s9], $0x80, s25, s9, $0xb8;
	[tilespmem:$0x1FD80] =	vst v63  }
0x83: {  	p6 =	por $0x0, $0x0;
	s3 =	simm.s32 $0x3500;
	_ =	swait.ge [sflag:s10], $0x3000  }
0x84: {  	s18 =	simm.s32 $0x8;
	s8 =	simm.s32 $0x100;
	[sflag:s10] =	ssyncset.done $0x0  }
0x85: {  	s13 =	simm.s32 $0xA;
	s29 =	simm.s32 $0x60;
	[sflag:s10] =	ssyncadd.s32 $0xFFFFD000  }
0x86: {  	s17 =	simm.s32 $0xB;
	p3 =	por p6, p6;
	_ =	swait.ge [sflag:s18], $0x60  }
0x87: {  	s0 =	simm.s32 $0x30;
	s26 =	simm.s32 @!p3 $0xF;
	[sflag:s18] =	ssyncset.done $0x0  }
.LBB2_6:
0x88: {  	p5 =	seq.s32 s29, $0x0;
	[sflag:s18] =	ssyncadd.s32 $0xFFFFFFA0;
	s25 =	smov.u32 s29  }
0x89: {  	s29 =	sadd.s32 $0x30, s29;
	s6 =	simm.s32 $0x9500;
	s15 =	simm.s32 $0x380  }
0x8a: {  	[spmem:s2] =	stream.indirect.scatter.add.f32 [tilespmem:s6], [sflag:$0x10], $0x80, s15, s30, $0xb8;
	[tilespmem:$0x1FD80] =	vst v63  }
0x8b: {  	p4 =	sne.s32 s29, $0x4E0;
	_ =	swait.ge @!p3 [sflag:s26], $0x3000  }
0x8c: {  	s9 =	sadd.s32 s0, s24;
	[sflag:s26] =	ssyncset.done @!p3 $0x0  }
0x8d: {  	s19 =	sadd.s32 s0, s23;
	s11 =	sadd.s32 $0x18, s9;
	[sflag:s26] =	ssyncadd.s32 @!p3 $0xFFFFD000  }
0x8e: {  	[tilespmem:s8], [sflag:$0x3] =	stream.linear.gather [hbm4b:s11+s1], $0x60, $0x38;
	[tilespmem:$0x1FD80] =	vst v63  }
0x8f: {  	s5 =	simm.s32 $0x300;
	s11 =	sadd.s32 $0x18, s19  }
0x90: {  	[tilespmem:s5], [sflag:$0x7] =	stream.linear.gather [hbm4b:s11+s1], $0x60, $0x38;
	[tilespmem:$0x1FD80] =	vst v63  }
0x91: {  	_ =	swait.ge [sflag:s20], $0x60  }
0x92: {  	[sflag:s20] =	ssyncset.done $0x0  }
0x93: {  	s11 =	simm.s32 $0x80;
	[sflag:s20] =	ssyncadd.s32 $0xFFFFFFA0  }
0x94: {  	[tilespmem:s3], [sflag:$0xA] =	stream.indirect.gather [hbm4b:s4+s30], $0x80, s11, s30, $0xb8;
	[tilespmem:$0x1FD80] =	vst v63  }
0x95: {  	_ =	swait.ge [sflag:s21], $0x3000  }
0x96: {  	[sflag:s21] =	ssyncset.done $0x0  }
0x97: {  	s11 =	simm.s32 $0x5;
	[sflag:s21] =	ssyncadd.s32 $0xFFFFD000  }
0x98: {  	_ =	swait.ge [sflag:s11], $0x60  }
0x99: {  	[sflag:s11] =	ssyncset.done $0x0  }
0x9a: {  	[sflag:s11] =	ssyncadd.s32 $0xFFFFFFA0;
	s11 =	simm.s32 @!p3 $0x10  }
0x9b: {  	[spmem:s2] =	stream.indirect.scatter.add.f32 [tilespmem:s31], [sflag:$0xD], $0x80, s28, s30, $0xb8;
	[tilespmem:$0x1FD80] =	vst v63  }
0x9c: {  	_ =	swait.ge @!p3 [sflag:s11], $0x3000  }
0x9d: {  	s7 =	simm.s32 $0x180;
	[sflag:s11] =	ssyncset.done @!p3 $0x0  }
0x9e: {  	s9 =	sadd.s32 $0x24, s9;
	[sflag:s11] =	ssyncadd.s32 @!p3 $0xFFFFD000;
	p3 =	por p5, p5  }
0x9f: {  	[tilespmem:s7], [sflag:$0x4] =	stream.linear.gather [hbm4b:s9+s1], $0x60, $0x38;
	[tilespmem:$0x1FD80] =	vst v63  }
0xa0: {  	s9 =	sadd.s32 $0x24, s19  }
0xa1: {  	[tilespmem:s15], [sflag:$0x8] =	stream.linear.gather [hbm4b:s9+s1], $0x60, $0x38;
	[tilespmem:$0x1FD80] =	vst v63  }
0xa2: {  	_ =	swait.ge [sflag:s12], $0x60  }
0xa3: {  	[sflag:s12] =	ssyncset.done $0x0  }
0xa4: {  	s15 =	simm.s32 $0x6500;
	[sflag:s12] =	ssyncadd.s32 $0xFFFFFFA0  }
0xa5: {  	[tilespmem:s15], [sflag:$0xB] =	stream.indirect.gather [hbm4b:s4+s30], $0x80, s8, s30, $0xb8;
	[tilespmem:$0x1FD80] =	vst v63  }
0xa6: {  	_ =	swait.ge [sflag:s13], $0x3000  }
0xa7: {  	[sflag:s13] =	ssyncset.done $0x0  }
0xa8: {  	[sflag:s13] =	ssyncadd.s32 $0xFFFFD000  }
0xa9: {  	_ =	swait.ge [sflag:s14], $0x60  }
0xaa: {  	[sflag:s14] =	ssyncset.done $0x0  }
0xab: {  	p5 =	seq.s32 s0, $0x4B0;
	s9 =	simm.s32 $0x280;
	[sflag:s14] =	ssyncadd.s32 $0xFFFFFFA0  }
0xac: {  	[spmem:s2] =	stream.indirect.scatter.add.f32 [tilespmem:s3], [sflag:$0xE], $0x80, s9, s30, $0xb8;
	[tilespmem:$0x1FD80] =	vst v63  }
0xad: {  	s11 =	sadd.s32 @!p5 s0, s24;
	s0 =	sadd.s32 @!p5 s0, s23;
	s9 =	simm.s32 @!p5 $0xD  }
0xae: {  	s19 =	sadd.s32 @!p5 $0x30, s11;
	s26 =	sadd.s32 @!p5 $0x30, s0;
	_ =	swait.ge @!p5 [sflag:s9], $0x3000  }
0xaf: {  	s28 =	simm.s32 @!p5 $0x0;
	s11 =	sadd.s32 @!p5 $0x3C, s11;
	[sflag:s9] =	ssyncset.done @!p5 $0x0  }
0xb0: {  	s31 =	sadd.s32 @!p5 $0x3C, s0;
	[sflag:s9] =	ssyncadd.s32 @!p5 $0xFFFFD000;
	s9 =	simm.s32 @!p5 $0x200  }
0xb1: {  	[tilespmem:s28], [sflag:$0x1] =	stream.linear.gather @!p5 [hbm4b:s19+s28], $0x60, $0x38;
	[tilespmem:$0x1FD80] =	vst v63  }
0xb2: {  	s0 =	smov.u32 s25  }
0xb3: {  	[tilespmem:s9], [sflag:$0x5] =	stream.linear.gather @!p5 [hbm4b:s26+s28], $0x60, $0x38;
	[tilespmem:$0x1FD80] =	vst v63  }
0xb4: {  	_ =	swait.ge [sflag:s16], $0x60  }
0xb5: {  	[sflag:s16] =	ssyncset.done $0x0  }
0xb6: {  	[sflag:s16] =	ssyncadd.s32 $0xFFFFFFA0  }
0xb7: {  	[tilespmem:s6], [sflag:$0xC] =	stream.indirect.gather [hbm4b:s4+s30], $0x80, s7, s30, $0xb8;
	[tilespmem:$0x1FD80] =	vst v63  }
0xb8: {  	_ =	swait.ge [sflag:s17], $0x3000  }
0xb9: {  	[sflag:s17] =	ssyncset.done $0x0  }
0xba: {  	[sflag:s17] =	ssyncadd.s32 $0xFFFFD000  }
0xbb: {  	_ =	swait.ge [sflag:s22], $0x60  }
0xbc: {  	[sflag:s22] =	ssyncset.done $0x0  }
0xbd: {  	s9 =	simm.s32 @!p5 $0xE;
	[sflag:s22] =	ssyncadd.s32 $0xFFFFFFA0  }
0xbe: {  	[spmem:s2] =	stream.indirect.scatter.add.f32 [tilespmem:s15], [sflag:$0xF], $0x80, s5, s30, $0xb8;
	[tilespmem:$0x1FD80] =	vst v63  }
0xbf: {  	_ =	swait.ge @!p5 [sflag:s9], $0x3000  }
0xc0: {  	s19 =	simm.s32 @!p5 $0x80;
	[sflag:s9] =	ssyncset.done @!p5 $0x0  }
0xc1: {  	[sflag:s9] =	ssyncadd.s32 @!p5 $0xFFFFD000;
	s9 =	simm.s32 @!p5 $0x280  }
0xc2: {  	[tilespmem:s19], [sflag:$0x2] =	stream.linear.gather @!p5 [hbm4b:s11+s28], $0x60, $0x38;
	[tilespmem:$0x1FD80] =	vst v63  }
0xc3: {  	s11 =	simm.s32 @!p5 $0x1  }
0xc4: {  	[tilespmem:s9], [sflag:$0x6] =	stream.linear.gather @!p5 [hbm4b:s31+s28], $0x60, $0x38;
	[tilespmem:$0x1FD80] =	vst v63  }
0xc5: {  	s31 =	simm.s32 $0x500  }
0xc6: {  	_ =	swait.ge @!p5 [sflag:s11], $0x60  }
0xc7: {  	s19 =	simm.s32 @!p5 $0x500;
	s9 =	simm.s32 @!p5 $0x60;
	[sflag:s11] =	ssyncset.done @!p5 $0x0  }
0xc8: {  	[sflag:s11] =	ssyncadd.s32 @!p5 $0xFFFFFFA0  }
0xc9: {  	[tilespmem:s19], [sflag:$0x9] =	stream.indirect.gather @!p5 [hbm4b:s4+s9], $0x80, s28, s9, $0xb8;
	[tilespmem:$0x1FD80] =	vst v63  }
0xca: {  	s28 =	simm.s32 $0x200  }
.Ltmp3:
0xcb: {  	_ =	swait.ge [sflag:s10], $0x3000;
	(pc) =	sbr.rel @p4 .LBB2_6-.Ltmp3, $4  }
0xcc: {  	[sflag:s10] =	ssyncset.done $0x0  }
0xcd: {  	[sflag:s10] =	ssyncadd.s32 $0xFFFFD000  }
0xce: {  	_ =	swait.ge [sflag:s18], $0x60  }
0xcf: {  	s26 =	simm.s32 @!p3 $0xF;
	[sflag:s18] =	ssyncset.done $0x0  }
0xd0: {  	[sflag:s18] =	ssyncadd.s32 $0xFFFFFFA0;
	s6 =	simm.s32 $0x9500;
	s15 =	simm.s32 $0x380  }
0xd1: {  	[spmem:s2] =	stream.indirect.scatter.add.f32 [tilespmem:s6], [sflag:$0x10], $0x80, s15, s30, $0xb8;
	[tilespmem:$0x1FD80] =	vst v63  }
0xd2: {  	_ =	swait.ge @!p3 [sflag:s26], $0x3000  }
0xd3: {  	s9 =	sadd.s32 s0, s24;
	[sflag:s26] =	ssyncset.done @!p3 $0x0  }
0xd4: {  	s19 =	sadd.s32 s0, s23;
	s11 =	sadd.s32 $0x18, s9;
	[sflag:s26] =	ssyncadd.s32 @!p3 $0xFFFFD000  }
0xd5: {  	[tilespmem:s8], [sflag:$0x3] =	stream.linear.gather [hbm4b:s11+s1], $0x60, $0x38;
	[tilespmem:$0x1FD80] =	vst v63  }
0xd6: {  	s5 =	simm.s32 $0x300;
	s7 =	sadd.s32 $0x18, s19  }
0xd7: {  	[tilespmem:s5], [sflag:$0x7] =	stream.linear.gather [hbm4b:s7+s1], $0x60, $0x38;
	[tilespmem:$0x1FD80] =	vst v63  }
0xd8: {  	_ =	swait.ge [sflag:s20], $0x60  }
0xd9: {  	[sflag:s20] =	ssyncset.done $0x0  }
0xda: {  	[sflag:s20] =	ssyncadd.s32 $0xFFFFFFA0;
	s20 =	simm.s32 $0x80  }
0xdb: {  	[tilespmem:s3], [sflag:$0xA] =	stream.indirect.gather [hbm4b:s4+s30], $0x80, s20, s30, $0xb8;
	[tilespmem:$0x1FD80] =	vst v63  }
0xdc: {  	_ =	swait.ge [sflag:s21], $0x3000  }
0xdd: {  	[sflag:s21] =	ssyncset.done $0x0  }
0xde: {  	[sflag:s21] =	ssyncadd.s32 $0xFFFFD000;
	s21 =	simm.s32 $0x5  }
0xdf: {  	_ =	swait.ge [sflag:s21], $0x60  }
0xe0: {  	[sflag:s21] =	ssyncset.done $0x0  }
0xe1: {  	s11 =	simm.s32 @!p3 $0x10;
	[sflag:s21] =	ssyncadd.s32 $0xFFFFFFA0  }
0xe2: {  	[spmem:s2] =	stream.indirect.scatter.add.f32 [tilespmem:s31], [sflag:$0xD], $0x80, s28, s30, $0xb8;
	[tilespmem:$0x1FD80] =	vst v63  }
0xe3: {  	_ =	swait.ge @!p3 [sflag:s11], $0x3000  }
0xe4: {  	[sflag:s11] =	ssyncset.done @!p3 $0x0  }
0xe5: {  	s9 =	sadd.s32 $0x24, s9;
	s7 =	simm.s32 $0x180;
	[sflag:s11] =	ssyncadd.s32 @!p3 $0xFFFFD000  }
0xe6: {  	[tilespmem:s7], [sflag:$0x4] =	stream.linear.gather [hbm4b:s9+s1], $0x60, $0x38;
	[tilespmem:$0x1FD80] =	vst v63  }
0xe7: {  	s25 =	sadd.s32 $0x24, s19  }
0xe8: {  	[tilespmem:s15], [sflag:$0x8] =	stream.linear.gather [hbm4b:s25+s1], $0x60, $0x38;
	[tilespmem:$0x1FD80] =	vst v63  }
0xe9: {  	_ =	swait.ge [sflag:s12], $0x60  }
0xea: {  	[sflag:s12] =	ssyncset.done $0x0  }
0xeb: {  	s26 =	simm.s32 $0x6500;
	[sflag:s12] =	ssyncadd.s32 $0xFFFFFFA0  }
0xec: {  	[tilespmem:s26], [sflag:$0xB] =	stream.indirect.gather [hbm4b:s4+s30], $0x80, s8, s30, $0xb8;
	[tilespmem:$0x1FD80] =	vst v63  }
0xed: {  	_ =	swait.ge [sflag:s13], $0x3000  }
0xee: {  	[sflag:s13] =	ssyncset.done $0x0  }
0xef: {  	[sflag:s13] =	ssyncadd.s32 $0xFFFFD000  }
0xf0: {  	_ =	swait.ge [sflag:s14], $0x60  }
0xf1: {  	[sflag:s14] =	ssyncset.done $0x0  }
0xf2: {  	p3 =	seq.s32 s0, $0x4B0;
	s9 =	simm.s32 $0x280;
	[sflag:s14] =	ssyncadd.s32 $0xFFFFFFA0  }
0xf3: {  	[spmem:s2] =	stream.indirect.scatter.add.f32 [tilespmem:s3], [sflag:$0xE], $0x80, s9, s30, $0xb8;
	[tilespmem:$0x1FD80] =	vst v63  }
0xf4: {  	s9 =	simm.s32 @!p3 $0xD  }
0xf5: {  	_ =	swait.ge @!p3 [sflag:s9], $0x3000  }
0xf6: {  	s11 =	sadd.s32 @!p3 s0, s24;
	s0 =	sadd.s32 @!p3 s0, s23;
	[sflag:s9] =	ssyncset.done @!p3 $0x0  }
0xf7: {  	s19 =	sadd.s32 @!p3 $0x30, s11;
	s25 =	simm.s32 @!p3 $0x0;
	[sflag:s9] =	ssyncadd.s32 @!p3 $0xFFFFD000  }
0xf8: {  	[tilespmem:s25], [sflag:$0x1] =	stream.linear.gather @!p3 [hbm4b:s19+s25], $0x60, $0x38;
	[tilespmem:$0x1FD80] =	vst v63  }
0xf9: {  	s9 =	sadd.s32 @!p3 $0x30, s0;
	s19 =	simm.s32 @!p3 $0x200  }
0xfa: {  	[tilespmem:s19], [sflag:$0x5] =	stream.linear.gather @!p3 [hbm4b:s9+s25], $0x60, $0x38;
	[tilespmem:$0x1FD80] =	vst v63  }
0xfb: {  	_ =	swait.ge [sflag:s16], $0x60  }
0xfc: {  	[sflag:s16] =	ssyncset.done $0x0  }
0xfd: {  	[sflag:s16] =	ssyncadd.s32 $0xFFFFFFA0  }
0xfe: {  	[tilespmem:s6], [sflag:$0xC] =	stream.indirect.gather [hbm4b:s4+s30], $0x80, s7, s30, $0xb8;
	[tilespmem:$0x1FD80] =	vst v63  }
0xff: {  	_ =	swait.ge [sflag:s17], $0x3000  }
0x100: {  	[sflag:s17] =	ssyncset.done $0x0  }
0x101: {  	[sflag:s17] =	ssyncadd.s32 $0xFFFFD000  }
0x102: {  	_ =	swait.ge [sflag:s22], $0x60  }
0x103: {  	[sflag:s22] =	ssyncset.done $0x0  }
0x104: {  	s9 =	simm.s32 @!p3 $0xE;
	[sflag:s22] =	ssyncadd.s32 $0xFFFFFFA0  }
0x105: {  	[spmem:s2] =	stream.indirect.scatter.add.f32 [tilespmem:s26], [sflag:$0xF], $0x80, s5, s30, $0xb8;
	[tilespmem:$0x1FD80] =	vst v63  }
0x106: {  	_ =	swait.ge @!p3 [sflag:s9], $0x3000  }
0x107: {  	[sflag:s9] =	ssyncset.done @!p3 $0x0  }
0x108: {  	s11 =	sadd.s32 @!p3 $0x3C, s11;
	[sflag:s9] =	ssyncadd.s32 @!p3 $0xFFFFD000;
	s9 =	simm.s32 @!p3 $0x80  }
0x109: {  	[tilespmem:s9], [sflag:$0x2] =	stream.linear.gather @!p3 [hbm4b:s11+s25], $0x60, $0x38;
	[tilespmem:$0x1FD80] =	vst v63  }
0x10a: {  	s0 =	sadd.s32 @!p3 $0x3C, s0;
	s9 =	simm.s32 @!p3 $0x280  }
0x10b: {  	[tilespmem:s9], [sflag:$0x6] =	stream.linear.gather @!p3 [hbm4b:s0+s25], $0x60, $0x38;
	[tilespmem:$0x1FD80] =	vst v63  }
0x10c: {  	s0 =	simm.s32 @!p3 $0x1  }
0x10d: {  	_ =	swait.ge @!p3 [sflag:s0], $0x60  }
0x10e: {  	[sflag:s0] =	ssyncset.done @!p3 $0x0  }
0x10f: {  	s9 =	simm.s32 @!p3 $0x60;
	[sflag:s0] =	ssyncadd.s32 @!p3 $0xFFFFFFA0;
	s0 =	simm.s32 @!p3 $0x500  }
0x110: {  	[tilespmem:s0], [sflag:$0x9] =	stream.indirect.gather @!p3 [hbm4b:s4+s9], $0x80, s25, s9, $0xb8;
	[tilespmem:$0x1FD80] =	vst v63  }
0x111: {  	_ =	swait.ge [sflag:s10], $0x3000  }
0x112: {  	[sflag:s10] =	ssyncset.done $0x0  }
0x113: {  	[sflag:s10] =	ssyncadd.s32 $0xFFFFD000  }
0x114: {  	_ =	swait.ge [sflag:s18], $0x60  }
0x115: {  	[sflag:s18] =	ssyncset.done $0x0  }
0x116: {  	s11 =	simm.s32 $0xD;
	[sflag:s18] =	ssyncadd.s32 $0xFFFFFFA0  }
0x117: {  	[spmem:s2] =	stream.indirect.scatter.add.f32 [tilespmem:s6], [sflag:$0x10], $0x80, s15, s30, $0xb8;
	[tilespmem:$0x1FD80] =	vst v63  }
0x118: {  	_ =	swait.ge [sflag:s11], $0x3000  }
0x119: {  	[sflag:s11] =	ssyncset.done $0x0  }
0x11a: {  	s13 =	simm.s32 $0x400;
	s12 =	rddreg [dreg:$0xd];
	[sflag:s11] =	ssyncadd.s32 $0xFFFFD000  }
0x11b: {  	[tilespmem:s13], [sflag:$0x1] =	stream.linear.gather [hbm4b:s12+s1], $0x10, $0x38;
	[tilespmem:$0x1FD80] =	vst v63  }
0x11c: {  	s19 =	simm.s32 $0x1;
	s15 =	simm.s32 $0x480;
	s14 =	rddreg [dreg:$0xe]  }
0x11d: {  	[tilespmem:s15], [sflag:$0x5] =	stream.linear.gather [hbm4b:s14+s1], $0x10, $0x38;
	[tilespmem:$0x1FD80] =	vst v63  }
0x11e: {  	_ =	swait.ge [sflag:s19], $0x10  }
0x11f: {  	[sflag:s19] =	ssyncset.done $0x0  }
0x120: {  	s16 =	simm.s32 $0x10;
	s17 =	simm.s32 $0x11;
	[sflag:s19] =	ssyncadd.s32 $0xFFFFFFF0  }
0x121: {  	[tilespmem:s31], [sflag:$0x11] =	stream.indirect.gather [hbm4b:s4+s16], $0x80, s13, s16, $0xb8;
	[tilespmem:$0x1FD80] =	vst v63  }
0x122: {  	_ =	swait.ge [sflag:s17], $0x800  }
0x123: {  	[sflag:s17] =	ssyncset.done $0x0  }
0x124: {  	[sflag:s17] =	ssyncadd.s32 $0xFFFFF800  }
0x125: {  	_ =	swait.ge [sflag:s21], $0x10  }
0x126: {  	[sflag:s21] =	ssyncset.done $0x0  }
0x127: {  	s18 =	simm.s32 $0xE;
	[sflag:s21] =	ssyncadd.s32 $0xFFFFFFF0  }
0x128: {  	[spmem:s2] =	stream.indirect.scatter.add.f32 [tilespmem:s31], [sflag:$0x11], $0x80, s15, s16, $0xb8;
	[tilespmem:$0x1FD80] =	vst v63  }
0x129: {  	_ =	swait.ge [sflag:s18], $0x3000  }
0x12a: {  	[sflag:s18] =	ssyncset.done $0x0  }
0x12b: {  	s20 =	simm.s32 $0xF;
	[sflag:s18] =	ssyncadd.s32 $0xFFFFD000  }
0x12c: {  	_ =	swait.ge [sflag:s20], $0x3000  }
0x12d: {  	[sflag:s20] =	ssyncset.done $0x0  }
0x12e: {  	[sflag:s20] =	ssyncadd.s32 $0xFFFFD000  }
0x12f: {  	_ =	swait.ge [sflag:s16], $0x3000  }
0x130: {  	[sflag:s16] =	ssyncset.done $0x0  }
0x131: {  	[sflag:s16] =	ssyncadd.s32 $0xFFFFD000  }
0x132: {  	_ =	swait.ge [sflag:s17], $0x800  }
0x133: {  	s29 =	simm.s32 $0x280;
	[sflag:s17] =	ssyncset.done $0x0  }
0x134: {  	s8 =	simm.s32 $0x100;
	s7 =	simm.s32 $0xB;
	[sflag:s17] =	ssyncadd.s32 $0xFFFFF800  }
0x135: {  	s26 =	simm.s32 $0x14;
	s5 =	simm.s32 $0x3;
	[bflag:$0x0] =	sbarrier.arrive $0xFFFF  }
0x136: {  	s10 =	simm.s32 $0x8;
	s6 =	simm.s32 $0x180;
	s21 =	rddreg [dreg:$0x16]  }
0x137: {  	s12 =	simm.s32 $0x6500;
	s14 =	simm.s32 $0x4;
	s22 =	rddreg [dreg:$0x12]  }
0x138: {  	s13 =	simm.s32 $0xA;
	s25 =	rddreg [dreg:$0x15];
	s0 =	sor.u32 $0x1C14, s21  }
0x139: {  	[hbm:s22], [sflag:s0] =	dma.local [spmem:s25], $0x2700  }
.Ltmp4:
0x13a: {  	s15 =	simm.s32 $0x300;
	s18 =	simm.s32 $0x380;
	(pc) =	sbr.rel @p1 .LBB2_9-.Ltmp4, $4  }
.Ltmp5:
0x13b: {  	s20 =	simm.s32 $0x9;
	_ =	swait.ge [sflag:s26], $0x2700;
	(pc) =	sbr.rel @!p1 .LBB2_8-.Ltmp5, $4  }
0x13c: {  	s16 =	simm.s32 $0x9500;
	s17 =	simm.s32 $0x3500;
	s25 =	rddreg [dreg:$0x4]  }
0x13d: {  	s21 =	simm.s32 $0x5;
	[sflag:s26] =	ssyncset.done $0x0;
	s3 =	rddreg [dreg:$0x18]  }
0x13e: {  	s22 =	simm.s32 $0xC;
	[sflag:s26] =	ssyncadd.s32 $0xFFFFD900;
	s26 =	rddreg [dreg:$0x14]  }
0x13f: {  	_ = 	snop  }
.LBB2_2:
0x140: {  	s9 =	rddreg [dreg:$0x6]  }
0x141: {  	[spmem:s11], [sflag:s25] =	dma.local [hbm:s9], $0x2700  }
0x142: {  	s25 =	simm.s32 @!p1 $0x1C13;
	s9 =	rddreg [dreg:$0x8]  }
0x143: {  	[spmem:s0], [sflag:s25] =	dma.local @!p1 [hbm:s9], $0x100  }
0x144: {  	s0 =	rddreg [dreg:$0x9]  }
0x145: {  	[tilespmem:s1], [sflag:$0x1] =	stream.linear.gather [hbm4b:s0+s1], $0x60, $0x38;
	[tilespmem:$0x1FD80] =	vst v63  }
0x146: {  	s9 =	rddreg [dreg:$0xa]  }
0x147: {  	[tilespmem:s28], [sflag:$0x5] =	stream.linear.gather [hbm4b:s9+s1], $0x60, $0x38;
	[tilespmem:$0x1FD80] =	vst v63  }
0x148: {  	s11 =	rddreg [dreg:$0xb];
	s9 =	simm.s32 $0x80  }
0x149: {  	[tilespmem:s9], [sflag:$0x2] =	stream.linear.gather [hbm4b:s11+s1], $0x60, $0x38;
	[tilespmem:$0x1FD80] =	vst v63  }
0x14a: {  	s25 =	rddreg [dreg:$0xc]  }
0x14b: {  	[tilespmem:s29], [sflag:$0x6] =	stream.linear.gather [hbm4b:s25+s1], $0x60, $0x38;
	[tilespmem:$0x1FD80] =	vst v63  }
0x14c: {  	_ =	swait.ge [sflag:s19], $0x60  }
0x14d: {  	[sflag:s19] =	ssyncset.done $0x0  }
0x14e: {  	s26 =	simm.s32 $0x12;
	[sflag:s19] =	ssyncadd.s32 $0xFFFFFFA0  }
0x14f: {  	[tilespmem:s31], [sflag:$0x9] =	stream.indirect.gather [hbm4b:s3+s30], $0x80, s1, s30, $0xb8;
	[tilespmem:$0x1FD80] =	vst v63  }
0x150: {  	_ =	swait.ge [sflag:s26], $0x2700  }
0x151: {  	[sflag:s26] =	ssyncset.done $0x0  }
0x152: {  	s0 =	simm.s32 @!p1 $0x13;
	[sflag:s26] =	ssyncadd.s32 $0xFFFFD900  }
0x153: {  	_ =	swait.ge @!p1 [sflag:s0], $0x100  }
0x154: {  	p3 =	por $0x1, $0x1;
	[sflag:s0] =	ssyncset.done @!p1 $0x0  }
0x155: {  	p3 =	por p3, p3;
	[sflag:s0] =	ssyncadd.s32 @!p1 $0xFFFFFF00  }
0x156: {  	s0 =	simm.s32 @!p3 $0xF;
	[bflag:$0x0] =	sbarrier.arrive $0xFFFF  }
0x157: {  	_ =	swait.ge @!p3 [sflag:s0], $0x3000  }
0x158: {  	s25 =	sadd.s32 $0x0, s24;
	[sflag:s0] =	ssyncset.done @!p3 $0x0  }
0x159: {  	s4 =	sadd.s32 $0x18, s25;
	s26 =	sadd.s32 $0x0, s23;
	[sflag:s0] =	ssyncadd.s32 @!p3 $0xFFFFD000  }
0x15a: {  	[tilespmem:s8], [sflag:$0x3] =	stream.linear.gather [hbm4b:s4+s1], $0x60, $0x38;
	[tilespmem:$0x1FD80] =	vst v63  }
0x15b: {  	s19 =	simm.s32 $0x2;
	s11 =	sadd.s32 $0x18, s26  }
0x15c: {  	[tilespmem:s15], [sflag:$0x7] =	stream.linear.gather [hbm4b:s11+s1], $0x60, $0x38;
	[tilespmem:$0x1FD80] =	vst v63  }
0x15d: {  	_ =	swait.ge [sflag:s19], $0x60  }
0x15e: {  	[sflag:s19] =	ssyncset.done $0x0  }
0x15f: {  	[sflag:s19] =	ssyncadd.s32 $0xFFFFFFA0  }
0x160: {  	[tilespmem:s17], [sflag:$0xA] =	stream.indirect.gather [hbm4b:s3+s30], $0x80, s9, s30, $0xb8;
	[tilespmem:$0x1FD80] =	vst v63  }
0x161: {  	_ =	swait.ge [sflag:s20], $0x3000  }
0x162: {  	[sflag:s20] =	ssyncset.done $0x0  }
0x163: {  	[sflag:s20] =	ssyncadd.s32 $0xFFFFD000  }
0x164: {  	_ =	swait.ge [sflag:s21], $0x60  }
0x165: {  	[sflag:s21] =	ssyncset.done $0x0  }
0x166: {  	s0 =	simm.s32 @!p3 $0x10;
	[sflag:s21] =	ssyncadd.s32 $0xFFFFFFA0  }
0x167: {  	[spmem:s2] =	stream.indirect.scatter.add.f32 [tilespmem:s31], [sflag:$0xD], $0x80, s28, s30, $0xb8;
	[tilespmem:$0x1FD80] =	vst v63  }
0x168: {  	_ =	swait.ge @!p3 [sflag:s0], $0x3000  }
0x169: {  	[sflag:s0] =	ssyncset.done @!p3 $0x0  }
0x16a: {  	s25 =	sadd.s32 $0x24, s25;
	[sflag:s0] =	ssyncadd.s32 @!p3 $0xFFFFD000  }
0x16b: {  	[tilespmem:s6], [sflag:$0x4] =	stream.linear.gather [hbm4b:s25+s1], $0x60, $0x38;
	[tilespmem:$0x1FD80] =	vst v63  }
0x16c: {  	s26 =	sadd.s32 $0x24, s26  }
0x16d: {  	[tilespmem:s18], [sflag:$0x8] =	stream.linear.gather [hbm4b:s26+s1], $0x60, $0x38;
	[tilespmem:$0x1FD80] =	vst v63  }
0x16e: {  	_ =	swait.ge [sflag:s5], $0x60  }
0x16f: {  	[sflag:s5] =	ssyncset.done $0x0  }
0x170: {  	[sflag:s5] =	ssyncadd.s32 $0xFFFFFFA0  }
0x171: {  	[tilespmem:s12], [sflag:$0xB] =	stream.indirect.gather [hbm4b:s3+s30], $0x80, s8, s30, $0xb8;
	[tilespmem:$0x1FD80] =	vst v63  }
0x172: {  	_ =	swait.ge [sflag:s13], $0x3000  }
0x173: {  	[sflag:s13] =	ssyncset.done $0x0  }
0x174: {  	[sflag:s13] =	ssyncadd.s32 $0xFFFFD000;
	s13 =	simm.s32 $0x6  }
0x175: {  	_ =	swait.ge [sflag:s13], $0x60  }
0x176: {  	p3 =	por $0x0, $0x0;
	[sflag:s13] =	ssyncset.done $0x0  }
0x177: {  	s0 =	simm.s32 @!p3 $0xD;
	[sflag:s13] =	ssyncadd.s32 $0xFFFFFFA0  }
0x178: {  	[spmem:s2] =	stream.indirect.scatter.add.f32 [tilespmem:s17], [sflag:$0xE], $0x80, s29, s30, $0xb8;
	[tilespmem:$0x1FD80] =	vst v63  }
0x179: {  	_ =	swait.ge @!p3 [sflag:s0], $0x3000  }
0x17a: {  	s25 =	sadd.s32 @!p3 $0x0, s24;
	s26 =	sadd.s32 @!p3 $0x0, s23;
	[sflag:s0] =	ssyncset.done @!p3 $0x0  }
0x17b: {  	s1 =	simm.s32 @!p3 $0x0;
	s29 =	sadd.s32 @!p3 $0x30, s25;
	[sflag:s0] =	ssyncadd.s32 @!p3 $0xFFFFD000  }
0x17c: {  	[tilespmem:s1], [sflag:$0x1] =	stream.linear.gather @!p3 [hbm4b:s29+s1], $0x60, $0x38;
	[tilespmem:$0x1FD80] =	vst v63  }
0x17d: {  	s0 =	sadd.s32 @!p3 $0x30, s26;
	s29 =	simm.s32 @!p3 $0x200  }
0x17e: {  	[tilespmem:s29], [sflag:$0x5] =	stream.linear.gather @!p3 [hbm4b:s0+s1], $0x60, $0x38;
	[tilespmem:$0x1FD80] =	vst v63  }
0x17f: {  	_ =	swait.ge [sflag:s14], $0x60  }
0x180: {  	[sflag:s14] =	ssyncset.done $0x0  }
0x181: {  	s7 =	simm.s32 $0xB;
	s31 =	simm.s32 $0x180;
	[sflag:s14] =	ssyncadd.s32 $0xFFFFFFA0  }
0x182: {  	[tilespmem:s16], [sflag:$0xC] =	stream.indirect.gather [hbm4b:s3+s30], $0x80, s31, s30, $0xb8;
	[tilespmem:$0x1FD80] =	vst v63  }
0x183: {  	_ =	swait.ge [sflag:s7], $0x3000  }
0x184: {  	[sflag:s7] =	ssyncset.done $0x0  }
0x185: {  	s17 =	simm.s32 $0x7;
	[sflag:s7] =	ssyncadd.s32 $0xFFFFD000  }
0x186: {  	_ =	swait.ge [sflag:s17], $0x60  }
0x187: {  	[sflag:s17] =	ssyncset.done $0x0  }
0x188: {  	s28 =	simm.s32 $0x300;
	s0 =	simm.s32 @!p3 $0xE;
	[sflag:s17] =	ssyncadd.s32 $0xFFFFFFA0  }
0x189: {  	[spmem:s2] =	stream.indirect.scatter.add.f32 [tilespmem:s12], [sflag:$0xF], $0x80, s28, s30, $0xb8;
	[tilespmem:$0x1FD80] =	vst v63  }
0x18a: {  	_ =	swait.ge @!p3 [sflag:s0], $0x3000  }
0x18b: {  	[sflag:s0] =	ssyncset.done @!p3 $0x0  }
0x18c: {  	s25 =	sadd.s32 @!p3 $0x3C, s25;
	[sflag:s0] =	ssyncadd.s32 @!p3 $0xFFFFD000;
	s0 =	simm.s32 @!p3 $0x80  }
0x18d: {  	[tilespmem:s0], [sflag:$0x2] =	stream.linear.gather @!p3 [hbm4b:s25+s1], $0x60, $0x38;
	[tilespmem:$0x1FD80] =	vst v63  }
0x18e: {  	s0 =	sadd.s32 @!p3 $0x3C, s26;
	s25 =	simm.s32 @!p3 $0x280  }
0x18f: {  	[tilespmem:s25], [sflag:$0x6] =	stream.linear.gather @!p3 [hbm4b:s0+s1], $0x60, $0x38;
	[tilespmem:$0x1FD80] =	vst v63  }
0x190: {  	s0 =	simm.s32 @!p3 $0x1  }
0x191: {  	_ =	swait.ge @!p3 [sflag:s0], $0x60  }
0x192: {  	[sflag:s0] =	ssyncset.done @!p3 $0x0  }
0x193: {  	s25 =	simm.s32 @!p3 $0x60;
	[sflag:s0] =	ssyncadd.s32 @!p3 $0xFFFFFFA0;
	s0 =	simm.s32 @!p3 $0x500  }
0x194: {  	[tilespmem:s0], [sflag:$0x9] =	stream.indirect.gather @!p3 [hbm4b:s3+s25], $0x80, s1, s25, $0xb8;
	[tilespmem:$0x1FD80] =	vst v63  }
0x195: {  	_ =	swait.ge [sflag:s22], $0x3000  }
0x196: {  	p6 =	por $0x0, $0x0;
	s4 =	simm.s32 $0x0;
	[sflag:s22] =	ssyncset.done $0x0  }
0x197: {  	s15 =	simm.s32 $0xA;
	s18 =	simm.s32 $0x2;
	[sflag:s22] =	ssyncadd.s32 $0xFFFFD000  }
0x198: {  	s29 =	simm.s32 $0x60;
	p3 =	por p6, p6;
	_ =	swait.ge [sflag:s10], $0x60  }
0x199: {  	s0 =	simm.s32 $0x30;
	s26 =	simm.s32 @!p3 $0xF;
	[sflag:s10] =	ssyncset.done $0x0  }
.LBB2_3:
0x19a: {  	p5 =	seq.s32 s29, $0x0;
	[sflag:s10] =	ssyncadd.s32 $0xFFFFFFA0  }
0x19b: {  	s25 =	smov.u32 s29;
	s29 =	sadd.s32 $0x30, s29;
	s9 =	simm.s32 $0x380  }
0x19c: {  	[spmem:s2] =	stream.indirect.scatter.add.f32 [tilespmem:s16], [sflag:$0x10], $0x80, s9, s30, $0xb8;
	[tilespmem:$0x1FD80] =	vst v63  }
0x19d: {  	p4 =	sne.s32 s29, $0x4E0;
	_ =	swait.ge @!p3 [sflag:s26], $0x3000  }
0x19e: {  	s28 =	sadd.s32 s0, s24;
	s31 =	sadd.s32 s0, s23;
	[sflag:s26] =	ssyncset.done @!p3 $0x0  }
0x19f: {  	s12 =	simm.s32 $0x100;
	[sflag:s26] =	ssyncadd.s32 @!p3 $0xFFFFD000;
	s26 =	sadd.s32 $0x18, s28  }
0x1a0: {  	[tilespmem:s12], [sflag:$0x3] =	stream.linear.gather [hbm4b:s26+s4], $0x60, $0x38;
	[tilespmem:$0x1FD80] =	vst v63  }
0x1a1: {  	s6 =	simm.s32 $0x300;
	s26 =	sadd.s32 $0x18, s31  }
0x1a2: {  	[tilespmem:s6], [sflag:$0x7] =	stream.linear.gather [hbm4b:s26+s4], $0x60, $0x38;
	[tilespmem:$0x1FD80] =	vst v63  }
0x1a3: {  	_ =	swait.ge [sflag:s18], $0x60  }
0x1a4: {  	[sflag:s18] =	ssyncset.done $0x0  }
0x1a5: {  	s19 =	simm.s32 $0x3500;
	s1 =	simm.s32 $0x80;
	[sflag:s18] =	ssyncadd.s32 $0xFFFFFFA0  }
0x1a6: {  	[tilespmem:s19], [sflag:$0xA] =	stream.indirect.gather [hbm4b:s3+s30], $0x80, s1, s30, $0xb8;
	[tilespmem:$0x1FD80] =	vst v63  }
0x1a7: {  	_ =	swait.ge [sflag:s20], $0x3000  }
0x1a8: {  	[sflag:s20] =	ssyncset.done $0x0  }
0x1a9: {  	[sflag:s20] =	ssyncadd.s32 $0xFFFFD000  }
0x1aa: {  	_ =	swait.ge [sflag:s21], $0x60  }
0x1ab: {  	s11 =	simm.s32 $0x500;
	[sflag:s21] =	ssyncset.done $0x0  }
0x1ac: {  	s26 =	simm.s32 @!p3 $0x10;
	s1 =	simm.s32 $0x200;
	[sflag:s21] =	ssyncadd.s32 $0xFFFFFFA0  }
0x1ad: {  	[spmem:s2] =	stream.indirect.scatter.add.f32 [tilespmem:s11], [sflag:$0xD], $0x80, s1, s30, $0xb8;
	[tilespmem:$0x1FD80] =	vst v63  }
0x1ae: {  	_ =	swait.ge @!p3 [sflag:s26], $0x3000  }
0x1af: {  	s8 =	simm.s32 $0x180;
	[sflag:s26] =	ssyncset.done @!p3 $0x0  }
0x1b0: {  	[sflag:s26] =	ssyncadd.s32 @!p3 $0xFFFFD000;
	s26 =	sadd.s32 $0x24, s28;
	p3 =	por p5, p5  }
0x1b1: {  	[tilespmem:s8], [sflag:$0x4] =	stream.linear.gather [hbm4b:s26+s4], $0x60, $0x38;
	[tilespmem:$0x1FD80] =	vst v63  }
0x1b2: {  	s26 =	sadd.s32 $0x24, s31  }
0x1b3: {  	[tilespmem:s9], [sflag:$0x8] =	stream.linear.gather [hbm4b:s26+s4], $0x60, $0x38;
	[tilespmem:$0x1FD80] =	vst v63  }
0x1b4: {  	_ =	swait.ge [sflag:s5], $0x60  }
0x1b5: {  	[sflag:s5] =	ssyncset.done $0x0  }
0x1b6: {  	s1 =	smov.u32 s2;
	s2 =	simm.s32 $0x6500;
	[sflag:s5] =	ssyncadd.s32 $0xFFFFFFA0  }
0x1b7: {  	[tilespmem:s2], [sflag:$0xB] =	stream.indirect.gather [hbm4b:s3+s30], $0x80, s12, s30, $0xb8;
	[tilespmem:$0x1FD80] =	vst v63  }
0x1b8: {  	_ =	swait.ge [sflag:s15], $0x3000  }
0x1b9: {  	[sflag:s15] =	ssyncset.done $0x0  }
0x1ba: {  	[sflag:s15] =	ssyncadd.s32 $0xFFFFD000  }
0x1bb: {  	_ =	swait.ge [sflag:s13], $0x60  }
0x1bc: {  	[sflag:s13] =	ssyncset.done $0x0  }
0x1bd: {  	p5 =	seq.s32 s0, $0x4B0;
	s9 =	simm.s32 $0x280;
	[sflag:s13] =	ssyncadd.s32 $0xFFFFFFA0  }
0x1be: {  	[spmem:s1] =	stream.indirect.scatter.add.f32 [tilespmem:s19], [sflag:$0xE], $0x80, s9, s30, $0xb8;
	[tilespmem:$0x1FD80] =	vst v63  }
0x1bf: {  	s28 =	sadd.s32 @!p5 s0, s24;
	s0 =	sadd.s32 @!p5 s0, s23;
	s26 =	simm.s32 @!p5 $0xD  }
0x1c0: {  	s31 =	sadd.s32 @!p5 $0x30, s28;
	s9 =	sadd.s32 @!p5 $0x30, s0;
	_ =	swait.ge @!p5 [sflag:s26], $0x3000  }
0x1c1: {  	s11 =	simm.s32 @!p5 $0x0;
	s28 =	sadd.s32 @!p5 $0x3C, s28;
	[sflag:s26] =	ssyncset.done @!p5 $0x0  }
0x1c2: {  	s19 =	sadd.s32 @!p5 $0x3C, s0;
	[sflag:s26] =	ssyncadd.s32 @!p5 $0xFFFFD000;
	s26 =	simm.s32 @!p5 $0x200  }
0x1c3: {  	[tilespmem:s11], [sflag:$0x1] =	stream.linear.gather @!p5 [hbm4b:s31+s11], $0x60, $0x38;
	[tilespmem:$0x1FD80] =	vst v63  }
0x1c4: {  	s0 =	smov.u32 s25  }
0x1c5: {  	[tilespmem:s26], [sflag:$0x5] =	stream.linear.gather @!p5 [hbm4b:s9+s11], $0x60, $0x38;
	[tilespmem:$0x1FD80] =	vst v63  }
0x1c6: {  	_ =	swait.ge [sflag:s14], $0x60  }
0x1c7: {  	[sflag:s14] =	ssyncset.done $0x0  }
0x1c8: {  	[sflag:s14] =	ssyncadd.s32 $0xFFFFFFA0  }
0x1c9: {  	[tilespmem:s16], [sflag:$0xC] =	stream.indirect.gather [hbm4b:s3+s30], $0x80, s8, s30, $0xb8;
	[tilespmem:$0x1FD80] =	vst v63  }
0x1ca: {  	_ =	swait.ge [sflag:s7], $0x3000  }
0x1cb: {  	[sflag:s7] =	ssyncset.done $0x0  }
0x1cc: {  	[sflag:s7] =	ssyncadd.s32 $0xFFFFD000  }
0x1cd: {  	_ =	swait.ge [sflag:s17], $0x60  }
0x1ce: {  	[sflag:s17] =	ssyncset.done $0x0  }
0x1cf: {  	s9 =	simm.s32 @!p5 $0xE;
	[sflag:s17] =	ssyncadd.s32 $0xFFFFFFA0  }
0x1d0: {  	[spmem:s1] =	stream.indirect.scatter.add.f32 [tilespmem:s2], [sflag:$0xF], $0x80, s6, s30, $0xb8;
	[tilespmem:$0x1FD80] =	vst v63  }
0x1d1: {  	s2 =	smov.u32 s1  }
0x1d2: {  	_ =	swait.ge @!p5 [sflag:s9], $0x3000  }
0x1d3: {  	s25 =	simm.s32 @!p5 $0x80;
	[sflag:s9] =	ssyncset.done @!p5 $0x0  }
0x1d4: {  	[sflag:s9] =	ssyncadd.s32 @!p5 $0xFFFFD000;
	s9 =	simm.s32 @!p5 $0x280  }
0x1d5: {  	[tilespmem:s25], [sflag:$0x2] =	stream.linear.gather @!p5 [hbm4b:s28+s11], $0x60, $0x38;
	[tilespmem:$0x1FD80] =	vst v63  }
0x1d6: {  	s25 =	simm.s32 @!p5 $0x1  }
0x1d7: {  	[tilespmem:s9], [sflag:$0x6] =	stream.linear.gather @!p5 [hbm4b:s19+s11], $0x60, $0x38;
	[tilespmem:$0x1FD80] =	vst v63  }
0x1d8: {  	_ =	swait.ge @!p5 [sflag:s25], $0x60  }
0x1d9: {  	s9 =	simm.s32 @!p5 $0x60;
	s19 =	simm.s32 @!p5 $0x500;
	[sflag:s25] =	ssyncset.done @!p5 $0x0  }
0x1da: {  	[sflag:s25] =	ssyncadd.s32 @!p5 $0xFFFFFFA0  }
0x1db: {  	[tilespmem:s19], [sflag:$0x9] =	stream.indirect.gather @!p5 [hbm4b:s3+s9], $0x80, s11, s9, $0xb8;
	[tilespmem:$0x1FD80] =	vst v63  }
.Ltmp6:
0x1dc: {  	_ =	swait.ge [sflag:s22], $0x3000;
	(pc) =	sbr.rel @p4 .LBB2_3-.Ltmp6, $4  }
0x1dd: {  	[sflag:s22] =	ssyncset.done $0x0  }
0x1de: {  	[sflag:s22] =	ssyncadd.s32 $0xFFFFD000  }
0x1df: {  	_ =	swait.ge [sflag:s10], $0x60  }
0x1e0: {  	s26 =	simm.s32 @!p3 $0xF;
	[sflag:s10] =	ssyncset.done $0x0  }
0x1e1: {  	[sflag:s10] =	ssyncadd.s32 $0xFFFFFFA0;
	s28 =	simm.s32 $0x380  }
0x1e2: {  	[spmem:s2] =	stream.indirect.scatter.add.f32 [tilespmem:s16], [sflag:$0x10], $0x80, s28, s30, $0xb8;
	[tilespmem:$0x1FD80] =	vst v63  }
0x1e3: {  	_ =	swait.ge @!p3 [sflag:s26], $0x3000  }
0x1e4: {  	s9 =	sadd.s32 s0, s24;
	s19 =	sadd.s32 s0, s23;
	[sflag:s26] =	ssyncset.done @!p3 $0x0  }
0x1e5: {  	s12 =	simm.s32 $0x100;
	s11 =	sadd.s32 $0x18, s9;
	[sflag:s26] =	ssyncadd.s32 @!p3 $0xFFFFD000  }
0x1e6: {  	[tilespmem:s12], [sflag:$0x3] =	stream.linear.gather [hbm4b:s11+s4], $0x60, $0x38;
	[tilespmem:$0x1FD80] =	vst v63  }
0x1e7: {  	s6 =	simm.s32 $0x300;
	s25 =	sadd.s32 $0x18, s19  }
0x1e8: {  	[tilespmem:s6], [sflag:$0x7] =	stream.linear.gather [hbm4b:s25+s4], $0x60, $0x38;
	[tilespmem:$0x1FD80] =	vst v63  }
0x1e9: {  	_ =	swait.ge [sflag:s18], $0x60  }
0x1ea: {  	[sflag:s18] =	ssyncset.done $0x0  }
0x1eb: {  	s8 =	simm.s32 $0x80;
	s25 =	simm.s32 $0x3500;
	[sflag:s18] =	ssyncadd.s32 $0xFFFFFFA0  }
0x1ec: {  	[tilespmem:s25], [sflag:$0xA] =	stream.indirect.gather [hbm4b:s3+s30], $0x80, s8, s30, $0xb8;
	[tilespmem:$0x1FD80] =	vst v63  }
0x1ed: {  	_ =	swait.ge [sflag:s20], $0x3000  }
0x1ee: {  	[sflag:s20] =	ssyncset.done $0x0  }
0x1ef: {  	[sflag:s20] =	ssyncadd.s32 $0xFFFFD000  }
0x1f0: {  	_ =	swait.ge [sflag:s21], $0x60  }
0x1f1: {  	s26 =	simm.s32 $0x200;
	[sflag:s21] =	ssyncset.done $0x0  }
0x1f2: {  	s11 =	simm.s32 @!p3 $0x10;
	s18 =	simm.s32 $0x500;
	[sflag:s21] =	ssyncadd.s32 $0xFFFFFFA0  }
0x1f3: {  	[spmem:s2] =	stream.indirect.scatter.add.f32 [tilespmem:s18], [sflag:$0xD], $0x80, s26, s30, $0xb8;
	[tilespmem:$0x1FD80] =	vst v63  }
0x1f4: {  	_ =	swait.ge @!p3 [sflag:s11], $0x3000  }
0x1f5: {  	[sflag:s11] =	ssyncset.done @!p3 $0x0  }
0x1f6: {  	s9 =	sadd.s32 $0x24, s9;
	s2 =	simm.s32 $0x180;
	[sflag:s11] =	ssyncadd.s32 @!p3 $0xFFFFD000  }
0x1f7: {  	[tilespmem:s2], [sflag:$0x4] =	stream.linear.gather [hbm4b:s9+s4], $0x60, $0x38;
	[tilespmem:$0x1FD80] =	vst v63  }
0x1f8: {  	s19 =	sadd.s32 $0x24, s19  }
0x1f9: {  	[tilespmem:s28], [sflag:$0x8] =	stream.linear.gather [hbm4b:s19+s4], $0x60, $0x38;
	[tilespmem:$0x1FD80] =	vst v63  }
0x1fa: {  	_ =	swait.ge [sflag:s5], $0x60  }
0x1fb: {  	[sflag:s5] =	ssyncset.done $0x0  }
0x1fc: {  	s26 =	simm.s32 $0x6500;
	[sflag:s5] =	ssyncadd.s32 $0xFFFFFFA0  }
0x1fd: {  	[tilespmem:s26], [sflag:$0xB] =	stream.indirect.gather [hbm4b:s3+s30], $0x80, s12, s30, $0xb8;
	[tilespmem:$0x1FD80] =	vst v63  }
0x1fe: {  	_ =	swait.ge [sflag:s15], $0x3000  }
0x1ff: {  	[sflag:s15] =	ssyncset.done $0x0  }
0x200: {  	[sflag:s15] =	ssyncadd.s32 $0xFFFFD000  }
0x201: {  	_ =	swait.ge [sflag:s13], $0x60  }
0x202: {  	p3 =	seq.s32 s0, $0x4B0;
	[sflag:s13] =	ssyncset.done $0x0  }
0x203: {  	s9 =	simm.s32 @!p3 $0xD;
	s19 =	simm.s32 $0x280;
	[sflag:s13] =	ssyncadd.s32 $0xFFFFFFA0  }
0x204: {  	[spmem:s1] =	stream.indirect.scatter.add.f32 [tilespmem:s25], [sflag:$0xE], $0x80, s19, s30, $0xb8;
	[tilespmem:$0x1FD80] =	vst v63  }
0x205: {  	_ =	swait.ge @!p3 [sflag:s9], $0x3000  }
0x206: {  	s11 =	sadd.s32 @!p3 s0, s24;
	s0 =	sadd.s32 @!p3 s0, s23;
	[sflag:s9] =	ssyncset.done @!p3 $0x0  }
0x207: {  	s19 =	sadd.s32 @!p3 $0x30, s11;
	s25 =	simm.s32 @!p3 $0x0;
	[sflag:s9] =	ssyncadd.s32 @!p3 $0xFFFFD000  }
0x208: {  	[tilespmem:s25], [sflag:$0x1] =	stream.linear.gather @!p3 [hbm4b:s19+s25], $0x60, $0x38;
	[tilespmem:$0x1FD80] =	vst v63  }
0x209: {  	s9 =	sadd.s32 @!p3 $0x30, s0;
	s19 =	simm.s32 @!p3 $0x200  }
0x20a: {  	[tilespmem:s19], [sflag:$0x5] =	stream.linear.gather @!p3 [hbm4b:s9+s25], $0x60, $0x38;
	[tilespmem:$0x1FD80] =	vst v63  }
0x20b: {  	_ =	swait.ge [sflag:s14], $0x60  }
0x20c: {  	[sflag:s14] =	ssyncset.done $0x0  }
0x20d: {  	[sflag:s14] =	ssyncadd.s32 $0xFFFFFFA0  }
0x20e: {  	[tilespmem:s16], [sflag:$0xC] =	stream.indirect.gather [hbm4b:s3+s30], $0x80, s2, s30, $0xb8;
	[tilespmem:$0x1FD80] =	vst v63  }
0x20f: {  	_ =	swait.ge [sflag:s7], $0x3000  }
0x210: {  	[sflag:s7] =	ssyncset.done $0x0  }
0x211: {  	[sflag:s7] =	ssyncadd.s32 $0xFFFFD000  }
0x212: {  	_ =	swait.ge [sflag:s17], $0x60  }
0x213: {  	[sflag:s17] =	ssyncset.done $0x0  }
0x214: {  	s9 =	simm.s32 @!p3 $0xE;
	[sflag:s17] =	ssyncadd.s32 $0xFFFFFFA0  }
0x215: {  	[spmem:s1] =	stream.indirect.scatter.add.f32 [tilespmem:s26], [sflag:$0xF], $0x80, s6, s30, $0xb8;
	[tilespmem:$0x1FD80] =	vst v63  }
0x216: {  	_ =	swait.ge @!p3 [sflag:s9], $0x3000  }
0x217: {  	[sflag:s9] =	ssyncset.done @!p3 $0x0  }
0x218: {  	s11 =	sadd.s32 @!p3 $0x3C, s11;
	[sflag:s9] =	ssyncadd.s32 @!p3 $0xFFFFD000;
	s9 =	simm.s32 @!p3 $0x80  }
0x219: {  	[tilespmem:s9], [sflag:$0x2] =	stream.linear.gather @!p3 [hbm4b:s11+s25], $0x60, $0x38;
	[tilespmem:$0x1FD80] =	vst v63  }
0x21a: {  	s0 =	sadd.s32 @!p3 $0x3C, s0;
	s9 =	simm.s32 @!p3 $0x280  }
0x21b: {  	[tilespmem:s9], [sflag:$0x6] =	stream.linear.gather @!p3 [hbm4b:s0+s25], $0x60, $0x38;
	[tilespmem:$0x1FD80] =	vst v63  }
0x21c: {  	s0 =	simm.s32 @!p3 $0x1  }
0x21d: {  	_ =	swait.ge @!p3 [sflag:s0], $0x60  }
0x21e: {  	[sflag:s0] =	ssyncset.done @!p3 $0x0  }
0x21f: {  	s9 =	simm.s32 @!p3 $0x60;
	[sflag:s0] =	ssyncadd.s32 @!p3 $0xFFFFFFA0;
	s0 =	simm.s32 @!p3 $0x500  }
0x220: {  	[tilespmem:s0], [sflag:$0x9] =	stream.indirect.gather @!p3 [hbm4b:s3+s9], $0x80, s25, s9, $0xb8;
	[tilespmem:$0x1FD80] =	vst v63  }
0x221: {  	_ =	swait.ge [sflag:s22], $0x3000  }
0x222: {  	[sflag:s22] =	ssyncset.done $0x0  }
0x223: {  	[sflag:s22] =	ssyncadd.s32 $0xFFFFD000  }
0x224: {  	_ =	swait.ge [sflag:s10], $0x60  }
0x225: {  	[sflag:s10] =	ssyncset.done $0x0  }
0x226: {  	s26 =	simm.s32 $0xD;
	[sflag:s10] =	ssyncadd.s32 $0xFFFFFFA0  }
0x227: {  	[spmem:s1] =	stream.indirect.scatter.add.f32 [tilespmem:s16], [sflag:$0x10], $0x80, s28, s30, $0xb8;
	[tilespmem:$0x1FD80] =	vst v63  }
0x228: {  	_ =	swait.ge [sflag:s26], $0x3000  }
0x229: {  	[sflag:s26] =	ssyncset.done $0x0  }
0x22a: {  	s7 =	simm.s32 $0x400;
	s6 =	rddreg [dreg:$0xd];
	[sflag:s26] =	ssyncadd.s32 $0xFFFFD000  }
0x22b: {  	[tilespmem:s7], [sflag:$0x1] =	stream.linear.gather [hbm4b:s6+s4], $0x10, $0x38;
	[tilespmem:$0x1FD80] =	vst v63  }
0x22c: {  	s19 =	simm.s32 $0x1;
	s9 =	simm.s32 $0x480;
	s8 =	rddreg [dreg:$0xe]  }
0x22d: {  	[tilespmem:s9], [sflag:$0x5] =	stream.linear.gather [hbm4b:s8+s4], $0x10, $0x38;
	[tilespmem:$0x1FD80] =	vst v63  }
0x22e: {  	_ =	swait.ge [sflag:s19], $0x10  }
0x22f: {  	[sflag:s19] =	ssyncset.done $0x0  }
0x230: {  	s12 =	simm.s32 $0x11;
	s11 =	simm.s32 $0x10;
	[sflag:s19] =	ssyncadd.s32 $0xFFFFFFF0  }
0x231: {  	[tilespmem:s18], [sflag:$0x11] =	stream.indirect.gather [hbm4b:s3+s11], $0x80, s7, s11, $0xb8;
	[tilespmem:$0x1FD80] =	vst v63  }
0x232: {  	_ =	swait.ge [sflag:s12], $0x800  }
0x233: {  	[sflag:s12] =	ssyncset.done $0x0  }
0x234: {  	[sflag:s12] =	ssyncadd.s32 $0xFFFFF800  }
0x235: {  	_ =	swait.ge [sflag:s21], $0x10  }
0x236: {  	[sflag:s21] =	ssyncset.done $0x0  }
0x237: {  	s13 =	simm.s32 $0xE;
	[sflag:s21] =	ssyncadd.s32 $0xFFFFFFF0  }
0x238: {  	[spmem:s1] =	stream.indirect.scatter.add.f32 [tilespmem:s18], [sflag:$0x11], $0x80, s9, s11, $0xb8;
	[tilespmem:$0x1FD80] =	vst v63  }
0x239: {  	_ =	swait.ge [sflag:s13], $0x3000  }
0x23a: {  	[sflag:s13] =	ssyncset.done $0x0  }
0x23b: {  	s15 =	simm.s32 $0xF;
	[sflag:s13] =	ssyncadd.s32 $0xFFFFD000  }
0x23c: {  	_ =	swait.ge [sflag:s15], $0x3000  }
0x23d: {  	[sflag:s15] =	ssyncset.done $0x0  }
0x23e: {  	[sflag:s15] =	ssyncadd.s32 $0xFFFFD000  }
0x23f: {  	_ =	swait.ge [sflag:s11], $0x3000  }
0x240: {  	[sflag:s11] =	ssyncset.done $0x0  }
0x241: {  	[sflag:s11] =	ssyncadd.s32 $0xFFFFD000  }
0x242: {  	_ =	swait.ge [sflag:s12], $0x800  }
0x243: {  	[sflag:s12] =	ssyncset.done $0x0  }
0x244: {  	[sflag:s12] =	ssyncadd.s32 $0xFFFFF800  }
0x245: {  	s29 =	simm.s32 $0x280;
	s31 =	simm.s32 $0x500;
	[bflag:$0x0] =	sbarrier.arrive $0xFFFF  }
0x246: {  	s2 =	smov.u32 s1;
	s28 =	simm.s32 $0x200;
	s17 =	rddreg [dreg:$0x16]  }
0x247: {  	s26 =	simm.s32 $0x14;
	s6 =	simm.s32 $0x180;
	s18 =	rddreg [dreg:$0xf]  }
0x248: {  	s8 =	simm.s32 $0x100;
	s25 =	rddreg [dreg:$0x15];
	s0 =	sor.u32 $0x1C14, s17  }
0x249: {  	[hbm:s18], [sflag:s0] =	dma.local [spmem:s25], $0x2700  }
.Ltmp7:
0x24a: {  	s7 =	simm.s32 $0xB;
	s1 =	simm.s32 $0x0;
	(pc) =	sbr.rel @!p2 .LBB2_9-.Ltmp7, $4  }
.Ltmp8:
0x24b: {  	s13 =	simm.s32 $0xA;
	_ =	swait.ge [sflag:s26], $0x2700;
	(pc) =	sbr.rel @p2 .LBB2_8-.Ltmp8, $4  }
0x24c: {  	s15 =	simm.s32 $0x300;
	s12 =	simm.s32 $0x6500;
	s25 =	rddreg [dreg:$0x3]  }
0x24d: {  	s17 =	simm.s32 $0x3500;
	[sflag:s26] =	ssyncset.done $0x0;
	s4 =	rddreg [dreg:$0x17]  }
0x24e: {  	s18 =	simm.s32 $0x380;
	[sflag:s26] =	ssyncadd.s32 $0xFFFFD900;
	s26 =	rddreg [dreg:$0x14]  }
0x24f: {  	_ = 	snop  }
.LBB2_10:
0x250: {  	_ =	sfence.sel $0x180000  }
0x251: {  	[bflag:$0x0] =	sbarrier.arrive $0xFFFF  }
0x252: {  	_ =	strace $0x9000004A  }
0x253: {  	[bflag:$0x2] =	sbarrier.arrive $0xFFFF  }
0x254: {  	s0 =	rddreg [dreg:$0x2]  }
0x255: {  	s0 =	sadd.s32 @!p1 $0x100000, s0  }
0x256: {  	[sflag:s0] =	ssyncadd.tile.s32 @!p1 $0x1;
	_ =	shalt  }
.Lfunc_end2:
_tile_overlayer_lowered:
.L_overlay_start_2:
0x257: {  	(tag) =	ssettag $0x2  }
0x258: {  	s0 =	rddreg [dreg:$0x0];
	s2 =	stileid.u32  }
0x259: {  	s1 =	rddreg [dreg:$0x1];
	p0 =	sne.s32 s2, $0x0  }
0x25a: {  	s3 =	rddreg [dreg:$0x2];
	[bflag:$0x3] =	sbarrier.arrive $0xFFFF;
	s2 =	simm.s32 @!p0 $0x1C14  }
0x25b: {  	[timem:s3], [sflag:s2] =	dma.local @!p0 [hbm:s0], s1  }
0x25c: {  	s0 =	simm.s32 @!p0 $0x14  }
0x25d: {  	_ =	swait.ge @!p0 [sflag:s0], s1  }
0x25e: {  	s1 =	ssub.s32 @!p0 $0x0, s1;
	[sflag:s0] =	ssyncset.done @!p0 $0x0  }
0x25f: {  	[sflag:s0] =	ssyncadd.s32 @!p0 s1  }
0x260: {  	[bflag:$0x3] =	sbarrier.arrive $0xFFFF  }
0x261: {  	_ =	shalt  }

// kernel: kernel.15.cloned.1.call-start
scs
__scs_entry_jumppad:
0x0: {  	(pc) =	sbr.rel $0x88, $3  }
0x1: {  	(tag) =	ssettag $0x0;
	lr =	simm.s32 $0x1  }
0x2: {  	[smem:$0x3F9B] =	sst lr;
	_ =	strace $0xD0000000  }
0x3: {  	_ = 	snop  }
0x4: {  	_ = 	snop  }
0x5: {  	_ = 	snop  }
0x6: {  	_ = 	snop  }
0x7: {  	_ = 	snop  }
__scs_overlays_trampoline_lowered:
0x8: {  	[smem:$0x3FAA] =	sst s0  }
0x9: {  	[smem:$0x3FAB] =	sst s1  }
0xa: {  	[smem:$0x3FAC] =	sst s2  }
0xb: {  	[smem:$0x3FAD] =	sst s3  }
0xc: {  	[smem:$0x3FAE] =	sst s4  }
0xd: {  	[smem:$0x3FAF] =	sst s5  }
0xe: {  	[smem:$0x3FB0] =	sst s6  }
0xf: {  	[smem:$0x3FB1] =	sst s7  }
0x10: {  	[smem:$0x3FB2] =	sst s8  }
0x11: {  	[smem:$0x3FB3] =	sst s9;
	s0 =	simm.s32 @!p0 $0x0  }
0x12: {  	s1 =	sld [smem:$0x3F99];
	s0 =	simm.s32 @p0 $0x1  }
0x13: {  	[smem:$0x3FB4] =	sst s0;
	s0 =	simm.s32 @!p1 $0x0  }
0x14: {  	s2 =	sld [smem:$0x3F98];
	s0 =	simm.s32 @p1 $0x1  }
0x15: {  	[smem:$0x3FB5] =	sst s0;
	s0 =	simm.s32 @!p2 $0x0  }
0x16: {  	s3 =	sld [smem:$0x3FDB];
	s0 =	simm.s32 @p2 $0x1  }
0x17: {  	s4 =	simm.s32 $0x1BF5;
	[smem:$0x3FB7] =	sst s0  }
0x18: {  	s0 =	sld [smem:$0x3F9A];
	_ =	swait.ge [sflag:s4], $0x0  }
0x19: {  	s7 =	sld [smem:$0x3F9B]  }
0x1a: {  	s8 =	sadd.s32 $0xFFFFE003, lr  }
0x1b: {  	s9 =	sadd.s32 $0xFFFFFEF7, lr;
	s5 =	simm.s32 $0xFFFFFFFF;
	p2 =	slt.u32 s8, $0xFFFFF086  }
0x1c: {  	p1 =	slt.u32 s9, $0xF7A;
	s5 =	simm.s32 @!p2 $0x0  }
0x1d: {  	s5 =	simm.s32 @p1 $0x1;
	p0 =	seq.s32 s7, s2  }
0x1e: {  	s7 =	smul.u32 @!p0 $0xF7A, s2;
	p2 =	seq.s32 @!p0 s5, $0x0  }
0x1f: {  	s9 =	smul.u32 $0xF7A, s1;
	s8 =	simm.s32 @!p0 $0x1BF5;
	p2 =	por !p2, p0  }
0x20: {  	[sflag:s8] =	ssyncset.s32 @!p0 $0xFFFFF086;
	s6 =	sadd.s32 @!p0 s3, s7;
	s7 =	simm.s32 @!p0 $0x108  }
0x21: {  	s3 =	sadd.s32 s3, s9;
	s6 =	sadd.s32 @!p0 $0x88, s6;
	s7 =	simm.s32 @p2 $0x1082  }
0x22: {  	[simem:s7], [sflag:s8] =	dma.local @!p0 [hbm:s6], $0xF7A  }
0x23: {  	s9 =	sor.u32 $0xD0000000, s2;
	s6 =	simm.s32 $0x108;
	_ =	swait.ge @!p0 [sflag:s8], $0x0  }
0x24: {  	s3 =	sadd.s32 $0x88, s3;
	s6 =	simm.s32 @!p1 $0x1082;
	[sflag:s4] =	ssyncset.s32 $0xFFFFF086  }
0x25: {  	[simem:s6], [sflag:s4] =	dma.local [hbm:s3], $0xF7A  }
0x26: {  	[smem:$0x3F9B] =	sst s1;
	(tag) =	ssettag s2;
	_ =	strace s9  }
0x27: {  	s1 =	sld [smem:$0x3FAB]  }
0x28: {  	s2 =	sld [smem:$0x3FAC]  }
0x29: {  	s4 =	sld [smem:$0x3FAE]  }
0x2a: {  	p0 =	seq.s32 s5, $0x0;
	s5 =	sld [smem:$0x3FAF]  }
0x2b: {  	s6 =	sld [smem:$0x3FB0]  }
0x2c: {  	s7 =	sld [smem:$0x3FB1]  }
0x2d: {  	s3 =	simm.s32 $0x108;
	s8 =	sld [smem:$0x3FB2]  }
0x2e: {  	s3 =	simm.s32 @!p0 $0x1082;
	s9 =	sld [smem:$0x3FB3]  }
0x2f: {  	lr =	sadd.s32 s0, s3;
	s0 =	sld [smem:$0x3FAA]  }
0x30: {  	s3 =	sld [smem:$0x3FAD]  }
0x31: {  	[smem:$0x3FB6] =	sst s10  }
0x32: {  	s10 =	sld [smem:$0x3FB4];
	_ =	sdelay $0x3  }
0x33: {  	p0 =	seq.s32 s10, $0x1;
	s10 =	sld [smem:$0x3FB6];
	_ =	sdelay $0x3  }
0x34: {  	[smem:$0x3FB6] =	sst s10  }
0x35: {  	s10 =	sld [smem:$0x3FB5];
	_ =	sdelay $0x3  }
0x36: {  	p1 =	seq.s32 s10, $0x1;
	s10 =	sld [smem:$0x3FB6];
	_ =	sdelay $0x3  }
0x37: {  	[smem:$0x3FB6] =	sst s10  }
0x38: {  	s10 =	sld [smem:$0x3FB7]  }
0x39: {  	_ = 	snop;
	(pc) =	sbr.ind lr, $3  }
0x3a: {  	_ = 	snop  }
0x3b: {  	_ = 	snop  }
0x3c: {  	p2 =	seq.s32 s10, $0x1;
	s10 =	sld [smem:$0x3FB6]  }
0x3d: {  	_ =	shalt  }
0x3e: {  	_ =	shalt  }
0x3f: {  	_ =	shalt  }
0x40: {  	_ =	shalt  }
0x41: {  	_ =	shalt  }
0x42: {  	_ =	shalt  }
0x43: {  	_ =	shalt  }
0x44: {  	_ =	shalt  }
0x45: {  	_ =	shalt  }
0x46: {  	_ =	shalt  }
0x47: {  	_ =	shalt  }
0x48: {  	_ =	shalt  }
0x49: {  	_ =	shalt  }
0x4a: {  	_ =	shalt  }
0x4b: {  	_ =	shalt  }
0x4c: {  	_ =	shalt  }
0x4d: {  	_ =	shalt  }
0x4e: {  	_ =	shalt  }
0x4f: {  	_ =	shalt  }
0x50: {  	_ =	shalt  }
0x51: {  	_ =	shalt  }
0x52: {  	_ =	shalt  }
0x53: {  	_ =	shalt  }
0x54: {  	_ =	shalt  }
0x55: {  	_ =	shalt  }
0x56: {  	_ =	shalt  }
0x57: {  	_ =	shalt  }
0x58: {  	_ =	shalt  }
0x59: {  	_ =	shalt  }
0x5a: {  	_ =	shalt  }
0x5b: {  	_ =	shalt  }
0x5c: {  	_ =	shalt  }
0x5d: {  	_ =	shalt  }
0x5e: {  	_ =	shalt  }
0x5f: {  	_ =	shalt  }
0x60: {  	_ =	shalt  }
0x61: {  	_ =	shalt  }
0x62: {  	_ =	shalt  }
0x63: {  	_ =	shalt  }
0x64: {  	_ =	shalt  }
0x65: {  	_ =	shalt  }
0x66: {  	_ =	shalt  }
0x67: {  	_ =	shalt  }
0x68: {  	_ =	shalt  }
0x69: {  	_ =	shalt  }
0x6a: {  	_ =	shalt  }
0x6b: {  	_ =	shalt  }
0x6c: {  	_ =	shalt  }
0x6d: {  	_ =	shalt  }
0x6e: {  	_ =	shalt  }
0x6f: {  	_ =	shalt  }
0x70: {  	_ =	shalt  }
0x71: {  	_ =	shalt  }
0x72: {  	_ =	shalt  }
0x73: {  	_ =	shalt  }
0x74: {  	_ =	shalt  }
0x75: {  	_ =	shalt  }
0x76: {  	_ =	shalt  }
0x77: {  	_ =	shalt  }
0x78: {  	_ =	shalt  }
0x79: {  	_ =	shalt  }
0x7a: {  	_ =	shalt  }
0x7b: {  	_ =	shalt  }
0x7c: {  	_ =	shalt  }
0x7d: {  	_ =	shalt  }
0x7e: {  	_ =	shalt  }
0x7f: {  	_ =	shalt  }
0x80: {  	_ =	shalt  }
0x81: {  	_ =	shalt  }
0x82: {  	_ =	shalt  }
0x83: {  	_ =	shalt  }
0x84: {  	_ =	shalt  }
0x85: {  	_ =	shalt  }
0x86: {  	_ =	shalt  }
0x87: {  	_ =	shalt  }
.Lfunc_end0:
.L_simem_size_0:
called_computation.2_lowered:
.L_overlay_start_0:
0x88: {  	s2 =	sld [smem:$0x3FD9]  }
0x89: {  	s3 =	sld [smem:$0x3FFE];
	_ =	sdelay $0x1  }
0x8a: {  	s1 =	srdreg.scid  }
0x8b: {  	s0 =	sand.u32 $0x1, s1  }
0x8c: {  	s17 =	sshll.u32 s0, $0xA;
	s2 =	sadd.s32 s3, s2  }
0x8d: {  	s2 =	sadd.s32 s2, s17  }
0x8e: {  	[smem:$0x3FC2] =	sst s2  }
0x8f: {  	_ = 	snop  }
0x90: {  	s2 =	sld [smem:$0x3FD0];
	(tm) =	ssettm $0x1  }
0x91: {  	s18 =	sld [smem:$0x3FFB];
	_ =	sdelay $0x3  }
0x92: {  	_ =	strace s18  }
0x93: {  	s3 =	sld [smem:$0x3FFC];
	_ =	sdelay $0x3  }
0x94: {  	_ =	strace s3  }
0x95: {  	s3 =	sld [smem:$0x3FFD];
	_ =	sdelay $0x3  }
0x96: {  	_ =	strace s3  }
0x97: {  	_ =	strace $0x8FFFFFFF  }
0x98: {  	s19 =	sld [smem:$0x3FDB];
	_ =	sdelay $0x1  }
0x99: {  	s4 =	simm.s32 $_scs_section_size  }
0x9a: {  	s5 =	simm.s32 $_size__tile_overlayer_lowered;
	s6 =	simm.s32 $_tile_overlayer_lowered  }
0x9b: {  	s22 =	simm.s32 $0x1BFF;
	s21 =	sshll.u32 s6, $0x1;
	s3 =	sadd.s32 s4, s19  }
0x9c: {  	s7 =	simm.s32 $0x0;
	s20 =	sshll.u32 s5, $0x1;
	s5 =	sadd.s32 s21, s3  }
0x9d: {  	[timem:s7], [sflag:s22] =	dma.local [hbm:s5], s20  }
0x9e: {  	_ =	swait.ge [sflag:s22], s20  }
0x9f: {  	s4 =	ssub.s32 $0x0, s20;
	[sflag:s22] =	ssyncset.done $0x0  }
0xa0: {  	[sflag:s22] =	ssyncadd.s32 s4;
	_ =	sdelay $0x1  }
0xa1: {  	s23 =	simm.s32 $0x1B8B  }
0xa2: {  	_ =	swait.ge [sflag:s23], $0x1  }
0xa3: {  	[sflag:s23] =	ssyncset.done $0x0  }
0xa4: {  	s25 =	simm.s32 $0x1B8E;
	s24 =	sld [smem:$0x3FFE];
	[sflag:s23] =	ssyncadd.s32 $0xFFFFFFFF  }
0xa5: {  	s26 =	simm.s32 $execute0_lowered;
	[smem:$0x3FD2] =	sst s25  }
0xa6: {  	s5 =	sshll.u32 s26, $0x1;
	_ =	strace $0x8000004C;
	[dreg:$0x1] =	wrdreg $0xFFFFFFFF  }
0xa7: {  	s28 =	simm.s32 $_size_execute0_lowered;
	s3 =	sadd.s32 s3, s5;
	[dreg:$0x0] =	wrdreg $0x0  }
0xa8: {  	s5 =	sshll.u32 s28, $0x1;
	[dreg:$0x2] =	wrdreg s3  }
0xa9: {  	[dreg:$0x3] =	wrdreg s5  }
0xaa: {  	[dreg:$0x4] =	wrdreg $0xC0  }
0xab: {  	_ =	task [dreg:s7], $0x5FFFF  }
0xac: {  	[dreg:$0x1] =	wrdreg $0xFFFFFFFF  }
0xad: {  	[dreg:$0x0] =	wrdreg $0x60  }
0xae: {  	[dreg:$0x2] =	wrdreg s2  }
0xaf: {  	[dreg:$0x3] =	wrdreg s24  }
0xb0: {  	[dreg:$0x4] =	wrdreg $0x63100  }
0xb1: {  	[dreg:$0x5] =	wrdreg $0x9  }
0xb2: {  	_ =	task.clear_ibuf [dreg:s7], $0x6FFFF;
	_ =	strace $0x9000004C  }
0xb3: {  	s29 =	simm.s32 $0x9;
	_ =	strace $0x8000004E  }
0xb4: {  	_ =	swait.ge [sflag:s29], $0x1  }
0xb5: {  	[sflag:s29] =	ssyncadd.s32 $0xFFFFFFFF  }
0xb6: {  	_ =	strace $0x9000004E  }
0xb7: {  	_ =	sfence  }
0xb8: {  	s30 =	sld [smem:$0x0];
	_ =	sdelay $0x2  }
0xb9: {  	s31 =	sshll.u32 s1, $0xD;
	s1 =	sshrl.u32 s1, $0x2  }
0xba: {  	s3 =	sand.u32 $0x4000, s31;
	s1 =	sadd.s32 s1, s30  }
0xbb: {  	s0 =	sor.u32 s3, s0;
	s1 =	sshll.u32 s1, $0x11  }
0xbc: {  	s0 =	sor.u32 s1, s0  }
0xbd: {  	s0 =	sadd.s32 $0x8F2B, s0  }
0xbe: {  	[sflag:s0] =	ssyncadd.remote.s32 $0x1  }
0xbf: {  	_ =	sfence.sel $0xFFFF  }
0xc0: {  	[dreg:$0x0] =	wrdreg $0xFFFFFFFF;
	(pc) =	sbr.abs _section_cstart, $3  }
0xc1: {  	[dreg:$0x1] =	wrdreg $0xFFFFFFFF  }
0xc2: {  	_ =	task.clear_ibuf [dreg:s7], $0x2FFFF;
	_ =	strace $0x9FFFFFFF  }
0xc3: {  	(tm) =	ssettm $0x7FFFFFFF  }
tec
execute0_lowered:
.L_overlay_start_1:
0x0: {  	(tag) =	ssettag $0x1  }
0x1: {  	s1 =	rddreg [dreg:$0x0]  }
0x2: {  	s0 =	rddreg [dreg:$0x1]  }
0x3: {  	s2 =	rddreg [dreg:$0x2];
	s3 =	simm.s32 $0x0;
	s4 =	srdreg.scid  }
0x4: {  	s5 =	stileid.u32;
	[smem:$0x7FF] =	sst s3  }
0x5: {  	s4 =	sand.u32 $0x1, s4;
	s6 =	sadd.s32 $0x2C00, s0;
	s8 =	smul.u32 $0x1388, s5  }
0x6: {  	s9 =	sadd.s32 $0x7C00, s0;
	s11 =	smul.u32 $0x9C00, s5;
	s12 =	sadd.s32 $0x20600, s0  }
0x7: {  	s13 =	sadd.s32 $0xCC00, s0;
	_ =	strace $0x8000004D;
	[dreg:$0x4] =	wrdreg s12  }
0x8: {  	s7 =	ssub.s32 $0x2, s4;
	p0 =	seq.s32 s4, $0x1;
	[dreg:$0x5] =	wrdreg s13  }
0x9: {  	s10 =	sshrl.u32 s7, $0x1;
	s4 =	sshrl.u32 s11, $0x3;
	s26 =	sadd.s32 s11, s2  }
0xa: {  	s25 =	sshrl.u32 s8, $0x3;
	s0 =	ssub.s32 s7, s10;
	[dreg:$0x6] =	wrdreg s26  }
0xb: {  	s28 =	sadd.s32 s1, s4;
	s29 =	sadd.s32 $0x10, s25;
	s11 =	sadd.s32 s6, s25  }
0xc: {  	s14 =	sadd.s32 s9, s25;
	s16 =	sadd.s32 $0x270, s25;
	[dreg:$0x7] =	wrdreg s28  }
0xd: {  	s17 =	sadd.s32 $0x2710, s25;
	s21 =	sadd.s32 $0x2720, s25;
	[dreg:$0x8] =	wrdreg s11  }
0xe: {  	s7 =	sadd.s32 $0x2980, s25;
	s25 =	sadd.s32 s12, s4;
	[dreg:$0x9] =	wrdreg s14  }
0xf: {  	s30 =	simm.s32 $0x180;
	s4 =	sadd.s32 s13, s4;
	[dreg:$0x14] =	wrdreg s25  }
0x10: {  	s31 =	simm.s32 $0x80;
	s26 =	sshll.u32 s5, $0x6;
	[dreg:$0x15] =	wrdreg s4  }
0x11: {  	s22 =	smul.u32 $0x271, s5;
	s15 =	sadd.s32 s6, s29;
	[dreg:$0x17] =	wrdreg s26  }
0x12: {  	p1 =	sne.s32 s5, $0x0;
	s8 =	sadd.s32 s9, s29;
	[dreg:$0xa] =	wrdreg s15  }
0x13: {  	p2 =	seq.s32 s5, $0x0;
	s18 =	sadd.s32 s6, s16;
	[dreg:$0xb] =	wrdreg s8  }
0x14: {  	s12 =	simm.s32 $0x280;
	s19 =	sadd.s32 s6, s17;
	[dreg:$0xc] =	wrdreg s18  }
0x15: {  	s13 =	simm.s32 $0x2;
	s20 =	sadd.s32 s9, s17;
	[dreg:$0xe] =	wrdreg s19  }
0x16: {  	s23 =	sadd.s32 s6, s21;
	s24 =	sadd.s32 s6, s7;
	[dreg:$0xf] =	wrdreg s20  }
0x17: {  	s7 =	sadd.s32 s9, s7;
	s0 =	smax.u32 s0, $0x1;
	[dreg:$0x10] =	wrdreg s23  }
0x18: {  	s28 =	sadd.s32 $0x9C000, s2;
	s29 =	sadd.s32 $0x13800, s1;
	[dreg:$0x12] =	wrdreg s24  }
0x19: {  	s11 =	simm.s32 $0x100;
	s14 =	simm.s32 $0x2310;
	[dreg:$0x13] =	wrdreg s7  }
0x1a: {  	s17 =	simm.s32 $0x3;
	s4 =	simm.s32 $0x6;
	[dreg:$0x16] =	wrdreg s0  }
0x1b: {  	s8 =	sadd.s32 s9, s16;
	s20 =	sadd.s32 s22, s9;
	[dreg:$0x18] =	wrdreg s28  }
0x1c: {  	[dreg:$0x19] =	wrdreg s29;
	s0 =	sor.u32 $0x1C0E, s26;
	s24 =	simm.s32 $0x1  }
.Ltmp0:
0x1d: {  	s15 =	simm.s32 $0x7;
	s16 =	simm.s32 $0x4;
	(pc) =	sbr.rel .LBB2_1-.Ltmp0, $4  }
0x1e: {  	s18 =	simm.s32 $0x4310;
	s19 =	simm.s32 $0x8;
	s23 =	simm.s32 $0x9  }
0x1f: {  	s7 =	simm.s32 $0x0;
	[dreg:$0xd] =	wrdreg s8;
	s8 =	sadd.s32 s9, s21  }
0x20: {  	s21 =	sadd.s32 s22, s6;
	[dreg:$0x1a] =	wrdreg s0;
	s0 =	simm.s32 $0x200  }
0x21: {  	s9 =	simm.s32 $0x310;
	s22 =	simm.s32 $0x5;
	[dreg:$0x11] =	wrdreg s8  }
.LBB2_8:
0x22: {  	s8 =	rddreg [dreg:$0x18]  }
0x23: {  	s6 =	sadd.s32 $0x13800, s10;
	s29 =	simm.s32 $0x10;
	s8 =	sshrl.u32 s8, $0x3  }
0x24: {  	[hbm:s6], [sflag:s5] =	dma.local [spmem:s8], $0x80  }
0x25: {  	_ =	swait.ge [sflag:s29], $0x80  }
0x26: {  	[sflag:s29] =	ssyncset.done $0x0  }
0x27: {  	[sflag:s29] =	ssyncadd.s32 $0xFFFFFF80  }
.LBB2_9:
0x28: {  	s7 =	sadd.s32 $0x1, s7;
	s5 =	rddreg [dreg:$0x16]  }
0x29: {  	p3 =	sne.s32 s7, s5  }
.Ltmp1:
0x2a: {  	_ = 	snop;
	(pc) =	sbr.rel @!p3 .LBB2_10-.Ltmp1, $1  }
0x2b: {  	_ =	sdelay $0x3  }
.LBB2_1:
0x2c: {  	s5 =	rddreg [dreg:$0x6]  }
0x2d: {  	s29 =	rddreg [dreg:$0x7]  }
.Ltmp2:
0x2e: {  	s6 =	rddreg [dreg:$0x1a];
	s8 =	sshrl.u32 s5, $0x3;
	(pc) =	sbr.rel @!p0 .LBB2_2-.Ltmp2, $4  }
0x2f: {  	[dreg:$0x1b] =	wrdreg s8  }
0x30: {  	[spmem:s8], [sflag:s6] =	dma.local [hbm:s29], $0x1380  }
0x31: {  	s5 =	rddreg [dreg:$0x18]  }
0x32: {  	s5 =	sshrl.u32 @!p1 s5, $0x3  }
0x33: {  	s6 =	simm.s32 @!p1 $0x1C0F;
	s8 =	rddreg [dreg:$0x19]  }
0x34: {  	[spmem:s5], [sflag:s6] =	dma.local @!p1 [hbm:s8], $0x80  }
0x35: {  	s5 =	rddreg [dreg:$0xe]  }
0x36: {  	[tilespmem:s3], [sflag:$0x1] =	stream.linear.gather [hbm4b:s5+s3], $0x80, $0x38;
	[tilespmem:$0xFF50] =	vst v63  }
0x37: {  	s29 =	rddreg [dreg:$0xf]  }
0x38: {  	[tilespmem:s30], [sflag:$0x4] =	stream.linear.gather [hbm4b:s29+s3], $0x80, $0x38;
	[tilespmem:$0xFF50] =	vst v63  }
0x39: {  	s6 =	rddreg [dreg:$0x10]  }
0x3a: {  	[tilespmem:s31], [sflag:$0x2] =	stream.linear.gather [hbm4b:s6+s3], $0x80, $0x38;
	[tilespmem:$0xFF50] =	vst v63  }
0x3b: {  	s8 =	rddreg [dreg:$0x11]  }
0x3c: {  	[tilespmem:s0], [sflag:$0x5] =	stream.linear.gather [hbm4b:s8+s3], $0x80, $0x38;
	[tilespmem:$0xFF50] =	vst v63  }
0x3d: {  	_ =	swait.ge [sflag:s24], $0x80  }
0x3e: {  	[sflag:s24] =	ssyncset.done $0x0  }
0x3f: {  	s10 =	simm.s32 $0xE;
	[sflag:s24] =	ssyncadd.s32 $0xFFFFFF80  }
0x40: {  	[tilespmem:s9], [sflag:$0x7] =	stream.indirect.gather [hbm4b:s1+s31], $0x40, s3, s31, $0xb8;
	[tilespmem:$0xFF50] =	vst v63  }
0x41: {  	_ =	swait.ge [sflag:s10], $0x1380  }
0x42: {  	[sflag:s10] =	ssyncset.done $0x0  }
0x43: {  	s5 =	simm.s32 @!p1 $0xF;
	[sflag:s10] =	ssyncadd.s32 $0xFFFFEC80  }
0x44: {  	_ =	swait.ge @!p1 [sflag:s5], $0x80  }
0x45: {  	p3 =	por $0x1, $0x1;
	[sflag:s5] =	ssyncset.done @!p1 $0x0  }
0x46: {  	p3 =	por p3, p3;
	[sflag:s5] =	ssyncadd.s32 @!p1 $0xFFFFFF80  }
0x47: {  	s5 =	simm.s32 @!p3 $0xC;
	[bflag:$0x0] =	sbarrier.arrive $0xFFFF  }
0x48: {  	_ =	swait.ge @!p3 [sflag:s5], $0x2000  }
0x49: {  	s24 =	sadd.s32 $0x0, s21;
	[sflag:s5] =	ssyncset.done @!p3 $0x0  }
0x4a: {  	s26 =	sadd.s32 $0x0, s20;
	s25 =	sadd.s32 $0x2730, s24;
	[sflag:s5] =	ssyncadd.s32 @!p3 $0xFFFFE000  }
0x4b: {  	[tilespmem:s11], [sflag:$0x3] =	stream.linear.gather [hbm4b:s25+s3], $0x80, $0x38;
	[tilespmem:$0xFF50] =	vst v63  }
0x4c: {  	s29 =	sadd.s32 $0x2730, s26  }
0x4d: {  	[tilespmem:s12], [sflag:$0x6] =	stream.linear.gather [hbm4b:s29+s3], $0x80, $0x38;
	[tilespmem:$0xFF50] =	vst v63  }
0x4e: {  	_ =	swait.ge [sflag:s13], $0x80  }
0x4f: {  	[sflag:s13] =	ssyncset.done $0x0  }
0x50: {  	[sflag:s13] =	ssyncadd.s32 $0xFFFFFF80  }
0x51: {  	[tilespmem:s14], [sflag:$0x8] =	stream.indirect.gather [hbm4b:s1+s31], $0x40, s31, s31, $0xb8;
	[tilespmem:$0xFF50] =	vst v63  }
0x52: {  	_ =	swait.ge [sflag:s15], $0x2000  }
0x53: {  	[sflag:s15] =	ssyncset.done $0x0  }
0x54: {  	[sflag:s15] =	ssyncadd.s32 $0xFFFFE000  }
0x55: {  	_ =	swait.ge [sflag:s16], $0x80  }
0x56: {  	p3 =	por $0x0, $0x0;
	[sflag:s16] =	ssyncset.done $0x0  }
0x57: {  	s5 =	simm.s32 @!p3 $0xA;
	[sflag:s16] =	ssyncadd.s32 $0xFFFFFF80  }
0x58: {  	[spmem:s2] =	stream.indirect.scatter.add.f32 [tilespmem:s9], [sflag:$0xA], $0x40, s30, s31, $0xb8;
	[tilespmem:$0xFF50] =	vst v63  }
0x59: {  	_ =	swait.ge @!p3 [sflag:s5], $0x2000  }
0x5a: {  	s6 =	sadd.s32 @!p3 $0x0, s21;
	s8 =	sadd.s32 @!p3 $0x0, s20;
	[sflag:s5] =	ssyncset.done @!p3 $0x0  }
0x5b: {  	s24 =	simm.s32 @!p3 $0x0;
	s10 =	sadd.s32 @!p3 $0x2740, s6;
	[sflag:s5] =	ssyncadd.s32 @!p3 $0xFFFFE000  }
0x5c: {  	[tilespmem:s24], [sflag:$0x1] =	stream.linear.gather @!p3 [hbm4b:s10+s24], $0x80, $0x38;
	[tilespmem:$0xFF50] =	vst v63  }
0x5d: {  	s5 =	sadd.s32 @!p3 $0x2740, s8;
	s10 =	simm.s32 @!p3 $0x180  }
0x5e: {  	[tilespmem:s10], [sflag:$0x4] =	stream.linear.gather @!p3 [hbm4b:s5+s24], $0x80, $0x38;
	[tilespmem:$0xFF50] =	vst v63  }
0x5f: {  	_ =	swait.ge [sflag:s17], $0x80  }
0x60: {  	[sflag:s17] =	ssyncset.done $0x0  }
0x61: {  	[sflag:s17] =	ssyncadd.s32 $0xFFFFFF80  }
0x62: {  	[tilespmem:s18], [sflag:$0x9] =	stream.indirect.gather [hbm4b:s1+s31], $0x40, s11, s31, $0xb8;
	[tilespmem:$0xFF50] =	vst v63  }
0x63: {  	_ =	swait.ge [sflag:s19], $0x2000  }
0x64: {  	[sflag:s19] =	ssyncset.done $0x0  }
0x65: {  	[sflag:s19] =	ssyncadd.s32 $0xFFFFE000  }
0x66: {  	_ =	swait.ge [sflag:s22], $0x80  }
0x67: {  	[sflag:s22] =	ssyncset.done $0x0  }
0x68: {  	s5 =	simm.s32 @!p3 $0xB;
	[sflag:s22] =	ssyncadd.s32 $0xFFFFFF80  }
0x69: {  	[spmem:s2] =	stream.indirect.scatter.add.f32 [tilespmem:s14], [sflag:$0xB], $0x40, s0, s31, $0xb8;
	[tilespmem:$0xFF50] =	vst v63  }
0x6a: {  	_ =	swait.ge @!p3 [sflag:s5], $0x2000  }
0x6b: {  	[sflag:s5] =	ssyncset.done @!p3 $0x0  }
0x6c: {  	s6 =	sadd.s32 @!p3 $0x2750, s6;
	[sflag:s5] =	ssyncadd.s32 @!p3 $0xFFFFE000;
	s5 =	simm.s32 @!p3 $0x80  }
0x6d: {  	[tilespmem:s5], [sflag:$0x2] =	stream.linear.gather @!p3 [hbm4b:s6+s24], $0x80, $0x38;
	[tilespmem:$0xFF50] =	vst v63  }
0x6e: {  	s6 =	sadd.s32 @!p3 $0x2750, s8;
	s8 =	simm.s32 @!p3 $0x200  }
0x6f: {  	[tilespmem:s8], [sflag:$0x5] =	stream.linear.gather @!p3 [hbm4b:s6+s24], $0x80, $0x38;
	[tilespmem:$0xFF50] =	vst v63  }
0x70: {  	s6 =	simm.s32 @!p3 $0x1  }
0x71: {  	_ =	swait.ge @!p3 [sflag:s6], $0x80  }
0x72: {  	[sflag:s6] =	ssyncset.done @!p3 $0x0  }
0x73: {  	[sflag:s6] =	ssyncadd.s32 @!p3 $0xFFFFFF80;
	s6 =	simm.s32 @!p3 $0x310  }
0x74: {  	[tilespmem:s6], [sflag:$0x7] =	stream.indirect.gather @!p3 [hbm4b:s1+s5], $0x40, s24, s5, $0xb8;
	[tilespmem:$0xFF50] =	vst v63  }
0x75: {  	_ =	swait.ge [sflag:s23], $0x2000  }
0x76: {  	[sflag:s23] =	ssyncset.done $0x0  }
0x77: {  	p6 =	por $0x0, $0x0;
	[sflag:s23] =	ssyncadd.s32 $0xFFFFE000  }
0x78: {  	s26 =	simm.s32 $0x30;
	p3 =	por p6, p6;
	_ =	swait.ge [sflag:s4], $0x80  }
0x79: {  	s10 =	simm.s32 $0x60;
	s28 =	simm.s32 @!p3 $0xC;
	[sflag:s4] =	ssyncset.done $0x0  }
.LBB2_6:
0x7a: {  	p5 =	seq.s32 s10, $0x0  }
0x7b: {  	[sflag:s4] =	ssyncadd.s32 $0xFFFFFF80;
	s5 =	smov.u32 s10;
	s10 =	sadd.s32 $0x30, s10  }
0x7c: {  	[spmem:s2] =	stream.indirect.scatter.add.f32 [tilespmem:s18], [sflag:$0xC], $0x40, s12, s31, $0xb8;
	[tilespmem:$0xFF50] =	vst v63  }
0x7d: {  	p4 =	sne.s32 s10, $0x270;
	_ =	swait.ge @!p3 [sflag:s28], $0x2000  }
0x7e: {  	s6 =	sadd.s32 s26, s21;
	[sflag:s28] =	ssyncset.done @!p3 $0x0  }
0x7f: {  	s8 =	sadd.s32 s26, s20;
	s6 =	sadd.s32 $0x2730, s6;
	[sflag:s28] =	ssyncadd.s32 @!p3 $0xFFFFE000  }
0x80: {  	[tilespmem:s11], [sflag:$0x3] =	stream.linear.gather [hbm4b:s6+s3], $0x80, $0x38;
	[tilespmem:$0xFF50] =	vst v63  }
0x81: {  	p3 =	por p5, p5;
	s6 =	sadd.s32 $0x2730, s8  }
0x82: {  	[tilespmem:s12], [sflag:$0x6] =	stream.linear.gather [hbm4b:s6+s3], $0x80, $0x38;
	[tilespmem:$0xFF50] =	vst v63  }
0x83: {  	_ =	swait.ge [sflag:s13], $0x80  }
0x84: {  	[sflag:s13] =	ssyncset.done $0x0  }
0x85: {  	[sflag:s13] =	ssyncadd.s32 $0xFFFFFF80  }
0x86: {  	[tilespmem:s14], [sflag:$0x8] =	stream.indirect.gather [hbm4b:s1+s31], $0x40, s31, s31, $0xb8;
	[tilespmem:$0xFF50] =	vst v63  }
0x87: {  	_ =	swait.ge [sflag:s15], $0x2000  }
0x88: {  	[sflag:s15] =	ssyncset.done $0x0  }
0x89: {  	[sflag:s15] =	ssyncadd.s32 $0xFFFFE000  }
0x8a: {  	_ =	swait.ge [sflag:s16], $0x80  }
0x8b: {  	[sflag:s16] =	ssyncset.done $0x0  }
0x8c: {  	p5 =	seq.s32 s26, $0x240;
	[sflag:s16] =	ssyncadd.s32 $0xFFFFFF80  }
0x8d: {  	[spmem:s2] =	stream.indirect.scatter.add.f32 [tilespmem:s9], [sflag:$0xA], $0x40, s30, s31, $0xb8;
	[tilespmem:$0xFF50] =	vst v63  }
0x8e: {  	s8 =	sadd.s32 @!p5 s26, s21;
	s24 =	sadd.s32 @!p5 s26, s20;
	s6 =	simm.s32 @!p5 $0xA  }
0x8f: {  	s25 =	sadd.s32 @!p5 $0x2740, s8;
	s28 =	sadd.s32 @!p5 $0x2740, s24;
	_ =	swait.ge @!p5 [sflag:s6], $0x2000  }
0x90: {  	s29 =	simm.s32 @!p5 $0x0;
	s8 =	sadd.s32 @!p5 $0x2750, s8;
	[sflag:s6] =	ssyncset.done @!p5 $0x0  }
0x91: {  	s24 =	sadd.s32 @!p5 $0x2750, s24;
	[sflag:s6] =	ssyncadd.s32 @!p5 $0xFFFFE000;
	s6 =	simm.s32 @!p5 $0x180  }
0x92: {  	[tilespmem:s29], [sflag:$0x1] =	stream.linear.gather @!p5 [hbm4b:s25+s29], $0x80, $0x38;
	[tilespmem:$0xFF50] =	vst v63  }
0x93: {  	s26 =	smov.u32 s5  }
0x94: {  	[tilespmem:s6], [sflag:$0x4] =	stream.linear.gather @!p5 [hbm4b:s28+s29], $0x80, $0x38;
	[tilespmem:$0xFF50] =	vst v63  }
0x95: {  	_ =	swait.ge [sflag:s17], $0x80  }
0x96: {  	[sflag:s17] =	ssyncset.done $0x0  }
0x97: {  	[sflag:s17] =	ssyncadd.s32 $0xFFFFFF80  }
0x98: {  	[tilespmem:s18], [sflag:$0x9] =	stream.indirect.gather [hbm4b:s1+s31], $0x40, s11, s31, $0xb8;
	[tilespmem:$0xFF50] =	vst v63  }
0x99: {  	_ =	swait.ge [sflag:s19], $0x2000  }
0x9a: {  	[sflag:s19] =	ssyncset.done $0x0  }
0x9b: {  	[sflag:s19] =	ssyncadd.s32 $0xFFFFE000  }
0x9c: {  	_ =	swait.ge [sflag:s22], $0x80  }
0x9d: {  	[sflag:s22] =	ssyncset.done $0x0  }
0x9e: {  	s5 =	simm.s32 @!p5 $0xB;
	[sflag:s22] =	ssyncadd.s32 $0xFFFFFF80  }
0x9f: {  	[spmem:s2] =	stream.indirect.scatter.add.f32 [tilespmem:s14], [sflag:$0xB], $0x40, s0, s31, $0xb8;
	[tilespmem:$0xFF50] =	vst v63  }
0xa0: {  	_ =	swait.ge @!p5 [sflag:s5], $0x2000  }
0xa1: {  	s6 =	simm.s32 @!p5 $0x80;
	[sflag:s5] =	ssyncset.done @!p5 $0x0  }
0xa2: {  	[sflag:s5] =	ssyncadd.s32 @!p5 $0xFFFFE000;
	s5 =	simm.s32 @!p5 $0x200  }
0xa3: {  	[tilespmem:s6], [sflag:$0x2] =	stream.linear.gather @!p5 [hbm4b:s8+s29], $0x80, $0x38;
	[tilespmem:$0xFF50] =	vst v63  }
0xa4: {  	s8 =	simm.s32 @!p5 $0x1  }
0xa5: {  	[tilespmem:s5], [sflag:$0x5] =	stream.linear.gather @!p5 [hbm4b:s24+s29], $0x80, $0x38;
	[tilespmem:$0xFF50] =	vst v63  }
0xa6: {  	_ =	swait.ge @!p5 [sflag:s8], $0x80  }
0xa7: {  	s5 =	simm.s32 @!p5 $0x310;
	[sflag:s8] =	ssyncset.done @!p5 $0x0  }
0xa8: {  	[sflag:s8] =	ssyncadd.s32 @!p5 $0xFFFFFF80  }
0xa9: {  	[tilespmem:s5], [sflag:$0x7] =	stream.indirect.gather @!p5 [hbm4b:s1+s6], $0x40, s29, s6, $0xb8;
	[tilespmem:$0xFF50] =	vst v63  }
.Ltmp3:
0xaa: {  	_ =	swait.ge [sflag:s23], $0x2000;
	(pc) =	sbr.rel @p4 .LBB2_6-.Ltmp3, $4  }
0xab: {  	[sflag:s23] =	ssyncset.done $0x0  }
0xac: {  	[sflag:s23] =	ssyncadd.s32 $0xFFFFE000  }
0xad: {  	_ =	swait.ge [sflag:s4], $0x80  }
0xae: {  	s28 =	simm.s32 @!p3 $0xC;
	[sflag:s4] =	ssyncset.done $0x0  }
0xaf: {  	[sflag:s4] =	ssyncadd.s32 $0xFFFFFF80  }
0xb0: {  	[spmem:s2] =	stream.indirect.scatter.add.f32 [tilespmem:s18], [sflag:$0xC], $0x40, s12, s31, $0xb8;
	[tilespmem:$0xFF50] =	vst v63  }
0xb1: {  	_ =	swait.ge @!p3 [sflag:s28], $0x2000  }
0xb2: {  	s5 =	sadd.s32 s26, s21;
	[sflag:s28] =	ssyncset.done @!p3 $0x0  }
0xb3: {  	s6 =	sadd.s32 s26, s20;
	s5 =	sadd.s32 $0x2730, s5;
	[sflag:s28] =	ssyncadd.s32 @!p3 $0xFFFFE000  }
0xb4: {  	[tilespmem:s11], [sflag:$0x3] =	stream.linear.gather [hbm4b:s5+s3], $0x80, $0x38;
	[tilespmem:$0xFF50] =	vst v63  }
0xb5: {  	s8 =	sadd.s32 $0x2730, s6  }
0xb6: {  	[tilespmem:s12], [sflag:$0x6] =	stream.linear.gather [hbm4b:s8+s3], $0x80, $0x38;
	[tilespmem:$0xFF50] =	vst v63  }
0xb7: {  	_ =	swait.ge [sflag:s13], $0x80  }
0xb8: {  	[sflag:s13] =	ssyncset.done $0x0  }
0xb9: {  	[sflag:s13] =	ssyncadd.s32 $0xFFFFFF80  }
0xba: {  	[tilespmem:s14], [sflag:$0x8] =	stream.indirect.gather [hbm4b:s1+s31], $0x40, s31, s31, $0xb8;
	[tilespmem:$0xFF50] =	vst v63  }
0xbb: {  	_ =	swait.ge [sflag:s15], $0x2000  }
0xbc: {  	[sflag:s15] =	ssyncset.done $0x0  }
0xbd: {  	[sflag:s15] =	ssyncadd.s32 $0xFFFFE000  }
0xbe: {  	_ =	swait.ge [sflag:s16], $0x80  }
0xbf: {  	p3 =	seq.s32 s26, $0x240;
	[sflag:s16] =	ssyncset.done $0x0  }
0xc0: {  	s5 =	simm.s32 @!p3 $0xA;
	[sflag:s16] =	ssyncadd.s32 $0xFFFFFF80  }
0xc1: {  	[spmem:s2] =	stream.indirect.scatter.add.f32 [tilespmem:s9], [sflag:$0xA], $0x40, s30, s31, $0xb8;
	[tilespmem:$0xFF50] =	vst v63  }
0xc2: {  	_ =	swait.ge @!p3 [sflag:s5], $0x2000  }
0xc3: {  	s6 =	sadd.s32 @!p3 s26, s21;
	s24 =	simm.s32 @!p3 $0x0;
	[sflag:s5] =	ssyncset.done @!p3 $0x0  }
0xc4: {  	s10 =	sadd.s32 @!p3 $0x2740, s6;
	s8 =	sadd.s32 @!p3 s26, s20;
	[sflag:s5] =	ssyncadd.s32 @!p3 $0xFFFFE000  }
0xc5: {  	[tilespmem:s24], [sflag:$0x1] =	stream.linear.gather @!p3 [hbm4b:s10+s24], $0x80, $0x38;
	[tilespmem:$0xFF50] =	vst v63  }
0xc6: {  	s5 =	sadd.s32 @!p3 $0x2740, s8;
	s10 =	simm.s32 @!p3 $0x180  }
0xc7: {  	[tilespmem:s10], [sflag:$0x4] =	stream.linear.gather @!p3 [hbm4b:s5+s24], $0x80, $0x38;
	[tilespmem:$0xFF50] =	vst v63  }
0xc8: {  	_ =	swait.ge [sflag:s17], $0x80  }
0xc9: {  	[sflag:s17] =	ssyncset.done $0x0  }
0xca: {  	[sflag:s17] =	ssyncadd.s32 $0xFFFFFF80  }
0xcb: {  	[tilespmem:s18], [sflag:$0x9] =	stream.indirect.gather [hbm4b:s1+s31], $0x40, s11, s31, $0xb8;
	[tilespmem:$0xFF50] =	vst v63  }
0xcc: {  	_ =	swait.ge [sflag:s19], $0x2000  }
0xcd: {  	[sflag:s19] =	ssyncset.done $0x0  }
0xce: {  	[sflag:s19] =	ssyncadd.s32 $0xFFFFE000  }
0xcf: {  	_ =	swait.ge [sflag:s22], $0x80  }
0xd0: {  	[sflag:s22] =	ssyncset.done $0x0  }
0xd1: {  	s5 =	simm.s32 @!p3 $0xB;
	[sflag:s22] =	ssyncadd.s32 $0xFFFFFF80  }
0xd2: {  	[spmem:s2] =	stream.indirect.scatter.add.f32 [tilespmem:s14], [sflag:$0xB], $0x40, s0, s31, $0xb8;
	[tilespmem:$0xFF50] =	vst v63  }
0xd3: {  	_ =	swait.ge @!p3 [sflag:s5], $0x2000  }
0xd4: {  	[sflag:s5] =	ssyncset.done @!p3 $0x0  }
0xd5: {  	s6 =	sadd.s32 @!p3 $0x2750, s6;
	[sflag:s5] =	ssyncadd.s32 @!p3 $0xFFFFE000;
	s5 =	simm.s32 @!p3 $0x80  }
0xd6: {  	[tilespmem:s5], [sflag:$0x2] =	stream.linear.gather @!p3 [hbm4b:s6+s24], $0x80, $0x38;
	[tilespmem:$0xFF50] =	vst v63  }
0xd7: {  	s6 =	sadd.s32 @!p3 $0x2750, s8;
	s8 =	simm.s32 @!p3 $0x200  }
0xd8: {  	[tilespmem:s8], [sflag:$0x5] =	stream.linear.gather @!p3 [hbm4b:s6+s24], $0x80, $0x38;
	[tilespmem:$0xFF50] =	vst v63  }
0xd9: {  	s6 =	simm.s32 @!p3 $0x1  }
0xda: {  	_ =	swait.ge @!p3 [sflag:s6], $0x80  }
0xdb: {  	[sflag:s6] =	ssyncset.done @!p3 $0x0  }
0xdc: {  	[sflag:s6] =	ssyncadd.s32 @!p3 $0xFFFFFF80;
	s6 =	simm.s32 @!p3 $0x310  }
0xdd: {  	[tilespmem:s6], [sflag:$0x7] =	stream.indirect.gather @!p3 [hbm4b:s1+s5], $0x40, s24, s5, $0xb8;
	[tilespmem:$0xFF50] =	vst v63  }
0xde: {  	_ =	swait.ge [sflag:s23], $0x2000  }
0xdf: {  	[sflag:s23] =	ssyncset.done $0x0  }
0xe0: {  	[sflag:s23] =	ssyncadd.s32 $0xFFFFE000  }
0xe1: {  	_ =	swait.ge [sflag:s4], $0x80  }
0xe2: {  	[sflag:s4] =	ssyncset.done $0x0  }
0xe3: {  	s10 =	simm.s32 $0xA;
	[sflag:s4] =	ssyncadd.s32 $0xFFFFFF80  }
0xe4: {  	[spmem:s2] =	stream.indirect.scatter.add.f32 [tilespmem:s18], [sflag:$0xC], $0x40, s12, s31, $0xb8;
	[tilespmem:$0xFF50] =	vst v63  }
0xe5: {  	_ =	swait.ge [sflag:s10], $0x2000  }
0xe6: {  	[sflag:s10] =	ssyncset.done $0x0  }
0xe7: {  	s25 =	simm.s32 $0x300;
	s24 =	rddreg [dreg:$0x12];
	[sflag:s10] =	ssyncadd.s32 $0xFFFFE000  }
0xe8: {  	[tilespmem:s25], [sflag:$0x1] =	stream.linear.gather [hbm4b:s24+s3], $0x8, $0x38;
	[tilespmem:$0xFF50] =	vst v63  }
0xe9: {  	s28 =	simm.s32 $0x308;
	s26 =	rddreg [dreg:$0x13];
	s24 =	simm.s32 $0x1  }
0xea: {  	[tilespmem:s28], [sflag:$0x4] =	stream.linear.gather [hbm4b:s26+s3], $0x8, $0x38;
	[tilespmem:$0xFF50] =	vst v63  }
0xeb: {  	_ =	swait.ge [sflag:s24], $0x8  }
0xec: {  	[sflag:s24] =	ssyncset.done $0x0  }
0xed: {  	s29 =	simm.s32 $0xD;
	[sflag:s24] =	ssyncadd.s32 $0xFFFFFFF8  }
0xee: {  	[tilespmem:s9], [sflag:$0xD] =	stream.indirect.gather [hbm4b:s1+s19], $0x40, s25, s19, $0xb8;
	[tilespmem:$0xFF50] =	vst v63  }
0xef: {  	_ =	swait.ge [sflag:s29], $0x200  }
0xf0: {  	[sflag:s29] =	ssyncset.done $0x0  }
0xf1: {  	[sflag:s29] =	ssyncadd.s32 $0xFFFFFE00  }
0xf2: {  	_ =	swait.ge [sflag:s16], $0x8  }
0xf3: {  	[sflag:s16] =	ssyncset.done $0x0  }
0xf4: {  	s8 =	simm.s32 $0xB;
	[sflag:s16] =	ssyncadd.s32 $0xFFFFFFF8  }
0xf5: {  	[spmem:s2] =	stream.indirect.scatter.add.f32 [tilespmem:s9], [sflag:$0xD], $0x40, s28, s19, $0xb8;
	[tilespmem:$0xFF50] =	vst v63  }
0xf6: {  	_ =	swait.ge [sflag:s8], $0x2000  }
0xf7: {  	[sflag:s8] =	ssyncset.done $0x0  }
0xf8: {  	s10 =	simm.s32 $0xC;
	[sflag:s8] =	ssyncadd.s32 $0xFFFFE000  }
0xf9: {  	_ =	swait.ge [sflag:s10], $0x2000  }
0xfa: {  	[sflag:s10] =	ssyncset.done $0x0  }
0xfb: {  	[sflag:s10] =	ssyncadd.s32 $0xFFFFE000  }
0xfc: {  	_ =	swait.ge [sflag:s29], $0x200  }
0xfd: {  	[sflag:s29] =	ssyncset.done $0x0  }
0xfe: {  	[sflag:s29] =	ssyncadd.s32 $0xFFFFFE00  }
0xff: {  	[bflag:$0x0] =	sbarrier.arrive $0xFFFF  }
0x100: {  	s25 =	rddreg [dreg:$0x17]  }
0x101: {  	s26 =	rddreg [dreg:$0x15]  }
0x102: {  	s28 =	rddreg [dreg:$0x1b];
	s5 =	sor.u32 $0x1C10, s25  }
0x103: {  	[hbm:s26], [sflag:s5] =	dma.local [spmem:s28], $0x1380  }
.Ltmp4:
0x104: {  	_ = 	snop;
	(pc) =	sbr.rel @p1 .LBB2_9-.Ltmp4, $4  }
.Ltmp5:
0x105: {  	s29 =	simm.s32 $0x10;
	(pc) =	sbr.rel @!p1 .LBB2_8-.Ltmp5, $4  }
0x106: {  	_ =	swait.ge [sflag:s29], $0x1380  }
0x107: {  	[sflag:s29] =	ssyncset.done $0x0  }
0x108: {  	s10 =	rddreg [dreg:$0x5];
	[sflag:s29] =	ssyncadd.s32 $0xFFFFEC80  }
0x109: {  	_ = 	snop  }
.LBB2_2:
0x10a: {  	s10 =	simm.s32 @!p1 $0x1C0F;
	s6 =	rddreg [dreg:$0x19]  }
0x10b: {  	[spmem:s5], [sflag:s10] =	dma.local @!p1 [hbm:s6], $0x80  }
0x10c: {  	s5 =	rddreg [dreg:$0x8]  }
0x10d: {  	[tilespmem:s3], [sflag:$0x1] =	stream.linear.gather [hbm4b:s5+s3], $0x80, $0x38;
	[tilespmem:$0xFF50] =	vst v63  }
0x10e: {  	s29 =	rddreg [dreg:$0x9]  }
0x10f: {  	[tilespmem:s30], [sflag:$0x4] =	stream.linear.gather [hbm4b:s29+s3], $0x80, $0x38;
	[tilespmem:$0xFF50] =	vst v63  }
0x110: {  	s6 =	rddreg [dreg:$0xa]  }
0x111: {  	[tilespmem:s31], [sflag:$0x2] =	stream.linear.gather [hbm4b:s6+s3], $0x80, $0x38;
	[tilespmem:$0xFF50] =	vst v63  }
0x112: {  	s8 =	rddreg [dreg:$0xb]  }
0x113: {  	[tilespmem:s0], [sflag:$0x5] =	stream.linear.gather [hbm4b:s8+s3], $0x80, $0x38;
	[tilespmem:$0xFF50] =	vst v63  }
0x114: {  	_ =	swait.ge [sflag:s24], $0x80  }
0x115: {  	[sflag:s24] =	ssyncset.done $0x0  }
0x116: {  	s10 =	simm.s32 $0xE;
	[sflag:s24] =	ssyncadd.s32 $0xFFFFFF80  }
0x117: {  	[tilespmem:s9], [sflag:$0x7] =	stream.indirect.gather [hbm4b:s1+s31], $0x40, s3, s31, $0xb8;
	[tilespmem:$0xFF50] =	vst v63  }
0x118: {  	_ =	swait.ge [sflag:s10], $0x1380  }
0x119: {  	[sflag:s10] =	ssyncset.done $0x0  }
0x11a: {  	s5 =	simm.s32 @!p1 $0xF;
	[sflag:s10] =	ssyncadd.s32 $0xFFFFEC80  }
0x11b: {  	_ =	swait.ge @!p1 [sflag:s5], $0x80  }
0x11c: {  	p3 =	por $0x1, $0x1;
	[sflag:s5] =	ssyncset.done @!p1 $0x0  }
0x11d: {  	p3 =	por p3, p3;
	[sflag:s5] =	ssyncadd.s32 @!p1 $0xFFFFFF80  }
0x11e: {  	s5 =	simm.s32 @!p3 $0xC;
	[bflag:$0x0] =	sbarrier.arrive $0xFFFF  }
0x11f: {  	_ =	swait.ge @!p3 [sflag:s5], $0x2000  }
0x120: {  	s24 =	sadd.s32 $0x0, s21;
	[sflag:s5] =	ssyncset.done @!p3 $0x0  }
0x121: {  	s26 =	sadd.s32 $0x0, s20;
	s25 =	sadd.s32 $0x20, s24;
	[sflag:s5] =	ssyncadd.s32 @!p3 $0xFFFFE000  }
0x122: {  	[tilespmem:s11], [sflag:$0x3] =	stream.linear.gather [hbm4b:s25+s3], $0x80, $0x38;
	[tilespmem:$0xFF50] =	vst v63  }
0x123: {  	s29 =	sadd.s32 $0x20, s26  }
0x124: {  	[tilespmem:s12], [sflag:$0x6] =	stream.linear.gather [hbm4b:s29+s3], $0x80, $0x38;
	[tilespmem:$0xFF50] =	vst v63  }
0x125: {  	_ =	swait.ge [sflag:s13], $0x80  }
0x126: {  	[sflag:s13] =	ssyncset.done $0x0  }
0x127: {  	[sflag:s13] =	ssyncadd.s32 $0xFFFFFF80  }
0x128: {  	[tilespmem:s14], [sflag:$0x8] =	stream.indirect.gather [hbm4b:s1+s31], $0x40, s31, s31, $0xb8;
	[tilespmem:$0xFF50] =	vst v63  }
0x129: {  	_ =	swait.ge [sflag:s15], $0x2000  }
0x12a: {  	[sflag:s15] =	ssyncset.done $0x0  }
0x12b: {  	[sflag:s15] =	ssyncadd.s32 $0xFFFFE000  }
0x12c: {  	_ =	swait.ge [sflag:s16], $0x80  }
0x12d: {  	p3 =	por $0x0, $0x0;
	[sflag:s16] =	ssyncset.done $0x0  }
0x12e: {  	s5 =	simm.s32 @!p3 $0xA;
	[sflag:s16] =	ssyncadd.s32 $0xFFFFFF80  }
0x12f: {  	[spmem:s2] =	stream.indirect.scatter.add.f32 [tilespmem:s9], [sflag:$0xA], $0x40, s30, s31, $0xb8;
	[tilespmem:$0xFF50] =	vst v63  }
0x130: {  	_ =	swait.ge @!p3 [sflag:s5], $0x2000  }
0x131: {  	s10 =	sadd.s32 @!p3 $0x0, s21;
	s26 =	sadd.s32 @!p3 $0x0, s20;
	[sflag:s5] =	ssyncset.done @!p3 $0x0  }
0x132: {  	s28 =	sadd.s32 @!p3 $0x30, s10;
	s29 =	simm.s32 @!p3 $0x0;
	[sflag:s5] =	ssyncadd.s32 @!p3 $0xFFFFE000  }
0x133: {  	[tilespmem:s29], [sflag:$0x1] =	stream.linear.gather @!p3 [hbm4b:s28+s29], $0x80, $0x38;
	[tilespmem:$0xFF50] =	vst v63  }
0x134: {  	s5 =	sadd.s32 @!p3 $0x30, s26;
	s28 =	simm.s32 @!p3 $0x180  }
0x135: {  	[tilespmem:s28], [sflag:$0x4] =	stream.linear.gather @!p3 [hbm4b:s5+s29], $0x80, $0x38;
	[tilespmem:$0xFF50] =	vst v63  }
0x136: {  	_ =	swait.ge [sflag:s17], $0x80  }
0x137: {  	[sflag:s17] =	ssyncset.done $0x0  }
0x138: {  	[sflag:s17] =	ssyncadd.s32 $0xFFFFFF80  }
0x139: {  	[tilespmem:s18], [sflag:$0x9] =	stream.indirect.gather [hbm4b:s1+s31], $0x40, s11, s31, $0xb8;
	[tilespmem:$0xFF50] =	vst v63  }
0x13a: {  	_ =	swait.ge [sflag:s19], $0x2000  }
0x13b: {  	[sflag:s19] =	ssyncset.done $0x0  }
0x13c: {  	[sflag:s19] =	ssyncadd.s32 $0xFFFFE000  }
0x13d: {  	_ =	swait.ge [sflag:s22], $0x80  }
0x13e: {  	[sflag:s22] =	ssyncset.done $0x0  }
0x13f: {  	s5 =	simm.s32 @!p3 $0xB;
	[sflag:s22] =	ssyncadd.s32 $0xFFFFFF80  }
0x140: {  	[spmem:s2] =	stream.indirect.scatter.add.f32 [tilespmem:s14], [sflag:$0xB], $0x40, s0, s31, $0xb8;
	[tilespmem:$0xFF50] =	vst v63  }
0x141: {  	_ =	swait.ge @!p3 [sflag:s5], $0x2000  }
0x142: {  	[sflag:s5] =	ssyncset.done @!p3 $0x0  }
0x143: {  	s10 =	sadd.s32 @!p3 $0x40, s10;
	[sflag:s5] =	ssyncadd.s32 @!p3 $0xFFFFE000;
	s5 =	simm.s32 @!p3 $0x80  }
0x144: {  	[tilespmem:s5], [sflag:$0x2] =	stream.linear.gather @!p3 [hbm4b:s10+s29], $0x80, $0x38;
	[tilespmem:$0xFF50] =	vst v63  }
0x145: {  	s10 =	sadd.s32 @!p3 $0x40, s26;
	s26 =	simm.s32 @!p3 $0x200  }
0x146: {  	[tilespmem:s26], [sflag:$0x5] =	stream.linear.gather @!p3 [hbm4b:s10+s29], $0x80, $0x38;
	[tilespmem:$0xFF50] =	vst v63  }
0x147: {  	s10 =	simm.s32 @!p3 $0x1  }
0x148: {  	_ =	swait.ge @!p3 [sflag:s10], $0x80  }
0x149: {  	[sflag:s10] =	ssyncset.done @!p3 $0x0  }
0x14a: {  	[sflag:s10] =	ssyncadd.s32 @!p3 $0xFFFFFF80;
	s10 =	simm.s32 @!p3 $0x310  }
0x14b: {  	[tilespmem:s10], [sflag:$0x7] =	stream.indirect.gather @!p3 [hbm4b:s1+s5], $0x40, s29, s5, $0xb8;
	[tilespmem:$0xFF50] =	vst v63  }
0x14c: {  	_ =	swait.ge [sflag:s23], $0x2000  }
0x14d: {  	[sflag:s23] =	ssyncset.done $0x0  }
0x14e: {  	p6 =	por $0x0, $0x0;
	[sflag:s23] =	ssyncadd.s32 $0xFFFFE000  }
0x14f: {  	s26 =	simm.s32 $0x30;
	p3 =	por p6, p6;
	_ =	swait.ge [sflag:s4], $0x80  }
0x150: {  	s10 =	simm.s32 $0x60;
	s28 =	simm.s32 @!p3 $0xC;
	[sflag:s4] =	ssyncset.done $0x0  }
.LBB2_3:
0x151: {  	p5 =	seq.s32 s10, $0x0  }
0x152: {  	[sflag:s4] =	ssyncadd.s32 $0xFFFFFF80;
	s5 =	smov.u32 s10;
	s10 =	sadd.s32 $0x30, s10  }
0x153: {  	[spmem:s2] =	stream.indirect.scatter.add.f32 [tilespmem:s18], [sflag:$0xC], $0x40, s12, s31, $0xb8;
	[tilespmem:$0xFF50] =	vst v63  }
0x154: {  	p4 =	sne.s32 s10, $0x270;
	_ =	swait.ge @!p3 [sflag:s28], $0x2000  }
0x155: {  	s29 =	sadd.s32 s26, s21;
	[sflag:s28] =	ssyncset.done @!p3 $0x0  }
0x156: {  	[sflag:s28] =	ssyncadd.s32 @!p3 $0xFFFFE000;
	s28 =	sadd.s32 $0x20, s29;
	s29 =	sadd.s32 s26, s20  }
0x157: {  	[tilespmem:s11], [sflag:$0x3] =	stream.linear.gather [hbm4b:s28+s3], $0x80, $0x38;
	[tilespmem:$0xFF50] =	vst v63  }
0x158: {  	p3 =	por p5, p5;
	s28 =	sadd.s32 $0x20, s29  }
0x159: {  	[tilespmem:s12], [sflag:$0x6] =	stream.linear.gather [hbm4b:s28+s3], $0x80, $0x38;
	[tilespmem:$0xFF50] =	vst v63  }
0x15a: {  	_ =	swait.ge [sflag:s13], $0x80  }
0x15b: {  	[sflag:s13] =	ssyncset.done $0x0  }
0x15c: {  	[sflag:s13] =	ssyncadd.s32 $0xFFFFFF80  }
0x15d: {  	[tilespmem:s14], [sflag:$0x8] =	stream.indirect.gather [hbm4b:s1+s31], $0x40, s31, s31, $0xb8;
	[tilespmem:$0xFF50] =	vst v63  }
0x15e: {  	_ =	swait.ge [sflag:s15], $0x2000  }
0x15f: {  	[sflag:s15] =	ssyncset.done $0x0  }
0x160: {  	[sflag:s15] =	ssyncadd.s32 $0xFFFFE000  }
0x161: {  	_ =	swait.ge [sflag:s16], $0x80  }
0x162: {  	[sflag:s16] =	ssyncset.done $0x0  }
0x163: {  	p5 =	seq.s32 s26, $0x240;
	[sflag:s16] =	ssyncadd.s32 $0xFFFFFF80  }
0x164: {  	[spmem:s2] =	stream.indirect.scatter.add.f32 [tilespmem:s9], [sflag:$0xA], $0x40, s30, s31, $0xb8;
	[tilespmem:$0xFF50] =	vst v63  }
0x165: {  	s29 =	sadd.s32 @!p5 s26, s21;
	s26 =	sadd.s32 @!p5 s26, s20;
	s28 =	simm.s32 @!p5 $0xA  }
0x166: {  	s6 =	sadd.s32 @!p5 $0x30, s29;
	s8 =	sadd.s32 @!p5 $0x30, s26;
	_ =	swait.ge @!p5 [sflag:s28], $0x2000  }
0x167: {  	s24 =	simm.s32 @!p5 $0x0;
	s29 =	sadd.s32 @!p5 $0x40, s29;
	[sflag:s28] =	ssyncset.done @!p5 $0x0  }
0x168: {  	s25 =	sadd.s32 @!p5 $0x40, s26;
	[sflag:s28] =	ssyncadd.s32 @!p5 $0xFFFFE000;
	s28 =	simm.s32 @!p5 $0x180  }
0x169: {  	[tilespmem:s24], [sflag:$0x1] =	stream.linear.gather @!p5 [hbm4b:s6+s24], $0x80, $0x38;
	[tilespmem:$0xFF50] =	vst v63  }
0x16a: {  	s26 =	smov.u32 s5  }
0x16b: {  	[tilespmem:s28], [sflag:$0x4] =	stream.linear.gather @!p5 [hbm4b:s8+s24], $0x80, $0x38;
	[tilespmem:$0xFF50] =	vst v63  }
0x16c: {  	_ =	swait.ge [sflag:s17], $0x80  }
0x16d: {  	[sflag:s17] =	ssyncset.done $0x0  }
0x16e: {  	[sflag:s17] =	ssyncadd.s32 $0xFFFFFF80  }
0x16f: {  	[tilespmem:s18], [sflag:$0x9] =	stream.indirect.gather [hbm4b:s1+s31], $0x40, s11, s31, $0xb8;
	[tilespmem:$0xFF50] =	vst v63  }
0x170: {  	_ =	swait.ge [sflag:s19], $0x2000  }
0x171: {  	[sflag:s19] =	ssyncset.done $0x0  }
0x172: {  	[sflag:s19] =	ssyncadd.s32 $0xFFFFE000  }
0x173: {  	_ =	swait.ge [sflag:s22], $0x80  }
0x174: {  	[sflag:s22] =	ssyncset.done $0x0  }
0x175: {  	s5 =	simm.s32 @!p5 $0xB;
	[sflag:s22] =	ssyncadd.s32 $0xFFFFFF80  }
0x176: {  	[spmem:s2] =	stream.indirect.scatter.add.f32 [tilespmem:s14], [sflag:$0xB], $0x40, s0, s31, $0xb8;
	[tilespmem:$0xFF50] =	vst v63  }
0x177: {  	_ =	swait.ge @!p5 [sflag:s5], $0x2000  }
0x178: {  	s6 =	simm.s32 @!p5 $0x80;
	[sflag:s5] =	ssyncset.done @!p5 $0x0  }
0x179: {  	[sflag:s5] =	ssyncadd.s32 @!p5 $0xFFFFE000;
	s5 =	simm.s32 @!p5 $0x200  }
0x17a: {  	[tilespmem:s6], [sflag:$0x2] =	stream.linear.gather @!p5 [hbm4b:s29+s24], $0x80, $0x38;
	[tilespmem:$0xFF50] =	vst v63  }
0x17b: {  	s8 =	simm.s32 @!p5 $0x1  }
0x17c: {  	[tilespmem:s5], [sflag:$0x5] =	stream.linear.gather @!p5 [hbm4b:s25+s24], $0x80, $0x38;
	[tilespmem:$0xFF50] =	vst v63  }
0x17d: {  	_ =	swait.ge @!p5 [sflag:s8], $0x80  }
0x17e: {  	s5 =	simm.s32 @!p5 $0x310;
	[sflag:s8] =	ssyncset.done @!p5 $0x0  }
0x17f: {  	[sflag:s8] =	ssyncadd.s32 @!p5 $0xFFFFFF80  }
0x180: {  	[tilespmem:s5], [sflag:$0x7] =	stream.indirect.gather @!p5 [hbm4b:s1+s6], $0x40, s24, s6, $0xb8;
	[tilespmem:$0xFF50] =	vst v63  }
.Ltmp6:
0x181: {  	_ =	swait.ge [sflag:s23], $0x2000;
	(pc) =	sbr.rel @p4 .LBB2_3-.Ltmp6, $4  }
0x182: {  	[sflag:s23] =	ssyncset.done $0x0  }
0x183: {  	[sflag:s23] =	ssyncadd.s32 $0xFFFFE000  }
0x184: {  	_ =	swait.ge [sflag:s4], $0x80  }
0x185: {  	s28 =	simm.s32 @!p3 $0xC;
	[sflag:s4] =	ssyncset.done $0x0  }
0x186: {  	[sflag:s4] =	ssyncadd.s32 $0xFFFFFF80  }
0x187: {  	[spmem:s2] =	stream.indirect.scatter.add.f32 [tilespmem:s18], [sflag:$0xC], $0x40, s12, s31, $0xb8;
	[tilespmem:$0xFF50] =	vst v63  }
0x188: {  	_ =	swait.ge @!p3 [sflag:s28], $0x2000  }
0x189: {  	s5 =	sadd.s32 s26, s21;
	[sflag:s28] =	ssyncset.done @!p3 $0x0  }
0x18a: {  	s6 =	sadd.s32 s26, s20;
	s5 =	sadd.s32 $0x20, s5;
	[sflag:s28] =	ssyncadd.s32 @!p3 $0xFFFFE000  }
0x18b: {  	[tilespmem:s11], [sflag:$0x3] =	stream.linear.gather [hbm4b:s5+s3], $0x80, $0x38;
	[tilespmem:$0xFF50] =	vst v63  }
0x18c: {  	s8 =	sadd.s32 $0x20, s6  }
0x18d: {  	[tilespmem:s12], [sflag:$0x6] =	stream.linear.gather [hbm4b:s8+s3], $0x80, $0x38;
	[tilespmem:$0xFF50] =	vst v63  }
0x18e: {  	_ =	swait.ge [sflag:s13], $0x80  }
0x18f: {  	[sflag:s13] =	ssyncset.done $0x0  }
0x190: {  	[sflag:s13] =	ssyncadd.s32 $0xFFFFFF80  }
0x191: {  	[tilespmem:s14], [sflag:$0x8] =	stream.indirect.gather [hbm4b:s1+s31], $0x40, s31, s31, $0xb8;
	[tilespmem:$0xFF50] =	vst v63  }
0x192: {  	_ =	swait.ge [sflag:s15], $0x2000  }
0x193: {  	[sflag:s15] =	ssyncset.done $0x0  }
0x194: {  	[sflag:s15] =	ssyncadd.s32 $0xFFFFE000  }
0x195: {  	_ =	swait.ge [sflag:s16], $0x80  }
0x196: {  	p3 =	seq.s32 s26, $0x240;
	[sflag:s16] =	ssyncset.done $0x0  }
0x197: {  	s5 =	simm.s32 @!p3 $0xA;
	[sflag:s16] =	ssyncadd.s32 $0xFFFFFF80  }
0x198: {  	[spmem:s2] =	stream.indirect.scatter.add.f32 [tilespmem:s9], [sflag:$0xA], $0x40, s30, s31, $0xb8;
	[tilespmem:$0xFF50] =	vst v63  }
0x199: {  	_ =	swait.ge @!p3 [sflag:s5], $0x2000  }
0x19a: {  	s6 =	sadd.s32 @!p3 s26, s21;
	s24 =	simm.s32 @!p3 $0x0;
	[sflag:s5] =	ssyncset.done @!p3 $0x0  }
0x19b: {  	s10 =	sadd.s32 @!p3 $0x30, s6;
	s8 =	sadd.s32 @!p3 s26, s20;
	[sflag:s5] =	ssyncadd.s32 @!p3 $0xFFFFE000  }
0x19c: {  	[tilespmem:s24], [sflag:$0x1] =	stream.linear.gather @!p3 [hbm4b:s10+s24], $0x80, $0x38;
	[tilespmem:$0xFF50] =	vst v63  }
0x19d: {  	s5 =	sadd.s32 @!p3 $0x30, s8;
	s10 =	simm.s32 @!p3 $0x180  }
0x19e: {  	[tilespmem:s10], [sflag:$0x4] =	stream.linear.gather @!p3 [hbm4b:s5+s24], $0x80, $0x38;
	[tilespmem:$0xFF50] =	vst v63  }
0x19f: {  	_ =	swait.ge [sflag:s17], $0x80  }
0x1a0: {  	[sflag:s17] =	ssyncset.done $0x0  }
0x1a1: {  	[sflag:s17] =	ssyncadd.s32 $0xFFFFFF80  }
0x1a2: {  	[tilespmem:s18], [sflag:$0x9] =	stream.indirect.gather [hbm4b:s1+s31], $0x40, s11, s31, $0xb8;
	[tilespmem:$0xFF50] =	vst v63  }
0x1a3: {  	_ =	swait.ge [sflag:s19], $0x2000  }
0x1a4: {  	[sflag:s19] =	ssyncset.done $0x0  }
0x1a5: {  	[sflag:s19] =	ssyncadd.s32 $0xFFFFE000  }
0x1a6: {  	_ =	swait.ge [sflag:s22], $0x80  }
0x1a7: {  	[sflag:s22] =	ssyncset.done $0x0  }
0x1a8: {  	s5 =	simm.s32 @!p3 $0xB;
	[sflag:s22] =	ssyncadd.s32 $0xFFFFFF80  }
0x1a9: {  	[spmem:s2] =	stream.indirect.scatter.add.f32 [tilespmem:s14], [sflag:$0xB], $0x40, s0, s31, $0xb8;
	[tilespmem:$0xFF50] =	vst v63  }
0x1aa: {  	_ =	swait.ge @!p3 [sflag:s5], $0x2000  }
0x1ab: {  	[sflag:s5] =	ssyncset.done @!p3 $0x0  }
0x1ac: {  	s6 =	sadd.s32 @!p3 $0x40, s6;
	[sflag:s5] =	ssyncadd.s32 @!p3 $0xFFFFE000;
	s5 =	simm.s32 @!p3 $0x80  }
0x1ad: {  	[tilespmem:s5], [sflag:$0x2] =	stream.linear.gather @!p3 [hbm4b:s6+s24], $0x80, $0x38;
	[tilespmem:$0xFF50] =	vst v63  }
0x1ae: {  	s6 =	sadd.s32 @!p3 $0x40, s8;
	s8 =	simm.s32 @!p3 $0x200  }
0x1af: {  	[tilespmem:s8], [sflag:$0x5] =	stream.linear.gather @!p3 [hbm4b:s6+s24], $0x80, $0x38;
	[tilespmem:$0xFF50] =	vst v63  }
0x1b0: {  	s6 =	simm.s32 @!p3 $0x1  }
0x1b1: {  	_ =	swait.ge @!p3 [sflag:s6], $0x80  }
0x1b2: {  	[sflag:s6] =	ssyncset.done @!p3 $0x0  }
0x1b3: {  	[sflag:s6] =	ssyncadd.s32 @!p3 $0xFFFFFF80;
	s6 =	simm.s32 @!p3 $0x310  }
0x1b4: {  	[tilespmem:s6], [sflag:$0x7] =	stream.indirect.gather @!p3 [hbm4b:s1+s5], $0x40, s24, s5, $0xb8;
	[tilespmem:$0xFF50] =	vst v63  }
0x1b5: {  	_ =	swait.ge [sflag:s23], $0x2000  }
0x1b6: {  	[sflag:s23] =	ssyncset.done $0x0  }
0x1b7: {  	[sflag:s23] =	ssyncadd.s32 $0xFFFFE000  }
0x1b8: {  	_ =	swait.ge [sflag:s4], $0x80  }
0x1b9: {  	[sflag:s4] =	ssyncset.done $0x0  }
0x1ba: {  	s10 =	simm.s32 $0xA;
	[sflag:s4] =	ssyncadd.s32 $0xFFFFFF80  }
0x1bb: {  	[spmem:s2] =	stream.indirect.scatter.add.f32 [tilespmem:s18], [sflag:$0xC], $0x40, s12, s31, $0xb8;
	[tilespmem:$0xFF50] =	vst v63  }
0x1bc: {  	_ =	swait.ge [sflag:s10], $0x2000  }
0x1bd: {  	[sflag:s10] =	ssyncset.done $0x0  }
0x1be: {  	s25 =	simm.s32 $0x300;
	s24 =	rddreg [dreg:$0xc];
	[sflag:s10] =	ssyncadd.s32 $0xFFFFE000  }
0x1bf: {  	[tilespmem:s25], [sflag:$0x1] =	stream.linear.gather [hbm4b:s24+s3], $0x8, $0x38;
	[tilespmem:$0xFF50] =	vst v63  }
0x1c0: {  	s28 =	simm.s32 $0x308;
	s26 =	rddreg [dreg:$0xd];
	s24 =	simm.s32 $0x1  }
0x1c1: {  	[tilespmem:s28], [sflag:$0x4] =	stream.linear.gather [hbm4b:s26+s3], $0x8, $0x38;
	[tilespmem:$0xFF50] =	vst v63  }
0x1c2: {  	_ =	swait.ge [sflag:s24], $0x8  }
0x1c3: {  	[sflag:s24] =	ssyncset.done $0x0  }
0x1c4: {  	s29 =	simm.s32 $0xD;
	[sflag:s24] =	ssyncadd.s32 $0xFFFFFFF8  }
0x1c5: {  	[tilespmem:s9], [sflag:$0xD] =	stream.indirect.gather [hbm4b:s1+s19], $0x40, s25, s19, $0xb8;
	[tilespmem:$0xFF50] =	vst v63  }
0x1c6: {  	_ =	swait.ge [sflag:s29], $0x200  }
0x1c7: {  	[sflag:s29] =	ssyncset.done $0x0  }
0x1c8: {  	[sflag:s29] =	ssyncadd.s32 $0xFFFFFE00  }
0x1c9: {  	_ =	swait.ge [sflag:s16], $0x8  }
0x1ca: {  	[sflag:s16] =	ssyncset.done $0x0  }
0x1cb: {  	s8 =	simm.s32 $0xB;
	[sflag:s16] =	ssyncadd.s32 $0xFFFFFFF8  }
0x1cc: {  	[spmem:s2] =	stream.indirect.scatter.add.f32 [tilespmem:s9], [sflag:$0xD], $0x40, s28, s19, $0xb8;
	[tilespmem:$0xFF50] =	vst v63  }
0x1cd: {  	_ =	swait.ge [sflag:s8], $0x2000  }
0x1ce: {  	[sflag:s8] =	ssyncset.done $0x0  }
0x1cf: {  	s10 =	simm.s32 $0xC;
	[sflag:s8] =	ssyncadd.s32 $0xFFFFE000  }
0x1d0: {  	_ =	swait.ge [sflag:s10], $0x2000  }
0x1d1: {  	[sflag:s10] =	ssyncset.done $0x0  }
0x1d2: {  	[sflag:s10] =	ssyncadd.s32 $0xFFFFE000  }
0x1d3: {  	_ =	swait.ge [sflag:s29], $0x200  }
0x1d4: {  	[sflag:s29] =	ssyncset.done $0x0  }
0x1d5: {  	[sflag:s29] =	ssyncadd.s32 $0xFFFFFE00  }
0x1d6: {  	[bflag:$0x0] =	sbarrier.arrive $0xFFFF  }
0x1d7: {  	s25 =	rddreg [dreg:$0x17]  }
0x1d8: {  	s26 =	rddreg [dreg:$0x14]  }
0x1d9: {  	s28 =	rddreg [dreg:$0x1b];
	s5 =	sor.u32 $0x1C10, s25  }
0x1da: {  	[hbm:s26], [sflag:s5] =	dma.local [spmem:s28], $0x1380  }
.Ltmp7:
0x1db: {  	_ = 	snop;
	(pc) =	sbr.rel @!p2 .LBB2_9-.Ltmp7, $4  }
.Ltmp8:
0x1dc: {  	s29 =	simm.s32 $0x10;
	(pc) =	sbr.rel @p2 .LBB2_8-.Ltmp8, $4  }
0x1dd: {  	_ =	swait.ge [sflag:s29], $0x1380  }
0x1de: {  	[sflag:s29] =	ssyncset.done $0x0  }
0x1df: {  	s10 =	rddreg [dreg:$0x4];
	[sflag:s29] =	ssyncadd.s32 $0xFFFFEC80  }
0x1e0: {  	_ = 	snop  }
.LBB2_10:
0x1e1: {  	_ =	sfence.sel $0x180000  }
0x1e2: {  	[bflag:$0x0] =	sbarrier.arrive $0xFFFF  }
0x1e3: {  	_ =	strace $0x9000004D  }
0x1e4: {  	[bflag:$0x2] =	sbarrier.arrive $0xFFFF  }
0x1e5: {  	s0 =	rddreg [dreg:$0x3]  }
0x1e6: {  	s0 =	sadd.s32 @!p1 $0x100000, s0  }
0x1e7: {  	[sflag:s0] =	ssyncadd.tile.s32 @!p1 $0x1;
	_ =	shalt  }
.Lfunc_end2:
_tile_overlayer_lowered:
.L_overlay_start_2:
0x1e8: {  	(tag) =	ssettag $0x2  }
0x1e9: {  	s0 =	rddreg [dreg:$0x0];
	s2 =	stileid.u32  }
0x1ea: {  	s1 =	rddreg [dreg:$0x1];
	p0 =	sne.s32 s2, $0x0  }
0x1eb: {  	s3 =	rddreg [dreg:$0x2];
	[bflag:$0x3] =	sbarrier.arrive $0xFFFF;
	s2 =	simm.s32 @!p0 $0x1C10  }
0x1ec: {  	[timem:s3], [sflag:s2] =	dma.local @!p0 [hbm:s0], s1  }
0x1ed: {  	s0 =	simm.s32 @!p0 $0x10  }
0x1ee: {  	_ =	swait.ge @!p0 [sflag:s0], s1  }
0x1ef: {  	s1 =	ssub.s32 @!p0 $0x0, s1;
	[sflag:s0] =	ssyncset.done @!p0 $0x0  }
0x1f0: {  	[sflag:s0] =	ssyncadd.s32 @!p0 s1  }
0x1f1: {  	[bflag:$0x3] =	sbarrier.arrive $0xFFFF  }
0x1f2: {  	_ =	shalt  }

// kernel: kernel.9.cloned.1.call-start
scs
__scs_entry_jumppad:
0x0: {  	(pc) =	sbr.rel $0x88, $3  }
0x1: {  	(tag) =	ssettag $0x0;
	lr =	simm.s32 $0x1  }
0x2: {  	[smem:$0x3F9B] =	sst lr;
	_ =	strace $0xD0000000  }
0x3: {  	_ = 	snop  }
0x4: {  	_ = 	snop  }
0x5: {  	_ = 	snop  }
0x6: {  	_ = 	snop  }
0x7: {  	_ = 	snop  }
__scs_overlays_trampoline_lowered:
0x8: {  	[smem:$0x3FAA] =	sst s0  }
0x9: {  	[smem:$0x3FAB] =	sst s1  }
0xa: {  	[smem:$0x3FAC] =	sst s2  }
0xb: {  	[smem:$0x3FAD] =	sst s3  }
0xc: {  	[smem:$0x3FAE] =	sst s4  }
0xd: {  	[smem:$0x3FAF] =	sst s5  }
0xe: {  	[smem:$0x3FB0] =	sst s6  }
0xf: {  	[smem:$0x3FB1] =	sst s7  }
0x10: {  	[smem:$0x3FB2] =	sst s8  }
0x11: {  	[smem:$0x3FB3] =	sst s9;
	s0 =	simm.s32 @!p0 $0x0  }
0x12: {  	s1 =	sld [smem:$0x3F99];
	s0 =	simm.s32 @p0 $0x1  }
0x13: {  	[smem:$0x3FB4] =	sst s0;
	s0 =	simm.s32 @!p1 $0x0  }
0x14: {  	s2 =	sld [smem:$0x3F98];
	s0 =	simm.s32 @p1 $0x1  }
0x15: {  	[smem:$0x3FB5] =	sst s0;
	s0 =	simm.s32 @!p2 $0x0  }
0x16: {  	s3 =	sld [smem:$0x3FDB];
	s0 =	simm.s32 @p2 $0x1  }
0x17: {  	s4 =	simm.s32 $0x1BF5;
	[smem:$0x3FB7] =	sst s0  }
0x18: {  	s0 =	sld [smem:$0x3F9A];
	_ =	swait.ge [sflag:s4], $0x0  }
0x19: {  	s7 =	sld [smem:$0x3F9B]  }
0x1a: {  	s8 =	sadd.s32 $0xFFFFE003, lr  }
0x1b: {  	s9 =	sadd.s32 $0xFFFFFEF7, lr;
	s5 =	simm.s32 $0xFFFFFFFF;
	p2 =	slt.u32 s8, $0xFFFFF086  }
0x1c: {  	p1 =	slt.u32 s9, $0xF7A;
	s5 =	simm.s32 @!p2 $0x0  }
0x1d: {  	s5 =	simm.s32 @p1 $0x1;
	p0 =	seq.s32 s7, s2  }
0x1e: {  	s7 =	smul.u32 @!p0 $0xF7A, s2;
	p2 =	seq.s32 @!p0 s5, $0x0  }
0x1f: {  	s9 =	smul.u32 $0xF7A, s1;
	s8 =	simm.s32 @!p0 $0x1BF5;
	p2 =	por !p2, p0  }
0x20: {  	[sflag:s8] =	ssyncset.s32 @!p0 $0xFFFFF086;
	s6 =	sadd.s32 @!p0 s3, s7;
	s7 =	simm.s32 @!p0 $0x108  }
0x21: {  	s3 =	sadd.s32 s3, s9;
	s6 =	sadd.s32 @!p0 $0x88, s6;
	s7 =	simm.s32 @p2 $0x1082  }
0x22: {  	[simem:s7], [sflag:s8] =	dma.local @!p0 [hbm:s6], $0xF7A  }
0x23: {  	s9 =	sor.u32 $0xD0000000, s2;
	s6 =	simm.s32 $0x108;
	_ =	swait.ge @!p0 [sflag:s8], $0x0  }
0x24: {  	s3 =	sadd.s32 $0x88, s3;
	s6 =	simm.s32 @!p1 $0x1082;
	[sflag:s4] =	ssyncset.s32 $0xFFFFF086  }
0x25: {  	[simem:s6], [sflag:s4] =	dma.local [hbm:s3], $0xF7A  }
0x26: {  	[smem:$0x3F9B] =	sst s1;
	(tag) =	ssettag s2;
	_ =	strace s9  }
0x27: {  	s1 =	sld [smem:$0x3FAB]  }
0x28: {  	s2 =	sld [smem:$0x3FAC]  }
0x29: {  	s4 =	sld [smem:$0x3FAE]  }
0x2a: {  	p0 =	seq.s32 s5, $0x0;
	s5 =	sld [smem:$0x3FAF]  }
0x2b: {  	s6 =	sld [smem:$0x3FB0]  }
0x2c: {  	s7 =	sld [smem:$0x3FB1]  }
0x2d: {  	s3 =	simm.s32 $0x108;
	s8 =	sld [smem:$0x3FB2]  }
0x2e: {  	s3 =	simm.s32 @!p0 $0x1082;
	s9 =	sld [smem:$0x3FB3]  }
0x2f: {  	lr =	sadd.s32 s0, s3;
	s0 =	sld [smem:$0x3FAA]  }
0x30: {  	s3 =	sld [smem:$0x3FAD]  }
0x31: {  	[smem:$0x3FB6] =	sst s10  }
0x32: {  	s10 =	sld [smem:$0x3FB4];
	_ =	sdelay $0x3  }
0x33: {  	p0 =	seq.s32 s10, $0x1;
	s10 =	sld [smem:$0x3FB6];
	_ =	sdelay $0x3  }
0x34: {  	[smem:$0x3FB6] =	sst s10  }
0x35: {  	s10 =	sld [smem:$0x3FB5];
	_ =	sdelay $0x3  }
0x36: {  	p1 =	seq.s32 s10, $0x1;
	s10 =	sld [smem:$0x3FB6];
	_ =	sdelay $0x3  }
0x37: {  	[smem:$0x3FB6] =	sst s10  }
0x38: {  	s10 =	sld [smem:$0x3FB7]  }
0x39: {  	_ = 	snop;
	(pc) =	sbr.ind lr, $3  }
0x3a: {  	_ = 	snop  }
0x3b: {  	_ = 	snop  }
0x3c: {  	p2 =	seq.s32 s10, $0x1;
	s10 =	sld [smem:$0x3FB6]  }
0x3d: {  	_ =	shalt  }
0x3e: {  	_ =	shalt  }
0x3f: {  	_ =	shalt  }
0x40: {  	_ =	shalt  }
0x41: {  	_ =	shalt  }
0x42: {  	_ =	shalt  }
0x43: {  	_ =	shalt  }
0x44: {  	_ =	shalt  }
0x45: {  	_ =	shalt  }
0x46: {  	_ =	shalt  }
0x47: {  	_ =	shalt  }
0x48: {  	_ =	shalt  }
0x49: {  	_ =	shalt  }
0x4a: {  	_ =	shalt  }
0x4b: {  	_ =	shalt  }
0x4c: {  	_ =	shalt  }
0x4d: {  	_ =	shalt  }
0x4e: {  	_ =	shalt  }
0x4f: {  	_ =	shalt  }
0x50: {  	_ =	shalt  }
0x51: {  	_ =	shalt  }
0x52: {  	_ =	shalt  }
0x53: {  	_ =	shalt  }
0x54: {  	_ =	shalt  }
0x55: {  	_ =	shalt  }
0x56: {  	_ =	shalt  }
0x57: {  	_ =	shalt  }
0x58: {  	_ =	shalt  }
0x59: {  	_ =	shalt  }
0x5a: {  	_ =	shalt  }
0x5b: {  	_ =	shalt  }
0x5c: {  	_ =	shalt  }
0x5d: {  	_ =	shalt  }
0x5e: {  	_ =	shalt  }
0x5f: {  	_ =	shalt  }
0x60: {  	_ =	shalt  }
0x61: {  	_ =	shalt  }
0x62: {  	_ =	shalt  }
0x63: {  	_ =	shalt  }
0x64: {  	_ =	shalt  }
0x65: {  	_ =	shalt  }
0x66: {  	_ =	shalt  }
0x67: {  	_ =	shalt  }
0x68: {  	_ =	shalt  }
0x69: {  	_ =	shalt  }
0x6a: {  	_ =	shalt  }
0x6b: {  	_ =	shalt  }
0x6c: {  	_ =	shalt  }
0x6d: {  	_ =	shalt  }
0x6e: {  	_ =	shalt  }
0x6f: {  	_ =	shalt  }
0x70: {  	_ =	shalt  }
0x71: {  	_ =	shalt  }
0x72: {  	_ =	shalt  }
0x73: {  	_ =	shalt  }
0x74: {  	_ =	shalt  }
0x75: {  	_ =	shalt  }
0x76: {  	_ =	shalt  }
0x77: {  	_ =	shalt  }
0x78: {  	_ =	shalt  }
0x79: {  	_ =	shalt  }
0x7a: {  	_ =	shalt  }
0x7b: {  	_ =	shalt  }
0x7c: {  	_ =	shalt  }
0x7d: {  	_ =	shalt  }
0x7e: {  	_ =	shalt  }
0x7f: {  	_ =	shalt  }
0x80: {  	_ =	shalt  }
0x81: {  	_ =	shalt  }
0x82: {  	_ =	shalt  }
0x83: {  	_ =	shalt  }
0x84: {  	_ =	shalt  }
0x85: {  	_ =	shalt  }
0x86: {  	_ =	shalt  }
0x87: {  	_ =	shalt  }
.Lfunc_end0:
.L_simem_size_0:
called_computation_lowered:
.L_overlay_start_0:
0x88: {  	s2 =	sld [smem:$0x3FD9]  }
0x89: {  	s3 =	sld [smem:$0x3FFE];
	_ =	sdelay $0x1  }
0x8a: {  	s1 =	srdreg.scid  }
0x8b: {  	s0 =	sand.u32 $0x1, s1  }
0x8c: {  	s17 =	sshll.u32 s0, $0xA;
	s2 =	sadd.s32 s3, s2  }
0x8d: {  	s2 =	sadd.s32 s2, s17  }
0x8e: {  	[smem:$0x3FC2] =	sst s2  }
0x8f: {  	_ = 	snop  }
0x90: {  	s2 =	sld [smem:$0x3FD0];
	(tm) =	ssettm $0x1  }
0x91: {  	s18 =	sld [smem:$0x3FFB];
	_ =	sdelay $0x3  }
0x92: {  	_ =	strace s18  }
0x93: {  	s3 =	sld [smem:$0x3FFC];
	_ =	sdelay $0x3  }
0x94: {  	_ =	strace s3  }
0x95: {  	s3 =	sld [smem:$0x3FFD];
	_ =	sdelay $0x3  }
0x96: {  	_ =	strace s3  }
0x97: {  	_ =	strace $0x8FFFFFFF  }
0x98: {  	s19 =	sld [smem:$0x3FDB];
	_ =	sdelay $0x1  }
0x99: {  	s4 =	simm.s32 $_scs_section_size  }
0x9a: {  	s5 =	simm.s32 $_size__tile_overlayer_lowered;
	s6 =	simm.s32 $_tile_overlayer_lowered  }
0x9b: {  	s22 =	simm.s32 $0x1BFF;
	s21 =	sshll.u32 s6, $0x1;
	s3 =	sadd.s32 s4, s19  }
0x9c: {  	s7 =	simm.s32 $0x0;
	s20 =	sshll.u32 s5, $0x1;
	s5 =	sadd.s32 s21, s3  }
0x9d: {  	[timem:s7], [sflag:s22] =	dma.local [hbm:s5], s20  }
0x9e: {  	_ =	swait.ge [sflag:s22], s20  }
0x9f: {  	s4 =	ssub.s32 $0x0, s20;
	[sflag:s22] =	ssyncset.done $0x0  }
0xa0: {  	[sflag:s22] =	ssyncadd.s32 s4;
	_ =	sdelay $0x1  }
0xa1: {  	s23 =	simm.s32 $0x1B8B  }
0xa2: {  	_ =	swait.ge [sflag:s23], $0x1  }
0xa3: {  	[sflag:s23] =	ssyncset.done $0x0  }
0xa4: {  	s25 =	simm.s32 $0x1B8E;
	s24 =	sld [smem:$0x3FFE];
	[sflag:s23] =	ssyncadd.s32 $0xFFFFFFFF  }
0xa5: {  	s26 =	simm.s32 $execute0_lowered;
	[smem:$0x3FD2] =	sst s25  }
0xa6: {  	s5 =	sshll.u32 s26, $0x1;
	_ =	strace $0x80000046;
	[dreg:$0x1] =	wrdreg $0xFFFFFFFF  }
0xa7: {  	s28 =	simm.s32 $_size_execute0_lowered;
	s3 =	sadd.s32 s3, s5;
	[dreg:$0x0] =	wrdreg $0x0  }
0xa8: {  	s5 =	sshll.u32 s28, $0x1;
	[dreg:$0x2] =	wrdreg s3  }
0xa9: {  	[dreg:$0x3] =	wrdreg s5  }
0xaa: {  	[dreg:$0x4] =	wrdreg $0xC0  }
0xab: {  	_ =	task [dreg:s7], $0x5FFFF  }
0xac: {  	[dreg:$0x1] =	wrdreg $0xFFFFFFFF  }
0xad: {  	[dreg:$0x0] =	wrdreg $0x60  }
0xae: {  	[dreg:$0x2] =	wrdreg s24  }
0xaf: {  	[dreg:$0x3] =	wrdreg s2  }
0xb0: {  	[dreg:$0x4] =	wrdreg $0x14800  }
0xb1: {  	[dreg:$0x5] =	wrdreg $0x9  }
0xb2: {  	_ =	task.clear_ibuf [dreg:s7], $0x6FFFF;
	_ =	strace $0x90000046  }
0xb3: {  	s29 =	simm.s32 $0x9;
	_ =	strace $0x80000048  }
0xb4: {  	_ =	swait.ge [sflag:s29], $0x1  }
0xb5: {  	[sflag:s29] =	ssyncadd.s32 $0xFFFFFFFF  }
0xb6: {  	_ =	strace $0x90000048  }
0xb7: {  	_ =	sfence  }
0xb8: {  	s30 =	sld [smem:$0x0];
	_ =	sdelay $0x2  }
0xb9: {  	s31 =	sshll.u32 s1, $0xD;
	s1 =	sshrl.u32 s1, $0x2  }
0xba: {  	s3 =	sand.u32 $0x4000, s31;
	s1 =	sadd.s32 s1, s30  }
0xbb: {  	s0 =	sor.u32 s3, s0;
	s1 =	sshll.u32 s1, $0x11  }
0xbc: {  	s0 =	sor.u32 s1, s0  }
0xbd: {  	s0 =	sadd.s32 $0x8F2B, s0  }
0xbe: {  	[sflag:s0] =	ssyncadd.remote.s32 $0x1  }
0xbf: {  	_ =	sfence.sel $0xFFFF  }
0xc0: {  	[dreg:$0x0] =	wrdreg $0xFFFFFFFF;
	(pc) =	sbr.abs _section_cstart, $3  }
0xc1: {  	[dreg:$0x1] =	wrdreg $0xFFFFFFFF  }
0xc2: {  	_ =	task.clear_ibuf [dreg:s7], $0x2FFFF;
	_ =	strace $0x9FFFFFFF  }
0xc3: {  	(tm) =	ssettm $0x7FFFFFFF  }
tec
execute0_lowered:
.L_overlay_start_1:
0x0: {  	(tag) =	ssettag $0x1  }
0x1: {  	s7 =	rddreg [dreg:$0x0]  }
0x2: {  	s1 =	rddreg [dreg:$0x1]  }
0x3: {  	s0 =	srdreg.scid;
	s2 =	rddreg [dreg:$0x2]  }
0x4: {  	s8 =	stileid.u32;
	s3 =	simm.s32 $0x0;
	s11 =	simm.s32 $0xD400  }
0x5: {  	s12 =	simm.s32 $0x1;
	s5 =	sand.u32 $0x1, s0;
	s0 =	rddreg [dreg:$0x3]  }
0x6: {  	s13 =	simm.s32 $0x0;
	[smem:$0x7FF] =	sst s3;
	s4 =	sshll.u32 s5, $0x4  }
0x7: {  	_ =	strace $0x80000047;
	s9 =	ssub.s32 $0x2, s5;
	s4 =	sor.u32 s8, s4  }
0x8: {  	p0 =	seq.s32 s5, $0x1;
	s10 =	sshrl.u32 s9, $0x1;
	s4 =	smul.u32 $0x271, s4  }
0x9: {  	s11 =	simm.s32 @!p0 $0xCE00;
	p0 =	sne.s32 s8, $0x0;
	s8 =	simm.s32 $0x2  }
0xa: {  	s9 =	ssub.s32 s9, s10;
	s10 =	sshrl.u32 @!p0 s2, $0x3;
	s6 =	sadd.s32 s4, s7  }
0xb: {  	s4 =	sadd.s32 $0xCC00, s7;
	s7 =	sadd.s32 s11, s7;
	s11 =	simm.s32 $0x28  }
0xc: {  	s5 =	sadd.s32 $0x7C00, s6;
	s6 =	smax.u32 s9, $0x1;
	s9 =	simm.s32 $0x1400  }
.LBB2_1:
0xd: {  	[tilespmem:s3], [sflag:$0x2] =	stream.linear.gather [hbm4b:s5+s3], $0x1388, $0x38;
	[tilespmem:$0x16F8] =	vst v63  }
0xe: {  	_ =	swait.ge [sflag:s8], $0x1388  }
0xf: {  	[sflag:s8] =	ssyncset.done $0x0  }
0x10: {  	[sflag:s8] =	ssyncadd.s32 $0xFFFFEC78  }
0x11: {  	[tilespmem:s9], [sflag:$0x2] =	stream.linear.gather [hbm4b:s4+s3], $0x80, $0x38;
	[tilespmem:$0x16F8] =	vst v63  }
0x12: {  	_ =	swait.ge [sflag:s8], $0x80  }
0x13: {  	[sflag:s8] =	ssyncset.done $0x0  }
0x14: {  	s14 =	simm.s32 @!p0 $0x1C02;
	[sflag:s8] =	ssyncadd.s32 $0xFFFFFF80  }
0x15: {  	[spmem:s10], [sflag:s14] =	dma.local @!p0 [hbm:s1], $0x4F0  }
0x16: {  	s14 =	simm.s32 @!p0 $0x2  }
0x17: {  	_ =	swait.ge @!p0 [sflag:s14], $0x4F0  }
0x18: {  	[sflag:s14] =	ssyncset.done @!p0 $0x0  }
0x19: {  	[sflag:s14] =	ssyncadd.s32 @!p0 $0xFFFFFB10  }
0x1a: {  	s14 =	simm.s32 $0x0;
	[bflag:$0x0] =	sbarrier.arrive $0xFFFF  }
.LBB2_2:
0x1b: {  	p1 =	sne.s32 s14, $0x4D80  }
.Ltmp0:
0x1c: {  	_ = 	snop;
	(pc) =	sbr.rel @p1 .LBB2_2-.Ltmp0, $3  }
0x1d: {  	_ =	sdelay $0x1  }
0x1e: {  	s15 =	sshra.s32 s14, $0x2;
	s14 =	sadd.s32 $0xA0, s14  }
0x1f: {  	[spmem:s2] =	stream.indirect.scatter.add.f32 [tilespmem:s9], [sflag:$0x1], $0x1, s15, s11, $0xb8;
	[tilespmem:$0x16F8] =	vst v63  }
0x20: {  	_ =	swait.ge [sflag:s12], $0x28  }
0x21: {  	s14 =	simm.s32 $0x7C;
	[sflag:s12] =	ssyncset.done $0x0  }
.LBB2_4:
0x22: {  	p1 =	sne.s32 s14, $0x1;
	s14 =	sadd.s32 $0xFFFFFFFF, s14;
	[sflag:s12] =	ssyncadd.s32 $0xFFFFFFD8  }
.Ltmp1:
0x23: {  	(pc) =	sbr.rel @p1 .LBB2_4-.Ltmp1, $3  }
0x24: {  	_ =	sdelay $0x1  }
0x25: {  	_ =	swait.ge [sflag:s12], $0x28  }
0x26: {  	[sflag:s12] =	ssyncset.done $0x0  }
0x27: {  	[sflag:s12] =	ssyncadd.s32 $0xFFFFFFD8;
	s13 =	sadd.s32 $0x1, s13  }
0x28: {  	s14 =	simm.s32 @!p0 $0x1C02;
	[bflag:$0x0] =	sbarrier.arrive $0xFFFF;
	p1 =	sne.s32 s13, s6  }
0x29: {  	[hbm:s7], [sflag:s14] =	dma.local @!p0 [spmem:s10], $0x4F0  }
.Ltmp2:
0x2a: {  	_ = 	snop;
	(pc) =	sbr.rel @p1 .LBB2_1-.Ltmp2, $4  }
0x2b: {  	s14 =	simm.s32 @!p0 $0x2  }
0x2c: {  	_ =	swait.ge @!p0 [sflag:s14], $0x4F0  }
0x2d: {  	[sflag:s14] =	ssyncset.done @!p0 $0x0  }
0x2e: {  	[sflag:s14] =	ssyncadd.s32 @!p0 $0xFFFFFB10  }
0x2f: {  	_ =	sfence.sel $0x180000  }
0x30: {  	[bflag:$0x0] =	sbarrier.arrive $0xFFFF  }
0x31: {  	_ =	strace $0x90000047  }
0x32: {  	s0 =	sadd.s32 @!p0 $0x100000, s0;
	[bflag:$0x2] =	sbarrier.arrive $0xFFFF  }
0x33: {  	[sflag:s0] =	ssyncadd.tile.s32 @!p0 $0x1;
	_ =	shalt  }
.Lfunc_end2:
_tile_overlayer_lowered:
.L_overlay_start_2:
0x34: {  	(tag) =	ssettag $0x2  }
0x35: {  	s0 =	rddreg [dreg:$0x0];
	s2 =	stileid.u32  }
0x36: {  	s1 =	rddreg [dreg:$0x1];
	p0 =	sne.s32 s2, $0x0  }
0x37: {  	s3 =	rddreg [dreg:$0x2];
	[bflag:$0x3] =	sbarrier.arrive $0xFFFF;
	s2 =	simm.s32 @!p0 $0x1C02  }
0x38: {  	[timem:s3], [sflag:s2] =	dma.local @!p0 [hbm:s0], s1  }
0x39: {  	s0 =	simm.s32 @!p0 $0x2  }
0x3a: {  	_ =	swait.ge @!p0 [sflag:s0], s1  }
0x3b: {  	s1 =	ssub.s32 @!p0 $0x0, s1;
	[sflag:s0] =	ssyncset.done @!p0 $0x0  }
0x3c: {  	[sflag:s0] =	ssyncadd.s32 @!p0 s1  }
0x3d: {  	[bflag:$0x3] =	sbarrier.arrive $0xFFFF  }
0x3e: {  	_ =	shalt  }

</sc_bundles>
